<compile_context>
chip_gen: v7x
topology: tpu7x:2x2x1
jax: 0.10.2.dev20260603
libtpu: 0.0.44.dev20260713+nightly
codegen_flags: <defaults>
</compile_context>

<pallas_src>
import jax
import jax.numpy as jnp
from jax import lax
from jax.experimental import pallas as pl
from jax.experimental.pallas import tpu as pltpu
from jax.experimental.pallas import tpu_sc as plsc

E, R, S = 100, 100000, 16384
NC, NS, L = 2, 16, 16
NW = NC * NS
SPLIT = 50048
HOFF = (0, SPLIT)
HLEN = (SPLIT, R - SPLIT)
VCH = 4096
PAIRS = E * 2
NP = (PAIRS + NW - 1) // NW
NT = 2 * NP


def _body(a_hbm, b_hbm, srt_hbm, da_hbm, db_hbm, outa_hbm, outb_hbm,
          row0, row1, idx_v, val0, val1,
          sin0, sin1, sout0, sout1, sidx, sval0, sval1):
    wid = lax.axis_index("s") * NC + lax.axis_index("c")
    rows, valb = (row0, row1), (val0, val1)
    sins, souts = (sin0, sin1), (sout0, sout1)
    svals = (sval0, sval1)

    def start_val(t, c):
        _, arr = parts(t)

        @pl.when(arr == 0)
        def _():
            pltpu.async_copy(da_hbm.at[pl.ds(c * VCH, VCH)], valb[c % 2],
                             svals[c % 2])

        @pl.when(arr == 1)
        def _():
            pltpu.async_copy(db_hbm.at[pl.ds(c * VCH, VCH)], valb[c % 2],
                             svals[c % 2])

    def wait_val(c):
        pltpu.make_async_copy(da_hbm.at[pl.ds(0, VCH)], valb[c % 2],
                              svals[c % 2]).wait()

    def parts(t):
        u = ((t // 2) * NW + wid) % PAIRS
        return u // 2, u % 2

    def start_idx(t):
        e, _ = parts(t)
        pltpu.async_copy(srt_hbm.at[e], idx_v, sidx)

    def wait_idx():
        pltpu.make_async_copy(srt_hbm.at[0], idx_v, sidx).wait()

    def start_in(t, p):
        e, arr = parts(t)
        sl = pl.ds(HOFF[p], HLEN[p])

        @pl.when(arr == 0)
        def _():
            pltpu.async_copy(a_hbm.at[e].at[sl], rows[p], sins[p])

        @pl.when(arr == 1)
        def _():
            pltpu.async_copy(b_hbm.at[e].at[sl], rows[p], sins[p])

    def wait_in(p):
        pltpu.make_async_copy(a_hbm.at[0].at[pl.ds(HOFF[p], HLEN[p])],
                              rows[p], sins[p]).wait()

    def start_out(t, p):
        e, arr = parts(t)
        sl = pl.ds(HOFF[p], HLEN[p])

        @pl.when(arr == 0)
        def _():
            pltpu.async_copy(rows[p], outa_hbm.at[e].at[sl], souts[p])

        @pl.when(arr == 1)
        def _():
            pltpu.async_copy(rows[p], outb_hbm.at[e].at[sl], souts[p])

    def wait_out(p):
        pltpu.make_async_copy(rows[p], outa_hbm.at[0].at[pl.ds(HOFF[p],
                                                               HLEN[p])],
                              souts[p]).wait()

    def taskstep(t, p, prefetch_next):
        wait_in(p)
        if p == 0:
            wait_idx()
        rowbuf = rows[p]
        for c in range(S // VCH):
            wait_val(c)
            if c + 1 < S // VCH:
                start_val(t, c + 1)
            elif prefetch_next:
                start_val(t + 1, 0)
            valc = valb[c % 2]

            @plsc.parallel_loop(0, VCH // L, unroll=8)
            def _inner(i, c=c, valc=valc):
                idx = idx_v[pl.ds(c * VCH + i * L, L)]
                v = valc[pl.ds(i * L, L)]
                if p == 0:
                    mask = idx < SPLIT
                    tgt = idx
                else:
                    mask = idx >= SPLIT
                    tgt = idx - SPLIT
                plsc.addupdate_scatter(rowbuf, [tgt], v, mask=mask)
            if c == 1:
                wait_out(1 - p)
                if prefetch_next:
                    start_in(t + 1, 1 - p)
        start_out(t, p)
        if prefetch_next and p == 1:
            start_idx(t + 1)

    start_idx(0)
    start_val(0, 0)
    start_in(0, 0)
    pltpu.async_copy(a_hbm.at[0].at[pl.ds(HOFF[1], HLEN[1])], rows[1],
                     souts[1])

    def pair(j, carry):
        taskstep(2 * j, 0, True)
        taskstep(2 * j + 1, 1, True)
        return carry

    lax.fori_loop(0, NP - 1, pair, 0)
    taskstep(NT - 2, 0, True)
    taskstep(NT - 1, 1, False)
    wait_out(1)


_scatter_update = pl.kernel(
    _body,
    out_type=[jax.ShapeDtypeStruct((E, R), jnp.float32),
              jax.ShapeDtypeStruct((E, R), jnp.float32)],
    mesh=plsc.VectorSubcoreMesh(core_axis_name="c", subcore_axis_name="s",
                                num_cores=NC, num_subcores=NS),
    scratch_types=[pltpu.VMEM((HLEN[0],), jnp.float32),
                   pltpu.VMEM((HLEN[1],), jnp.float32),
                   pltpu.VMEM((S,), jnp.int32),
                   pltpu.VMEM((VCH,), jnp.float32),
                   pltpu.VMEM((VCH,), jnp.float32)]
                  + [pltpu.SemaphoreType.DMA] * 7,
    compiler_params=pltpu.CompilerParams(needs_layout_passes=False),
)


@jax.jit
def kernel(a, b, samples_regions, da, db):
    srt = samples_regions.T
    return tuple(_scatter_update(a, b, srt, da, db))

# --- scband reference (transcript-rebuilt; emitter-appended) ---
"""Pipeline reference for scband-ensemble-beliefs-3642132267698 (READ-ONLY COPY).

The authoritative reference and input builder live on the scoring server;
editing this copy changes nothing except your own understanding.
"""

import jax, jax.numpy as jnp
import numpy as np

E, R, S = 100, 100000, 16384

def setup_inputs(seed: int = 0) -> dict:
    key = jax.random.key(seed)
    k1, k2, k3, k4, k5 = jax.random.split(key, 5)
    a = jax.random.uniform(k1, (E, R), dtype=jnp.float32)
    b = jax.random.uniform(k2, (E, R), dtype=jnp.float32)
    samples_regions = jax.random.randint(k3, (S, E), 0, R, dtype=jnp.int32)
    da = jax.random.uniform(k4, (S,), dtype=jnp.float32)
    db = jax.random.uniform(k5, (S,), dtype=jnp.float32)
    return {"a": a, "b": b, "samples_regions": samples_regions, "da": da, "db": db}

def reference(a, b, samples_regions, da, db):
    # Faithful translation of EnsembleBeliefs.update:
    # original scans over samples, and for each sample vmaps over estimators doing
    #   a[e, samples_regions[s, e]] += da[s]; b[e, samples_regions[s, e]] += db[s]
    # Addition is commutative/associative, so this equals one batched scatter-add.
    est_idx = jnp.arange(a.shape[0], dtype=samples_regions.dtype)[None, :]  # [1, E]
    new_a = a.at[est_idx, samples_regions].add(da[:, None])
    new_b = b.at[est_idx, samples_regions].add(db[:, None])
    return (new_a, new_b)

if __name__ == "__main__":
    import jax
    _d = setup_inputs()
    print(jax.jit(kernel)(*tuple(_d.values())))

</pallas_src>

<mosaic_0001>
#map = affine_map<(d0, d1) -> (0, 0)>
#map1 = affine_map<(d0, d1) -> (0)>
module attributes {stable_mosaic.version = 14 : i64} {
  func.func @_body(%arg0: i32, %arg1: i32, %arg2: memref<100x100000xf32, #tpu.memory_space<hbm>>, %arg3: memref<100x100000xf32, #tpu.memory_space<hbm>>, %arg4: memref<100x16384xi32, #tpu.memory_space<hbm>>, %arg5: memref<16384xf32, #tpu.memory_space<hbm>>, %arg6: memref<16384xf32, #tpu.memory_space<hbm>>, %arg7: memref<100x100000xf32, #tpu.memory_space<hbm>>, %arg8: memref<100x100000xf32, #tpu.memory_space<hbm>>, %arg9: memref<50048xf32, #tpu.memory_space<vmem>>, %arg10: memref<49952xf32, #tpu.memory_space<vmem>>, %arg11: memref<16384xi32, #tpu.memory_space<vmem>>, %arg12: memref<4096xf32, #tpu.memory_space<vmem>>, %arg13: memref<4096xf32, #tpu.memory_space<vmem>>, %arg14: memref<!tpu.dma_semaphore, #tpu.memory_space<semaphore_mem>>, %arg15: memref<!tpu.dma_semaphore, #tpu.memory_space<semaphore_mem>>, %arg16: memref<!tpu.dma_semaphore, #tpu.memory_space<semaphore_mem>>, %arg17: memref<!tpu.dma_semaphore, #tpu.memory_space<semaphore_mem>>, %arg18: memref<!tpu.dma_semaphore, #tpu.memory_space<semaphore_mem>>, %arg19: memref<!tpu.dma_semaphore, #tpu.memory_space<semaphore_mem>>, %arg20: memref<!tpu.dma_semaphore, #tpu.memory_space<semaphore_mem>>) attributes {dimension_semantics = [#tpu.dimension_semantics<core_parallel>, #tpu.dimension_semantics<subcore_parallel>], iteration_bounds = array<i64: 2, 16>, scalar_prefetch = 0 : i64, scratch_operands = 12 : i64, tpu.core_type = #tpu.core_type<sc_vector_subcore>, window_params = [{transform_indices = #map}, {transform_indices = #map}, {transform_indices = #map}, {transform_indices = #map1}, {transform_indices = #map1}, {transform_indices = #map}, {transform_indices = #map}]} {
    %mul3A = arith.constant 2 : i32
    %mul3A_0 = arith.muli %arg1, %mul3A : i32
    %add3A = arith.addi %mul3A_0, %arg0 : i32
    %add3A_1 = arith.constant 0 : i32
    %add3A_2 = arith.addi %add3A_1, %add3A : i32
    %jit3A = arith.constant 200 : i32
    %eq3A = arith.constant 0 : i32
    %eq3A_3 = arith.cmpi eq, %jit3A, %eq3A : i32
    %jit3A_4 = arith.constant 1 : i32
    %select_n3A = arith.select %eq3A_3, %jit3A_4, %jit3A : i32
    %rem3A = arith.remsi %add3A_2, %select_n3A : i32
    %ne3A = arith.constant 0 : i32
    %ne3A_5 = arith.cmpi ne, %rem3A, %ne3A : i32
    %lt3A = arith.constant 0 : i32
    %lt3A_6 = arith.cmpi slt, %rem3A, %lt3A : i32
    %lt3A_7 = arith.constant 0 : i32
    %lt3A_8 = arith.cmpi slt, %select_n3A, %lt3A_7 : i32
    %ne3A_9 = arith.xori %lt3A_6, %lt3A_8 : i1
    %and3A = arith.andi %ne3A_9, %ne3A_5 : i1
    %add3A_10 = arith.addi %rem3A, %select_n3A : i32
    %select_n3A_11 = arith.select %and3A, %add3A_10, %rem3A : i32
    %jit3A_12 = arith.constant 2 : i32
    %div3A = arith.divsi %select_n3A_11, %jit3A_12 : i32
    %sign3A = arith.constant 0 : i32
    %sign3A_13 = arith.cmpi sgt, %select_n3A_11, %sign3A : i32
    %sign3A_14 = arith.extui %sign3A_13 : i1 to i32
    %sign3A_15 = arith.constant 0 : i32
    %sign3A_16 = arith.cmpi slt, %select_n3A_11, %sign3A_15 : i32
    %sign3A_17 = arith.extui %sign3A_16 : i1 to i32
    %sign3A_18 = arith.subi %sign3A_14, %sign3A_17 : i32
    %sign3A_19 = arith.constant 0 : i32
    %sign3A_20 = arith.cmpi sgt, %jit3A_12, %sign3A_19 : i32
    %sign3A_21 = arith.extui %sign3A_20 : i1 to i32
    %sign3A_22 = arith.constant 0 : i32
    %sign3A_23 = arith.cmpi slt, %jit3A_12, %sign3A_22 : i32
    %sign3A_24 = arith.extui %sign3A_23 : i1 to i32
    %sign3A_25 = arith.subi %sign3A_21, %sign3A_24 : i32
    %ne3A_26 = arith.cmpi ne, %sign3A_18, %sign3A_25 : i32
    %rem3A_27 = arith.remsi %select_n3A_11, %jit3A_12 : i32
    %ne3A_28 = arith.constant 0 : i32
    %ne3A_29 = arith.cmpi ne, %rem3A_27, %ne3A_28 : i32
    %and3A_30 = arith.andi %ne3A_26, %ne3A_29 : i1
    %sub3A = arith.constant 1 : i32
    %sub3A_31 = arith.subi %div3A, %sub3A : i32
    %select_n3A_32 = arith.select %and3A_30, %sub3A_31, %div3A : i32
    %jit3A_33 = arith.constant 2 : i32
    %eq3A_34 = arith.constant 0 : i32
    %eq3A_35 = arith.cmpi eq, %jit3A_33, %eq3A_34 : i32
    %jit3A_36 = arith.constant 1 : i32
    %select_n3A_37 = arith.select %eq3A_35, %jit3A_36, %jit3A_33 : i32
    %rem3A_38 = arith.remsi %select_n3A_11, %select_n3A_37 : i32
    %ne3A_39 = arith.constant 0 : i32
    %ne3A_40 = arith.cmpi ne, %rem3A_38, %ne3A_39 : i32
    %lt3A_41 = arith.constant 0 : i32
    %lt3A_42 = arith.cmpi slt, %rem3A_38, %lt3A_41 : i32
    %lt3A_43 = arith.constant 0 : i32
    %lt3A_44 = arith.cmpi slt, %select_n3A_37, %lt3A_43 : i32
    %ne3A_45 = arith.xori %lt3A_42, %lt3A_44 : i1
    %and3A_46 = arith.andi %ne3A_45, %ne3A_40 : i1
    %add3A_47 = arith.addi %rem3A_38, %select_n3A_37 : i32
    %select_n3A_48 = arith.select %and3A_46, %add3A_47, %rem3A_38 : i32
    %dma_start3A = arith.constant 0 : i32
    %dma_start3A_49 = tpu.memref_slice %arg4[%select_n3A_32, %dma_start3A] : memref<100x16384xi32, #tpu.memory_space<hbm>> -> memref<1x16384xi32, #tpu.memory_space<hbm>>
    %dma_start3A_50 = tpu.memref_squeeze %dma_start3A_49 : memref<1x16384xi32, #tpu.memory_space<hbm>> -> memref<16384xi32, #tpu.memory_space<hbm>>
    %dma_start3A_51 = arith.constant 0 : i32
    %dma_start3A_52 = tpu.memref_slice %arg4[%select_n3A_32, %dma_start3A_51] : memref<100x16384xi32, #tpu.memory_space<hbm>> -> memref<1x16384xi32, #tpu.memory_space<hbm>>
    %dma_start3A_53 = tpu.memref_squeeze %dma_start3A_52 : memref<1x16384xi32, #tpu.memory_space<hbm>> -> memref<16384xi32, #tpu.memory_space<hbm>>
    tpu.enqueue_dma source(%dma_start3A_53 : memref<16384xi32, #tpu.memory_space<hbm>>) target(%arg11 : memref<16384xi32, #tpu.memory_space<vmem>>) target_semaphore(%arg18 : memref<!tpu.dma_semaphore, #tpu.memory_space<semaphore_mem>>)
    %add3A_54 = arith.constant 0 : i32
    %add3A_55 = arith.addi %add3A_54, %add3A : i32
    %jit3A_56 = arith.constant 200 : i32
    %eq3A_57 = arith.constant 0 : i32
    %eq3A_58 = arith.cmpi eq, %jit3A_56, %eq3A_57 : i32
    %jit3A_59 = arith.constant 1 : i32
    %select_n3A_60 = arith.select %eq3A_58, %jit3A_59, %jit3A_56 : i32
    %rem3A_61 = arith.remsi %add3A_55, %select_n3A_60 : i32
    %ne3A_62 = arith.constant 0 : i32
    %ne3A_63 = arith.cmpi ne, %rem3A_61, %ne3A_62 : i32
    %lt3A_64 = arith.constant 0 : i32
    %lt3A_65 = arith.cmpi slt, %rem3A_61, %lt3A_64 : i32
    %lt3A_66 = arith.constant 0 : i32
    %lt3A_67 = arith.cmpi slt, %select_n3A_60, %lt3A_66 : i32
    %ne3A_68 = arith.xori %lt3A_65, %lt3A_67 : i1
    %and3A_69 = arith.andi %ne3A_68, %ne3A_63 : i1
    %add3A_70 = arith.addi %rem3A_61, %select_n3A_60 : i32
    %select_n3A_71 = arith.select %and3A_69, %add3A_70, %rem3A_61 : i32
    %jit3A_72 = arith.constant 2 : i32
    %div3A_73 = arith.divsi %select_n3A_71, %jit3A_72 : i32
    %sign3A_74 = arith.constant 0 : i32
    %sign3A_75 = arith.cmpi sgt, %select_n3A_71, %sign3A_74 : i32
    %sign3A_76 = arith.extui %sign3A_75 : i1 to i32
    %sign3A_77 = arith.constant 0 : i32
    %sign3A_78 = arith.cmpi slt, %select_n3A_71, %sign3A_77 : i32
    %sign3A_79 = arith.extui %sign3A_78 : i1 to i32
    %sign3A_80 = arith.subi %sign3A_76, %sign3A_79 : i32
    %sign3A_81 = arith.constant 0 : i32
    %sign3A_82 = arith.cmpi sgt, %jit3A_72, %sign3A_81 : i32
    %sign3A_83 = arith.extui %sign3A_82 : i1 to i32
    %sign3A_84 = arith.constant 0 : i32
    %sign3A_85 = arith.cmpi slt, %jit3A_72, %sign3A_84 : i32
    %sign3A_86 = arith.extui %sign3A_85 : i1 to i32
    %sign3A_87 = arith.subi %sign3A_83, %sign3A_86 : i32
    %ne3A_88 = arith.cmpi ne, %sign3A_80, %sign3A_87 : i32
    %rem3A_89 = arith.remsi %select_n3A_71, %jit3A_72 : i32
    %ne3A_90 = arith.constant 0 : i32
    %ne3A_91 = arith.cmpi ne, %rem3A_89, %ne3A_90 : i32
    %and3A_92 = arith.andi %ne3A_88, %ne3A_91 : i1
    %sub3A_93 = arith.constant 1 : i32
    %sub3A_94 = arith.subi %div3A_73, %sub3A_93 : i32
    %select_n3A_95 = arith.select %and3A_92, %sub3A_94, %div3A_73 : i32
    %jit3A_96 = arith.constant 2 : i32
    %eq3A_97 = arith.constant 0 : i32
    %eq3A_98 = arith.cmpi eq, %jit3A_96, %eq3A_97 : i32
    %jit3A_99 = arith.constant 1 : i32
    %select_n3A_100 = arith.select %eq3A_98, %jit3A_99, %jit3A_96 : i32
    %rem3A_101 = arith.remsi %select_n3A_71, %select_n3A_100 : i32
    %ne3A_102 = arith.constant 0 : i32
    %ne3A_103 = arith.cmpi ne, %rem3A_101, %ne3A_102 : i32
    %lt3A_104 = arith.constant 0 : i32
    %lt3A_105 = arith.cmpi slt, %rem3A_101, %lt3A_104 : i32
    %lt3A_106 = arith.constant 0 : i32
    %lt3A_107 = arith.cmpi slt, %select_n3A_100, %lt3A_106 : i32
    %ne3A_108 = arith.xori %lt3A_105, %lt3A_107 : i1
    %and3A_109 = arith.andi %ne3A_108, %ne3A_103 : i1
    %add3A_110 = arith.addi %rem3A_101, %select_n3A_100 : i32
    %select_n3A_111 = arith.select %and3A_109, %add3A_110, %rem3A_101 : i32
    %eq3A_112 = arith.constant 0 : i32
    %eq3A_113 = arith.cmpi eq, %select_n3A_111, %eq3A_112 : i32
    %convert_element_type3A = arith.extui %eq3A_113 : i1 to i32
    %cond3A = arith.constant 0 : i32
    %cond3A_114 = arith.cmpi ne, %convert_element_type3A, %cond3A : i32
    scf.if %cond3A_114 {
      %dma_start3A_1000 = arith.constant 0 : i32
      %dma_start3A_1001 = tpu.memref_slice %arg5[%dma_start3A_1000] : memref<16384xf32, #tpu.memory_space<hbm>> -> memref<4096xf32, #tpu.memory_space<hbm>>
      %dma_start3A_1002 = arith.constant 0 : i32
      %dma_start3A_1003 = tpu.memref_slice %arg5[%dma_start3A_1002] : memref<16384xf32, #tpu.memory_space<hbm>> -> memref<4096xf32, #tpu.memory_space<hbm>>
      tpu.enqueue_dma source(%dma_start3A_1003 : memref<4096xf32, #tpu.memory_space<hbm>>) target(%arg12 : memref<4096xf32, #tpu.memory_space<vmem>>) target_semaphore(%arg19 : memref<!tpu.dma_semaphore, #tpu.memory_space<semaphore_mem>>)
    } else {
    }
    %eq3A_115 = arith.constant 1 : i32
    %eq3A_116 = arith.cmpi eq, %select_n3A_111, %eq3A_115 : i32
    %convert_element_type3A_117 = arith.extui %eq3A_116 : i1 to i32
    %cond3A_118 = arith.constant 0 : i32
    %cond3A_119 = arith.cmpi ne, %convert_element_type3A_117, %cond3A_118 : i32
    scf.if %cond3A_119 {
      %dma_start3A_1000 = arith.constant 0 : i32
      %dma_start3A_1001 = tpu.memref_slice %arg6[%dma_start3A_1000] : memref<16384xf32, #tpu.memory_space<hbm>> -> memref<4096xf32, #tpu.memory_space<hbm>>
      %dma_start3A_1002 = arith.constant 0 : i32
      %dma_start3A_1003 = tpu.memref_slice %arg6[%dma_start3A_1002] : memref<16384xf32, #tpu.memory_space<hbm>> -> memref<4096xf32, #tpu.memory_space<hbm>>
      tpu.enqueue_dma source(%dma_start3A_1003 : memref<4096xf32, #tpu.memory_space<hbm>>) target(%arg12 : memref<4096xf32, #tpu.memory_space<vmem>>) target_semaphore(%arg19 : memref<!tpu.dma_semaphore, #tpu.memory_space<semaphore_mem>>)
    } else {
    }
    %add3A_120 = arith.constant 0 : i32
    %add3A_121 = arith.addi %add3A_120, %add3A : i32
    %jit3A_122 = arith.constant 200 : i32
    %eq3A_123 = arith.constant 0 : i32
    %eq3A_124 = arith.cmpi eq, %jit3A_122, %eq3A_123 : i32
    %jit3A_125 = arith.constant 1 : i32
    %select_n3A_126 = arith.select %eq3A_124, %jit3A_125, %jit3A_122 : i32
    %rem3A_127 = arith.remsi %add3A_121, %select_n3A_126 : i32
    %ne3A_128 = arith.constant 0 : i32
    %ne3A_129 = arith.cmpi ne, %rem3A_127, %ne3A_128 : i32
    %lt3A_130 = arith.constant 0 : i32
    %lt3A_131 = arith.cmpi slt, %rem3A_127, %lt3A_130 : i32
    %lt3A_132 = arith.constant 0 : i32
    %lt3A_133 = arith.cmpi slt, %select_n3A_126, %lt3A_132 : i32
    %ne3A_134 = arith.xori %lt3A_131, %lt3A_133 : i1
    %and3A_135 = arith.andi %ne3A_134, %ne3A_129 : i1
    %add3A_136 = arith.addi %rem3A_127, %select_n3A_126 : i32
    %select_n3A_137 = arith.select %and3A_135, %add3A_136, %rem3A_127 : i32
    %jit3A_138 = arith.constant 2 : i32
    %div3A_139 = arith.divsi %select_n3A_137, %jit3A_138 : i32
    %sign3A_140 = arith.constant 0 : i32
    %sign3A_141 = arith.cmpi sgt, %select_n3A_137, %sign3A_140 : i32
    %sign3A_142 = arith.extui %sign3A_141 : i1 to i32
    %sign3A_143 = arith.constant 0 : i32
    %sign3A_144 = arith.cmpi slt, %select_n3A_137, %sign3A_143 : i32
    %sign3A_145 = arith.extui %sign3A_144 : i1 to i32
    %sign3A_146 = arith.subi %sign3A_142, %sign3A_145 : i32
    %sign3A_147 = arith.constant 0 : i32
    %sign3A_148 = arith.cmpi sgt, %jit3A_138, %sign3A_147 : i32
    %sign3A_149 = arith.extui %sign3A_148 : i1 to i32
    %sign3A_150 = arith.constant 0 : i32
    %sign3A_151 = arith.cmpi slt, %jit3A_138, %sign3A_150 : i32
    %sign3A_152 = arith.extui %sign3A_151 : i1 to i32
    %sign3A_153 = arith.subi %sign3A_149, %sign3A_152 : i32
    %ne3A_154 = arith.cmpi ne, %sign3A_146, %sign3A_153 : i32
    %rem3A_155 = arith.remsi %select_n3A_137, %jit3A_138 : i32
    %ne3A_156 = arith.constant 0 : i32
    %ne3A_157 = arith.cmpi ne, %rem3A_155, %ne3A_156 : i32
    %and3A_158 = arith.andi %ne3A_154, %ne3A_157 : i1
    %sub3A_159 = arith.constant 1 : i32
    %sub3A_160 = arith.subi %div3A_139, %sub3A_159 : i32
    %select_n3A_161 = arith.select %and3A_158, %sub3A_160, %div3A_139 : i32
    %jit3A_162 = arith.constant 2 : i32
    %eq3A_163 = arith.constant 0 : i32
    %eq3A_164 = arith.cmpi eq, %jit3A_162, %eq3A_163 : i32
    %jit3A_165 = arith.constant 1 : i32
    %select_n3A_166 = arith.select %eq3A_164, %jit3A_165, %jit3A_162 : i32
    %rem3A_167 = arith.remsi %select_n3A_137, %select_n3A_166 : i32
    %ne3A_168 = arith.constant 0 : i32
    %ne3A_169 = arith.cmpi ne, %rem3A_167, %ne3A_168 : i32
    %lt3A_170 = arith.constant 0 : i32
    %lt3A_171 = arith.cmpi slt, %rem3A_167, %lt3A_170 : i32
    %lt3A_172 = arith.constant 0 : i32
    %lt3A_173 = arith.cmpi slt, %select_n3A_166, %lt3A_172 : i32
    %ne3A_174 = arith.xori %lt3A_171, %lt3A_173 : i1
    %and3A_175 = arith.andi %ne3A_174, %ne3A_169 : i1
    %add3A_176 = arith.addi %rem3A_167, %select_n3A_166 : i32
    %select_n3A_177 = arith.select %and3A_175, %add3A_176, %rem3A_167 : i32
    %eq3A_178 = arith.constant 0 : i32
    %eq3A_179 = arith.cmpi eq, %select_n3A_177, %eq3A_178 : i32
    %convert_element_type3A_180 = arith.extui %eq3A_179 : i1 to i32
    %cond3A_181 = arith.constant 0 : i32
    %cond3A_182 = arith.cmpi ne, %convert_element_type3A_180, %cond3A_181 : i32
    scf.if %cond3A_182 {
      %dma_start3A_1000 = arith.constant 0 : i32
      %dma_start3A_1001 = tpu.memref_slice %arg2[%select_n3A_161, %dma_start3A_1000] : memref<100x100000xf32, #tpu.memory_space<hbm>> -> memref<1x100000xf32, #tpu.memory_space<hbm>>
      %dma_start3A_1002 = tpu.memref_squeeze %dma_start3A_1001 : memref<1x100000xf32, #tpu.memory_space<hbm>> -> memref<100000xf32, #tpu.memory_space<hbm>>
      %dma_start3A_1003 = arith.constant 0 : i32
      %dma_start3A_1004 = tpu.memref_slice %dma_start3A_1002[%dma_start3A_1003] : memref<100000xf32, #tpu.memory_space<hbm>> -> memref<50048xf32, #tpu.memory_space<hbm>>
      %dma_start3A_1005 = arith.constant 0 : i32
      %dma_start3A_1006 = tpu.memref_slice %arg2[%select_n3A_161, %dma_start3A_1005] : memref<100x100000xf32, #tpu.memory_space<hbm>> -> memref<1x100000xf32, #tpu.memory_space<hbm>>
      %dma_start3A_1007 = tpu.memref_squeeze %dma_start3A_1006 : memref<1x100000xf32, #tpu.memory_space<hbm>> -> memref<100000xf32, #tpu.memory_space<hbm>>
      %dma_start3A_1008 = arith.constant 0 : i32
      %dma_start3A_1009 = tpu.memref_slice %dma_start3A_1007[%dma_start3A_1008] : memref<100000xf32, #tpu.memory_space<hbm>> -> memref<50048xf32, #tpu.memory_space<hbm>>
      tpu.enqueue_dma source(%dma_start3A_1009 : memref<50048xf32, #tpu.memory_space<hbm>>) target(%arg9 : memref<50048xf32, #tpu.memory_space<vmem>>) target_semaphore(%arg14 : memref<!tpu.dma_semaphore, #tpu.memory_space<semaphore_mem>>)
    } else {
    }
    %eq3A_183 = arith.constant 1 : i32
    %eq3A_184 = arith.cmpi eq, %select_n3A_177, %eq3A_183 : i32
    %convert_element_type3A_185 = arith.extui %eq3A_184 : i1 to i32
    %cond3A_186 = arith.constant 0 : i32
    %cond3A_187 = arith.cmpi ne, %convert_element_type3A_185, %cond3A_186 : i32
    scf.if %cond3A_187 {
      %dma_start3A_1000 = arith.constant 0 : i32
      %dma_start3A_1001 = tpu.memref_slice %arg3[%select_n3A_161, %dma_start3A_1000] : memref<100x100000xf32, #tpu.memory_space<hbm>> -> memref<1x100000xf32, #tpu.memory_space<hbm>>
      %dma_start3A_1002 = tpu.memref_squeeze %dma_start3A_1001 : memref<1x100000xf32, #tpu.memory_space<hbm>> -> memref<100000xf32, #tpu.memory_space<hbm>>
      %dma_start3A_1003 = arith.constant 0 : i32
      %dma_start3A_1004 = tpu.memref_slice %dma_start3A_1002[%dma_start3A_1003] : memref<100000xf32, #tpu.memory_space<hbm>> -> memref<50048xf32, #tpu.memory_space<hbm>>
      %dma_start3A_1005 = arith.constant 0 : i32
      %dma_start3A_1006 = tpu.memref_slice %arg3[%select_n3A_161, %dma_start3A_1005] : memref<100x100000xf32, #tpu.memory_space<hbm>> -> memref<1x100000xf32, #tpu.memory_space<hbm>>
      %dma_start3A_1007 = tpu.memref_squeeze %dma_start3A_1006 : memref<1x100000xf32, #tpu.memory_space<hbm>> -> memref<100000xf32, #tpu.memory_space<hbm>>
      %dma_start3A_1008 = arith.constant 0 : i32
      %dma_start3A_1009 = tpu.memref_slice %dma_start3A_1007[%dma_start3A_1008] : memref<100000xf32, #tpu.memory_space<hbm>> -> memref<50048xf32, #tpu.memory_space<hbm>>
      tpu.enqueue_dma source(%dma_start3A_1009 : memref<50048xf32, #tpu.memory_space<hbm>>) target(%arg9 : memref<50048xf32, #tpu.memory_space<vmem>>) target_semaphore(%arg14 : memref<!tpu.dma_semaphore, #tpu.memory_space<semaphore_mem>>)
    } else {
    }
    %dma_start3A_188 = arith.constant 0 : i32
    %dma_start3A_189 = arith.constant 0 : i32
    %dma_start3A_190 = tpu.memref_slice %arg2[%dma_start3A_188, %dma_start3A_189] : memref<100x100000xf32, #tpu.memory_space<hbm>> -> memref<1x100000xf32, #tpu.memory_space<hbm>>
    %dma_start3A_191 = tpu.memref_squeeze %dma_start3A_190 : memref<1x100000xf32, #tpu.memory_space<hbm>> -> memref<100000xf32, #tpu.memory_space<hbm>>
    %dma_start3A_192 = arith.constant 50048 : i32
    %dma_start3A_193 = tpu.memref_slice %dma_start3A_191[%dma_start3A_192] : memref<100000xf32, #tpu.memory_space<hbm>> -> memref<49952xf32, #tpu.memory_space<hbm>>
    %dma_start3A_194 = arith.constant 0 : i32
    %dma_start3A_195 = tpu.memref_slice %arg2[%dma_start3A_188, %dma_start3A_194] : memref<100x100000xf32, #tpu.memory_space<hbm>> -> memref<1x100000xf32, #tpu.memory_space<hbm>>
    %dma_start3A_196 = tpu.memref_squeeze %dma_start3A_195 : memref<1x100000xf32, #tpu.memory_space<hbm>> -> memref<100000xf32, #tpu.memory_space<hbm>>
    %dma_start3A_197 = arith.constant 50048 : i32
    %dma_start3A_198 = tpu.memref_slice %dma_start3A_196[%dma_start3A_197] : memref<100000xf32, #tpu.memory_space<hbm>> -> memref<49952xf32, #tpu.memory_space<hbm>>
    tpu.enqueue_dma source(%dma_start3A_198 : memref<49952xf32, #tpu.memory_space<hbm>>) target(%arg10 : memref<49952xf32, #tpu.memory_space<vmem>>) target_semaphore(%arg17 : memref<!tpu.dma_semaphore, #tpu.memory_space<semaphore_mem>>)
    %scan3A = arith.constant 0 : i32
    %scan3A_199 = arith.constant 0 : i32
    %scan3A_200 = arith.constant 6 : i32
    %scan3A_201 = arith.addi %scan3A_199, %scan3A_200 : i32
    %scan3A_202 = arith.constant 1 : i32
    scf.for %scan3A_1000 = %scan3A_199 to %scan3A_201 step %scan3A_202  : i32 {
      %mul3A_1001 = arith.constant 2 : i32
      %mul3A_1002 = arith.muli %mul3A_1001, %scan3A_1000 : i32
      %dma_wait3A_1003 = arith.constant 0 : i32
      %dma_wait3A_1004 = arith.constant 0 : i32
      %dma_wait3A_1005 = tpu.memref_slice %arg2[%dma_wait3A_1003, %dma_wait3A_1004] : memref<100x100000xf32, #tpu.memory_space<hbm>> -> memref<1x100000xf32, #tpu.memory_space<hbm>>
      %dma_wait3A_1006 = tpu.memref_squeeze %dma_wait3A_1005 : memref<1x100000xf32, #tpu.memory_space<hbm>> -> memref<100000xf32, #tpu.memory_space<hbm>>
      %dma_wait3A_1007 = arith.constant 0 : i32
      %dma_wait3A_1008 = tpu.memref_slice %dma_wait3A_1006[%dma_wait3A_1007] : memref<100000xf32, #tpu.memory_space<hbm>> -> memref<50048xf32, #tpu.memory_space<hbm>>
      %dma_wait3A_1009 = arith.constant 0 : i32
      %dma_wait3A_1010 = tpu.memref_slice %arg2[%dma_wait3A_1003, %dma_wait3A_1009] : memref<100x100000xf32, #tpu.memory_space<hbm>> -> memref<1x100000xf32, #tpu.memory_space<hbm>>
      %dma_wait3A_1011 = tpu.memref_squeeze %dma_wait3A_1010 : memref<1x100000xf32, #tpu.memory_space<hbm>> -> memref<100000xf32, #tpu.memory_space<hbm>>
      %dma_wait3A_1012 = arith.constant 0 : i32
      %dma_wait3A_1013 = tpu.memref_slice %dma_wait3A_1011[%dma_wait3A_1012] : memref<100000xf32, #tpu.memory_space<hbm>> -> memref<50048xf32, #tpu.memory_space<hbm>>
      tpu.wait_dma2 semaphore(%arg14 : memref<!tpu.dma_semaphore, #tpu.memory_space<semaphore_mem>>) src(%dma_wait3A_1013 : memref<50048xf32, #tpu.memory_space<hbm>>) dst(%arg9 : memref<50048xf32, #tpu.memory_space<vmem>>)
      %dma_wait3A_1014 = arith.constant 0 : i32
      %dma_wait3A_1015 = arith.constant 0 : i32
      %dma_wait3A_1016 = tpu.memref_slice %arg4[%dma_wait3A_1014, %dma_wait3A_1015] : memref<100x16384xi32, #tpu.memory_space<hbm>> -> memref<1x16384xi32, #tpu.memory_space<hbm>>
      %dma_wait3A_1017 = tpu.memref_squeeze %dma_wait3A_1016 : memref<1x16384xi32, #tpu.memory_space<hbm>> -> memref<16384xi32, #tpu.memory_space<hbm>>
      %dma_wait3A_1018 = arith.constant 0 : i32
      %dma_wait3A_1019 = tpu.memref_slice %arg4[%dma_wait3A_1014, %dma_wait3A_1018] : memref<100x16384xi32, #tpu.memory_space<hbm>> -> memref<1x16384xi32, #tpu.memory_space<hbm>>
      %dma_wait3A_1020 = tpu.memref_squeeze %dma_wait3A_1019 : memref<1x16384xi32, #tpu.memory_space<hbm>> -> memref<16384xi32, #tpu.memory_space<hbm>>
      tpu.wait_dma2 semaphore(%arg18 : memref<!tpu.dma_semaphore, #tpu.memory_space<semaphore_mem>>) src(%dma_wait3A_1020 : memref<16384xi32, #tpu.memory_space<hbm>>) dst(%arg11 : memref<16384xi32, #tpu.memory_space<vmem>>)
      %dma_wait3A_1021 = arith.constant 0 : i32
      %dma_wait3A_1022 = tpu.memref_slice %arg5[%dma_wait3A_1021] : memref<16384xf32, #tpu.memory_space<hbm>> -> memref<4096xf32, #tpu.memory_space<hbm>>
      %dma_wait3A_1023 = arith.constant 0 : i32
      %dma_wait3A_1024 = tpu.memref_slice %arg5[%dma_wait3A_1023] : memref<16384xf32, #tpu.memory_space<hbm>> -> memref<4096xf32, #tpu.memory_space<hbm>>
      tpu.wait_dma2 semaphore(%arg19 : memref<!tpu.dma_semaphore, #tpu.memory_space<semaphore_mem>>) src(%dma_wait3A_1024 : memref<4096xf32, #tpu.memory_space<hbm>>) dst(%arg12 : memref<4096xf32, #tpu.memory_space<vmem>>)
      %jit3A_1025 = arith.constant 2 : i32
      %div3A_1026 = arith.divsi %mul3A_1002, %jit3A_1025 : i32
      %sign3A_1027 = arith.constant 0 : i32
      %sign3A_1028 = arith.cmpi sgt, %mul3A_1002, %sign3A_1027 : i32
      %sign3A_1029 = arith.extui %sign3A_1028 : i1 to i32
      %sign3A_1030 = arith.constant 0 : i32
      %sign3A_1031 = arith.cmpi slt, %mul3A_1002, %sign3A_1030 : i32
      %sign3A_1032 = arith.extui %sign3A_1031 : i1 to i32
      %sign3A_1033 = arith.subi %sign3A_1029, %sign3A_1032 : i32
      %sign3A_1034 = arith.constant 0 : i32
      %sign3A_1035 = arith.cmpi sgt, %jit3A_1025, %sign3A_1034 : i32
      %sign3A_1036 = arith.extui %sign3A_1035 : i1 to i32
      %sign3A_1037 = arith.constant 0 : i32
      %sign3A_1038 = arith.cmpi slt, %jit3A_1025, %sign3A_1037 : i32
      %sign3A_1039 = arith.extui %sign3A_1038 : i1 to i32
      %sign3A_1040 = arith.subi %sign3A_1036, %sign3A_1039 : i32
      %ne3A_1041 = arith.cmpi ne, %sign3A_1033, %sign3A_1040 : i32
      %rem3A_1042 = arith.remsi %mul3A_1002, %jit3A_1025 : i32
      %ne3A_1043 = arith.constant 0 : i32
      %ne3A_1044 = arith.cmpi ne, %rem3A_1042, %ne3A_1043 : i32
      %and3A_1045 = arith.andi %ne3A_1041, %ne3A_1044 : i1
      %sub3A_1046 = arith.constant 1 : i32
      %sub3A_1047 = arith.subi %div3A_1026, %sub3A_1046 : i32
      %select_n3A_1048 = arith.select %and3A_1045, %sub3A_1047, %div3A_1026 : i32
      %mul3A_1049 = arith.constant 32 : i32
      %mul3A_1050 = arith.muli %select_n3A_1048, %mul3A_1049 : i32
      %add3A_1051 = arith.addi %mul3A_1050, %add3A : i32
      %jit3A_1052 = arith.constant 200 : i32
      %eq3A_1053 = arith.constant 0 : i32
      %eq3A_1054 = arith.cmpi eq, %jit3A_1052, %eq3A_1053 : i32
      %jit3A_1055 = arith.constant 1 : i32
      %select_n3A_1056 = arith.select %eq3A_1054, %jit3A_1055, %jit3A_1052 : i32
      %rem3A_1057 = arith.remsi %add3A_1051, %select_n3A_1056 : i32
      %ne3A_1058 = arith.constant 0 : i32
      %ne3A_1059 = arith.cmpi ne, %rem3A_1057, %ne3A_1058 : i32
      %lt3A_1060 = arith.constant 0 : i32
      %lt3A_1061 = arith.cmpi slt, %rem3A_1057, %lt3A_1060 : i32
      %lt3A_1062 = arith.constant 0 : i32
      %lt3A_1063 = arith.cmpi slt, %select_n3A_1056, %lt3A_1062 : i32
      %ne3A_1064 = arith.xori %lt3A_1061, %lt3A_1063 : i1
      %and3A_1065 = arith.andi %ne3A_1064, %ne3A_1059 : i1
      %add3A_1066 = arith.addi %rem3A_1057, %select_n3A_1056 : i32
      %select_n3A_1067 = arith.select %and3A_1065, %add3A_1066, %rem3A_1057 : i32
      %jit3A_1068 = arith.constant 2 : i32
      %div3A_1069 = arith.divsi %select_n3A_1067, %jit3A_1068 : i32
      %sign3A_1070 = arith.constant 0 : i32
      %sign3A_1071 = arith.cmpi sgt, %select_n3A_1067, %sign3A_1070 : i32
      %sign3A_1072 = arith.extui %sign3A_1071 : i1 to i32
      %sign3A_1073 = arith.constant 0 : i32
      %sign3A_1074 = arith.cmpi slt, %select_n3A_1067, %sign3A_1073 : i32
      %sign3A_1075 = arith.extui %sign3A_1074 : i1 to i32
      %sign3A_1076 = arith.subi %sign3A_1072, %sign3A_1075 : i32
      %sign3A_1077 = arith.constant 0 : i32
      %sign3A_1078 = arith.cmpi sgt, %jit3A_1068, %sign3A_1077 : i32
      %sign3A_1079 = arith.extui %sign3A_1078 : i1 to i32
      %sign3A_1080 = arith.constant 0 : i32
      %sign3A_1081 = arith.cmpi slt, %jit3A_1068, %sign3A_1080 : i32
      %sign3A_1082 = arith.extui %sign3A_1081 : i1 to i32
      %sign3A_1083 = arith.subi %sign3A_1079, %sign3A_1082 : i32
      %ne3A_1084 = arith.cmpi ne, %sign3A_1076, %sign3A_1083 : i32
      %rem3A_1085 = arith.remsi %select_n3A_1067, %jit3A_1068 : i32
      %ne3A_1086 = arith.constant 0 : i32
      %ne3A_1087 = arith.cmpi ne, %rem3A_1085, %ne3A_1086 : i32
      %and3A_1088 = arith.andi %ne3A_1084, %ne3A_1087 : i1
      %sub3A_1089 = arith.constant 1 : i32
      %sub3A_1090 = arith.subi %div3A_1069, %sub3A_1089 : i32
      %select_n3A_1091 = arith.select %and3A_1088, %sub3A_1090, %div3A_1069 : i32
      %jit3A_1092 = arith.constant 2 : i32
      %eq3A_1093 = arith.constant 0 : i32
      %eq3A_1094 = arith.cmpi eq, %jit3A_1092, %eq3A_1093 : i32
      %jit3A_1095 = arith.constant 1 : i32
      %select_n3A_1096 = arith.select %eq3A_1094, %jit3A_1095, %jit3A_1092 : i32
      %rem3A_1097 = arith.remsi %select_n3A_1067, %select_n3A_1096 : i32
      %ne3A_1098 = arith.constant 0 : i32
      %ne3A_1099 = arith.cmpi ne, %rem3A_1097, %ne3A_1098 : i32
      %lt3A_1100 = arith.constant 0 : i32
      %lt3A_1101 = arith.cmpi slt, %rem3A_1097, %lt3A_1100 : i32
      %lt3A_1102 = arith.constant 0 : i32
      %lt3A_1103 = arith.cmpi slt, %select_n3A_1096, %lt3A_1102 : i32
      %ne3A_1104 = arith.xori %lt3A_1101, %lt3A_1103 : i1
      %and3A_1105 = arith.andi %ne3A_1104, %ne3A_1099 : i1
      %add3A_1106 = arith.addi %rem3A_1097, %select_n3A_1096 : i32
      %select_n3A_1107 = arith.select %and3A_1105, %add3A_1106, %rem3A_1097 : i32
      %eq3A_1108 = arith.constant 0 : i32
      %eq3A_1109 = arith.cmpi eq, %select_n3A_1107, %eq3A_1108 : i32
      %convert_element_type3A_1110 = arith.extui %eq3A_1109 : i1 to i32
      %cond3A_1111 = arith.constant 0 : i32
      %cond3A_1112 = arith.cmpi ne, %convert_element_type3A_1110, %cond3A_1111 : i32
      scf.if %cond3A_1112 {
        %dma_start3A_2329 = arith.constant 4096 : i32
        %dma_start3A_2330 = tpu.memref_slice %arg5[%dma_start3A_2329] : memref<16384xf32, #tpu.memory_space<hbm>> -> memref<4096xf32, #tpu.memory_space<hbm>>
        %dma_start3A_2331 = arith.constant 4096 : i32
        %dma_start3A_2332 = tpu.memref_slice %arg5[%dma_start3A_2331] : memref<16384xf32, #tpu.memory_space<hbm>> -> memref<4096xf32, #tpu.memory_space<hbm>>
        tpu.enqueue_dma source(%dma_start3A_2332 : memref<4096xf32, #tpu.memory_space<hbm>>) target(%arg13 : memref<4096xf32, #tpu.memory_space<vmem>>) target_semaphore(%arg20 : memref<!tpu.dma_semaphore, #tpu.memory_space<semaphore_mem>>)
      } else {
      }
      %eq3A_1113 = arith.constant 1 : i32
      %eq3A_1114 = arith.cmpi eq, %select_n3A_1107, %eq3A_1113 : i32
      %convert_element_type3A_1115 = arith.extui %eq3A_1114 : i1 to i32
      %cond3A_1116 = arith.constant 0 : i32
      %cond3A_1117 = arith.cmpi ne, %convert_element_type3A_1115, %cond3A_1116 : i32
      scf.if %cond3A_1117 {
        %dma_start3A_2329 = arith.constant 4096 : i32
        %dma_start3A_2330 = tpu.memref_slice %arg6[%dma_start3A_2329] : memref<16384xf32, #tpu.memory_space<hbm>> -> memref<4096xf32, #tpu.memory_space<hbm>>
        %dma_start3A_2331 = arith.constant 4096 : i32
        %dma_start3A_2332 = tpu.memref_slice %arg6[%dma_start3A_2331] : memref<16384xf32, #tpu.memory_space<hbm>> -> memref<4096xf32, #tpu.memory_space<hbm>>
        tpu.enqueue_dma source(%dma_start3A_2332 : memref<4096xf32, #tpu.memory_space<hbm>>) target(%arg13 : memref<4096xf32, #tpu.memory_space<vmem>>) target_semaphore(%arg20 : memref<!tpu.dma_semaphore, #tpu.memory_space<semaphore_mem>>)
      } else {
      }
      %parallel_loop3A_1118 = arith.constant 0 : i32
      %parallel_loop3A_1119 = arith.constant 256 : i32
      %parallel_loop3A_1120 = arith.constant 1 : i32
      scf.for %parallel_loop3A_2329 = %parallel_loop3A_1118 to %parallel_loop3A_1119 step %parallel_loop3A_1120  : i32 {
        %parallel_loop3A_2330 = arith.constant 16 : i32
        %parallel_loop3A_2331 = arith.muli %parallel_loop3A_2329, %parallel_loop3A_2330 : i32
        %parallel_loop3A_2332 = arith.constant 0 : i32
        %parallel_loop3A_2333 = arith.addi %parallel_loop3A_2332, %parallel_loop3A_2331 : i32
        %parallel_loop3A_2334 = arith.index_cast %parallel_loop3A_2333 : i32 to index
        %parallel_loop3A_2335 = tpu.vector_load %arg11[%parallel_loop3A_2334] {strides = array<i32>} : memref<16384xi32, #tpu.memory_space<vmem>>, vector<16xi32>,
        %parallel_loop3A_2336 = arith.constant 16 : i32
        %parallel_loop3A_2337 = arith.muli %parallel_loop3A_2329, %parallel_loop3A_2336 : i32
        %parallel_loop3A_2338 = arith.index_cast %parallel_loop3A_2337 : i32 to index
        %parallel_loop3A_2339 = tpu.vector_load %arg12[%parallel_loop3A_2338] {strides = array<i32>} : memref<4096xf32, #tpu.memory_space<vmem>>, vector<16xf32>,
        %parallel_loop3A_2340 = arith.constant 50048 : i32
        %parallel_loop3A_2341 = vector.broadcast %parallel_loop3A_2340 : i32 to vector<16xi32>
        %parallel_loop3A_2342 = arith.cmpi slt, %parallel_loop3A_2335, %parallel_loop3A_2341 : vector<16xi32>
        tpu.vector_store_idx %arg9[%parallel_loop3A_2335], %parallel_loop3A_2339 masked %parallel_loop3A_2342 {add = true} : memref<50048xf32, #tpu.memory_space<vmem>>[vector<16xi32>], vector<16xf32>, vector<16xi1>
      } {sc.loop_unroll_factor = 8 : i64, sc.parallel_access}
      %dma_wait3A_1121 = arith.constant 0 : i32
      %dma_wait3A_1122 = tpu.memref_slice %arg5[%dma_wait3A_1121] : memref<16384xf32, #tpu.memory_space<hbm>> -> memref<4096xf32, #tpu.memory_space<hbm>>
      %dma_wait3A_1123 = arith.constant 0 : i32
      %dma_wait3A_1124 = tpu.memref_slice %arg5[%dma_wait3A_1123] : memref<16384xf32, #tpu.memory_space<hbm>> -> memref<4096xf32, #tpu.memory_space<hbm>>
      tpu.wait_dma2 semaphore(%arg20 : memref<!tpu.dma_semaphore, #tpu.memory_space<semaphore_mem>>) src(%dma_wait3A_1124 : memref<4096xf32, #tpu.memory_space<hbm>>) dst(%arg13 : memref<4096xf32, #tpu.memory_space<vmem>>)
      %jit3A_1125 = arith.constant 2 : i32
      %div3A_1126 = arith.divsi %mul3A_1002, %jit3A_1125 : i32
      %sign3A_1127 = arith.constant 0 : i32
      %sign3A_1128 = arith.cmpi sgt, %mul3A_1002, %sign3A_1127 : i32
      %sign3A_1129 = arith.extui %sign3A_1128 : i1 to i32
      %sign3A_1130 = arith.constant 0 : i32
      %sign3A_1131 = arith.cmpi slt, %mul3A_1002, %sign3A_1130 : i32
      %sign3A_1132 = arith.extui %sign3A_1131 : i1 to i32
      %sign3A_1133 = arith.subi %sign3A_1129, %sign3A_1132 : i32
      %sign3A_1134 = arith.constant 0 : i32
      %sign3A_1135 = arith.cmpi sgt, %jit3A_1125, %sign3A_1134 : i32
      %sign3A_1136 = arith.extui %sign3A_1135 : i1 to i32
      %sign3A_1137 = arith.constant 0 : i32
      %sign3A_1138 = arith.cmpi slt, %jit3A_1125, %sign3A_1137 : i32
      %sign3A_1139 = arith.extui %sign3A_1138 : i1 to i32
      %sign3A_1140 = arith.subi %sign3A_1136, %sign3A_1139 : i32
      %ne3A_1141 = arith.cmpi ne, %sign3A_1133, %sign3A_1140 : i32
      %rem3A_1142 = arith.remsi %mul3A_1002, %jit3A_1125 : i32
      %ne3A_1143 = arith.constant 0 : i32
      %ne3A_1144 = arith.cmpi ne, %rem3A_1142, %ne3A_1143 : i32
      %and3A_1145 = arith.andi %ne3A_1141, %ne3A_1144 : i1
      %sub3A_1146 = arith.constant 1 : i32
      %sub3A_1147 = arith.subi %div3A_1126, %sub3A_1146 : i32
      %select_n3A_1148 = arith.select %and3A_1145, %sub3A_1147, %div3A_1126 : i32
      %mul3A_1149 = arith.constant 32 : i32
      %mul3A_1150 = arith.muli %select_n3A_1148, %mul3A_1149 : i32
      %add3A_1151 = arith.addi %mul3A_1150, %add3A : i32
      %jit3A_1152 = arith.constant 200 : i32
      %eq3A_1153 = arith.constant 0 : i32
      %eq3A_1154 = arith.cmpi eq, %jit3A_1152, %eq3A_1153 : i32
      %jit3A_1155 = arith.constant 1 : i32
      %select_n3A_1156 = arith.select %eq3A_1154, %jit3A_1155, %jit3A_1152 : i32
      %rem3A_1157 = arith.remsi %add3A_1151, %select_n3A_1156 : i32
      %ne3A_1158 = arith.constant 0 : i32
      %ne3A_1159 = arith.cmpi ne, %rem3A_1157, %ne3A_1158 : i32
      %lt3A_1160 = arith.constant 0 : i32
      %lt3A_1161 = arith.cmpi slt, %rem3A_1157, %lt3A_1160 : i32
      %lt3A_1162 = arith.constant 0 : i32
      %lt3A_1163 = arith.cmpi slt, %select_n3A_1156, %lt3A_1162 : i32
      %ne3A_1164 = arith.xori %lt3A_1161, %lt3A_1163 : i1
      %and3A_1165 = arith.andi %ne3A_1164, %ne3A_1159 : i1
      %add3A_1166 = arith.addi %rem3A_1157, %select_n3A_1156 : i32
      %select_n3A_1167 = arith.select %and3A_1165, %add3A_1166, %rem3A_1157 : i32
      %jit3A_1168 = arith.constant 2 : i32
      %div3A_1169 = arith.divsi %select_n3A_1167, %jit3A_1168 : i32
      %sign3A_1170 = arith.constant 0 : i32
      %sign3A_1171 = arith.cmpi sgt, %select_n3A_1167, %sign3A_1170 : i32
      %sign3A_1172 = arith.extui %sign3A_1171 : i1 to i32
      %sign3A_1173 = arith.constant 0 : i32
      %sign3A_1174 = arith.cmpi slt, %select_n3A_1167, %sign3A_1173 : i32
      %sign3A_1175 = arith.extui %sign3A_1174 : i1 to i32
      %sign3A_1176 = arith.subi %sign3A_1172, %sign3A_1175 : i32
      %sign3A_1177 = arith.constant 0 : i32
      %sign3A_1178 = arith.cmpi sgt, %jit3A_1168, %sign3A_1177 : i32
      %sign3A_1179 = arith.extui %sign3A_1178 : i1 to i32
      %sign3A_1180 = arith.constant 0 : i32
      %sign3A_1181 = arith.cmpi slt, %jit3A_1168, %sign3A_1180 : i32
      %sign3A_1182 = arith.extui %sign3A_1181 : i1 to i32
      %sign3A_1183 = arith.subi %sign3A_1179, %sign3A_1182 : i32
      %ne3A_1184 = arith.cmpi ne, %sign3A_1176, %sign3A_1183 : i32
      %rem3A_1185 = arith.remsi %select_n3A_1167, %jit3A_1168 : i32
      %ne3A_1186 = arith.constant 0 : i32
      %ne3A_1187 = arith.cmpi ne, %rem3A_1185, %ne3A_1186 : i32
      %and3A_1188 = arith.andi %ne3A_1184, %ne3A_1187 : i1
      %sub3A_1189 = arith.constant 1 : i32
      %sub3A_1190 = arith.subi %div3A_1169, %sub3A_1189 : i32
      %select_n3A_1191 = arith.select %and3A_1188, %sub3A_1190, %div3A_1169 : i32
      %jit3A_1192 = arith.constant 2 : i32
      %eq3A_1193 = arith.constant 0 : i32
      %eq3A_1194 = arith.cmpi eq, %jit3A_1192, %eq3A_1193 : i32
      %jit3A_1195 = arith.constant 1 : i32
      %select_n3A_1196 = arith.select %eq3A_1194, %jit3A_1195, %jit3A_1192 : i32
      %rem3A_1197 = arith.remsi %select_n3A_1167, %select_n3A_1196 : i32
      %ne3A_1198 = arith.constant 0 : i32
      %ne3A_1199 = arith.cmpi ne, %rem3A_1197, %ne3A_1198 : i32
      %lt3A_1200 = arith.constant 0 : i32
      %lt3A_1201 = arith.cmpi slt, %rem3A_1197, %lt3A_1200 : i32
      %lt3A_1202 = arith.constant 0 : i32
      %lt3A_1203 = arith.cmpi slt, %select_n3A_1196, %lt3A_1202 : i32
      %ne3A_1204 = arith.xori %lt3A_1201, %lt3A_1203 : i1
      %and3A_1205 = arith.andi %ne3A_1204, %ne3A_1199 : i1
      %add3A_1206 = arith.addi %rem3A_1197, %select_n3A_1196 : i32
      %select_n3A_1207 = arith.select %and3A_1205, %add3A_1206, %rem3A_1197 : i32
      %eq3A_1208 = arith.constant 0 : i32
      %eq3A_1209 = arith.cmpi eq, %select_n3A_1207, %eq3A_1208 : i32
      %convert_element_type3A_1210 = arith.extui %eq3A_1209 : i1 to i32
      %cond3A_1211 = arith.constant 0 : i32
      %cond3A_1212 = arith.cmpi ne, %convert_element_type3A_1210, %cond3A_1211 : i32
      scf.if %cond3A_1212 {
        %dma_start3A_2329 = arith.constant 8192 : i32
        %dma_start3A_2330 = tpu.memref_slice %arg5[%dma_start3A_2329] : memref<16384xf32, #tpu.memory_space<hbm>> -> memref<4096xf32, #tpu.memory_space<hbm>>
        %dma_start3A_2331 = arith.constant 8192 : i32
        %dma_start3A_2332 = tpu.memref_slice %arg5[%dma_start3A_2331] : memref<16384xf32, #tpu.memory_space<hbm>> -> memref<4096xf32, #tpu.memory_space<hbm>>
        tpu.enqueue_dma source(%dma_start3A_2332 : memref<4096xf32, #tpu.memory_space<hbm>>) target(%arg12 : memref<4096xf32, #tpu.memory_space<vmem>>) target_semaphore(%arg19 : memref<!tpu.dma_semaphore, #tpu.memory_space<semaphore_mem>>)
      } else {
      }
      %eq3A_1213 = arith.constant 1 : i32
      %eq3A_1214 = arith.cmpi eq, %select_n3A_1207, %eq3A_1213 : i32
      %convert_element_type3A_1215 = arith.extui %eq3A_1214 : i1 to i32
      %cond3A_1216 = arith.constant 0 : i32
      %cond3A_1217 = arith.cmpi ne, %convert_element_type3A_1215, %cond3A_1216 : i32
      scf.if %cond3A_1217 {
        %dma_start3A_2329 = arith.constant 8192 : i32
        %dma_start3A_2330 = tpu.memref_slice %arg6[%dma_start3A_2329] : memref<16384xf32, #tpu.memory_space<hbm>> -> memref<4096xf32, #tpu.memory_space<hbm>>
        %dma_start3A_2331 = arith.constant 8192 : i32
        %dma_start3A_2332 = tpu.memref_slice %arg6[%dma_start3A_2331] : memref<16384xf32, #tpu.memory_space<hbm>> -> memref<4096xf32, #tpu.memory_space<hbm>>
        tpu.enqueue_dma source(%dma_start3A_2332 : memref<4096xf32, #tpu.memory_space<hbm>>) target(%arg12 : memref<4096xf32, #tpu.memory_space<vmem>>) target_semaphore(%arg19 : memref<!tpu.dma_semaphore, #tpu.memory_space<semaphore_mem>>)
      } else {
      }
      %parallel_loop3A_1218 = arith.constant 0 : i32
      %parallel_loop3A_1219 = arith.constant 256 : i32
      %parallel_loop3A_1220 = arith.constant 1 : i32
      scf.for %parallel_loop3A_2329 = %parallel_loop3A_1218 to %parallel_loop3A_1219 step %parallel_loop3A_1220  : i32 {
        %parallel_loop3A_2330 = arith.constant 16 : i32
        %parallel_loop3A_2331 = arith.muli %parallel_loop3A_2329, %parallel_loop3A_2330 : i32
        %parallel_loop3A_2332 = arith.constant 4096 : i32
        %parallel_loop3A_2333 = arith.addi %parallel_loop3A_2332, %parallel_loop3A_2331 : i32
        %parallel_loop3A_2334 = arith.index_cast %parallel_loop3A_2333 : i32 to index
        %parallel_loop3A_2335 = tpu.vector_load %arg11[%parallel_loop3A_2334] {strides = array<i32>} : memref<16384xi32, #tpu.memory_space<vmem>>, vector<16xi32>,
        %parallel_loop3A_2336 = arith.constant 16 : i32
        %parallel_loop3A_2337 = arith.muli %parallel_loop3A_2329, %parallel_loop3A_2336 : i32
        %parallel_loop3A_2338 = arith.index_cast %parallel_loop3A_2337 : i32 to index
        %parallel_loop3A_2339 = tpu.vector_load %arg13[%parallel_loop3A_2338] {strides = array<i32>} : memref<4096xf32, #tpu.memory_space<vmem>>, vector<16xf32>,
        %parallel_loop3A_2340 = arith.constant 50048 : i32
        %parallel_loop3A_2341 = vector.broadcast %parallel_loop3A_2340 : i32 to vector<16xi32>
        %parallel_loop3A_2342 = arith.cmpi slt, %parallel_loop3A_2335, %parallel_loop3A_2341 : vector<16xi32>
        tpu.vector_store_idx %arg9[%parallel_loop3A_2335], %parallel_loop3A_2339 masked %parallel_loop3A_2342 {add = true} : memref<50048xf32, #tpu.memory_space<vmem>>[vector<16xi32>], vector<16xf32>, vector<16xi1>
      } {sc.loop_unroll_factor = 8 : i64, sc.parallel_access}
      %dma_wait3A_1221 = arith.constant 0 : i32
      %dma_wait3A_1222 = arith.constant 0 : i32
      %dma_wait3A_1223 = tpu.memref_slice %arg7[%dma_wait3A_1221, %dma_wait3A_1222] : memref<100x100000xf32, #tpu.memory_space<hbm>> -> memref<1x100000xf32, #tpu.memory_space<hbm>>
      %dma_wait3A_1224 = tpu.memref_squeeze %dma_wait3A_1223 : memref<1x100000xf32, #tpu.memory_space<hbm>> -> memref<100000xf32, #tpu.memory_space<hbm>>
      %dma_wait3A_1225 = arith.constant 50048 : i32
      %dma_wait3A_1226 = tpu.memref_slice %dma_wait3A_1224[%dma_wait3A_1225] : memref<100000xf32, #tpu.memory_space<hbm>> -> memref<49952xf32, #tpu.memory_space<hbm>>
      %dma_wait3A_1227 = arith.constant 0 : i32
      %dma_wait3A_1228 = tpu.memref_slice %arg7[%dma_wait3A_1221, %dma_wait3A_1227] : memref<100x100000xf32, #tpu.memory_space<hbm>> -> memref<1x100000xf32, #tpu.memory_space<hbm>>
      %dma_wait3A_1229 = tpu.memref_squeeze %dma_wait3A_1228 : memref<1x100000xf32, #tpu.memory_space<hbm>> -> memref<100000xf32, #tpu.memory_space<hbm>>
      %dma_wait3A_1230 = arith.constant 50048 : i32
      %dma_wait3A_1231 = tpu.memref_slice %dma_wait3A_1229[%dma_wait3A_1230] : memref<100000xf32, #tpu.memory_space<hbm>> -> memref<49952xf32, #tpu.memory_space<hbm>>
      tpu.wait_dma2 semaphore(%arg17 : memref<!tpu.dma_semaphore, #tpu.memory_space<semaphore_mem>>) src(%arg10 : memref<49952xf32, #tpu.memory_space<vmem>>) dst(%dma_wait3A_1231 : memref<49952xf32, #tpu.memory_space<hbm>>)
      %add3A_1232 = arith.constant 1 : i32
      %add3A_1233 = arith.addi %mul3A_1002, %add3A_1232 : i32
      %jit3A_1234 = arith.constant 2 : i32
      %div3A_1235 = arith.divsi %add3A_1233, %jit3A_1234 : i32
      %sign3A_1236 = arith.constant 0 : i32
      %sign3A_1237 = arith.cmpi sgt, %add3A_1233, %sign3A_1236 : i32
      %sign3A_1238 = arith.extui %sign3A_1237 : i1 to i32
      %sign3A_1239 = arith.constant 0 : i32
      %sign3A_1240 = arith.cmpi slt, %add3A_1233, %sign3A_1239 : i32
      %sign3A_1241 = arith.extui %sign3A_1240 : i1 to i32
      %sign3A_1242 = arith.subi %sign3A_1238, %sign3A_1241 : i32
      %sign3A_1243 = arith.constant 0 : i32
      %sign3A_1244 = arith.cmpi sgt, %jit3A_1234, %sign3A_1243 : i32
      %sign3A_1245 = arith.extui %sign3A_1244 : i1 to i32
      %sign3A_1246 = arith.constant 0 : i32
      %sign3A_1247 = arith.cmpi slt, %jit3A_1234, %sign3A_1246 : i32
      %sign3A_1248 = arith.extui %sign3A_1247 : i1 to i32
      %sign3A_1249 = arith.subi %sign3A_1245, %sign3A_1248 : i32
      %ne3A_1250 = arith.cmpi ne, %sign3A_1242, %sign3A_1249 : i32
      %rem3A_1251 = arith.remsi %add3A_1233, %jit3A_1234 : i32
      %ne3A_1252 = arith.constant 0 : i32
      %ne3A_1253 = arith.cmpi ne, %rem3A_1251, %ne3A_1252 : i32
      %and3A_1254 = arith.andi %ne3A_1250, %ne3A_1253 : i1
      %sub3A_1255 = arith.constant 1 : i32
      %sub3A_1256 = arith.subi %div3A_1235, %sub3A_1255 : i32
      %select_n3A_1257 = arith.select %and3A_1254, %sub3A_1256, %div3A_1235 : i32
      %mul3A_1258 = arith.constant 32 : i32
      %mul3A_1259 = arith.muli %select_n3A_1257, %mul3A_1258 : i32
      %add3A_1260 = arith.addi %mul3A_1259, %add3A : i32
      %jit3A_1261 = arith.constant 200 : i32
      %eq3A_1262 = arith.constant 0 : i32
      %eq3A_1263 = arith.cmpi eq, %jit3A_1261, %eq3A_1262 : i32
      %jit3A_1264 = arith.constant 1 : i32
      %select_n3A_1265 = arith.select %eq3A_1263, %jit3A_1264, %jit3A_1261 : i32
      %rem3A_1266 = arith.remsi %add3A_1260, %select_n3A_1265 : i32
      %ne3A_1267 = arith.constant 0 : i32
      %ne3A_1268 = arith.cmpi ne, %rem3A_1266, %ne3A_1267 : i32
      %lt3A_1269 = arith.constant 0 : i32
      %lt3A_1270 = arith.cmpi slt, %rem3A_1266, %lt3A_1269 : i32
      %lt3A_1271 = arith.constant 0 : i32
      %lt3A_1272 = arith.cmpi slt, %select_n3A_1265, %lt3A_1271 : i32
      %ne3A_1273 = arith.xori %lt3A_1270, %lt3A_1272 : i1
      %and3A_1274 = arith.andi %ne3A_1273, %ne3A_1268 : i1
      %add3A_1275 = arith.addi %rem3A_1266, %select_n3A_1265 : i32
      %select_n3A_1276 = arith.select %and3A_1274, %add3A_1275, %rem3A_1266 : i32
      %jit3A_1277 = arith.constant 2 : i32
      %div3A_1278 = arith.divsi %select_n3A_1276, %jit3A_1277 : i32
      %sign3A_1279 = arith.constant 0 : i32
      %sign3A_1280 = arith.cmpi sgt, %select_n3A_1276, %sign3A_1279 : i32
      %sign3A_1281 = arith.extui %sign3A_1280 : i1 to i32
      %sign3A_1282 = arith.constant 0 : i32
      %sign3A_1283 = arith.cmpi slt, %select_n3A_1276, %sign3A_1282 : i32
      %sign3A_1284 = arith.extui %sign3A_1283 : i1 to i32
      %sign3A_1285 = arith.subi %sign3A_1281, %sign3A_1284 : i32
      %sign3A_1286 = arith.constant 0 : i32
      %sign3A_1287 = arith.cmpi sgt, %jit3A_1277, %sign3A_1286 : i32
      %sign3A_1288 = arith.extui %sign3A_1287 : i1 to i32
      %sign3A_1289 = arith.constant 0 : i32
      %sign3A_1290 = arith.cmpi slt, %jit3A_1277, %sign3A_1289 : i32
      %sign3A_1291 = arith.extui %sign3A_1290 : i1 to i32
      %sign3A_1292 = arith.subi %sign3A_1288, %sign3A_1291 : i32
      %ne3A_1293 = arith.cmpi ne, %sign3A_1285, %sign3A_1292 : i32
      %rem3A_1294 = arith.remsi %select_n3A_1276, %jit3A_1277 : i32
      %ne3A_1295 = arith.constant 0 : i32
      %ne3A_1296 = arith.cmpi ne, %rem3A_1294, %ne3A_1295 : i32
      %and3A_1297 = arith.andi %ne3A_1293, %ne3A_1296 : i1
      %sub3A_1298 = arith.constant 1 : i32
      %sub3A_1299 = arith.subi %div3A_1278, %sub3A_1298 : i32
      %select_n3A_1300 = arith.select %and3A_1297, %sub3A_1299, %div3A_1278 : i32
      %jit3A_1301 = arith.constant 2 : i32
      %eq3A_1302 = arith.constant 0 : i32
      %eq3A_1303 = arith.cmpi eq, %jit3A_1301, %eq3A_1302 : i32
      %jit3A_1304 = arith.constant 1 : i32
      %select_n3A_1305 = arith.select %eq3A_1303, %jit3A_1304, %jit3A_1301 : i32
      %rem3A_1306 = arith.remsi %select_n3A_1276, %select_n3A_1305 : i32
      %ne3A_1307 = arith.constant 0 : i32
      %ne3A_1308 = arith.cmpi ne, %rem3A_1306, %ne3A_1307 : i32
      %lt3A_1309 = arith.constant 0 : i32
      %lt3A_1310 = arith.cmpi slt, %rem3A_1306, %lt3A_1309 : i32
      %lt3A_1311 = arith.constant 0 : i32
      %lt3A_1312 = arith.cmpi slt, %select_n3A_1305, %lt3A_1311 : i32
      %ne3A_1313 = arith.xori %lt3A_1310, %lt3A_1312 : i1
      %and3A_1314 = arith.andi %ne3A_1313, %ne3A_1308 : i1
      %add3A_1315 = arith.addi %rem3A_1306, %select_n3A_1305 : i32
      %select_n3A_1316 = arith.select %and3A_1314, %add3A_1315, %rem3A_1306 : i32
      %eq3A_1317 = arith.constant 0 : i32
      %eq3A_1318 = arith.cmpi eq, %select_n3A_1316, %eq3A_1317 : i32
      %convert_element_type3A_1319 = arith.extui %eq3A_1318 : i1 to i32
      %cond3A_1320 = arith.constant 0 : i32
      %cond3A_1321 = arith.cmpi ne, %convert_element_type3A_1319, %cond3A_1320 : i32
      scf.if %cond3A_1321 {
        %dma_start3A_2329 = arith.constant 0 : i32
        %dma_start3A_2330 = tpu.memref_slice %arg2[%select_n3A_1300, %dma_start3A_2329] : memref<100x100000xf32, #tpu.memory_space<hbm>> -> memref<1x100000xf32, #tpu.memory_space<hbm>>
        %dma_start3A_2331 = tpu.memref_squeeze %dma_start3A_2330 : memref<1x100000xf32, #tpu.memory_space<hbm>> -> memref<100000xf32, #tpu.memory_space<hbm>>
        %dma_start3A_2332 = arith.constant 50048 : i32
        %dma_start3A_2333 = tpu.memref_slice %dma_start3A_2331[%dma_start3A_2332] : memref<100000xf32, #tpu.memory_space<hbm>> -> memref<49952xf32, #tpu.memory_space<hbm>>
        %dma_start3A_2334 = arith.constant 0 : i32
        %dma_start3A_2335 = tpu.memref_slice %arg2[%select_n3A_1300, %dma_start3A_2334] : memref<100x100000xf32, #tpu.memory_space<hbm>> -> memref<1x100000xf32, #tpu.memory_space<hbm>>
        %dma_start3A_2336 = tpu.memref_squeeze %dma_start3A_2335 : memref<1x100000xf32, #tpu.memory_space<hbm>> -> memref<100000xf32, #tpu.memory_space<hbm>>
        %dma_start3A_2337 = arith.constant 50048 : i32
        %dma_start3A_2338 = tpu.memref_slice %dma_start3A_2336[%dma_start3A_2337] : memref<100000xf32, #tpu.memory_space<hbm>> -> memref<49952xf32, #tpu.memory_space<hbm>>
        tpu.enqueue_dma source(%dma_start3A_2338 : memref<49952xf32, #tpu.memory_space<hbm>>) target(%arg10 : memref<49952xf32, #tpu.memory_space<vmem>>) target_semaphore(%arg15 : memref<!tpu.dma_semaphore, #tpu.memory_space<semaphore_mem>>)
      } else {
      }
      %eq3A_1322 = arith.constant 1 : i32
      %eq3A_1323 = arith.cmpi eq, %select_n3A_1316, %eq3A_1322 : i32
      %convert_element_type3A_1324 = arith.extui %eq3A_1323 : i1 to i32
      %cond3A_1325 = arith.constant 0 : i32
      %cond3A_1326 = arith.cmpi ne, %convert_element_type3A_1324, %cond3A_1325 : i32
      scf.if %cond3A_1326 {
        %dma_start3A_2329 = arith.constant 0 : i32
        %dma_start3A_2330 = tpu.memref_slice %arg3[%select_n3A_1300, %dma_start3A_2329] : memref<100x100000xf32, #tpu.memory_space<hbm>> -> memref<1x100000xf32, #tpu.memory_space<hbm>>
        %dma_start3A_2331 = tpu.memref_squeeze %dma_start3A_2330 : memref<1x100000xf32, #tpu.memory_space<hbm>> -> memref<100000xf32, #tpu.memory_space<hbm>>
        %dma_start3A_2332 = arith.constant 50048 : i32
        %dma_start3A_2333 = tpu.memref_slice %dma_start3A_2331[%dma_start3A_2332] : memref<100000xf32, #tpu.memory_space<hbm>> -> memref<49952xf32, #tpu.memory_space<hbm>>
        %dma_start3A_2334 = arith.constant 0 : i32
        %dma_start3A_2335 = tpu.memref_slice %arg3[%select_n3A_1300, %dma_start3A_2334] : memref<100x100000xf32, #tpu.memory_space<hbm>> -> memref<1x100000xf32, #tpu.memory_space<hbm>>
        %dma_start3A_2336 = tpu.memref_squeeze %dma_start3A_2335 : memref<1x100000xf32, #tpu.memory_space<hbm>> -> memref<100000xf32, #tpu.memory_space<hbm>>
        %dma_start3A_2337 = arith.constant 50048 : i32
        %dma_start3A_2338 = tpu.memref_slice %dma_start3A_2336[%dma_start3A_2337] : memref<100000xf32, #tpu.memory_space<hbm>> -> memref<49952xf32, #tpu.memory_space<hbm>>
        tpu.enqueue_dma source(%dma_start3A_2338 : memref<49952xf32, #tpu.memory_space<hbm>>) target(%arg10 : memref<49952xf32, #tpu.memory_space<vmem>>) target_semaphore(%arg15 : memref<!tpu.dma_semaphore, #tpu.memory_space<semaphore_mem>>)
      } else {
      }
      %dma_wait3A_1327 = arith.constant 0 : i32
      %dma_wait3A_1328 = tpu.memref_slice %arg5[%dma_wait3A_1327] : memref<16384xf32, #tpu.memory_space<hbm>> -> memref<4096xf32, #tpu.memory_space<hbm>>
      %dma_wait3A_1329 = arith.constant 0 : i32
      %dma_wait3A_1330 = tpu.memref_slice %arg5[%dma_wait3A_1329] : memref<16384xf32, #tpu.memory_space<hbm>> -> memref<4096xf32, #tpu.memory_space<hbm>>
      tpu.wait_dma2 semaphore(%arg19 : memref<!tpu.dma_semaphore, #tpu.memory_space<semaphore_mem>>) src(%dma_wait3A_1330 : memref<4096xf32, #tpu.memory_space<hbm>>) dst(%arg12 : memref<4096xf32, #tpu.memory_space<vmem>>)
      %jit3A_1331 = arith.constant 2 : i32
      %div3A_1332 = arith.divsi %mul3A_1002, %jit3A_1331 : i32
      %sign3A_1333 = arith.constant 0 : i32
      %sign3A_1334 = arith.cmpi sgt, %mul3A_1002, %sign3A_1333 : i32
      %sign3A_1335 = arith.extui %sign3A_1334 : i1 to i32
      %sign3A_1336 = arith.constant 0 : i32
      %sign3A_1337 = arith.cmpi slt, %mul3A_1002, %sign3A_1336 : i32
      %sign3A_1338 = arith.extui %sign3A_1337 : i1 to i32
      %sign3A_1339 = arith.subi %sign3A_1335, %sign3A_1338 : i32
      %sign3A_1340 = arith.constant 0 : i32
      %sign3A_1341 = arith.cmpi sgt, %jit3A_1331, %sign3A_1340 : i32
      %sign3A_1342 = arith.extui %sign3A_1341 : i1 to i32
      %sign3A_1343 = arith.constant 0 : i32
      %sign3A_1344 = arith.cmpi slt, %jit3A_1331, %sign3A_1343 : i32
      %sign3A_1345 = arith.extui %sign3A_1344 : i1 to i32
      %sign3A_1346 = arith.subi %sign3A_1342, %sign3A_1345 : i32
      %ne3A_1347 = arith.cmpi ne, %sign3A_1339, %sign3A_1346 : i32
      %rem3A_1348 = arith.remsi %mul3A_1002, %jit3A_1331 : i32
      %ne3A_1349 = arith.constant 0 : i32
      %ne3A_1350 = arith.cmpi ne, %rem3A_1348, %ne3A_1349 : i32
      %and3A_1351 = arith.andi %ne3A_1347, %ne3A_1350 : i1
      %sub3A_1352 = arith.constant 1 : i32
      %sub3A_1353 = arith.subi %div3A_1332, %sub3A_1352 : i32
      %select_n3A_1354 = arith.select %and3A_1351, %sub3A_1353, %div3A_1332 : i32
      %mul3A_1355 = arith.constant 32 : i32
      %mul3A_1356 = arith.muli %select_n3A_1354, %mul3A_1355 : i32
      %add3A_1357 = arith.addi %mul3A_1356, %add3A : i32
      %jit3A_1358 = arith.constant 200 : i32
      %eq3A_1359 = arith.constant 0 : i32
      %eq3A_1360 = arith.cmpi eq, %jit3A_1358, %eq3A_1359 : i32
      %jit3A_1361 = arith.constant 1 : i32
      %select_n3A_1362 = arith.select %eq3A_1360, %jit3A_1361, %jit3A_1358 : i32
      %rem3A_1363 = arith.remsi %add3A_1357, %select_n3A_1362 : i32
      %ne3A_1364 = arith.constant 0 : i32
      %ne3A_1365 = arith.cmpi ne, %rem3A_1363, %ne3A_1364 : i32
      %lt3A_1366 = arith.constant 0 : i32
      %lt3A_1367 = arith.cmpi slt, %rem3A_1363, %lt3A_1366 : i32
      %lt3A_1368 = arith.constant 0 : i32
      %lt3A_1369 = arith.cmpi slt, %select_n3A_1362, %lt3A_1368 : i32
      %ne3A_1370 = arith.xori %lt3A_1367, %lt3A_1369 : i1
      %and3A_1371 = arith.andi %ne3A_1370, %ne3A_1365 : i1
      %add3A_1372 = arith.addi %rem3A_1363, %select_n3A_1362 : i32
      %select_n3A_1373 = arith.select %and3A_1371, %add3A_1372, %rem3A_1363 : i32
      %jit3A_1374 = arith.constant 2 : i32
      %div3A_1375 = arith.divsi %select_n3A_1373, %jit3A_1374 : i32
      %sign3A_1376 = arith.constant 0 : i32
      %sign3A_1377 = arith.cmpi sgt, %select_n3A_1373, %sign3A_1376 : i32
      %sign3A_1378 = arith.extui %sign3A_1377 : i1 to i32
      %sign3A_1379 = arith.constant 0 : i32
      %sign3A_1380 = arith.cmpi slt, %select_n3A_1373, %sign3A_1379 : i32
      %sign3A_1381 = arith.extui %sign3A_1380 : i1 to i32
      %sign3A_1382 = arith.subi %sign3A_1378, %sign3A_1381 : i32
      %sign3A_1383 = arith.constant 0 : i32
      %sign3A_1384 = arith.cmpi sgt, %jit3A_1374, %sign3A_1383 : i32
      %sign3A_1385 = arith.extui %sign3A_1384 : i1 to i32
      %sign3A_1386 = arith.constant 0 : i32
      %sign3A_1387 = arith.cmpi slt, %jit3A_1374, %sign3A_1386 : i32
      %sign3A_1388 = arith.extui %sign3A_1387 : i1 to i32
      %sign3A_1389 = arith.subi %sign3A_1385, %sign3A_1388 : i32
      %ne3A_1390 = arith.cmpi ne, %sign3A_1382, %sign3A_1389 : i32
      %rem3A_1391 = arith.remsi %select_n3A_1373, %jit3A_1374 : i32
      %ne3A_1392 = arith.constant 0 : i32
      %ne3A_1393 = arith.cmpi ne, %rem3A_1391, %ne3A_1392 : i32
      %and3A_1394 = arith.andi %ne3A_1390, %ne3A_1393 : i1
      %sub3A_1395 = arith.constant 1 : i32
      %sub3A_1396 = arith.subi %div3A_1375, %sub3A_1395 : i32
      %select_n3A_1397 = arith.select %and3A_1394, %sub3A_1396, %div3A_1375 : i32
      %jit3A_1398 = arith.constant 2 : i32
      %eq3A_1399 = arith.constant 0 : i32
      %eq3A_1400 = arith.cmpi eq, %jit3A_1398, %eq3A_1399 : i32
      %jit3A_1401 = arith.constant 1 : i32
      %select_n3A_1402 = arith.select %eq3A_1400, %jit3A_1401, %jit3A_1398 : i32
      %rem3A_1403 = arith.remsi %select_n3A_1373, %select_n3A_1402 : i32
      %ne3A_1404 = arith.constant 0 : i32
      %ne3A_1405 = arith.cmpi ne, %rem3A_1403, %ne3A_1404 : i32
      %lt3A_1406 = arith.constant 0 : i32
      %lt3A_1407 = arith.cmpi slt, %rem3A_1403, %lt3A_1406 : i32
      %lt3A_1408 = arith.constant 0 : i32
      %lt3A_1409 = arith.cmpi slt, %select_n3A_1402, %lt3A_1408 : i32
      %ne3A_1410 = arith.xori %lt3A_1407, %lt3A_1409 : i1
      %and3A_1411 = arith.andi %ne3A_1410, %ne3A_1405 : i1
      %add3A_1412 = arith.addi %rem3A_1403, %select_n3A_1402 : i32
      %select_n3A_1413 = arith.select %and3A_1411, %add3A_1412, %rem3A_1403 : i32
      %eq3A_1414 = arith.constant 0 : i32
      %eq3A_1415 = arith.cmpi eq, %select_n3A_1413, %eq3A_1414 : i32
      %convert_element_type3A_1416 = arith.extui %eq3A_1415 : i1 to i32
      %cond3A_1417 = arith.constant 0 : i32
      %cond3A_1418 = arith.cmpi ne, %convert_element_type3A_1416, %cond3A_1417 : i32
      scf.if %cond3A_1418 {
        %dma_start3A_2329 = arith.constant 12288 : i32
        %dma_start3A_2330 = tpu.memref_slice %arg5[%dma_start3A_2329] : memref<16384xf32, #tpu.memory_space<hbm>> -> memref<4096xf32, #tpu.memory_space<hbm>>
        %dma_start3A_2331 = arith.constant 12288 : i32
        %dma_start3A_2332 = tpu.memref_slice %arg5[%dma_start3A_2331] : memref<16384xf32, #tpu.memory_space<hbm>> -> memref<4096xf32, #tpu.memory_space<hbm>>
        tpu.enqueue_dma source(%dma_start3A_2332 : memref<4096xf32, #tpu.memory_space<hbm>>) target(%arg13 : memref<4096xf32, #tpu.memory_space<vmem>>) target_semaphore(%arg20 : memref<!tpu.dma_semaphore, #tpu.memory_space<semaphore_mem>>)
      } else {
      }
      %eq3A_1419 = arith.constant 1 : i32
      %eq3A_1420 = arith.cmpi eq, %select_n3A_1413, %eq3A_1419 : i32
      %convert_element_type3A_1421 = arith.extui %eq3A_1420 : i1 to i32
      %cond3A_1422 = arith.constant 0 : i32
      %cond3A_1423 = arith.cmpi ne, %convert_element_type3A_1421, %cond3A_1422 : i32
      scf.if %cond3A_1423 {
        %dma_start3A_2329 = arith.constant 12288 : i32
        %dma_start3A_2330 = tpu.memref_slice %arg6[%dma_start3A_2329] : memref<16384xf32, #tpu.memory_space<hbm>> -> memref<4096xf32, #tpu.memory_space<hbm>>
        %dma_start3A_2331 = arith.constant 12288 : i32
        %dma_start3A_2332 = tpu.memref_slice %arg6[%dma_start3A_2331] : memref<16384xf32, #tpu.memory_space<hbm>> -> memref<4096xf32, #tpu.memory_space<hbm>>
        tpu.enqueue_dma source(%dma_start3A_2332 : memref<4096xf32, #tpu.memory_space<hbm>>) target(%arg13 : memref<4096xf32, #tpu.memory_space<vmem>>) target_semaphore(%arg20 : memref<!tpu.dma_semaphore, #tpu.memory_space<semaphore_mem>>)
      } else {
      }
      %parallel_loop3A_1424 = arith.constant 0 : i32
      %parallel_loop3A_1425 = arith.constant 256 : i32
      %parallel_loop3A_1426 = arith.constant 1 : i32
      scf.for %parallel_loop3A_2329 = %parallel_loop3A_1424 to %parallel_loop3A_1425 step %parallel_loop3A_1426  : i32 {
        %parallel_loop3A_2330 = arith.constant 16 : i32
        %parallel_loop3A_2331 = arith.muli %parallel_loop3A_2329, %parallel_loop3A_2330 : i32
        %parallel_loop3A_2332 = arith.constant 8192 : i32
        %parallel_loop3A_2333 = arith.addi %parallel_loop3A_2332, %parallel_loop3A_2331 : i32
        %parallel_loop3A_2334 = arith.index_cast %parallel_loop3A_2333 : i32 to index
        %parallel_loop3A_2335 = tpu.vector_load %arg11[%parallel_loop3A_2334] {strides = array<i32>} : memref<16384xi32, #tpu.memory_space<vmem>>, vector<16xi32>,
        %parallel_loop3A_2336 = arith.constant 16 : i32
        %parallel_loop3A_2337 = arith.muli %parallel_loop3A_2329, %parallel_loop3A_2336 : i32
        %parallel_loop3A_2338 = arith.index_cast %parallel_loop3A_2337 : i32 to index
        %parallel_loop3A_2339 = tpu.vector_load %arg12[%parallel_loop3A_2338] {strides = array<i32>} : memref<4096xf32, #tpu.memory_space<vmem>>, vector<16xf32>,
        %parallel_loop3A_2340 = arith.constant 50048 : i32
        %parallel_loop3A_2341 = vector.broadcast %parallel_loop3A_2340 : i32 to vector<16xi32>
        %parallel_loop3A_2342 = arith.cmpi slt, %parallel_loop3A_2335, %parallel_loop3A_2341 : vector<16xi32>
        tpu.vector_store_idx %arg9[%parallel_loop3A_2335], %parallel_loop3A_2339 masked %parallel_loop3A_2342 {add = true} : memref<50048xf32, #tpu.memory_space<vmem>>[vector<16xi32>], vector<16xf32>, vector<16xi1>
      } {sc.loop_unroll_factor = 8 : i64, sc.parallel_access}
      %dma_wait3A_1427 = arith.constant 0 : i32
      %dma_wait3A_1428 = tpu.memref_slice %arg5[%dma_wait3A_1427] : memref<16384xf32, #tpu.memory_space<hbm>> -> memref<4096xf32, #tpu.memory_space<hbm>>
      %dma_wait3A_1429 = arith.constant 0 : i32
      %dma_wait3A_1430 = tpu.memref_slice %arg5[%dma_wait3A_1429] : memref<16384xf32, #tpu.memory_space<hbm>> -> memref<4096xf32, #tpu.memory_space<hbm>>
      tpu.wait_dma2 semaphore(%arg20 : memref<!tpu.dma_semaphore, #tpu.memory_space<semaphore_mem>>) src(%dma_wait3A_1430 : memref<4096xf32, #tpu.memory_space<hbm>>) dst(%arg13 : memref<4096xf32, #tpu.memory_space<vmem>>)
      %add3A_1431 = arith.constant 1 : i32
      %add3A_1432 = arith.addi %mul3A_1002, %add3A_1431 : i32
      %jit3A_1433 = arith.constant 2 : i32
      %div3A_1434 = arith.divsi %add3A_1432, %jit3A_1433 : i32
      %sign3A_1435 = arith.constant 0 : i32
      %sign3A_1436 = arith.cmpi sgt, %add3A_1432, %sign3A_1435 : i32
      %sign3A_1437 = arith.extui %sign3A_1436 : i1 to i32
      %sign3A_1438 = arith.constant 0 : i32
      %sign3A_1439 = arith.cmpi slt, %add3A_1432, %sign3A_1438 : i32
      %sign3A_1440 = arith.extui %sign3A_1439 : i1 to i32
      %sign3A_1441 = arith.subi %sign3A_1437, %sign3A_1440 : i32
      %sign3A_1442 = arith.constant 0 : i32
      %sign3A_1443 = arith.cmpi sgt, %jit3A_1433, %sign3A_1442 : i32
      %sign3A_1444 = arith.extui %sign3A_1443 : i1 to i32
      %sign3A_1445 = arith.constant 0 : i32
      %sign3A_1446 = arith.cmpi slt, %jit3A_1433, %sign3A_1445 : i32
      %sign3A_1447 = arith.extui %sign3A_1446 : i1 to i32
      %sign3A_1448 = arith.subi %sign3A_1444, %sign3A_1447 : i32
      %ne3A_1449 = arith.cmpi ne, %sign3A_1441, %sign3A_1448 : i32
      %rem3A_1450 = arith.remsi %add3A_1432, %jit3A_1433 : i32
      %ne3A_1451 = arith.constant 0 : i32
      %ne3A_1452 = arith.cmpi ne, %rem3A_1450, %ne3A_1451 : i32
      %and3A_1453 = arith.andi %ne3A_1449, %ne3A_1452 : i1
      %sub3A_1454 = arith.constant 1 : i32
      %sub3A_1455 = arith.subi %div3A_1434, %sub3A_1454 : i32
      %select_n3A_1456 = arith.select %and3A_1453, %sub3A_1455, %div3A_1434 : i32
      %mul3A_1457 = arith.constant 32 : i32
      %mul3A_1458 = arith.muli %select_n3A_1456, %mul3A_1457 : i32
      %add3A_1459 = arith.addi %mul3A_1458, %add3A : i32
      %jit3A_1460 = arith.constant 200 : i32
      %eq3A_1461 = arith.constant 0 : i32
      %eq3A_1462 = arith.cmpi eq, %jit3A_1460, %eq3A_1461 : i32
      %jit3A_1463 = arith.constant 1 : i32
      %select_n3A_1464 = arith.select %eq3A_1462, %jit3A_1463, %jit3A_1460 : i32
      %rem3A_1465 = arith.remsi %add3A_1459, %select_n3A_1464 : i32
      %ne3A_1466 = arith.constant 0 : i32
      %ne3A_1467 = arith.cmpi ne, %rem3A_1465, %ne3A_1466 : i32
      %lt3A_1468 = arith.constant 0 : i32
      %lt3A_1469 = arith.cmpi slt, %rem3A_1465, %lt3A_1468 : i32
      %lt3A_1470 = arith.constant 0 : i32
      %lt3A_1471 = arith.cmpi slt, %select_n3A_1464, %lt3A_1470 : i32
      %ne3A_1472 = arith.xori %lt3A_1469, %lt3A_1471 : i1
      %and3A_1473 = arith.andi %ne3A_1472, %ne3A_1467 : i1
      %add3A_1474 = arith.addi %rem3A_1465, %select_n3A_1464 : i32
      %select_n3A_1475 = arith.select %and3A_1473, %add3A_1474, %rem3A_1465 : i32
      %jit3A_1476 = arith.constant 2 : i32
      %div3A_1477 = arith.divsi %select_n3A_1475, %jit3A_1476 : i32
      %sign3A_1478 = arith.constant 0 : i32
      %sign3A_1479 = arith.cmpi sgt, %select_n3A_1475, %sign3A_1478 : i32
      %sign3A_1480 = arith.extui %sign3A_1479 : i1 to i32
      %sign3A_1481 = arith.constant 0 : i32
      %sign3A_1482 = arith.cmpi slt, %select_n3A_1475, %sign3A_1481 : i32
      %sign3A_1483 = arith.extui %sign3A_1482 : i1 to i32
      %sign3A_1484 = arith.subi %sign3A_1480, %sign3A_1483 : i32
      %sign3A_1485 = arith.constant 0 : i32
      %sign3A_1486 = arith.cmpi sgt, %jit3A_1476, %sign3A_1485 : i32
      %sign3A_1487 = arith.extui %sign3A_1486 : i1 to i32
      %sign3A_1488 = arith.constant 0 : i32
      %sign3A_1489 = arith.cmpi slt, %jit3A_1476, %sign3A_1488 : i32
      %sign3A_1490 = arith.extui %sign3A_1489 : i1 to i32
      %sign3A_1491 = arith.subi %sign3A_1487, %sign3A_1490 : i32
      %ne3A_1492 = arith.cmpi ne, %sign3A_1484, %sign3A_1491 : i32
      %rem3A_1493 = arith.remsi %select_n3A_1475, %jit3A_1476 : i32
      %ne3A_1494 = arith.constant 0 : i32
      %ne3A_1495 = arith.cmpi ne, %rem3A_1493, %ne3A_1494 : i32
      %and3A_1496 = arith.andi %ne3A_1492, %ne3A_1495 : i1
      %sub3A_1497 = arith.constant 1 : i32
      %sub3A_1498 = arith.subi %div3A_1477, %sub3A_1497 : i32
      %select_n3A_1499 = arith.select %and3A_1496, %sub3A_1498, %div3A_1477 : i32
      %jit3A_1500 = arith.constant 2 : i32
      %eq3A_1501 = arith.constant 0 : i32
      %eq3A_1502 = arith.cmpi eq, %jit3A_1500, %eq3A_1501 : i32
      %jit3A_1503 = arith.constant 1 : i32
      %select_n3A_1504 = arith.select %eq3A_1502, %jit3A_1503, %jit3A_1500 : i32
      %rem3A_1505 = arith.remsi %select_n3A_1475, %select_n3A_1504 : i32
      %ne3A_1506 = arith.constant 0 : i32
      %ne3A_1507 = arith.cmpi ne, %rem3A_1505, %ne3A_1506 : i32
      %lt3A_1508 = arith.constant 0 : i32
      %lt3A_1509 = arith.cmpi slt, %rem3A_1505, %lt3A_1508 : i32
      %lt3A_1510 = arith.constant 0 : i32
      %lt3A_1511 = arith.cmpi slt, %select_n3A_1504, %lt3A_1510 : i32
      %ne3A_1512 = arith.xori %lt3A_1509, %lt3A_1511 : i1
      %and3A_1513 = arith.andi %ne3A_1512, %ne3A_1507 : i1
      %add3A_1514 = arith.addi %rem3A_1505, %select_n3A_1504 : i32
      %select_n3A_1515 = arith.select %and3A_1513, %add3A_1514, %rem3A_1505 : i32
      %eq3A_1516 = arith.constant 0 : i32
      %eq3A_1517 = arith.cmpi eq, %select_n3A_1515, %eq3A_1516 : i32
      %convert_element_type3A_1518 = arith.extui %eq3A_1517 : i1 to i32
      %cond3A_1519 = arith.constant 0 : i32
      %cond3A_1520 = arith.cmpi ne, %convert_element_type3A_1518, %cond3A_1519 : i32
      scf.if %cond3A_1520 {
        %dma_start3A_2329 = arith.constant 0 : i32
        %dma_start3A_2330 = tpu.memref_slice %arg5[%dma_start3A_2329] : memref<16384xf32, #tpu.memory_space<hbm>> -> memref<4096xf32, #tpu.memory_space<hbm>>
        %dma_start3A_2331 = arith.constant 0 : i32
        %dma_start3A_2332 = tpu.memref_slice %arg5[%dma_start3A_2331] : memref<16384xf32, #tpu.memory_space<hbm>> -> memref<4096xf32, #tpu.memory_space<hbm>>
        tpu.enqueue_dma source(%dma_start3A_2332 : memref<4096xf32, #tpu.memory_space<hbm>>) target(%arg12 : memref<4096xf32, #tpu.memory_space<vmem>>) target_semaphore(%arg19 : memref<!tpu.dma_semaphore, #tpu.memory_space<semaphore_mem>>)
      } else {
      }
      %eq3A_1521 = arith.constant 1 : i32
      %eq3A_1522 = arith.cmpi eq, %select_n3A_1515, %eq3A_1521 : i32
      %convert_element_type3A_1523 = arith.extui %eq3A_1522 : i1 to i32
      %cond3A_1524 = arith.constant 0 : i32
      %cond3A_1525 = arith.cmpi ne, %convert_element_type3A_1523, %cond3A_1524 : i32
      scf.if %cond3A_1525 {
        %dma_start3A_2329 = arith.constant 0 : i32
        %dma_start3A_2330 = tpu.memref_slice %arg6[%dma_start3A_2329] : memref<16384xf32, #tpu.memory_space<hbm>> -> memref<4096xf32, #tpu.memory_space<hbm>>
        %dma_start3A_2331 = arith.constant 0 : i32
        %dma_start3A_2332 = tpu.memref_slice %arg6[%dma_start3A_2331] : memref<16384xf32, #tpu.memory_space<hbm>> -> memref<4096xf32, #tpu.memory_space<hbm>>
        tpu.enqueue_dma source(%dma_start3A_2332 : memref<4096xf32, #tpu.memory_space<hbm>>) target(%arg12 : memref<4096xf32, #tpu.memory_space<vmem>>) target_semaphore(%arg19 : memref<!tpu.dma_semaphore, #tpu.memory_space<semaphore_mem>>)
      } else {
      }
      %parallel_loop3A_1526 = arith.constant 0 : i32
      %parallel_loop3A_1527 = arith.constant 256 : i32
      %parallel_loop3A_1528 = arith.constant 1 : i32
      scf.for %parallel_loop3A_2329 = %parallel_loop3A_1526 to %parallel_loop3A_1527 step %parallel_loop3A_1528  : i32 {
        %parallel_loop3A_2330 = arith.constant 16 : i32
        %parallel_loop3A_2331 = arith.muli %parallel_loop3A_2329, %parallel_loop3A_2330 : i32
        %parallel_loop3A_2332 = arith.constant 12288 : i32
        %parallel_loop3A_2333 = arith.addi %parallel_loop3A_2332, %parallel_loop3A_2331 : i32
        %parallel_loop3A_2334 = arith.index_cast %parallel_loop3A_2333 : i32 to index
        %parallel_loop3A_2335 = tpu.vector_load %arg11[%parallel_loop3A_2334] {strides = array<i32>} : memref<16384xi32, #tpu.memory_space<vmem>>, vector<16xi32>,
        %parallel_loop3A_2336 = arith.constant 16 : i32
        %parallel_loop3A_2337 = arith.muli %parallel_loop3A_2329, %parallel_loop3A_2336 : i32
        %parallel_loop3A_2338 = arith.index_cast %parallel_loop3A_2337 : i32 to index
        %parallel_loop3A_2339 = tpu.vector_load %arg13[%parallel_loop3A_2338] {strides = array<i32>} : memref<4096xf32, #tpu.memory_space<vmem>>, vector<16xf32>,
        %parallel_loop3A_2340 = arith.constant 50048 : i32
        %parallel_loop3A_2341 = vector.broadcast %parallel_loop3A_2340 : i32 to vector<16xi32>
        %parallel_loop3A_2342 = arith.cmpi slt, %parallel_loop3A_2335, %parallel_loop3A_2341 : vector<16xi32>
        tpu.vector_store_idx %arg9[%parallel_loop3A_2335], %parallel_loop3A_2339 masked %parallel_loop3A_2342 {add = true} : memref<50048xf32, #tpu.memory_space<vmem>>[vector<16xi32>], vector<16xf32>, vector<16xi1>
      } {sc.loop_unroll_factor = 8 : i64, sc.parallel_access}
      %jit3A_1529 = arith.constant 2 : i32
      %div3A_1530 = arith.divsi %mul3A_1002, %jit3A_1529 : i32
      %sign3A_1531 = arith.constant 0 : i32
      %sign3A_1532 = arith.cmpi sgt, %mul3A_1002, %sign3A_1531 : i32
      %sign3A_1533 = arith.extui %sign3A_1532 : i1 to i32
      %sign3A_1534 = arith.constant 0 : i32
      %sign3A_1535 = arith.cmpi slt, %mul3A_1002, %sign3A_1534 : i32
      %sign3A_1536 = arith.extui %sign3A_1535 : i1 to i32
      %sign3A_1537 = arith.subi %sign3A_1533, %sign3A_1536 : i32
      %sign3A_1538 = arith.constant 0 : i32
      %sign3A_1539 = arith.cmpi sgt, %jit3A_1529, %sign3A_1538 : i32
      %sign3A_1540 = arith.extui %sign3A_1539 : i1 to i32
      %sign3A_1541 = arith.constant 0 : i32
      %sign3A_1542 = arith.cmpi slt, %jit3A_1529, %sign3A_1541 : i32
      %sign3A_1543 = arith.extui %sign3A_1542 : i1 to i32
      %sign3A_1544 = arith.subi %sign3A_1540, %sign3A_1543 : i32
      %ne3A_1545 = arith.cmpi ne, %sign3A_1537, %sign3A_1544 : i32
      %rem3A_1546 = arith.remsi %mul3A_1002, %jit3A_1529 : i32
      %ne3A_1547 = arith.constant 0 : i32
      %ne3A_1548 = arith.cmpi ne, %rem3A_1546, %ne3A_1547 : i32
      %and3A_1549 = arith.andi %ne3A_1545, %ne3A_1548 : i1
      %sub3A_1550 = arith.constant 1 : i32
      %sub3A_1551 = arith.subi %div3A_1530, %sub3A_1550 : i32
      %select_n3A_1552 = arith.select %and3A_1549, %sub3A_1551, %div3A_1530 : i32
      %mul3A_1553 = arith.constant 32 : i32
      %mul3A_1554 = arith.muli %select_n3A_1552, %mul3A_1553 : i32
      %add3A_1555 = arith.addi %mul3A_1554, %add3A : i32
      %jit3A_1556 = arith.constant 200 : i32
      %eq3A_1557 = arith.constant 0 : i32
      %eq3A_1558 = arith.cmpi eq, %jit3A_1556, %eq3A_1557 : i32
      %jit3A_1559 = arith.constant 1 : i32
      %select_n3A_1560 = arith.select %eq3A_1558, %jit3A_1559, %jit3A_1556 : i32
      %rem3A_1561 = arith.remsi %add3A_1555, %select_n3A_1560 : i32
      %ne3A_1562 = arith.constant 0 : i32
      %ne3A_1563 = arith.cmpi ne, %rem3A_1561, %ne3A_1562 : i32
      %lt3A_1564 = arith.constant 0 : i32
      %lt3A_1565 = arith.cmpi slt, %rem3A_1561, %lt3A_1564 : i32
      %lt3A_1566 = arith.constant 0 : i32
      %lt3A_1567 = arith.cmpi slt, %select_n3A_1560, %lt3A_1566 : i32
      %ne3A_1568 = arith.xori %lt3A_1565, %lt3A_1567 : i1
      %and3A_1569 = arith.andi %ne3A_1568, %ne3A_1563 : i1
      %add3A_1570 = arith.addi %rem3A_1561, %select_n3A_1560 : i32
      %select_n3A_1571 = arith.select %and3A_1569, %add3A_1570, %rem3A_1561 : i32
      %jit3A_1572 = arith.constant 2 : i32
      %div3A_1573 = arith.divsi %select_n3A_1571, %jit3A_1572 : i32
      %sign3A_1574 = arith.constant 0 : i32
      %sign3A_1575 = arith.cmpi sgt, %select_n3A_1571, %sign3A_1574 : i32
      %sign3A_1576 = arith.extui %sign3A_1575 : i1 to i32
      %sign3A_1577 = arith.constant 0 : i32
      %sign3A_1578 = arith.cmpi slt, %select_n3A_1571, %sign3A_1577 : i32
      %sign3A_1579 = arith.extui %sign3A_1578 : i1 to i32
      %sign3A_1580 = arith.subi %sign3A_1576, %sign3A_1579 : i32
      %sign3A_1581 = arith.constant 0 : i32
      %sign3A_1582 = arith.cmpi sgt, %jit3A_1572, %sign3A_1581 : i32
      %sign3A_1583 = arith.extui %sign3A_1582 : i1 to i32
      %sign3A_1584 = arith.constant 0 : i32
      %sign3A_1585 = arith.cmpi slt, %jit3A_1572, %sign3A_1584 : i32
      %sign3A_1586 = arith.extui %sign3A_1585 : i1 to i32
      %sign3A_1587 = arith.subi %sign3A_1583, %sign3A_1586 : i32
      %ne3A_1588 = arith.cmpi ne, %sign3A_1580, %sign3A_1587 : i32
      %rem3A_1589 = arith.remsi %select_n3A_1571, %jit3A_1572 : i32
      %ne3A_1590 = arith.constant 0 : i32
      %ne3A_1591 = arith.cmpi ne, %rem3A_1589, %ne3A_1590 : i32
      %and3A_1592 = arith.andi %ne3A_1588, %ne3A_1591 : i1
      %sub3A_1593 = arith.constant 1 : i32
      %sub3A_1594 = arith.subi %div3A_1573, %sub3A_1593 : i32
      %select_n3A_1595 = arith.select %and3A_1592, %sub3A_1594, %div3A_1573 : i32
      %jit3A_1596 = arith.constant 2 : i32
      %eq3A_1597 = arith.constant 0 : i32
      %eq3A_1598 = arith.cmpi eq, %jit3A_1596, %eq3A_1597 : i32
      %jit3A_1599 = arith.constant 1 : i32
      %select_n3A_1600 = arith.select %eq3A_1598, %jit3A_1599, %jit3A_1596 : i32
      %rem3A_1601 = arith.remsi %select_n3A_1571, %select_n3A_1600 : i32
      %ne3A_1602 = arith.constant 0 : i32
      %ne3A_1603 = arith.cmpi ne, %rem3A_1601, %ne3A_1602 : i32
      %lt3A_1604 = arith.constant 0 : i32
      %lt3A_1605 = arith.cmpi slt, %rem3A_1601, %lt3A_1604 : i32
      %lt3A_1606 = arith.constant 0 : i32
      %lt3A_1607 = arith.cmpi slt, %select_n3A_1600, %lt3A_1606 : i32
      %ne3A_1608 = arith.xori %lt3A_1605, %lt3A_1607 : i1
      %and3A_1609 = arith.andi %ne3A_1608, %ne3A_1603 : i1
      %add3A_1610 = arith.addi %rem3A_1601, %select_n3A_1600 : i32
      %select_n3A_1611 = arith.select %and3A_1609, %add3A_1610, %rem3A_1601 : i32
      %eq3A_1612 = arith.constant 0 : i32
      %eq3A_1613 = arith.cmpi eq, %select_n3A_1611, %eq3A_1612 : i32
      %convert_element_type3A_1614 = arith.extui %eq3A_1613 : i1 to i32
      %cond3A_1615 = arith.constant 0 : i32
      %cond3A_1616 = arith.cmpi ne, %convert_element_type3A_1614, %cond3A_1615 : i32
      scf.if %cond3A_1616 {
        %dma_start3A_2329 = arith.constant 0 : i32
        %dma_start3A_2330 = tpu.memref_slice %arg7[%select_n3A_1595, %dma_start3A_2329] : memref<100x100000xf32, #tpu.memory_space<hbm>> -> memref<1x100000xf32, #tpu.memory_space<hbm>>
        %dma_start3A_2331 = tpu.memref_squeeze %dma_start3A_2330 : memref<1x100000xf32, #tpu.memory_space<hbm>> -> memref<100000xf32, #tpu.memory_space<hbm>>
        %dma_start3A_2332 = arith.constant 0 : i32
        %dma_start3A_2333 = tpu.memref_slice %dma_start3A_2331[%dma_start3A_2332] : memref<100000xf32, #tpu.memory_space<hbm>> -> memref<50048xf32, #tpu.memory_space<hbm>>
        %dma_start3A_2334 = arith.constant 0 : i32
        %dma_start3A_2335 = tpu.memref_slice %arg7[%select_n3A_1595, %dma_start3A_2334] : memref<100x100000xf32, #tpu.memory_space<hbm>> -> memref<1x100000xf32, #tpu.memory_space<hbm>>
        %dma_start3A_2336 = tpu.memref_squeeze %dma_start3A_2335 : memref<1x100000xf32, #tpu.memory_space<hbm>> -> memref<100000xf32, #tpu.memory_space<hbm>>
        %dma_start3A_2337 = arith.constant 0 : i32
        %dma_start3A_2338 = tpu.memref_slice %dma_start3A_2336[%dma_start3A_2337] : memref<100000xf32, #tpu.memory_space<hbm>> -> memref<50048xf32, #tpu.memory_space<hbm>>
        tpu.enqueue_dma source(%arg9 : memref<50048xf32, #tpu.memory_space<vmem>>) target(%dma_start3A_2338 : memref<50048xf32, #tpu.memory_space<hbm>>) target_semaphore(%arg16 : memref<!tpu.dma_semaphore, #tpu.memory_space<semaphore_mem>>)
      } else {
      }
      %eq3A_1617 = arith.constant 1 : i32
      %eq3A_1618 = arith.cmpi eq, %select_n3A_1611, %eq3A_1617 : i32
      %convert_element_type3A_1619 = arith.extui %eq3A_1618 : i1 to i32
      %cond3A_1620 = arith.constant 0 : i32
      %cond3A_1621 = arith.cmpi ne, %convert_element_type3A_1619, %cond3A_1620 : i32
      scf.if %cond3A_1621 {
        %dma_start3A_2329 = arith.constant 0 : i32
        %dma_start3A_2330 = tpu.memref_slice %arg8[%select_n3A_1595, %dma_start3A_2329] : memref<100x100000xf32, #tpu.memory_space<hbm>> -> memref<1x100000xf32, #tpu.memory_space<hbm>>
        %dma_start3A_2331 = tpu.memref_squeeze %dma_start3A_2330 : memref<1x100000xf32, #tpu.memory_space<hbm>> -> memref<100000xf32, #tpu.memory_space<hbm>>
        %dma_start3A_2332 = arith.constant 0 : i32
        %dma_start3A_2333 = tpu.memref_slice %dma_start3A_2331[%dma_start3A_2332] : memref<100000xf32, #tpu.memory_space<hbm>> -> memref<50048xf32, #tpu.memory_space<hbm>>
        %dma_start3A_2334 = arith.constant 0 : i32
        %dma_start3A_2335 = tpu.memref_slice %arg8[%select_n3A_1595, %dma_start3A_2334] : memref<100x100000xf32, #tpu.memory_space<hbm>> -> memref<1x100000xf32, #tpu.memory_space<hbm>>
        %dma_start3A_2336 = tpu.memref_squeeze %dma_start3A_2335 : memref<1x100000xf32, #tpu.memory_space<hbm>> -> memref<100000xf32, #tpu.memory_space<hbm>>
        %dma_start3A_2337 = arith.constant 0 : i32
        %dma_start3A_2338 = tpu.memref_slice %dma_start3A_2336[%dma_start3A_2337] : memref<100000xf32, #tpu.memory_space<hbm>> -> memref<50048xf32, #tpu.memory_space<hbm>>
        tpu.enqueue_dma source(%arg9 : memref<50048xf32, #tpu.memory_space<vmem>>) target(%dma_start3A_2338 : memref<50048xf32, #tpu.memory_space<hbm>>) target_semaphore(%arg16 : memref<!tpu.dma_semaphore, #tpu.memory_space<semaphore_mem>>)
      } else {
      }
      %mul3A_1622 = arith.constant 2 : i32
      %mul3A_1623 = arith.muli %mul3A_1622, %scan3A_1000 : i32
      %add3A_1624 = arith.constant 1 : i32
      %add3A_1625 = arith.addi %mul3A_1623, %add3A_1624 : i32
      %dma_wait3A_1626 = arith.constant 0 : i32
      %dma_wait3A_1627 = arith.constant 0 : i32
      %dma_wait3A_1628 = tpu.memref_slice %arg2[%dma_wait3A_1626, %dma_wait3A_1627] : memref<100x100000xf32, #tpu.memory_space<hbm>> -> memref<1x100000xf32, #tpu.memory_space<hbm>>
      %dma_wait3A_1629 = tpu.memref_squeeze %dma_wait3A_1628 : memref<1x100000xf32, #tpu.memory_space<hbm>> -> memref<100000xf32, #tpu.memory_space<hbm>>
      %dma_wait3A_1630 = arith.constant 50048 : i32
      %dma_wait3A_1631 = tpu.memref_slice %dma_wait3A_1629[%dma_wait3A_1630] : memref<100000xf32, #tpu.memory_space<hbm>> -> memref<49952xf32, #tpu.memory_space<hbm>>
      %dma_wait3A_1632 = arith.constant 0 : i32
      %dma_wait3A_1633 = tpu.memref_slice %arg2[%dma_wait3A_1626, %dma_wait3A_1632] : memref<100x100000xf32, #tpu.memory_space<hbm>> -> memref<1x100000xf32, #tpu.memory_space<hbm>>
      %dma_wait3A_1634 = tpu.memref_squeeze %dma_wait3A_1633 : memref<1x100000xf32, #tpu.memory_space<hbm>> -> memref<100000xf32, #tpu.memory_space<hbm>>
      %dma_wait3A_1635 = arith.constant 50048 : i32
      %dma_wait3A_1636 = tpu.memref_slice %dma_wait3A_1634[%dma_wait3A_1635] : memref<100000xf32, #tpu.memory_space<hbm>> -> memref<49952xf32, #tpu.memory_space<hbm>>
      tpu.wait_dma2 semaphore(%arg15 : memref<!tpu.dma_semaphore, #tpu.memory_space<semaphore_mem>>) src(%dma_wait3A_1636 : memref<49952xf32, #tpu.memory_space<hbm>>) dst(%arg10 : memref<49952xf32, #tpu.memory_space<vmem>>)
      %dma_wait3A_1637 = arith.constant 0 : i32
      %dma_wait3A_1638 = tpu.memref_slice %arg5[%dma_wait3A_1637] : memref<16384xf32, #tpu.memory_space<hbm>> -> memref<4096xf32, #tpu.memory_space<hbm>>
      %dma_wait3A_1639 = arith.constant 0 : i32
      %dma_wait3A_1640 = tpu.memref_slice %arg5[%dma_wait3A_1639] : memref<16384xf32, #tpu.memory_space<hbm>> -> memref<4096xf32, #tpu.memory_space<hbm>>
      tpu.wait_dma2 semaphore(%arg19 : memref<!tpu.dma_semaphore, #tpu.memory_space<semaphore_mem>>) src(%dma_wait3A_1640 : memref<4096xf32, #tpu.memory_space<hbm>>) dst(%arg12 : memref<4096xf32, #tpu.memory_space<vmem>>)
      %jit3A_1641 = arith.constant 2 : i32
      %div3A_1642 = arith.divsi %add3A_1625, %jit3A_1641 : i32
      %sign3A_1643 = arith.constant 0 : i32
      %sign3A_1644 = arith.cmpi sgt, %add3A_1625, %sign3A_1643 : i32
      %sign3A_1645 = arith.extui %sign3A_1644 : i1 to i32
      %sign3A_1646 = arith.constant 0 : i32
      %sign3A_1647 = arith.cmpi slt, %add3A_1625, %sign3A_1646 : i32
      %sign3A_1648 = arith.extui %sign3A_1647 : i1 to i32
      %sign3A_1649 = arith.subi %sign3A_1645, %sign3A_1648 : i32
      %sign3A_1650 = arith.constant 0 : i32
      %sign3A_1651 = arith.cmpi sgt, %jit3A_1641, %sign3A_1650 : i32
      %sign3A_1652 = arith.extui %sign3A_1651 : i1 to i32
      %sign3A_1653 = arith.constant 0 : i32
      %sign3A_1654 = arith.cmpi slt, %jit3A_1641, %sign3A_1653 : i32
      %sign3A_1655 = arith.extui %sign3A_1654 : i1 to i32
      %sign3A_1656 = arith.subi %sign3A_1652, %sign3A_1655 : i32
      %ne3A_1657 = arith.cmpi ne, %sign3A_1649, %sign3A_1656 : i32
      %rem3A_1658 = arith.remsi %add3A_1625, %jit3A_1641 : i32
      %ne3A_1659 = arith.constant 0 : i32
      %ne3A_1660 = arith.cmpi ne, %rem3A_1658, %ne3A_1659 : i32
      %and3A_1661 = arith.andi %ne3A_1657, %ne3A_1660 : i1
      %sub3A_1662 = arith.constant 1 : i32
      %sub3A_1663 = arith.subi %div3A_1642, %sub3A_1662 : i32
      %select_n3A_1664 = arith.select %and3A_1661, %sub3A_1663, %div3A_1642 : i32
      %mul3A_1665 = arith.constant 32 : i32
      %mul3A_1666 = arith.muli %select_n3A_1664, %mul3A_1665 : i32
      %add3A_1667 = arith.addi %mul3A_1666, %add3A : i32
      %jit3A_1668 = arith.constant 200 : i32
      %eq3A_1669 = arith.constant 0 : i32
      %eq3A_1670 = arith.cmpi eq, %jit3A_1668, %eq3A_1669 : i32
      %jit3A_1671 = arith.constant 1 : i32
      %select_n3A_1672 = arith.select %eq3A_1670, %jit3A_1671, %jit3A_1668 : i32
      %rem3A_1673 = arith.remsi %add3A_1667, %select_n3A_1672 : i32
      %ne3A_1674 = arith.constant 0 : i32
      %ne3A_1675 = arith.cmpi ne, %rem3A_1673, %ne3A_1674 : i32
      %lt3A_1676 = arith.constant 0 : i32
      %lt3A_1677 = arith.cmpi slt, %rem3A_1673, %lt3A_1676 : i32
      %lt3A_1678 = arith.constant 0 : i32
      %lt3A_1679 = arith.cmpi slt, %select_n3A_1672, %lt3A_1678 : i32
      %ne3A_1680 = arith.xori %lt3A_1677, %lt3A_1679 : i1
      %and3A_1681 = arith.andi %ne3A_1680, %ne3A_1675 : i1
      %add3A_1682 = arith.addi %rem3A_1673, %select_n3A_1672 : i32
      %select_n3A_1683 = arith.select %and3A_1681, %add3A_1682, %rem3A_1673 : i32
      %jit3A_1684 = arith.constant 2 : i32
      %div3A_1685 = arith.divsi %select_n3A_1683, %jit3A_1684 : i32
      %sign3A_1686 = arith.constant 0 : i32
      %sign3A_1687 = arith.cmpi sgt, %select_n3A_1683, %sign3A_1686 : i32
      %sign3A_1688 = arith.extui %sign3A_1687 : i1 to i32
      %sign3A_1689 = arith.constant 0 : i32
      %sign3A_1690 = arith.cmpi slt, %select_n3A_1683, %sign3A_1689 : i32
      %sign3A_1691 = arith.extui %sign3A_1690 : i1 to i32
      %sign3A_1692 = arith.subi %sign3A_1688, %sign3A_1691 : i32
      %sign3A_1693 = arith.constant 0 : i32
      %sign3A_1694 = arith.cmpi sgt, %jit3A_1684, %sign3A_1693 : i32
      %sign3A_1695 = arith.extui %sign3A_1694 : i1 to i32
      %sign3A_1696 = arith.constant 0 : i32
      %sign3A_1697 = arith.cmpi slt, %jit3A_1684, %sign3A_1696 : i32
      %sign3A_1698 = arith.extui %sign3A_1697 : i1 to i32
      %sign3A_1699 = arith.subi %sign3A_1695, %sign3A_1698 : i32
      %ne3A_1700 = arith.cmpi ne, %sign3A_1692, %sign3A_1699 : i32
      %rem3A_1701 = arith.remsi %select_n3A_1683, %jit3A_1684 : i32
      %ne3A_1702 = arith.constant 0 : i32
      %ne3A_1703 = arith.cmpi ne, %rem3A_1701, %ne3A_1702 : i32
      %and3A_1704 = arith.andi %ne3A_1700, %ne3A_1703 : i1
      %sub3A_1705 = arith.constant 1 : i32
      %sub3A_1706 = arith.subi %div3A_1685, %sub3A_1705 : i32
      %select_n3A_1707 = arith.select %and3A_1704, %sub3A_1706, %div3A_1685 : i32
      %jit3A_1708 = arith.constant 2 : i32
      %eq3A_1709 = arith.constant 0 : i32
      %eq3A_1710 = arith.cmpi eq, %jit3A_1708, %eq3A_1709 : i32
      %jit3A_1711 = arith.constant 1 : i32
      %select_n3A_1712 = arith.select %eq3A_1710, %jit3A_1711, %jit3A_1708 : i32
      %rem3A_1713 = arith.remsi %select_n3A_1683, %select_n3A_1712 : i32
      %ne3A_1714 = arith.constant 0 : i32
      %ne3A_1715 = arith.cmpi ne, %rem3A_1713, %ne3A_1714 : i32
      %lt3A_1716 = arith.constant 0 : i32
      %lt3A_1717 = arith.cmpi slt, %rem3A_1713, %lt3A_1716 : i32
      %lt3A_1718 = arith.constant 0 : i32
      %lt3A_1719 = arith.cmpi slt, %select_n3A_1712, %lt3A_1718 : i32
      %ne3A_1720 = arith.xori %lt3A_1717, %lt3A_1719 : i1
      %and3A_1721 = arith.andi %ne3A_1720, %ne3A_1715 : i1
      %add3A_1722 = arith.addi %rem3A_1713, %select_n3A_1712 : i32
      %select_n3A_1723 = arith.select %and3A_1721, %add3A_1722, %rem3A_1713 : i32
      %eq3A_1724 = arith.constant 0 : i32
      %eq3A_1725 = arith.cmpi eq, %select_n3A_1723, %eq3A_1724 : i32
      %convert_element_type3A_1726 = arith.extui %eq3A_1725 : i1 to i32
      %cond3A_1727 = arith.constant 0 : i32
      %cond3A_1728 = arith.cmpi ne, %convert_element_type3A_1726, %cond3A_1727 : i32
      scf.if %cond3A_1728 {
        %dma_start3A_2329 = arith.constant 4096 : i32
        %dma_start3A_2330 = tpu.memref_slice %arg5[%dma_start3A_2329] : memref<16384xf32, #tpu.memory_space<hbm>> -> memref<4096xf32, #tpu.memory_space<hbm>>
        %dma_start3A_2331 = arith.constant 4096 : i32
        %dma_start3A_2332 = tpu.memref_slice %arg5[%dma_start3A_2331] : memref<16384xf32, #tpu.memory_space<hbm>> -> memref<4096xf32, #tpu.memory_space<hbm>>
        tpu.enqueue_dma source(%dma_start3A_2332 : memref<4096xf32, #tpu.memory_space<hbm>>) target(%arg13 : memref<4096xf32, #tpu.memory_space<vmem>>) target_semaphore(%arg20 : memref<!tpu.dma_semaphore, #tpu.memory_space<semaphore_mem>>)
      } else {
      }
      %eq3A_1729 = arith.constant 1 : i32
      %eq3A_1730 = arith.cmpi eq, %select_n3A_1723, %eq3A_1729 : i32
      %convert_element_type3A_1731 = arith.extui %eq3A_1730 : i1 to i32
      %cond3A_1732 = arith.constant 0 : i32
      %cond3A_1733 = arith.cmpi ne, %convert_element_type3A_1731, %cond3A_1732 : i32
      scf.if %cond3A_1733 {
        %dma_start3A_2329 = arith.constant 4096 : i32
        %dma_start3A_2330 = tpu.memref_slice %arg6[%dma_start3A_2329] : memref<16384xf32, #tpu.memory_space<hbm>> -> memref<4096xf32, #tpu.memory_space<hbm>>
        %dma_start3A_2331 = arith.constant 4096 : i32
        %dma_start3A_2332 = tpu.memref_slice %arg6[%dma_start3A_2331] : memref<16384xf32, #tpu.memory_space<hbm>> -> memref<4096xf32, #tpu.memory_space<hbm>>
        tpu.enqueue_dma source(%dma_start3A_2332 : memref<4096xf32, #tpu.memory_space<hbm>>) target(%arg13 : memref<4096xf32, #tpu.memory_space<vmem>>) target_semaphore(%arg20 : memref<!tpu.dma_semaphore, #tpu.memory_space<semaphore_mem>>)
      } else {
      }
      %parallel_loop3A_1734 = arith.constant 0 : i32
      %parallel_loop3A_1735 = arith.constant 256 : i32
      %parallel_loop3A_1736 = arith.constant 1 : i32
      scf.for %parallel_loop3A_2329 = %parallel_loop3A_1734 to %parallel_loop3A_1735 step %parallel_loop3A_1736  : i32 {
        %parallel_loop3A_2330 = arith.constant 16 : i32
        %parallel_loop3A_2331 = arith.muli %parallel_loop3A_2329, %parallel_loop3A_2330 : i32
        %parallel_loop3A_2332 = arith.constant 0 : i32
        %parallel_loop3A_2333 = arith.addi %parallel_loop3A_2332, %parallel_loop3A_2331 : i32
        %parallel_loop3A_2334 = arith.index_cast %parallel_loop3A_2333 : i32 to index
        %parallel_loop3A_2335 = tpu.vector_load %arg11[%parallel_loop3A_2334] {strides = array<i32>} : memref<16384xi32, #tpu.memory_space<vmem>>, vector<16xi32>,
        %parallel_loop3A_2336 = arith.constant 16 : i32
        %parallel_loop3A_2337 = arith.muli %parallel_loop3A_2329, %parallel_loop3A_2336 : i32
        %parallel_loop3A_2338 = arith.index_cast %parallel_loop3A_2337 : i32 to index
        %parallel_loop3A_2339 = tpu.vector_load %arg12[%parallel_loop3A_2338] {strides = array<i32>} : memref<4096xf32, #tpu.memory_space<vmem>>, vector<16xf32>,
        %parallel_loop3A_2340 = arith.constant 50048 : i32
        %parallel_loop3A_2341 = vector.broadcast %parallel_loop3A_2340 : i32 to vector<16xi32>
        %parallel_loop3A_2342 = arith.cmpi sge, %parallel_loop3A_2335, %parallel_loop3A_2341 : vector<16xi32>
        %parallel_loop3A_2343 = arith.constant 50048 : i32
        %parallel_loop3A_2344 = vector.broadcast %parallel_loop3A_2343 : i32 to vector<16xi32>
        %parallel_loop3A_2345 = arith.subi %parallel_loop3A_2335, %parallel_loop3A_2344 : vector<16xi32>
        tpu.vector_store_idx %arg10[%parallel_loop3A_2345], %parallel_loop3A_2339 masked %parallel_loop3A_2342 {add = true} : memref<49952xf32, #tpu.memory_space<vmem>>[vector<16xi32>], vector<16xf32>, vector<16xi1>
      } {sc.loop_unroll_factor = 8 : i64, sc.parallel_access}
      %dma_wait3A_1737 = arith.constant 0 : i32
      %dma_wait3A_1738 = tpu.memref_slice %arg5[%dma_wait3A_1737] : memref<16384xf32, #tpu.memory_space<hbm>> -> memref<4096xf32, #tpu.memory_space<hbm>>
      %dma_wait3A_1739 = arith.constant 0 : i32
      %dma_wait3A_1740 = tpu.memref_slice %arg5[%dma_wait3A_1739] : memref<16384xf32, #tpu.memory_space<hbm>> -> memref<4096xf32, #tpu.memory_space<hbm>>
      tpu.wait_dma2 semaphore(%arg20 : memref<!tpu.dma_semaphore, #tpu.memory_space<semaphore_mem>>) src(%dma_wait3A_1740 : memref<4096xf32, #tpu.memory_space<hbm>>) dst(%arg13 : memref<4096xf32, #tpu.memory_space<vmem>>)
      %jit3A_1741 = arith.constant 2 : i32
      %div3A_1742 = arith.divsi %add3A_1625, %jit3A_1741 : i32
      %sign3A_1743 = arith.constant 0 : i32
      %sign3A_1744 = arith.cmpi sgt, %add3A_1625, %sign3A_1743 : i32
      %sign3A_1745 = arith.extui %sign3A_1744 : i1 to i32
      %sign3A_1746 = arith.constant 0 : i32
      %sign3A_1747 = arith.cmpi slt, %add3A_1625, %sign3A_1746 : i32
      %sign3A_1748 = arith.extui %sign3A_1747 : i1 to i32
      %sign3A_1749 = arith.subi %sign3A_1745, %sign3A_1748 : i32
      %sign3A_1750 = arith.constant 0 : i32
      %sign3A_1751 = arith.cmpi sgt, %jit3A_1741, %sign3A_1750 : i32
      %sign3A_1752 = arith.extui %sign3A_1751 : i1 to i32
      %sign3A_1753 = arith.constant 0 : i32
      %sign3A_1754 = arith.cmpi slt, %jit3A_1741, %sign3A_1753 : i32
      %sign3A_1755 = arith.extui %sign3A_1754 : i1 to i32
      %sign3A_1756 = arith.subi %sign3A_1752, %sign3A_1755 : i32
      %ne3A_1757 = arith.cmpi ne, %sign3A_1749, %sign3A_1756 : i32
      %rem3A_1758 = arith.remsi %add3A_1625, %jit3A_1741 : i32
      %ne3A_1759 = arith.constant 0 : i32
      %ne3A_1760 = arith.cmpi ne, %rem3A_1758, %ne3A_1759 : i32
      %and3A_1761 = arith.andi %ne3A_1757, %ne3A_1760 : i1
      %sub3A_1762 = arith.constant 1 : i32
      %sub3A_1763 = arith.subi %div3A_1742, %sub3A_1762 : i32
      %select_n3A_1764 = arith.select %and3A_1761, %sub3A_1763, %div3A_1742 : i32
      %mul3A_1765 = arith.constant 32 : i32
      %mul3A_1766 = arith.muli %select_n3A_1764, %mul3A_1765 : i32
      %add3A_1767 = arith.addi %mul3A_1766, %add3A : i32
      %jit3A_1768 = arith.constant 200 : i32
      %eq3A_1769 = arith.constant 0 : i32
      %eq3A_1770 = arith.cmpi eq, %jit3A_1768, %eq3A_1769 : i32
      %jit3A_1771 = arith.constant 1 : i32
      %select_n3A_1772 = arith.select %eq3A_1770, %jit3A_1771, %jit3A_1768 : i32
      %rem3A_1773 = arith.remsi %add3A_1767, %select_n3A_1772 : i32
      %ne3A_1774 = arith.constant 0 : i32
      %ne3A_1775 = arith.cmpi ne, %rem3A_1773, %ne3A_1774 : i32
      %lt3A_1776 = arith.constant 0 : i32
      %lt3A_1777 = arith.cmpi slt, %rem3A_1773, %lt3A_1776 : i32
      %lt3A_1778 = arith.constant 0 : i32
      %lt3A_1779 = arith.cmpi slt, %select_n3A_1772, %lt3A_1778 : i32
      %ne3A_1780 = arith.xori %lt3A_1777, %lt3A_1779 : i1
      %and3A_1781 = arith.andi %ne3A_1780, %ne3A_1775 : i1
      %add3A_1782 = arith.addi %rem3A_1773, %select_n3A_1772 : i32
      %select_n3A_1783 = arith.select %and3A_1781, %add3A_1782, %rem3A_1773 : i32
      %jit3A_1784 = arith.constant 2 : i32
      %div3A_1785 = arith.divsi %select_n3A_1783, %jit3A_1784 : i32
      %sign3A_1786 = arith.constant 0 : i32
      %sign3A_1787 = arith.cmpi sgt, %select_n3A_1783, %sign3A_1786 : i32
      %sign3A_1788 = arith.extui %sign3A_1787 : i1 to i32
      %sign3A_1789 = arith.constant 0 : i32
      %sign3A_1790 = arith.cmpi slt, %select_n3A_1783, %sign3A_1789 : i32
      %sign3A_1791 = arith.extui %sign3A_1790 : i1 to i32
      %sign3A_1792 = arith.subi %sign3A_1788, %sign3A_1791 : i32
      %sign3A_1793 = arith.constant 0 : i32
      %sign3A_1794 = arith.cmpi sgt, %jit3A_1784, %sign3A_1793 : i32
      %sign3A_1795 = arith.extui %sign3A_1794 : i1 to i32
      %sign3A_1796 = arith.constant 0 : i32
      %sign3A_1797 = arith.cmpi slt, %jit3A_1784, %sign3A_1796 : i32
      %sign3A_1798 = arith.extui %sign3A_1797 : i1 to i32
      %sign3A_1799 = arith.subi %sign3A_1795, %sign3A_1798 : i32
      %ne3A_1800 = arith.cmpi ne, %sign3A_1792, %sign3A_1799 : i32
      %rem3A_1801 = arith.remsi %select_n3A_1783, %jit3A_1784 : i32
      %ne3A_1802 = arith.constant 0 : i32
      %ne3A_1803 = arith.cmpi ne, %rem3A_1801, %ne3A_1802 : i32
      %and3A_1804 = arith.andi %ne3A_1800, %ne3A_1803 : i1
      %sub3A_1805 = arith.constant 1 : i32
      %sub3A_1806 = arith.subi %div3A_1785, %sub3A_1805 : i32
      %select_n3A_1807 = arith.select %and3A_1804, %sub3A_1806, %div3A_1785 : i32
      %jit3A_1808 = arith.constant 2 : i32
      %eq3A_1809 = arith.constant 0 : i32
      %eq3A_1810 = arith.cmpi eq, %jit3A_1808, %eq3A_1809 : i32
      %jit3A_1811 = arith.constant 1 : i32
      %select_n3A_1812 = arith.select %eq3A_1810, %jit3A_1811, %jit3A_1808 : i32
      %rem3A_1813 = arith.remsi %select_n3A_1783, %select_n3A_1812 : i32
      %ne3A_1814 = arith.constant 0 : i32
      %ne3A_1815 = arith.cmpi ne, %rem3A_1813, %ne3A_1814 : i32
      %lt3A_1816 = arith.constant 0 : i32
      %lt3A_1817 = arith.cmpi slt, %rem3A_1813, %lt3A_1816 : i32
      %lt3A_1818 = arith.constant 0 : i32
      %lt3A_1819 = arith.cmpi slt, %select_n3A_1812, %lt3A_1818 : i32
      %ne3A_1820 = arith.xori %lt3A_1817, %lt3A_1819 : i1
      %and3A_1821 = arith.andi %ne3A_1820, %ne3A_1815 : i1
      %add3A_1822 = arith.addi %rem3A_1813, %select_n3A_1812 : i32
      %select_n3A_1823 = arith.select %and3A_1821, %add3A_1822, %rem3A_1813 : i32
      %eq3A_1824 = arith.constant 0 : i32
      %eq3A_1825 = arith.cmpi eq, %select_n3A_1823, %eq3A_1824 : i32
      %convert_element_type3A_1826 = arith.extui %eq3A_1825 : i1 to i32
      %cond3A_1827 = arith.constant 0 : i32
      %cond3A_1828 = arith.cmpi ne, %convert_element_type3A_1826, %cond3A_1827 : i32
      scf.if %cond3A_1828 {
        %dma_start3A_2329 = arith.constant 8192 : i32
        %dma_start3A_2330 = tpu.memref_slice %arg5[%dma_start3A_2329] : memref<16384xf32, #tpu.memory_space<hbm>> -> memref<4096xf32, #tpu.memory_space<hbm>>
        %dma_start3A_2331 = arith.constant 8192 : i32
        %dma_start3A_2332 = tpu.memref_slice %arg5[%dma_start3A_2331] : memref<16384xf32, #tpu.memory_space<hbm>> -> memref<4096xf32, #tpu.memory_space<hbm>>
        tpu.enqueue_dma source(%dma_start3A_2332 : memref<4096xf32, #tpu.memory_space<hbm>>) target(%arg12 : memref<4096xf32, #tpu.memory_space<vmem>>) target_semaphore(%arg19 : memref<!tpu.dma_semaphore, #tpu.memory_space<semaphore_mem>>)
      } else {
      }
      %eq3A_1829 = arith.constant 1 : i32
      %eq3A_1830 = arith.cmpi eq, %select_n3A_1823, %eq3A_1829 : i32
      %convert_element_type3A_1831 = arith.extui %eq3A_1830 : i1 to i32
      %cond3A_1832 = arith.constant 0 : i32
      %cond3A_1833 = arith.cmpi ne, %convert_element_type3A_1831, %cond3A_1832 : i32
      scf.if %cond3A_1833 {
        %dma_start3A_2329 = arith.constant 8192 : i32
        %dma_start3A_2330 = tpu.memref_slice %arg6[%dma_start3A_2329] : memref<16384xf32, #tpu.memory_space<hbm>> -> memref<4096xf32, #tpu.memory_space<hbm>>
        %dma_start3A_2331 = arith.constant 8192 : i32
        %dma_start3A_2332 = tpu.memref_slice %arg6[%dma_start3A_2331] : memref<16384xf32, #tpu.memory_space<hbm>> -> memref<4096xf32, #tpu.memory_space<hbm>>
        tpu.enqueue_dma source(%dma_start3A_2332 : memref<4096xf32, #tpu.memory_space<hbm>>) target(%arg12 : memref<4096xf32, #tpu.memory_space<vmem>>) target_semaphore(%arg19 : memref<!tpu.dma_semaphore, #tpu.memory_space<semaphore_mem>>)
      } else {
      }
      %parallel_loop3A_1834 = arith.constant 0 : i32
      %parallel_loop3A_1835 = arith.constant 256 : i32
      %parallel_loop3A_1836 = arith.constant 1 : i32
      scf.for %parallel_loop3A_2329 = %parallel_loop3A_1834 to %parallel_loop3A_1835 step %parallel_loop3A_1836  : i32 {
        %parallel_loop3A_2330 = arith.constant 16 : i32
        %parallel_loop3A_2331 = arith.muli %parallel_loop3A_2329, %parallel_loop3A_2330 : i32
        %parallel_loop3A_2332 = arith.constant 4096 : i32
        %parallel_loop3A_2333 = arith.addi %parallel_loop3A_2332, %parallel_loop3A_2331 : i32
        %parallel_loop3A_2334 = arith.index_cast %parallel_loop3A_2333 : i32 to index
        %parallel_loop3A_2335 = tpu.vector_load %arg11[%parallel_loop3A_2334] {strides = array<i32>} : memref<16384xi32, #tpu.memory_space<vmem>>, vector<16xi32>,
        %parallel_loop3A_2336 = arith.constant 16 : i32
        %parallel_loop3A_2337 = arith.muli %parallel_loop3A_2329, %parallel_loop3A_2336 : i32
        %parallel_loop3A_2338 = arith.index_cast %parallel_loop3A_2337 : i32 to index
        %parallel_loop3A_2339 = tpu.vector_load %arg13[%parallel_loop3A_2338] {strides = array<i32>} : memref<4096xf32, #tpu.memory_space<vmem>>, vector<16xf32>,
        %parallel_loop3A_2340 = arith.constant 50048 : i32
        %parallel_loop3A_2341 = vector.broadcast %parallel_loop3A_2340 : i32 to vector<16xi32>
        %parallel_loop3A_2342 = arith.cmpi sge, %parallel_loop3A_2335, %parallel_loop3A_2341 : vector<16xi32>
        %parallel_loop3A_2343 = arith.constant 50048 : i32
        %parallel_loop3A_2344 = vector.broadcast %parallel_loop3A_2343 : i32 to vector<16xi32>
        %parallel_loop3A_2345 = arith.subi %parallel_loop3A_2335, %parallel_loop3A_2344 : vector<16xi32>
        tpu.vector_store_idx %arg10[%parallel_loop3A_2345], %parallel_loop3A_2339 masked %parallel_loop3A_2342 {add = true} : memref<49952xf32, #tpu.memory_space<vmem>>[vector<16xi32>], vector<16xf32>, vector<16xi1>
      } {sc.loop_unroll_factor = 8 : i64, sc.parallel_access}
      %dma_wait3A_1837 = arith.constant 0 : i32
      %dma_wait3A_1838 = arith.constant 0 : i32
      %dma_wait3A_1839 = tpu.memref_slice %arg7[%dma_wait3A_1837, %dma_wait3A_1838] : memref<100x100000xf32, #tpu.memory_space<hbm>> -> memref<1x100000xf32, #tpu.memory_space<hbm>>
      %dma_wait3A_1840 = tpu.memref_squeeze %dma_wait3A_1839 : memref<1x100000xf32, #tpu.memory_space<hbm>> -> memref<100000xf32, #tpu.memory_space<hbm>>
      %dma_wait3A_1841 = arith.constant 0 : i32
      %dma_wait3A_1842 = tpu.memref_slice %dma_wait3A_1840[%dma_wait3A_1841] : memref<100000xf32, #tpu.memory_space<hbm>> -> memref<50048xf32, #tpu.memory_space<hbm>>
      %dma_wait3A_1843 = arith.constant 0 : i32
      %dma_wait3A_1844 = tpu.memref_slice %arg7[%dma_wait3A_1837, %dma_wait3A_1843] : memref<100x100000xf32, #tpu.memory_space<hbm>> -> memref<1x100000xf32, #tpu.memory_space<hbm>>
      %dma_wait3A_1845 = tpu.memref_squeeze %dma_wait3A_1844 : memref<1x100000xf32, #tpu.memory_space<hbm>> -> memref<100000xf32, #tpu.memory_space<hbm>>
      %dma_wait3A_1846 = arith.constant 0 : i32
      %dma_wait3A_1847 = tpu.memref_slice %dma_wait3A_1845[%dma_wait3A_1846] : memref<100000xf32, #tpu.memory_space<hbm>> -> memref<50048xf32, #tpu.memory_space<hbm>>
      tpu.wait_dma2 semaphore(%arg16 : memref<!tpu.dma_semaphore, #tpu.memory_space<semaphore_mem>>) src(%arg9 : memref<50048xf32, #tpu.memory_space<vmem>>) dst(%dma_wait3A_1847 : memref<50048xf32, #tpu.memory_space<hbm>>)
      %add3A_1848 = arith.constant 1 : i32
      %add3A_1849 = arith.addi %add3A_1625, %add3A_1848 : i32
      %jit3A_1850 = arith.constant 2 : i32
      %div3A_1851 = arith.divsi %add3A_1849, %jit3A_1850 : i32
      %sign3A_1852 = arith.constant 0 : i32
      %sign3A_1853 = arith.cmpi sgt, %add3A_1849, %sign3A_1852 : i32
      %sign3A_1854 = arith.extui %sign3A_1853 : i1 to i32
      %sign3A_1855 = arith.constant 0 : i32
      %sign3A_1856 = arith.cmpi slt, %add3A_1849, %sign3A_1855 : i32
      %sign3A_1857 = arith.extui %sign3A_1856 : i1 to i32
      %sign3A_1858 = arith.subi %sign3A_1854, %sign3A_1857 : i32
      %sign3A_1859 = arith.constant 0 : i32
      %sign3A_1860 = arith.cmpi sgt, %jit3A_1850, %sign3A_1859 : i32
      %sign3A_1861 = arith.extui %sign3A_1860 : i1 to i32
      %sign3A_1862 = arith.constant 0 : i32
      %sign3A_1863 = arith.cmpi slt, %jit3A_1850, %sign3A_1862 : i32
      %sign3A_1864 = arith.extui %sign3A_1863 : i1 to i32
      %sign3A_1865 = arith.subi %sign3A_1861, %sign3A_1864 : i32
      %ne3A_1866 = arith.cmpi ne, %sign3A_1858, %sign3A_1865 : i32
      %rem3A_1867 = arith.remsi %add3A_1849, %jit3A_1850 : i32
      %ne3A_1868 = arith.constant 0 : i32
      %ne3A_1869 = arith.cmpi ne, %rem3A_1867, %ne3A_1868 : i32
      %and3A_1870 = arith.andi %ne3A_1866, %ne3A_1869 : i1
      %sub3A_1871 = arith.constant 1 : i32
      %sub3A_1872 = arith.subi %div3A_1851, %sub3A_1871 : i32
      %select_n3A_1873 = arith.select %and3A_1870, %sub3A_1872, %div3A_1851 : i32
      %mul3A_1874 = arith.constant 32 : i32
      %mul3A_1875 = arith.muli %select_n3A_1873, %mul3A_1874 : i32
      %add3A_1876 = arith.addi %mul3A_1875, %add3A : i32
      %jit3A_1877 = arith.constant 200 : i32
      %eq3A_1878 = arith.constant 0 : i32
      %eq3A_1879 = arith.cmpi eq, %jit3A_1877, %eq3A_1878 : i32
      %jit3A_1880 = arith.constant 1 : i32
      %select_n3A_1881 = arith.select %eq3A_1879, %jit3A_1880, %jit3A_1877 : i32
      %rem3A_1882 = arith.remsi %add3A_1876, %select_n3A_1881 : i32
      %ne3A_1883 = arith.constant 0 : i32
      %ne3A_1884 = arith.cmpi ne, %rem3A_1882, %ne3A_1883 : i32
      %lt3A_1885 = arith.constant 0 : i32
      %lt3A_1886 = arith.cmpi slt, %rem3A_1882, %lt3A_1885 : i32
      %lt3A_1887 = arith.constant 0 : i32
      %lt3A_1888 = arith.cmpi slt, %select_n3A_1881, %lt3A_1887 : i32
      %ne3A_1889 = arith.xori %lt3A_1886, %lt3A_1888 : i1
      %and3A_1890 = arith.andi %ne3A_1889, %ne3A_1884 : i1
      %add3A_1891 = arith.addi %rem3A_1882, %select_n3A_1881 : i32
      %select_n3A_1892 = arith.select %and3A_1890, %add3A_1891, %rem3A_1882 : i32
      %jit3A_1893 = arith.constant 2 : i32
      %div3A_1894 = arith.divsi %select_n3A_1892, %jit3A_1893 : i32
      %sign3A_1895 = arith.constant 0 : i32
      %sign3A_1896 = arith.cmpi sgt, %select_n3A_1892, %sign3A_1895 : i32
      %sign3A_1897 = arith.extui %sign3A_1896 : i1 to i32
      %sign3A_1898 = arith.constant 0 : i32
      %sign3A_1899 = arith.cmpi slt, %select_n3A_1892, %sign3A_1898 : i32
      %sign3A_1900 = arith.extui %sign3A_1899 : i1 to i32
      %sign3A_1901 = arith.subi %sign3A_1897, %sign3A_1900 : i32
      %sign3A_1902 = arith.constant 0 : i32
      %sign3A_1903 = arith.cmpi sgt, %jit3A_1893, %sign3A_1902 : i32
      %sign3A_1904 = arith.extui %sign3A_1903 : i1 to i32
      %sign3A_1905 = arith.constant 0 : i32
      %sign3A_1906 = arith.cmpi slt, %jit3A_1893, %sign3A_1905 : i32
      %sign3A_1907 = arith.extui %sign3A_1906 : i1 to i32
      %sign3A_1908 = arith.subi %sign3A_1904, %sign3A_1907 : i32
      %ne3A_1909 = arith.cmpi ne, %sign3A_1901, %sign3A_1908 : i32
      %rem3A_1910 = arith.remsi %select_n3A_1892, %jit3A_1893 : i32
      %ne3A_1911 = arith.constant 0 : i32
      %ne3A_1912 = arith.cmpi ne, %rem3A_1910, %ne3A_1911 : i32
      %and3A_1913 = arith.andi %ne3A_1909, %ne3A_1912 : i1
      %sub3A_1914 = arith.constant 1 : i32
      %sub3A_1915 = arith.subi %div3A_1894, %sub3A_1914 : i32
      %select_n3A_1916 = arith.select %and3A_1913, %sub3A_1915, %div3A_1894 : i32
      %jit3A_1917 = arith.constant 2 : i32
      %eq3A_1918 = arith.constant 0 : i32
      %eq3A_1919 = arith.cmpi eq, %jit3A_1917, %eq3A_1918 : i32
      %jit3A_1920 = arith.constant 1 : i32
      %select_n3A_1921 = arith.select %eq3A_1919, %jit3A_1920, %jit3A_1917 : i32
      %rem3A_1922 = arith.remsi %select_n3A_1892, %select_n3A_1921 : i32
      %ne3A_1923 = arith.constant 0 : i32
      %ne3A_1924 = arith.cmpi ne, %rem3A_1922, %ne3A_1923 : i32
      %lt3A_1925 = arith.constant 0 : i32
      %lt3A_1926 = arith.cmpi slt, %rem3A_1922, %lt3A_1925 : i32
      %lt3A_1927 = arith.constant 0 : i32
      %lt3A_1928 = arith.cmpi slt, %select_n3A_1921, %lt3A_1927 : i32
      %ne3A_1929 = arith.xori %lt3A_1926, %lt3A_1928 : i1
      %and3A_1930 = arith.andi %ne3A_1929, %ne3A_1924 : i1
      %add3A_1931 = arith.addi %rem3A_1922, %select_n3A_1921 : i32
      %select_n3A_1932 = arith.select %and3A_1930, %add3A_1931, %rem3A_1922 : i32
      %eq3A_1933 = arith.constant 0 : i32
      %eq3A_1934 = arith.cmpi eq, %select_n3A_1932, %eq3A_1933 : i32
      %convert_element_type3A_1935 = arith.extui %eq3A_1934 : i1 to i32
      %cond3A_1936 = arith.constant 0 : i32
      %cond3A_1937 = arith.cmpi ne, %convert_element_type3A_1935, %cond3A_1936 : i32
      scf.if %cond3A_1937 {
        %dma_start3A_2329 = arith.constant 0 : i32
        %dma_start3A_2330 = tpu.memref_slice %arg2[%select_n3A_1916, %dma_start3A_2329] : memref<100x100000xf32, #tpu.memory_space<hbm>> -> memref<1x100000xf32, #tpu.memory_space<hbm>>
        %dma_start3A_2331 = tpu.memref_squeeze %dma_start3A_2330 : memref<1x100000xf32, #tpu.memory_space<hbm>> -> memref<100000xf32, #tpu.memory_space<hbm>>
        %dma_start3A_2332 = arith.constant 0 : i32
        %dma_start3A_2333 = tpu.memref_slice %dma_start3A_2331[%dma_start3A_2332] : memref<100000xf32, #tpu.memory_space<hbm>> -> memref<50048xf32, #tpu.memory_space<hbm>>
        %dma_start3A_2334 = arith.constant 0 : i32
        %dma_start3A_2335 = tpu.memref_slice %arg2[%select_n3A_1916, %dma_start3A_2334] : memref<100x100000xf32, #tpu.memory_space<hbm>> -> memref<1x100000xf32, #tpu.memory_space<hbm>>
        %dma_start3A_2336 = tpu.memref_squeeze %dma_start3A_2335 : memref<1x100000xf32, #tpu.memory_space<hbm>> -> memref<100000xf32, #tpu.memory_space<hbm>>
        %dma_start3A_2337 = arith.constant 0 : i32
        %dma_start3A_2338 = tpu.memref_slice %dma_start3A_2336[%dma_start3A_2337] : memref<100000xf32, #tpu.memory_space<hbm>> -> memref<50048xf32, #tpu.memory_space<hbm>>
        tpu.enqueue_dma source(%dma_start3A_2338 : memref<50048xf32, #tpu.memory_space<hbm>>) target(%arg9 : memref<50048xf32, #tpu.memory_space<vmem>>) target_semaphore(%arg14 : memref<!tpu.dma_semaphore, #tpu.memory_space<semaphore_mem>>)
      } else {
      }
      %eq3A_1938 = arith.constant 1 : i32
      %eq3A_1939 = arith.cmpi eq, %select_n3A_1932, %eq3A_1938 : i32
      %convert_element_type3A_1940 = arith.extui %eq3A_1939 : i1 to i32
      %cond3A_1941 = arith.constant 0 : i32
      %cond3A_1942 = arith.cmpi ne, %convert_element_type3A_1940, %cond3A_1941 : i32
      scf.if %cond3A_1942 {
        %dma_start3A_2329 = arith.constant 0 : i32
        %dma_start3A_2330 = tpu.memref_slice %arg3[%select_n3A_1916, %dma_start3A_2329] : memref<100x100000xf32, #tpu.memory_space<hbm>> -> memref<1x100000xf32, #tpu.memory_space<hbm>>
        %dma_start3A_2331 = tpu.memref_squeeze %dma_start3A_2330 : memref<1x100000xf32, #tpu.memory_space<hbm>> -> memref<100000xf32, #tpu.memory_space<hbm>>
        %dma_start3A_2332 = arith.constant 0 : i32
        %dma_start3A_2333 = tpu.memref_slice %dma_start3A_2331[%dma_start3A_2332] : memref<100000xf32, #tpu.memory_space<hbm>> -> memref<50048xf32, #tpu.memory_space<hbm>>
        %dma_start3A_2334 = arith.constant 0 : i32
        %dma_start3A_2335 = tpu.memref_slice %arg3[%select_n3A_1916, %dma_start3A_2334] : memref<100x100000xf32, #tpu.memory_space<hbm>> -> memref<1x100000xf32, #tpu.memory_space<hbm>>
        %dma_start3A_2336 = tpu.memref_squeeze %dma_start3A_2335 : memref<1x100000xf32, #tpu.memory_space<hbm>> -> memref<100000xf32, #tpu.memory_space<hbm>>
        %dma_start3A_2337 = arith.constant 0 : i32
        %dma_start3A_2338 = tpu.memref_slice %dma_start3A_2336[%dma_start3A_2337] : memref<100000xf32, #tpu.memory_space<hbm>> -> memref<50048xf32, #tpu.memory_space<hbm>>
        tpu.enqueue_dma source(%dma_start3A_2338 : memref<50048xf32, #tpu.memory_space<hbm>>) target(%arg9 : memref<50048xf32, #tpu.memory_space<vmem>>) target_semaphore(%arg14 : memref<!tpu.dma_semaphore, #tpu.memory_space<semaphore_mem>>)
      } else {
      }
      %dma_wait3A_1943 = arith.constant 0 : i32
      %dma_wait3A_1944 = tpu.memref_slice %arg5[%dma_wait3A_1943] : memref<16384xf32, #tpu.memory_space<hbm>> -> memref<4096xf32, #tpu.memory_space<hbm>>
      %dma_wait3A_1945 = arith.constant 0 : i32
      %dma_wait3A_1946 = tpu.memref_slice %arg5[%dma_wait3A_1945] : memref<16384xf32, #tpu.memory_space<hbm>> -> memref<4096xf32, #tpu.memory_space<hbm>>
      tpu.wait_dma2 semaphore(%arg19 : memref<!tpu.dma_semaphore, #tpu.memory_space<semaphore_mem>>) src(%dma_wait3A_1946 : memref<4096xf32, #tpu.memory_space<hbm>>) dst(%arg12 : memref<4096xf32, #tpu.memory_space<vmem>>)
      %jit3A_1947 = arith.constant 2 : i32
      %div3A_1948 = arith.divsi %add3A_1625, %jit3A_1947 : i32
      %sign3A_1949 = arith.constant 0 : i32
      %sign3A_1950 = arith.cmpi sgt, %add3A_1625, %sign3A_1949 : i32
      %sign3A_1951 = arith.extui %sign3A_1950 : i1 to i32
      %sign3A_1952 = arith.constant 0 : i32
      %sign3A_1953 = arith.cmpi slt, %add3A_1625, %sign3A_1952 : i32
      %sign3A_1954 = arith.extui %sign3A_1953 : i1 to i32
      %sign3A_1955 = arith.subi %sign3A_1951, %sign3A_1954 : i32
      %sign3A_1956 = arith.constant 0 : i32
      %sign3A_1957 = arith.cmpi sgt, %jit3A_1947, %sign3A_1956 : i32
      %sign3A_1958 = arith.extui %sign3A_1957 : i1 to i32
      %sign3A_1959 = arith.constant 0 : i32
      %sign3A_1960 = arith.cmpi slt, %jit3A_1947, %sign3A_1959 : i32
      %sign3A_1961 = arith.extui %sign3A_1960 : i1 to i32
      %sign3A_1962 = arith.subi %sign3A_1958, %sign3A_1961 : i32
      %ne3A_1963 = arith.cmpi ne, %sign3A_1955, %sign3A_1962 : i32
      %rem3A_1964 = arith.remsi %add3A_1625, %jit3A_1947 : i32
      %ne3A_1965 = arith.constant 0 : i32
      %ne3A_1966 = arith.cmpi ne, %rem3A_1964, %ne3A_1965 : i32
      %and3A_1967 = arith.andi %ne3A_1963, %ne3A_1966 : i1
      %sub3A_1968 = arith.constant 1 : i32
      %sub3A_1969 = arith.subi %div3A_1948, %sub3A_1968 : i32
      %select_n3A_1970 = arith.select %and3A_1967, %sub3A_1969, %div3A_1948 : i32
      %mul3A_1971 = arith.constant 32 : i32
      %mul3A_1972 = arith.muli %select_n3A_1970, %mul3A_1971 : i32
      %add3A_1973 = arith.addi %mul3A_1972, %add3A : i32
      %jit3A_1974 = arith.constant 200 : i32
      %eq3A_1975 = arith.constant 0 : i32
      %eq3A_1976 = arith.cmpi eq, %jit3A_1974, %eq3A_1975 : i32
      %jit3A_1977 = arith.constant 1 : i32
      %select_n3A_1978 = arith.select %eq3A_1976, %jit3A_1977, %jit3A_1974 : i32
      %rem3A_1979 = arith.remsi %add3A_1973, %select_n3A_1978 : i32
      %ne3A_1980 = arith.constant 0 : i32
      %ne3A_1981 = arith.cmpi ne, %rem3A_1979, %ne3A_1980 : i32
      %lt3A_1982 = arith.constant 0 : i32
      %lt3A_1983 = arith.cmpi slt, %rem3A_1979, %lt3A_1982 : i32
      %lt3A_1984 = arith.constant 0 : i32
      %lt3A_1985 = arith.cmpi slt, %select_n3A_1978, %lt3A_1984 : i32
      %ne3A_1986 = arith.xori %lt3A_1983, %lt3A_1985 : i1
      %and3A_1987 = arith.andi %ne3A_1986, %ne3A_1981 : i1
      %add3A_1988 = arith.addi %rem3A_1979, %select_n3A_1978 : i32
      %select_n3A_1989 = arith.select %and3A_1987, %add3A_1988, %rem3A_1979 : i32
      %jit3A_1990 = arith.constant 2 : i32
      %div3A_1991 = arith.divsi %select_n3A_1989, %jit3A_1990 : i32
      %sign3A_1992 = arith.constant 0 : i32
      %sign3A_1993 = arith.cmpi sgt, %select_n3A_1989, %sign3A_1992 : i32
      %sign3A_1994 = arith.extui %sign3A_1993 : i1 to i32
      %sign3A_1995 = arith.constant 0 : i32
      %sign3A_1996 = arith.cmpi slt, %select_n3A_1989, %sign3A_1995 : i32
      %sign3A_1997 = arith.extui %sign3A_1996 : i1 to i32
      %sign3A_1998 = arith.subi %sign3A_1994, %sign3A_1997 : i32
      %sign3A_1999 = arith.constant 0 : i32
      %sign3A_2000 = arith.cmpi sgt, %jit3A_1990, %sign3A_1999 : i32
      %sign3A_2001 = arith.extui %sign3A_2000 : i1 to i32
      %sign3A_2002 = arith.constant 0 : i32
      %sign3A_2003 = arith.cmpi slt, %jit3A_1990, %sign3A_2002 : i32
      %sign3A_2004 = arith.extui %sign3A_2003 : i1 to i32
      %sign3A_2005 = arith.subi %sign3A_2001, %sign3A_2004 : i32
      %ne3A_2006 = arith.cmpi ne, %sign3A_1998, %sign3A_2005 : i32
      %rem3A_2007 = arith.remsi %select_n3A_1989, %jit3A_1990 : i32
      %ne3A_2008 = arith.constant 0 : i32
      %ne3A_2009 = arith.cmpi ne, %rem3A_2007, %ne3A_2008 : i32
      %and3A_2010 = arith.andi %ne3A_2006, %ne3A_2009 : i1
      %sub3A_2011 = arith.constant 1 : i32
      %sub3A_2012 = arith.subi %div3A_1991, %sub3A_2011 : i32
      %select_n3A_2013 = arith.select %and3A_2010, %sub3A_2012, %div3A_1991 : i32
      %jit3A_2014 = arith.constant 2 : i32
      %eq3A_2015 = arith.constant 0 : i32
      %eq3A_2016 = arith.cmpi eq, %jit3A_2014, %eq3A_2015 : i32
      %jit3A_2017 = arith.constant 1 : i32
      %select_n3A_2018 = arith.select %eq3A_2016, %jit3A_2017, %jit3A_2014 : i32
      %rem3A_2019 = arith.remsi %select_n3A_1989, %select_n3A_2018 : i32
      %ne3A_2020 = arith.constant 0 : i32
      %ne3A_2021 = arith.cmpi ne, %rem3A_2019, %ne3A_2020 : i32
      %lt3A_2022 = arith.constant 0 : i32
      %lt3A_2023 = arith.cmpi slt, %rem3A_2019, %lt3A_2022 : i32
      %lt3A_2024 = arith.constant 0 : i32
      %lt3A_2025 = arith.cmpi slt, %select_n3A_2018, %lt3A_2024 : i32
      %ne3A_2026 = arith.xori %lt3A_2023, %lt3A_2025 : i1
      %and3A_2027 = arith.andi %ne3A_2026, %ne3A_2021 : i1
      %add3A_2028 = arith.addi %rem3A_2019, %select_n3A_2018 : i32
      %select_n3A_2029 = arith.select %and3A_2027, %add3A_2028, %rem3A_2019 : i32
      %eq3A_2030 = arith.constant 0 : i32
      %eq3A_2031 = arith.cmpi eq, %select_n3A_2029, %eq3A_2030 : i32
      %convert_element_type3A_2032 = arith.extui %eq3A_2031 : i1 to i32
      %cond3A_2033 = arith.constant 0 : i32
      %cond3A_2034 = arith.cmpi ne, %convert_element_type3A_2032, %cond3A_2033 : i32
      scf.if %cond3A_2034 {
        %dma_start3A_2329 = arith.constant 12288 : i32
        %dma_start3A_2330 = tpu.memref_slice %arg5[%dma_start3A_2329] : memref<16384xf32, #tpu.memory_space<hbm>> -> memref<4096xf32, #tpu.memory_space<hbm>>
        %dma_start3A_2331 = arith.constant 12288 : i32
        %dma_start3A_2332 = tpu.memref_slice %arg5[%dma_start3A_2331] : memref<16384xf32, #tpu.memory_space<hbm>> -> memref<4096xf32, #tpu.memory_space<hbm>>
        tpu.enqueue_dma source(%dma_start3A_2332 : memref<4096xf32, #tpu.memory_space<hbm>>) target(%arg13 : memref<4096xf32, #tpu.memory_space<vmem>>) target_semaphore(%arg20 : memref<!tpu.dma_semaphore, #tpu.memory_space<semaphore_mem>>)
      } else {
      }
      %eq3A_2035 = arith.constant 1 : i32
      %eq3A_2036 = arith.cmpi eq, %select_n3A_2029, %eq3A_2035 : i32
      %convert_element_type3A_2037 = arith.extui %eq3A_2036 : i1 to i32
      %cond3A_2038 = arith.constant 0 : i32
      %cond3A_2039 = arith.cmpi ne, %convert_element_type3A_2037, %cond3A_2038 : i32
      scf.if %cond3A_2039 {
        %dma_start3A_2329 = arith.constant 12288 : i32
        %dma_start3A_2330 = tpu.memref_slice %arg6[%dma_start3A_2329] : memref<16384xf32, #tpu.memory_space<hbm>> -> memref<4096xf32, #tpu.memory_space<hbm>>
        %dma_start3A_2331 = arith.constant 12288 : i32
        %dma_start3A_2332 = tpu.memref_slice %arg6[%dma_start3A_2331] : memref<16384xf32, #tpu.memory_space<hbm>> -> memref<4096xf32, #tpu.memory_space<hbm>>
        tpu.enqueue_dma source(%dma_start3A_2332 : memref<4096xf32, #tpu.memory_space<hbm>>) target(%arg13 : memref<4096xf32, #tpu.memory_space<vmem>>) target_semaphore(%arg20 : memref<!tpu.dma_semaphore, #tpu.memory_space<semaphore_mem>>)
      } else {
      }
      %parallel_loop3A_2040 = arith.constant 0 : i32
      %parallel_loop3A_2041 = arith.constant 256 : i32
      %parallel_loop3A_2042 = arith.constant 1 : i32
      scf.for %parallel_loop3A_2329 = %parallel_loop3A_2040 to %parallel_loop3A_2041 step %parallel_loop3A_2042  : i32 {
        %parallel_loop3A_2330 = arith.constant 16 : i32
        %parallel_loop3A_2331 = arith.muli %parallel_loop3A_2329, %parallel_loop3A_2330 : i32
        %parallel_loop3A_2332 = arith.constant 8192 : i32
        %parallel_loop3A_2333 = arith.addi %parallel_loop3A_2332, %parallel_loop3A_2331 : i32
        %parallel_loop3A_2334 = arith.index_cast %parallel_loop3A_2333 : i32 to index
        %parallel_loop3A_2335 = tpu.vector_load %arg11[%parallel_loop3A_2334] {strides = array<i32>} : memref<16384xi32, #tpu.memory_space<vmem>>, vector<16xi32>,
        %parallel_loop3A_2336 = arith.constant 16 : i32
        %parallel_loop3A_2337 = arith.muli %parallel_loop3A_2329, %parallel_loop3A_2336 : i32
        %parallel_loop3A_2338 = arith.index_cast %parallel_loop3A_2337 : i32 to index
        %parallel_loop3A_2339 = tpu.vector_load %arg12[%parallel_loop3A_2338] {strides = array<i32>} : memref<4096xf32, #tpu.memory_space<vmem>>, vector<16xf32>,
        %parallel_loop3A_2340 = arith.constant 50048 : i32
        %parallel_loop3A_2341 = vector.broadcast %parallel_loop3A_2340 : i32 to vector<16xi32>
        %parallel_loop3A_2342 = arith.cmpi sge, %parallel_loop3A_2335, %parallel_loop3A_2341 : vector<16xi32>
        %parallel_loop3A_2343 = arith.constant 50048 : i32
        %parallel_loop3A_2344 = vector.broadcast %parallel_loop3A_2343 : i32 to vector<16xi32>
        %parallel_loop3A_2345 = arith.subi %parallel_loop3A_2335, %parallel_loop3A_2344 : vector<16xi32>
        tpu.vector_store_idx %arg10[%parallel_loop3A_2345], %parallel_loop3A_2339 masked %parallel_loop3A_2342 {add = true} : memref<49952xf32, #tpu.memory_space<vmem>>[vector<16xi32>], vector<16xf32>, vector<16xi1>
      } {sc.loop_unroll_factor = 8 : i64, sc.parallel_access}
      %dma_wait3A_2043 = arith.constant 0 : i32
      %dma_wait3A_2044 = tpu.memref_slice %arg5[%dma_wait3A_2043] : memref<16384xf32, #tpu.memory_space<hbm>> -> memref<4096xf32, #tpu.memory_space<hbm>>
      %dma_wait3A_2045 = arith.constant 0 : i32
      %dma_wait3A_2046 = tpu.memref_slice %arg5[%dma_wait3A_2045] : memref<16384xf32, #tpu.memory_space<hbm>> -> memref<4096xf32, #tpu.memory_space<hbm>>
      tpu.wait_dma2 semaphore(%arg20 : memref<!tpu.dma_semaphore, #tpu.memory_space<semaphore_mem>>) src(%dma_wait3A_2046 : memref<4096xf32, #tpu.memory_space<hbm>>) dst(%arg13 : memref<4096xf32, #tpu.memory_space<vmem>>)
      %add3A_2047 = arith.constant 1 : i32
      %add3A_2048 = arith.addi %add3A_1625, %add3A_2047 : i32
      %jit3A_2049 = arith.constant 2 : i32
      %div3A_2050 = arith.divsi %add3A_2048, %jit3A_2049 : i32
      %sign3A_2051 = arith.constant 0 : i32
      %sign3A_2052 = arith.cmpi sgt, %add3A_2048, %sign3A_2051 : i32
      %sign3A_2053 = arith.extui %sign3A_2052 : i1 to i32
      %sign3A_2054 = arith.constant 0 : i32
      %sign3A_2055 = arith.cmpi slt, %add3A_2048, %sign3A_2054 : i32
      %sign3A_2056 = arith.extui %sign3A_2055 : i1 to i32
      %sign3A_2057 = arith.subi %sign3A_2053, %sign3A_2056 : i32
      %sign3A_2058 = arith.constant 0 : i32
      %sign3A_2059 = arith.cmpi sgt, %jit3A_2049, %sign3A_2058 : i32
      %sign3A_2060 = arith.extui %sign3A_2059 : i1 to i32
      %sign3A_2061 = arith.constant 0 : i32
      %sign3A_2062 = arith.cmpi slt, %jit3A_2049, %sign3A_2061 : i32
      %sign3A_2063 = arith.extui %sign3A_2062 : i1 to i32
      %sign3A_2064 = arith.subi %sign3A_2060, %sign3A_2063 : i32
      %ne3A_2065 = arith.cmpi ne, %sign3A_2057, %sign3A_2064 : i32
      %rem3A_2066 = arith.remsi %add3A_2048, %jit3A_2049 : i32
      %ne3A_2067 = arith.constant 0 : i32
      %ne3A_2068 = arith.cmpi ne, %rem3A_2066, %ne3A_2067 : i32
      %and3A_2069 = arith.andi %ne3A_2065, %ne3A_2068 : i1
      %sub3A_2070 = arith.constant 1 : i32
      %sub3A_2071 = arith.subi %div3A_2050, %sub3A_2070 : i32
      %select_n3A_2072 = arith.select %and3A_2069, %sub3A_2071, %div3A_2050 : i32
      %mul3A_2073 = arith.constant 32 : i32
      %mul3A_2074 = arith.muli %select_n3A_2072, %mul3A_2073 : i32
      %add3A_2075 = arith.addi %mul3A_2074, %add3A : i32
      %jit3A_2076 = arith.constant 200 : i32
      %eq3A_2077 = arith.constant 0 : i32
      %eq3A_2078 = arith.cmpi eq, %jit3A_2076, %eq3A_2077 : i32
      %jit3A_2079 = arith.constant 1 : i32
      %select_n3A_2080 = arith.select %eq3A_2078, %jit3A_2079, %jit3A_2076 : i32
      %rem3A_2081 = arith.remsi %add3A_2075, %select_n3A_2080 : i32
      %ne3A_2082 = arith.constant 0 : i32
      %ne3A_2083 = arith.cmpi ne, %rem3A_2081, %ne3A_2082 : i32
      %lt3A_2084 = arith.constant 0 : i32
      %lt3A_2085 = arith.cmpi slt, %rem3A_2081, %lt3A_2084 : i32
      %lt3A_2086 = arith.constant 0 : i32
      %lt3A_2087 = arith.cmpi slt, %select_n3A_2080, %lt3A_2086 : i32
      %ne3A_2088 = arith.xori %lt3A_2085, %lt3A_2087 : i1
      %and3A_2089 = arith.andi %ne3A_2088, %ne3A_2083 : i1
      %add3A_2090 = arith.addi %rem3A_2081, %select_n3A_2080 : i32
      %select_n3A_2091 = arith.select %and3A_2089, %add3A_2090, %rem3A_2081 : i32
      %jit3A_2092 = arith.constant 2 : i32
      %div3A_2093 = arith.divsi %select_n3A_2091, %jit3A_2092 : i32
      %sign3A_2094 = arith.constant 0 : i32
      %sign3A_2095 = arith.cmpi sgt, %select_n3A_2091, %sign3A_2094 : i32
      %sign3A_2096 = arith.extui %sign3A_2095 : i1 to i32
      %sign3A_2097 = arith.constant 0 : i32
      %sign3A_2098 = arith.cmpi slt, %select_n3A_2091, %sign3A_2097 : i32
      %sign3A_2099 = arith.extui %sign3A_2098 : i1 to i32
      %sign3A_2100 = arith.subi %sign3A_2096, %sign3A_2099 : i32
      %sign3A_2101 = arith.constant 0 : i32
      %sign3A_2102 = arith.cmpi sgt, %jit3A_2092, %sign3A_2101 : i32
      %sign3A_2103 = arith.extui %sign3A_2102 : i1 to i32
      %sign3A_2104 = arith.constant 0 : i32
      %sign3A_2105 = arith.cmpi slt, %jit3A_2092, %sign3A_2104 : i32
      %sign3A_2106 = arith.extui %sign3A_2105 : i1 to i32
      %sign3A_2107 = arith.subi %sign3A_2103, %sign3A_2106 : i32
      %ne3A_2108 = arith.cmpi ne, %sign3A_2100, %sign3A_2107 : i32
      %rem3A_2109 = arith.remsi %select_n3A_2091, %jit3A_2092 : i32
      %ne3A_2110 = arith.constant 0 : i32
      %ne3A_2111 = arith.cmpi ne, %rem3A_2109, %ne3A_2110 : i32
      %and3A_2112 = arith.andi %ne3A_2108, %ne3A_2111 : i1
      %sub3A_2113 = arith.constant 1 : i32
      %sub3A_2114 = arith.subi %div3A_2093, %sub3A_2113 : i32
      %select_n3A_2115 = arith.select %and3A_2112, %sub3A_2114, %div3A_2093 : i32
      %jit3A_2116 = arith.constant 2 : i32
      %eq3A_2117 = arith.constant 0 : i32
      %eq3A_2118 = arith.cmpi eq, %jit3A_2116, %eq3A_2117 : i32
      %jit3A_2119 = arith.constant 1 : i32
      %select_n3A_2120 = arith.select %eq3A_2118, %jit3A_2119, %jit3A_2116 : i32
      %rem3A_2121 = arith.remsi %select_n3A_2091, %select_n3A_2120 : i32
      %ne3A_2122 = arith.constant 0 : i32
      %ne3A_2123 = arith.cmpi ne, %rem3A_2121, %ne3A_2122 : i32
      %lt3A_2124 = arith.constant 0 : i32
      %lt3A_2125 = arith.cmpi slt, %rem3A_2121, %lt3A_2124 : i32
      %lt3A_2126 = arith.constant 0 : i32
      %lt3A_2127 = arith.cmpi slt, %select_n3A_2120, %lt3A_2126 : i32
      %ne3A_2128 = arith.xori %lt3A_2125, %lt3A_2127 : i1
      %and3A_2129 = arith.andi %ne3A_2128, %ne3A_2123 : i1
      %add3A_2130 = arith.addi %rem3A_2121, %select_n3A_2120 : i32
      %select_n3A_2131 = arith.select %and3A_2129, %add3A_2130, %rem3A_2121 : i32
      %eq3A_2132 = arith.constant 0 : i32
      %eq3A_2133 = arith.cmpi eq, %select_n3A_2131, %eq3A_2132 : i32
      %convert_element_type3A_2134 = arith.extui %eq3A_2133 : i1 to i32
      %cond3A_2135 = arith.constant 0 : i32
      %cond3A_2136 = arith.cmpi ne, %convert_element_type3A_2134, %cond3A_2135 : i32
      scf.if %cond3A_2136 {
        %dma_start3A_2329 = arith.constant 0 : i32
        %dma_start3A_2330 = tpu.memref_slice %arg5[%dma_start3A_2329] : memref<16384xf32, #tpu.memory_space<hbm>> -> memref<4096xf32, #tpu.memory_space<hbm>>
        %dma_start3A_2331 = arith.constant 0 : i32
        %dma_start3A_2332 = tpu.memref_slice %arg5[%dma_start3A_2331] : memref<16384xf32, #tpu.memory_space<hbm>> -> memref<4096xf32, #tpu.memory_space<hbm>>
        tpu.enqueue_dma source(%dma_start3A_2332 : memref<4096xf32, #tpu.memory_space<hbm>>) target(%arg12 : memref<4096xf32, #tpu.memory_space<vmem>>) target_semaphore(%arg19 : memref<!tpu.dma_semaphore, #tpu.memory_space<semaphore_mem>>)
      } else {
      }
      %eq3A_2137 = arith.constant 1 : i32
      %eq3A_2138 = arith.cmpi eq, %select_n3A_2131, %eq3A_2137 : i32
      %convert_element_type3A_2139 = arith.extui %eq3A_2138 : i1 to i32
      %cond3A_2140 = arith.constant 0 : i32
      %cond3A_2141 = arith.cmpi ne, %convert_element_type3A_2139, %cond3A_2140 : i32
      scf.if %cond3A_2141 {
        %dma_start3A_2329 = arith.constant 0 : i32
        %dma_start3A_2330 = tpu.memref_slice %arg6[%dma_start3A_2329] : memref<16384xf32, #tpu.memory_space<hbm>> -> memref<4096xf32, #tpu.memory_space<hbm>>
        %dma_start3A_2331 = arith.constant 0 : i32
        %dma_start3A_2332 = tpu.memref_slice %arg6[%dma_start3A_2331] : memref<16384xf32, #tpu.memory_space<hbm>> -> memref<4096xf32, #tpu.memory_space<hbm>>
        tpu.enqueue_dma source(%dma_start3A_2332 : memref<4096xf32, #tpu.memory_space<hbm>>) target(%arg12 : memref<4096xf32, #tpu.memory_space<vmem>>) target_semaphore(%arg19 : memref<!tpu.dma_semaphore, #tpu.memory_space<semaphore_mem>>)
      } else {
      }
      %parallel_loop3A_2142 = arith.constant 0 : i32
      %parallel_loop3A_2143 = arith.constant 256 : i32
      %parallel_loop3A_2144 = arith.constant 1 : i32
      scf.for %parallel_loop3A_2329 = %parallel_loop3A_2142 to %parallel_loop3A_2143 step %parallel_loop3A_2144  : i32 {
        %parallel_loop3A_2330 = arith.constant 16 : i32
        %parallel_loop3A_2331 = arith.muli %parallel_loop3A_2329, %parallel_loop3A_2330 : i32
        %parallel_loop3A_2332 = arith.constant 12288 : i32
        %parallel_loop3A_2333 = arith.addi %parallel_loop3A_2332, %parallel_loop3A_2331 : i32
        %parallel_loop3A_2334 = arith.index_cast %parallel_loop3A_2333 : i32 to index
        %parallel_loop3A_2335 = tpu.vector_load %arg11[%parallel_loop3A_2334] {strides = array<i32>} : memref<16384xi32, #tpu.memory_space<vmem>>, vector<16xi32>,
        %parallel_loop3A_2336 = arith.constant 16 : i32
        %parallel_loop3A_2337 = arith.muli %parallel_loop3A_2329, %parallel_loop3A_2336 : i32
        %parallel_loop3A_2338 = arith.index_cast %parallel_loop3A_2337 : i32 to index
        %parallel_loop3A_2339 = tpu.vector_load %arg13[%parallel_loop3A_2338] {strides = array<i32>} : memref<4096xf32, #tpu.memory_space<vmem>>, vector<16xf32>,
        %parallel_loop3A_2340 = arith.constant 50048 : i32
        %parallel_loop3A_2341 = vector.broadcast %parallel_loop3A_2340 : i32 to vector<16xi32>
        %parallel_loop3A_2342 = arith.cmpi sge, %parallel_loop3A_2335, %parallel_loop3A_2341 : vector<16xi32>
        %parallel_loop3A_2343 = arith.constant 50048 : i32
        %parallel_loop3A_2344 = vector.broadcast %parallel_loop3A_2343 : i32 to vector<16xi32>
        %parallel_loop3A_2345 = arith.subi %parallel_loop3A_2335, %parallel_loop3A_2344 : vector<16xi32>
        tpu.vector_store_idx %arg10[%parallel_loop3A_2345], %parallel_loop3A_2339 masked %parallel_loop3A_2342 {add = true} : memref<49952xf32, #tpu.memory_space<vmem>>[vector<16xi32>], vector<16xf32>, vector<16xi1>
      } {sc.loop_unroll_factor = 8 : i64, sc.parallel_access}
      %jit3A_2145 = arith.constant 2 : i32
      %div3A_2146 = arith.divsi %add3A_1625, %jit3A_2145 : i32
      %sign3A_2147 = arith.constant 0 : i32
      %sign3A_2148 = arith.cmpi sgt, %add3A_1625, %sign3A_2147 : i32
      %sign3A_2149 = arith.extui %sign3A_2148 : i1 to i32
      %sign3A_2150 = arith.constant 0 : i32
      %sign3A_2151 = arith.cmpi slt, %add3A_1625, %sign3A_2150 : i32
      %sign3A_2152 = arith.extui %sign3A_2151 : i1 to i32
      %sign3A_2153 = arith.subi %sign3A_2149, %sign3A_2152 : i32
      %sign3A_2154 = arith.constant 0 : i32
      %sign3A_2155 = arith.cmpi sgt, %jit3A_2145, %sign3A_2154 : i32
      %sign3A_2156 = arith.extui %sign3A_2155 : i1 to i32
      %sign3A_2157 = arith.constant 0 : i32
      %sign3A_2158 = arith.cmpi slt, %jit3A_2145, %sign3A_2157 : i32
      %sign3A_2159 = arith.extui %sign3A_2158 : i1 to i32
      %sign3A_2160 = arith.subi %sign3A_2156, %sign3A_2159 : i32
      %ne3A_2161 = arith.cmpi ne, %sign3A_2153, %sign3A_2160 : i32
      %rem3A_2162 = arith.remsi %add3A_1625, %jit3A_2145 : i32
      %ne3A_2163 = arith.constant 0 : i32
      %ne3A_2164 = arith.cmpi ne, %rem3A_2162, %ne3A_2163 : i32
      %and3A_2165 = arith.andi %ne3A_2161, %ne3A_2164 : i1
      %sub3A_2166 = arith.constant 1 : i32
      %sub3A_2167 = arith.subi %div3A_2146, %sub3A_2166 : i32
      %select_n3A_2168 = arith.select %and3A_2165, %sub3A_2167, %div3A_2146 : i32
      %mul3A_2169 = arith.constant 32 : i32
      %mul3A_2170 = arith.muli %select_n3A_2168, %mul3A_2169 : i32
      %add3A_2171 = arith.addi %mul3A_2170, %add3A : i32
      %jit3A_2172 = arith.constant 200 : i32
      %eq3A_2173 = arith.constant 0 : i32
      %eq3A_2174 = arith.cmpi eq, %jit3A_2172, %eq3A_2173 : i32
      %jit3A_2175 = arith.constant 1 : i32
      %select_n3A_2176 = arith.select %eq3A_2174, %jit3A_2175, %jit3A_2172 : i32
      %rem3A_2177 = arith.remsi %add3A_2171, %select_n3A_2176 : i32
      %ne3A_2178 = arith.constant 0 : i32
      %ne3A_2179 = arith.cmpi ne, %rem3A_2177, %ne3A_2178 : i32
      %lt3A_2180 = arith.constant 0 : i32
      %lt3A_2181 = arith.cmpi slt, %rem3A_2177, %lt3A_2180 : i32
      %lt3A_2182 = arith.constant 0 : i32
      %lt3A_2183 = arith.cmpi slt, %select_n3A_2176, %lt3A_2182 : i32
      %ne3A_2184 = arith.xori %lt3A_2181, %lt3A_2183 : i1
      %and3A_2185 = arith.andi %ne3A_2184, %ne3A_2179 : i1
      %add3A_2186 = arith.addi %rem3A_2177, %select_n3A_2176 : i32
      %select_n3A_2187 = arith.select %and3A_2185, %add3A_2186, %rem3A_2177 : i32
      %jit3A_2188 = arith.constant 2 : i32
      %div3A_2189 = arith.divsi %select_n3A_2187, %jit3A_2188 : i32
      %sign3A_2190 = arith.constant 0 : i32
      %sign3A_2191 = arith.cmpi sgt, %select_n3A_2187, %sign3A_2190 : i32
      %sign3A_2192 = arith.extui %sign3A_2191 : i1 to i32
      %sign3A_2193 = arith.constant 0 : i32
      %sign3A_2194 = arith.cmpi slt, %select_n3A_2187, %sign3A_2193 : i32
      %sign3A_2195 = arith.extui %sign3A_2194 : i1 to i32
      %sign3A_2196 = arith.subi %sign3A_2192, %sign3A_2195 : i32
      %sign3A_2197 = arith.constant 0 : i32
      %sign3A_2198 = arith.cmpi sgt, %jit3A_2188, %sign3A_2197 : i32
      %sign3A_2199 = arith.extui %sign3A_2198 : i1 to i32
      %sign3A_2200 = arith.constant 0 : i32
      %sign3A_2201 = arith.cmpi slt, %jit3A_2188, %sign3A_2200 : i32
      %sign3A_2202 = arith.extui %sign3A_2201 : i1 to i32
      %sign3A_2203 = arith.subi %sign3A_2199, %sign3A_2202 : i32
      %ne3A_2204 = arith.cmpi ne, %sign3A_2196, %sign3A_2203 : i32
      %rem3A_2205 = arith.remsi %select_n3A_2187, %jit3A_2188 : i32
      %ne3A_2206 = arith.constant 0 : i32
      %ne3A_2207 = arith.cmpi ne, %rem3A_2205, %ne3A_2206 : i32
      %and3A_2208 = arith.andi %ne3A_2204, %ne3A_2207 : i1
      %sub3A_2209 = arith.constant 1 : i32
      %sub3A_2210 = arith.subi %div3A_2189, %sub3A_2209 : i32
      %select_n3A_2211 = arith.select %and3A_2208, %sub3A_2210, %div3A_2189 : i32
      %jit3A_2212 = arith.constant 2 : i32
      %eq3A_2213 = arith.constant 0 : i32
      %eq3A_2214 = arith.cmpi eq, %jit3A_2212, %eq3A_2213 : i32
      %jit3A_2215 = arith.constant 1 : i32
      %select_n3A_2216 = arith.select %eq3A_2214, %jit3A_2215, %jit3A_2212 : i32
      %rem3A_2217 = arith.remsi %select_n3A_2187, %select_n3A_2216 : i32
      %ne3A_2218 = arith.constant 0 : i32
      %ne3A_2219 = arith.cmpi ne, %rem3A_2217, %ne3A_2218 : i32
      %lt3A_2220 = arith.constant 0 : i32
      %lt3A_2221 = arith.cmpi slt, %rem3A_2217, %lt3A_2220 : i32
      %lt3A_2222 = arith.constant 0 : i32
      %lt3A_2223 = arith.cmpi slt, %select_n3A_2216, %lt3A_2222 : i32
      %ne3A_2224 = arith.xori %lt3A_2221, %lt3A_2223 : i1
      %and3A_2225 = arith.andi %ne3A_2224, %ne3A_2219 : i1
      %add3A_2226 = arith.addi %rem3A_2217, %select_n3A_2216 : i32
      %select_n3A_2227 = arith.select %and3A_2225, %add3A_2226, %rem3A_2217 : i32
      %eq3A_2228 = arith.constant 0 : i32
      %eq3A_2229 = arith.cmpi eq, %select_n3A_2227, %eq3A_2228 : i32
      %convert_element_type3A_2230 = arith.extui %eq3A_2229 : i1 to i32
      %cond3A_2231 = arith.constant 0 : i32
      %cond3A_2232 = arith.cmpi ne, %convert_element_type3A_2230, %cond3A_2231 : i32
      scf.if %cond3A_2232 {
        %dma_start3A_2329 = arith.constant 0 : i32
        %dma_start3A_2330 = tpu.memref_slice %arg7[%select_n3A_2211, %dma_start3A_2329] : memref<100x100000xf32, #tpu.memory_space<hbm>> -> memref<1x100000xf32, #tpu.memory_space<hbm>>
        %dma_start3A_2331 = tpu.memref_squeeze %dma_start3A_2330 : memref<1x100000xf32, #tpu.memory_space<hbm>> -> memref<100000xf32, #tpu.memory_space<hbm>>
        %dma_start3A_2332 = arith.constant 50048 : i32
        %dma_start3A_2333 = tpu.memref_slice %dma_start3A_2331[%dma_start3A_2332] : memref<100000xf32, #tpu.memory_space<hbm>> -> memref<49952xf32, #tpu.memory_space<hbm>>
        %dma_start3A_2334 = arith.constant 0 : i32
        %dma_start3A_2335 = tpu.memref_slice %arg7[%select_n3A_2211, %dma_start3A_2334] : memref<100x100000xf32, #tpu.memory_space<hbm>> -> memref<1x100000xf32, #tpu.memory_space<hbm>>
        %dma_start3A_2336 = tpu.memref_squeeze %dma_start3A_2335 : memref<1x100000xf32, #tpu.memory_space<hbm>> -> memref<100000xf32, #tpu.memory_space<hbm>>
        %dma_start3A_2337 = arith.constant 50048 : i32
        %dma_start3A_2338 = tpu.memref_slice %dma_start3A_2336[%dma_start3A_2337] : memref<100000xf32, #tpu.memory_space<hbm>> -> memref<49952xf32, #tpu.memory_space<hbm>>
        tpu.enqueue_dma source(%arg10 : memref<49952xf32, #tpu.memory_space<vmem>>) target(%dma_start3A_2338 : memref<49952xf32, #tpu.memory_space<hbm>>) target_semaphore(%arg17 : memref<!tpu.dma_semaphore, #tpu.memory_space<semaphore_mem>>)
      } else {
      }
      %eq3A_2233 = arith.constant 1 : i32
      %eq3A_2234 = arith.cmpi eq, %select_n3A_2227, %eq3A_2233 : i32
      %convert_element_type3A_2235 = arith.extui %eq3A_2234 : i1 to i32
      %cond3A_2236 = arith.constant 0 : i32
      %cond3A_2237 = arith.cmpi ne, %convert_element_type3A_2235, %cond3A_2236 : i32
      scf.if %cond3A_2237 {
        %dma_start3A_2329 = arith.constant 0 : i32
        %dma_start3A_2330 = tpu.memref_slice %arg8[%select_n3A_2211, %dma_start3A_2329] : memref<100x100000xf32, #tpu.memory_space<hbm>> -> memref<1x100000xf32, #tpu.memory_space<hbm>>
        %dma_start3A_2331 = tpu.memref_squeeze %dma_start3A_2330 : memref<1x100000xf32, #tpu.memory_space<hbm>> -> memref<100000xf32, #tpu.memory_space<hbm>>
        %dma_start3A_2332 = arith.constant 50048 : i32
        %dma_start3A_2333 = tpu.memref_slice %dma_start3A_2331[%dma_start3A_2332] : memref<100000xf32, #tpu.memory_space<hbm>> -> memref<49952xf32, #tpu.memory_space<hbm>>
        %dma_start3A_2334 = arith.constant 0 : i32
        %dma_start3A_2335 = tpu.memref_slice %arg8[%select_n3A_2211, %dma_start3A_2334] : memref<100x100000xf32, #tpu.memory_space<hbm>> -> memref<1x100000xf32, #tpu.memory_space<hbm>>
        %dma_start3A_2336 = tpu.memref_squeeze %dma_start3A_2335 : memref<1x100000xf32, #tpu.memory_space<hbm>> -> memref<100000xf32, #tpu.memory_space<hbm>>
        %dma_start3A_2337 = arith.constant 50048 : i32
        %dma_start3A_2338 = tpu.memref_slice %dma_start3A_2336[%dma_start3A_2337] : memref<100000xf32, #tpu.memory_space<hbm>> -> memref<49952xf32, #tpu.memory_space<hbm>>
        tpu.enqueue_dma source(%arg10 : memref<49952xf32, #tpu.memory_space<vmem>>) target(%dma_start3A_2338 : memref<49952xf32, #tpu.memory_space<hbm>>) target_semaphore(%arg17 : memref<!tpu.dma_semaphore, #tpu.memory_space<semaphore_mem>>)
      } else {
      }
      %add3A_2238 = arith.constant 1 : i32
      %add3A_2239 = arith.addi %add3A_1625, %add3A_2238 : i32
      %jit3A_2240 = arith.constant 2 : i32
      %div3A_2241 = arith.divsi %add3A_2239, %jit3A_2240 : i32
      %sign3A_2242 = arith.constant 0 : i32
      %sign3A_2243 = arith.cmpi sgt, %add3A_2239, %sign3A_2242 : i32
      %sign3A_2244 = arith.extui %sign3A_2243 : i1 to i32
      %sign3A_2245 = arith.constant 0 : i32
      %sign3A_2246 = arith.cmpi slt, %add3A_2239, %sign3A_2245 : i32
      %sign3A_2247 = arith.extui %sign3A_2246 : i1 to i32
      %sign3A_2248 = arith.subi %sign3A_2244, %sign3A_2247 : i32
      %sign3A_2249 = arith.constant 0 : i32
      %sign3A_2250 = arith.cmpi sgt, %jit3A_2240, %sign3A_2249 : i32
      %sign3A_2251 = arith.extui %sign3A_2250 : i1 to i32
      %sign3A_2252 = arith.constant 0 : i32
      %sign3A_2253 = arith.cmpi slt, %jit3A_2240, %sign3A_2252 : i32
      %sign3A_2254 = arith.extui %sign3A_2253 : i1 to i32
      %sign3A_2255 = arith.subi %sign3A_2251, %sign3A_2254 : i32
      %ne3A_2256 = arith.cmpi ne, %sign3A_2248, %sign3A_2255 : i32
      %rem3A_2257 = arith.remsi %add3A_2239, %jit3A_2240 : i32
      %ne3A_2258 = arith.constant 0 : i32
      %ne3A_2259 = arith.cmpi ne, %rem3A_2257, %ne3A_2258 : i32
      %and3A_2260 = arith.andi %ne3A_2256, %ne3A_2259 : i1
      %sub3A_2261 = arith.constant 1 : i32
      %sub3A_2262 = arith.subi %div3A_2241, %sub3A_2261 : i32
      %select_n3A_2263 = arith.select %and3A_2260, %sub3A_2262, %div3A_2241 : i32
      %mul3A_2264 = arith.constant 32 : i32
      %mul3A_2265 = arith.muli %select_n3A_2263, %mul3A_2264 : i32
      %add3A_2266 = arith.addi %mul3A_2265, %add3A : i32
      %jit3A_2267 = arith.constant 200 : i32
      %eq3A_2268 = arith.constant 0 : i32
      %eq3A_2269 = arith.cmpi eq, %jit3A_2267, %eq3A_2268 : i32
      %jit3A_2270 = arith.constant 1 : i32
      %select_n3A_2271 = arith.select %eq3A_2269, %jit3A_2270, %jit3A_2267 : i32
      %rem3A_2272 = arith.remsi %add3A_2266, %select_n3A_2271 : i32
      %ne3A_2273 = arith.constant 0 : i32
      %ne3A_2274 = arith.cmpi ne, %rem3A_2272, %ne3A_2273 : i32
      %lt3A_2275 = arith.constant 0 : i32
      %lt3A_2276 = arith.cmpi slt, %rem3A_2272, %lt3A_2275 : i32
      %lt3A_2277 = arith.constant 0 : i32
      %lt3A_2278 = arith.cmpi slt, %select_n3A_2271, %lt3A_2277 : i32
      %ne3A_2279 = arith.xori %lt3A_2276, %lt3A_2278 : i1
      %and3A_2280 = arith.andi %ne3A_2279, %ne3A_2274 : i1
      %add3A_2281 = arith.addi %rem3A_2272, %select_n3A_2271 : i32
      %select_n3A_2282 = arith.select %and3A_2280, %add3A_2281, %rem3A_2272 : i32
      %jit3A_2283 = arith.constant 2 : i32
      %div3A_2284 = arith.divsi %select_n3A_2282, %jit3A_2283 : i32
      %sign3A_2285 = arith.constant 0 : i32
      %sign3A_2286 = arith.cmpi sgt, %select_n3A_2282, %sign3A_2285 : i32
      %sign3A_2287 = arith.extui %sign3A_2286 : i1 to i32
      %sign3A_2288 = arith.constant 0 : i32
      %sign3A_2289 = arith.cmpi slt, %select_n3A_2282, %sign3A_2288 : i32
      %sign3A_2290 = arith.extui %sign3A_2289 : i1 to i32
      %sign3A_2291 = arith.subi %sign3A_2287, %sign3A_2290 : i32
      %sign3A_2292 = arith.constant 0 : i32
      %sign3A_2293 = arith.cmpi sgt, %jit3A_2283, %sign3A_2292 : i32
      %sign3A_2294 = arith.extui %sign3A_2293 : i1 to i32
      %sign3A_2295 = arith.constant 0 : i32
      %sign3A_2296 = arith.cmpi slt, %jit3A_2283, %sign3A_2295 : i32
      %sign3A_2297 = arith.extui %sign3A_2296 : i1 to i32
      %sign3A_2298 = arith.subi %sign3A_2294, %sign3A_2297 : i32
      %ne3A_2299 = arith.cmpi ne, %sign3A_2291, %sign3A_2298 : i32
      %rem3A_2300 = arith.remsi %select_n3A_2282, %jit3A_2283 : i32
      %ne3A_2301 = arith.constant 0 : i32
      %ne3A_2302 = arith.cmpi ne, %rem3A_2300, %ne3A_2301 : i32
      %and3A_2303 = arith.andi %ne3A_2299, %ne3A_2302 : i1
      %sub3A_2304 = arith.constant 1 : i32
      %sub3A_2305 = arith.subi %div3A_2284, %sub3A_2304 : i32
      %select_n3A_2306 = arith.select %and3A_2303, %sub3A_2305, %div3A_2284 : i32
      %jit3A_2307 = arith.constant 2 : i32
      %eq3A_2308 = arith.constant 0 : i32
      %eq3A_2309 = arith.cmpi eq, %jit3A_2307, %eq3A_2308 : i32
      %jit3A_2310 = arith.constant 1 : i32
      %select_n3A_2311 = arith.select %eq3A_2309, %jit3A_2310, %jit3A_2307 : i32
      %rem3A_2312 = arith.remsi %select_n3A_2282, %select_n3A_2311 : i32
      %ne3A_2313 = arith.constant 0 : i32
      %ne3A_2314 = arith.cmpi ne, %rem3A_2312, %ne3A_2313 : i32
      %lt3A_2315 = arith.constant 0 : i32
      %lt3A_2316 = arith.cmpi slt, %rem3A_2312, %lt3A_2315 : i32
      %lt3A_2317 = arith.constant 0 : i32
      %lt3A_2318 = arith.cmpi slt, %select_n3A_2311, %lt3A_2317 : i32
      %ne3A_2319 = arith.xori %lt3A_2316, %lt3A_2318 : i1
      %and3A_2320 = arith.andi %ne3A_2319, %ne3A_2314 : i1
      %add3A_2321 = arith.addi %rem3A_2312, %select_n3A_2311 : i32
      %select_n3A_2322 = arith.select %and3A_2320, %add3A_2321, %rem3A_2312 : i32
      %dma_start3A_2323 = arith.constant 0 : i32
      %dma_start3A_2324 = tpu.memref_slice %arg4[%select_n3A_2306, %dma_start3A_2323] : memref<100x16384xi32, #tpu.memory_space<hbm>> -> memref<1x16384xi32, #tpu.memory_space<hbm>>
      %dma_start3A_2325 = tpu.memref_squeeze %dma_start3A_2324 : memref<1x16384xi32, #tpu.memory_space<hbm>> -> memref<16384xi32, #tpu.memory_space<hbm>>
      %dma_start3A_2326 = arith.constant 0 : i32
      %dma_start3A_2327 = tpu.memref_slice %arg4[%select_n3A_2306, %dma_start3A_2326] : memref<100x16384xi32, #tpu.memory_space<hbm>> -> memref<1x16384xi32, #tpu.memory_space<hbm>>
      %dma_start3A_2328 = tpu.memref_squeeze %dma_start3A_2327 : memref<1x16384xi32, #tpu.memory_space<hbm>> -> memref<16384xi32, #tpu.memory_space<hbm>>
      tpu.enqueue_dma source(%dma_start3A_2328 : memref<16384xi32, #tpu.memory_space<hbm>>) target(%arg11 : memref<16384xi32, #tpu.memory_space<vmem>>) target_semaphore(%arg18 : memref<!tpu.dma_semaphore, #tpu.memory_space<semaphore_mem>>)
    }
    %scan3A_203 = arith.constant 6 : i32
    %dma_wait3A = arith.constant 0 : i32
    %dma_wait3A_204 = arith.constant 0 : i32
    %dma_wait3A_205 = tpu.memref_slice %arg2[%dma_wait3A, %dma_wait3A_204] : memref<100x100000xf32, #tpu.memory_space<hbm>> -> memref<1x100000xf32, #tpu.memory_space<hbm>>
    %dma_wait3A_206 = tpu.memref_squeeze %dma_wait3A_205 : memref<1x100000xf32, #tpu.memory_space<hbm>> -> memref<100000xf32, #tpu.memory_space<hbm>>
    %dma_wait3A_207 = arith.constant 0 : i32
    %dma_wait3A_208 = tpu.memref_slice %dma_wait3A_206[%dma_wait3A_207] : memref<100000xf32, #tpu.memory_space<hbm>> -> memref<50048xf32, #tpu.memory_space<hbm>>
    %dma_wait3A_209 = arith.constant 0 : i32
    %dma_wait3A_210 = tpu.memref_slice %arg2[%dma_wait3A, %dma_wait3A_209] : memref<100x100000xf32, #tpu.memory_space<hbm>> -> memref<1x100000xf32, #tpu.memory_space<hbm>>
    %dma_wait3A_211 = tpu.memref_squeeze %dma_wait3A_210 : memref<1x100000xf32, #tpu.memory_space<hbm>> -> memref<100000xf32, #tpu.memory_space<hbm>>
    %dma_wait3A_212 = arith.constant 0 : i32
    %dma_wait3A_213 = tpu.memref_slice %dma_wait3A_211[%dma_wait3A_212] : memref<100000xf32, #tpu.memory_space<hbm>> -> memref<50048xf32, #tpu.memory_space<hbm>>
    tpu.wait_dma2 semaphore(%arg14 : memref<!tpu.dma_semaphore, #tpu.memory_space<semaphore_mem>>) src(%dma_wait3A_213 : memref<50048xf32, #tpu.memory_space<hbm>>) dst(%arg9 : memref<50048xf32, #tpu.memory_space<vmem>>)
    %dma_wait3A_214 = arith.constant 0 : i32
    %dma_wait3A_215 = arith.constant 0 : i32
    %dma_wait3A_216 = tpu.memref_slice %arg4[%dma_wait3A_214, %dma_wait3A_215] : memref<100x16384xi32, #tpu.memory_space<hbm>> -> memref<1x16384xi32, #tpu.memory_space<hbm>>
    %dma_wait3A_217 = tpu.memref_squeeze %dma_wait3A_216 : memref<1x16384xi32, #tpu.memory_space<hbm>> -> memref<16384xi32, #tpu.memory_space<hbm>>
    %dma_wait3A_218 = arith.constant 0 : i32
    %dma_wait3A_219 = tpu.memref_slice %arg4[%dma_wait3A_214, %dma_wait3A_218] : memref<100x16384xi32, #tpu.memory_space<hbm>> -> memref<1x16384xi32, #tpu.memory_space<hbm>>
    %dma_wait3A_220 = tpu.memref_squeeze %dma_wait3A_219 : memref<1x16384xi32, #tpu.memory_space<hbm>> -> memref<16384xi32, #tpu.memory_space<hbm>>
    tpu.wait_dma2 semaphore(%arg18 : memref<!tpu.dma_semaphore, #tpu.memory_space<semaphore_mem>>) src(%dma_wait3A_220 : memref<16384xi32, #tpu.memory_space<hbm>>) dst(%arg11 : memref<16384xi32, #tpu.memory_space<vmem>>)
    %dma_wait3A_221 = arith.constant 0 : i32
    %dma_wait3A_222 = tpu.memref_slice %arg5[%dma_wait3A_221] : memref<16384xf32, #tpu.memory_space<hbm>> -> memref<4096xf32, #tpu.memory_space<hbm>>
    %dma_wait3A_223 = arith.constant 0 : i32
    %dma_wait3A_224 = tpu.memref_slice %arg5[%dma_wait3A_223] : memref<16384xf32, #tpu.memory_space<hbm>> -> memref<4096xf32, #tpu.memory_space<hbm>>
    tpu.wait_dma2 semaphore(%arg19 : memref<!tpu.dma_semaphore, #tpu.memory_space<semaphore_mem>>) src(%dma_wait3A_224 : memref<4096xf32, #tpu.memory_space<hbm>>) dst(%arg12 : memref<4096xf32, #tpu.memory_space<vmem>>)
    %add3A_225 = arith.constant 192 : i32
    %add3A_226 = arith.addi %add3A_225, %add3A : i32
    %jit3A_227 = arith.constant 200 : i32
    %eq3A_228 = arith.constant 0 : i32
    %eq3A_229 = arith.cmpi eq, %jit3A_227, %eq3A_228 : i32
    %jit3A_230 = arith.constant 1 : i32
    %select_n3A_231 = arith.select %eq3A_229, %jit3A_230, %jit3A_227 : i32
    %rem3A_232 = arith.remsi %add3A_226, %select_n3A_231 : i32
    %ne3A_233 = arith.constant 0 : i32
    %ne3A_234 = arith.cmpi ne, %rem3A_232, %ne3A_233 : i32
    %lt3A_235 = arith.constant 0 : i32
    %lt3A_236 = arith.cmpi slt, %rem3A_232, %lt3A_235 : i32
    %lt3A_237 = arith.constant 0 : i32
    %lt3A_238 = arith.cmpi slt, %select_n3A_231, %lt3A_237 : i32
    %ne3A_239 = arith.xori %lt3A_236, %lt3A_238 : i1
    %and3A_240 = arith.andi %ne3A_239, %ne3A_234 : i1
    %add3A_241 = arith.addi %rem3A_232, %select_n3A_231 : i32
    %select_n3A_242 = arith.select %and3A_240, %add3A_241, %rem3A_232 : i32
    %jit3A_243 = arith.constant 2 : i32
    %div3A_244 = arith.divsi %select_n3A_242, %jit3A_243 : i32
    %sign3A_245 = arith.constant 0 : i32
    %sign3A_246 = arith.cmpi sgt, %select_n3A_242, %sign3A_245 : i32
    %sign3A_247 = arith.extui %sign3A_246 : i1 to i32
    %sign3A_248 = arith.constant 0 : i32
    %sign3A_249 = arith.cmpi slt, %select_n3A_242, %sign3A_248 : i32
    %sign3A_250 = arith.extui %sign3A_249 : i1 to i32
    %sign3A_251 = arith.subi %sign3A_247, %sign3A_250 : i32
    %sign3A_252 = arith.constant 0 : i32
    %sign3A_253 = arith.cmpi sgt, %jit3A_243, %sign3A_252 : i32
    %sign3A_254 = arith.extui %sign3A_253 : i1 to i32
    %sign3A_255 = arith.constant 0 : i32
    %sign3A_256 = arith.cmpi slt, %jit3A_243, %sign3A_255 : i32
    %sign3A_257 = arith.extui %sign3A_256 : i1 to i32
    %sign3A_258 = arith.subi %sign3A_254, %sign3A_257 : i32
    %ne3A_259 = arith.cmpi ne, %sign3A_251, %sign3A_258 : i32
    %rem3A_260 = arith.remsi %select_n3A_242, %jit3A_243 : i32
    %ne3A_261 = arith.constant 0 : i32
    %ne3A_262 = arith.cmpi ne, %rem3A_260, %ne3A_261 : i32
    %and3A_263 = arith.andi %ne3A_259, %ne3A_262 : i1
    %sub3A_264 = arith.constant 1 : i32
    %sub3A_265 = arith.subi %div3A_244, %sub3A_264 : i32
    %select_n3A_266 = arith.select %and3A_263, %sub3A_265, %div3A_244 : i32
    %jit3A_267 = arith.constant 2 : i32
    %eq3A_268 = arith.constant 0 : i32
    %eq3A_269 = arith.cmpi eq, %jit3A_267, %eq3A_268 : i32
    %jit3A_270 = arith.constant 1 : i32
    %select_n3A_271 = arith.select %eq3A_269, %jit3A_270, %jit3A_267 : i32
    %rem3A_272 = arith.remsi %select_n3A_242, %select_n3A_271 : i32
    %ne3A_273 = arith.constant 0 : i32
    %ne3A_274 = arith.cmpi ne, %rem3A_272, %ne3A_273 : i32
    %lt3A_275 = arith.constant 0 : i32
    %lt3A_276 = arith.cmpi slt, %rem3A_272, %lt3A_275 : i32
    %lt3A_277 = arith.constant 0 : i32
    %lt3A_278 = arith.cmpi slt, %select_n3A_271, %lt3A_277 : i32
    %ne3A_279 = arith.xori %lt3A_276, %lt3A_278 : i1
    %and3A_280 = arith.andi %ne3A_279, %ne3A_274 : i1
    %add3A_281 = arith.addi %rem3A_272, %select_n3A_271 : i32
    %select_n3A_282 = arith.select %and3A_280, %add3A_281, %rem3A_272 : i32
    %eq3A_283 = arith.constant 0 : i32
    %eq3A_284 = arith.cmpi eq, %select_n3A_282, %eq3A_283 : i32
    %convert_element_type3A_285 = arith.extui %eq3A_284 : i1 to i32
    %cond3A_286 = arith.constant 0 : i32
    %cond3A_287 = arith.cmpi ne, %convert_element_type3A_285, %cond3A_286 : i32
    scf.if %cond3A_287 {
      %dma_start3A_1000 = arith.constant 4096 : i32
      %dma_start3A_1001 = tpu.memref_slice %arg5[%dma_start3A_1000] : memref<16384xf32, #tpu.memory_space<hbm>> -> memref<4096xf32, #tpu.memory_space<hbm>>
      %dma_start3A_1002 = arith.constant 4096 : i32
      %dma_start3A_1003 = tpu.memref_slice %arg5[%dma_start3A_1002] : memref<16384xf32, #tpu.memory_space<hbm>> -> memref<4096xf32, #tpu.memory_space<hbm>>
      tpu.enqueue_dma source(%dma_start3A_1003 : memref<4096xf32, #tpu.memory_space<hbm>>) target(%arg13 : memref<4096xf32, #tpu.memory_space<vmem>>) target_semaphore(%arg20 : memref<!tpu.dma_semaphore, #tpu.memory_space<semaphore_mem>>)
    } else {
    }
    %eq3A_288 = arith.constant 1 : i32
    %eq3A_289 = arith.cmpi eq, %select_n3A_282, %eq3A_288 : i32
    %convert_element_type3A_290 = arith.extui %eq3A_289 : i1 to i32
    %cond3A_291 = arith.constant 0 : i32
    %cond3A_292 = arith.cmpi ne, %convert_element_type3A_290, %cond3A_291 : i32
    scf.if %cond3A_292 {
      %dma_start3A_1000 = arith.constant 4096 : i32
      %dma_start3A_1001 = tpu.memref_slice %arg6[%dma_start3A_1000] : memref<16384xf32, #tpu.memory_space<hbm>> -> memref<4096xf32, #tpu.memory_space<hbm>>
      %dma_start3A_1002 = arith.constant 4096 : i32
      %dma_start3A_1003 = tpu.memref_slice %arg6[%dma_start3A_1002] : memref<16384xf32, #tpu.memory_space<hbm>> -> memref<4096xf32, #tpu.memory_space<hbm>>
      tpu.enqueue_dma source(%dma_start3A_1003 : memref<4096xf32, #tpu.memory_space<hbm>>) target(%arg13 : memref<4096xf32, #tpu.memory_space<vmem>>) target_semaphore(%arg20 : memref<!tpu.dma_semaphore, #tpu.memory_space<semaphore_mem>>)
    } else {
    }
    %parallel_loop3A = arith.constant 0 : i32
    %parallel_loop3A_293 = arith.constant 256 : i32
    %parallel_loop3A_294 = arith.constant 1 : i32
    scf.for %parallel_loop3A_1000 = %parallel_loop3A to %parallel_loop3A_293 step %parallel_loop3A_294  : i32 {
      %parallel_loop3A_1001 = arith.constant 16 : i32
      %parallel_loop3A_1002 = arith.muli %parallel_loop3A_1000, %parallel_loop3A_1001 : i32
      %parallel_loop3A_1003 = arith.constant 0 : i32
      %parallel_loop3A_1004 = arith.addi %parallel_loop3A_1003, %parallel_loop3A_1002 : i32
      %parallel_loop3A_1005 = arith.index_cast %parallel_loop3A_1004 : i32 to index
      %parallel_loop3A_1006 = tpu.vector_load %arg11[%parallel_loop3A_1005] {strides = array<i32>} : memref<16384xi32, #tpu.memory_space<vmem>>, vector<16xi32>,
      %parallel_loop3A_1007 = arith.constant 16 : i32
      %parallel_loop3A_1008 = arith.muli %parallel_loop3A_1000, %parallel_loop3A_1007 : i32
      %parallel_loop3A_1009 = arith.index_cast %parallel_loop3A_1008 : i32 to index
      %parallel_loop3A_1010 = tpu.vector_load %arg12[%parallel_loop3A_1009] {strides = array<i32>} : memref<4096xf32, #tpu.memory_space<vmem>>, vector<16xf32>,
      %parallel_loop3A_1011 = arith.constant 50048 : i32
      %parallel_loop3A_1012 = vector.broadcast %parallel_loop3A_1011 : i32 to vector<16xi32>
      %parallel_loop3A_1013 = arith.cmpi slt, %parallel_loop3A_1006, %parallel_loop3A_1012 : vector<16xi32>
      tpu.vector_store_idx %arg9[%parallel_loop3A_1006], %parallel_loop3A_1010 masked %parallel_loop3A_1013 {add = true} : memref<50048xf32, #tpu.memory_space<vmem>>[vector<16xi32>], vector<16xf32>, vector<16xi1>
    } {sc.loop_unroll_factor = 8 : i64, sc.parallel_access}
    %dma_wait3A_295 = arith.constant 0 : i32
    %dma_wait3A_296 = tpu.memref_slice %arg5[%dma_wait3A_295] : memref<16384xf32, #tpu.memory_space<hbm>> -> memref<4096xf32, #tpu.memory_space<hbm>>
    %dma_wait3A_297 = arith.constant 0 : i32
    %dma_wait3A_298 = tpu.memref_slice %arg5[%dma_wait3A_297] : memref<16384xf32, #tpu.memory_space<hbm>> -> memref<4096xf32, #tpu.memory_space<hbm>>
    tpu.wait_dma2 semaphore(%arg20 : memref<!tpu.dma_semaphore, #tpu.memory_space<semaphore_mem>>) src(%dma_wait3A_298 : memref<4096xf32, #tpu.memory_space<hbm>>) dst(%arg13 : memref<4096xf32, #tpu.memory_space<vmem>>)
    %add3A_299 = arith.constant 192 : i32
    %add3A_300 = arith.addi %add3A_299, %add3A : i32
    %jit3A_301 = arith.constant 200 : i32
    %eq3A_302 = arith.constant 0 : i32
    %eq3A_303 = arith.cmpi eq, %jit3A_301, %eq3A_302 : i32
    %jit3A_304 = arith.constant 1 : i32
    %select_n3A_305 = arith.select %eq3A_303, %jit3A_304, %jit3A_301 : i32
    %rem3A_306 = arith.remsi %add3A_300, %select_n3A_305 : i32
    %ne3A_307 = arith.constant 0 : i32
    %ne3A_308 = arith.cmpi ne, %rem3A_306, %ne3A_307 : i32
    %lt3A_309 = arith.constant 0 : i32
    %lt3A_310 = arith.cmpi slt, %rem3A_306, %lt3A_309 : i32
    %lt3A_311 = arith.constant 0 : i32
    %lt3A_312 = arith.cmpi slt, %select_n3A_305, %lt3A_311 : i32
    %ne3A_313 = arith.xori %lt3A_310, %lt3A_312 : i1
    %and3A_314 = arith.andi %ne3A_313, %ne3A_308 : i1
    %add3A_315 = arith.addi %rem3A_306, %select_n3A_305 : i32
    %select_n3A_316 = arith.select %and3A_314, %add3A_315, %rem3A_306 : i32
    %jit3A_317 = arith.constant 2 : i32
    %div3A_318 = arith.divsi %select_n3A_316, %jit3A_317 : i32
    %sign3A_319 = arith.constant 0 : i32
    %sign3A_320 = arith.cmpi sgt, %select_n3A_316, %sign3A_319 : i32
    %sign3A_321 = arith.extui %sign3A_320 : i1 to i32
    %sign3A_322 = arith.constant 0 : i32
    %sign3A_323 = arith.cmpi slt, %select_n3A_316, %sign3A_322 : i32
    %sign3A_324 = arith.extui %sign3A_323 : i1 to i32
    %sign3A_325 = arith.subi %sign3A_321, %sign3A_324 : i32
    %sign3A_326 = arith.constant 0 : i32
    %sign3A_327 = arith.cmpi sgt, %jit3A_317, %sign3A_326 : i32
    %sign3A_328 = arith.extui %sign3A_327 : i1 to i32
    %sign3A_329 = arith.constant 0 : i32
    %sign3A_330 = arith.cmpi slt, %jit3A_317, %sign3A_329 : i32
    %sign3A_331 = arith.extui %sign3A_330 : i1 to i32
    %sign3A_332 = arith.subi %sign3A_328, %sign3A_331 : i32
    %ne3A_333 = arith.cmpi ne, %sign3A_325, %sign3A_332 : i32
    %rem3A_334 = arith.remsi %select_n3A_316, %jit3A_317 : i32
    %ne3A_335 = arith.constant 0 : i32
    %ne3A_336 = arith.cmpi ne, %rem3A_334, %ne3A_335 : i32
    %and3A_337 = arith.andi %ne3A_333, %ne3A_336 : i1
    %sub3A_338 = arith.constant 1 : i32
    %sub3A_339 = arith.subi %div3A_318, %sub3A_338 : i32
    %select_n3A_340 = arith.select %and3A_337, %sub3A_339, %div3A_318 : i32
    %jit3A_341 = arith.constant 2 : i32
    %eq3A_342 = arith.constant 0 : i32
    %eq3A_343 = arith.cmpi eq, %jit3A_341, %eq3A_342 : i32
    %jit3A_344 = arith.constant 1 : i32
    %select_n3A_345 = arith.select %eq3A_343, %jit3A_344, %jit3A_341 : i32
    %rem3A_346 = arith.remsi %select_n3A_316, %select_n3A_345 : i32
    %ne3A_347 = arith.constant 0 : i32
    %ne3A_348 = arith.cmpi ne, %rem3A_346, %ne3A_347 : i32
    %lt3A_349 = arith.constant 0 : i32
    %lt3A_350 = arith.cmpi slt, %rem3A_346, %lt3A_349 : i32
    %lt3A_351 = arith.constant 0 : i32
    %lt3A_352 = arith.cmpi slt, %select_n3A_345, %lt3A_351 : i32
    %ne3A_353 = arith.xori %lt3A_350, %lt3A_352 : i1
    %and3A_354 = arith.andi %ne3A_353, %ne3A_348 : i1
    %add3A_355 = arith.addi %rem3A_346, %select_n3A_345 : i32
    %select_n3A_356 = arith.select %and3A_354, %add3A_355, %rem3A_346 : i32
    %eq3A_357 = arith.constant 0 : i32
    %eq3A_358 = arith.cmpi eq, %select_n3A_356, %eq3A_357 : i32
    %convert_element_type3A_359 = arith.extui %eq3A_358 : i1 to i32
    %cond3A_360 = arith.constant 0 : i32
    %cond3A_361 = arith.cmpi ne, %convert_element_type3A_359, %cond3A_360 : i32
    scf.if %cond3A_361 {
      %dma_start3A_1000 = arith.constant 8192 : i32
      %dma_start3A_1001 = tpu.memref_slice %arg5[%dma_start3A_1000] : memref<16384xf32, #tpu.memory_space<hbm>> -> memref<4096xf32, #tpu.memory_space<hbm>>
      %dma_start3A_1002 = arith.constant 8192 : i32
      %dma_start3A_1003 = tpu.memref_slice %arg5[%dma_start3A_1002] : memref<16384xf32, #tpu.memory_space<hbm>> -> memref<4096xf32, #tpu.memory_space<hbm>>
      tpu.enqueue_dma source(%dma_start3A_1003 : memref<4096xf32, #tpu.memory_space<hbm>>) target(%arg12 : memref<4096xf32, #tpu.memory_space<vmem>>) target_semaphore(%arg19 : memref<!tpu.dma_semaphore, #tpu.memory_space<semaphore_mem>>)
    } else {
    }
    %eq3A_362 = arith.constant 1 : i32
    %eq3A_363 = arith.cmpi eq, %select_n3A_356, %eq3A_362 : i32
    %convert_element_type3A_364 = arith.extui %eq3A_363 : i1 to i32
    %cond3A_365 = arith.constant 0 : i32
    %cond3A_366 = arith.cmpi ne, %convert_element_type3A_364, %cond3A_365 : i32
    scf.if %cond3A_366 {
      %dma_start3A_1000 = arith.constant 8192 : i32
      %dma_start3A_1001 = tpu.memref_slice %arg6[%dma_start3A_1000] : memref<16384xf32, #tpu.memory_space<hbm>> -> memref<4096xf32, #tpu.memory_space<hbm>>
      %dma_start3A_1002 = arith.constant 8192 : i32
      %dma_start3A_1003 = tpu.memref_slice %arg6[%dma_start3A_1002] : memref<16384xf32, #tpu.memory_space<hbm>> -> memref<4096xf32, #tpu.memory_space<hbm>>
      tpu.enqueue_dma source(%dma_start3A_1003 : memref<4096xf32, #tpu.memory_space<hbm>>) target(%arg12 : memref<4096xf32, #tpu.memory_space<vmem>>) target_semaphore(%arg19 : memref<!tpu.dma_semaphore, #tpu.memory_space<semaphore_mem>>)
    } else {
    }
    %parallel_loop3A_367 = arith.constant 0 : i32
    %parallel_loop3A_368 = arith.constant 256 : i32
    %parallel_loop3A_369 = arith.constant 1 : i32
    scf.for %parallel_loop3A_1000 = %parallel_loop3A_367 to %parallel_loop3A_368 step %parallel_loop3A_369  : i32 {
      %parallel_loop3A_1001 = arith.constant 16 : i32
      %parallel_loop3A_1002 = arith.muli %parallel_loop3A_1000, %parallel_loop3A_1001 : i32
      %parallel_loop3A_1003 = arith.constant 4096 : i32
      %parallel_loop3A_1004 = arith.addi %parallel_loop3A_1003, %parallel_loop3A_1002 : i32
      %parallel_loop3A_1005 = arith.index_cast %parallel_loop3A_1004 : i32 to index
      %parallel_loop3A_1006 = tpu.vector_load %arg11[%parallel_loop3A_1005] {strides = array<i32>} : memref<16384xi32, #tpu.memory_space<vmem>>, vector<16xi32>,
      %parallel_loop3A_1007 = arith.constant 16 : i32
      %parallel_loop3A_1008 = arith.muli %parallel_loop3A_1000, %parallel_loop3A_1007 : i32
      %parallel_loop3A_1009 = arith.index_cast %parallel_loop3A_1008 : i32 to index
      %parallel_loop3A_1010 = tpu.vector_load %arg13[%parallel_loop3A_1009] {strides = array<i32>} : memref<4096xf32, #tpu.memory_space<vmem>>, vector<16xf32>,
      %parallel_loop3A_1011 = arith.constant 50048 : i32
      %parallel_loop3A_1012 = vector.broadcast %parallel_loop3A_1011 : i32 to vector<16xi32>
      %parallel_loop3A_1013 = arith.cmpi slt, %parallel_loop3A_1006, %parallel_loop3A_1012 : vector<16xi32>
      tpu.vector_store_idx %arg9[%parallel_loop3A_1006], %parallel_loop3A_1010 masked %parallel_loop3A_1013 {add = true} : memref<50048xf32, #tpu.memory_space<vmem>>[vector<16xi32>], vector<16xf32>, vector<16xi1>
    } {sc.loop_unroll_factor = 8 : i64, sc.parallel_access}
    %dma_wait3A_370 = arith.constant 0 : i32
    %dma_wait3A_371 = arith.constant 0 : i32
    %dma_wait3A_372 = tpu.memref_slice %arg7[%dma_wait3A_370, %dma_wait3A_371] : memref<100x100000xf32, #tpu.memory_space<hbm>> -> memref<1x100000xf32, #tpu.memory_space<hbm>>
    %dma_wait3A_373 = tpu.memref_squeeze %dma_wait3A_372 : memref<1x100000xf32, #tpu.memory_space<hbm>> -> memref<100000xf32, #tpu.memory_space<hbm>>
    %dma_wait3A_374 = arith.constant 50048 : i32
    %dma_wait3A_375 = tpu.memref_slice %dma_wait3A_373[%dma_wait3A_374] : memref<100000xf32, #tpu.memory_space<hbm>> -> memref<49952xf32, #tpu.memory_space<hbm>>
    %dma_wait3A_376 = arith.constant 0 : i32
    %dma_wait3A_377 = tpu.memref_slice %arg7[%dma_wait3A_370, %dma_wait3A_376] : memref<100x100000xf32, #tpu.memory_space<hbm>> -> memref<1x100000xf32, #tpu.memory_space<hbm>>
    %dma_wait3A_378 = tpu.memref_squeeze %dma_wait3A_377 : memref<1x100000xf32, #tpu.memory_space<hbm>> -> memref<100000xf32, #tpu.memory_space<hbm>>
    %dma_wait3A_379 = arith.constant 50048 : i32
    %dma_wait3A_380 = tpu.memref_slice %dma_wait3A_378[%dma_wait3A_379] : memref<100000xf32, #tpu.memory_space<hbm>> -> memref<49952xf32, #tpu.memory_space<hbm>>
    tpu.wait_dma2 semaphore(%arg17 : memref<!tpu.dma_semaphore, #tpu.memory_space<semaphore_mem>>) src(%arg10 : memref<49952xf32, #tpu.memory_space<vmem>>) dst(%dma_wait3A_380 : memref<49952xf32, #tpu.memory_space<hbm>>)
    %add3A_381 = arith.constant 192 : i32
    %add3A_382 = arith.addi %add3A_381, %add3A : i32
    %jit3A_383 = arith.constant 200 : i32
    %eq3A_384 = arith.constant 0 : i32
    %eq3A_385 = arith.cmpi eq, %jit3A_383, %eq3A_384 : i32
    %jit3A_386 = arith.constant 1 : i32
    %select_n3A_387 = arith.select %eq3A_385, %jit3A_386, %jit3A_383 : i32
    %rem3A_388 = arith.remsi %add3A_382, %select_n3A_387 : i32
    %ne3A_389 = arith.constant 0 : i32
    %ne3A_390 = arith.cmpi ne, %rem3A_388, %ne3A_389 : i32
    %lt3A_391 = arith.constant 0 : i32
    %lt3A_392 = arith.cmpi slt, %rem3A_388, %lt3A_391 : i32
    %lt3A_393 = arith.constant 0 : i32
    %lt3A_394 = arith.cmpi slt, %select_n3A_387, %lt3A_393 : i32
    %ne3A_395 = arith.xori %lt3A_392, %lt3A_394 : i1
    %and3A_396 = arith.andi %ne3A_395, %ne3A_390 : i1
    %add3A_397 = arith.addi %rem3A_388, %select_n3A_387 : i32
    %select_n3A_398 = arith.select %and3A_396, %add3A_397, %rem3A_388 : i32
    %jit3A_399 = arith.constant 2 : i32
    %div3A_400 = arith.divsi %select_n3A_398, %jit3A_399 : i32
    %sign3A_401 = arith.constant 0 : i32
    %sign3A_402 = arith.cmpi sgt, %select_n3A_398, %sign3A_401 : i32
    %sign3A_403 = arith.extui %sign3A_402 : i1 to i32
    %sign3A_404 = arith.constant 0 : i32
    %sign3A_405 = arith.cmpi slt, %select_n3A_398, %sign3A_404 : i32
    %sign3A_406 = arith.extui %sign3A_405 : i1 to i32
    %sign3A_407 = arith.subi %sign3A_403, %sign3A_406 : i32
    %sign3A_408 = arith.constant 0 : i32
    %sign3A_409 = arith.cmpi sgt, %jit3A_399, %sign3A_408 : i32
    %sign3A_410 = arith.extui %sign3A_409 : i1 to i32
    %sign3A_411 = arith.constant 0 : i32
    %sign3A_412 = arith.cmpi slt, %jit3A_399, %sign3A_411 : i32
    %sign3A_413 = arith.extui %sign3A_412 : i1 to i32
    %sign3A_414 = arith.subi %sign3A_410, %sign3A_413 : i32
    %ne3A_415 = arith.cmpi ne, %sign3A_407, %sign3A_414 : i32
    %rem3A_416 = arith.remsi %select_n3A_398, %jit3A_399 : i32
    %ne3A_417 = arith.constant 0 : i32
    %ne3A_418 = arith.cmpi ne, %rem3A_416, %ne3A_417 : i32
    %and3A_419 = arith.andi %ne3A_415, %ne3A_418 : i1
    %sub3A_420 = arith.constant 1 : i32
    %sub3A_421 = arith.subi %div3A_400, %sub3A_420 : i32
    %select_n3A_422 = arith.select %and3A_419, %sub3A_421, %div3A_400 : i32
    %jit3A_423 = arith.constant 2 : i32
    %eq3A_424 = arith.constant 0 : i32
    %eq3A_425 = arith.cmpi eq, %jit3A_423, %eq3A_424 : i32
    %jit3A_426 = arith.constant 1 : i32
    %select_n3A_427 = arith.select %eq3A_425, %jit3A_426, %jit3A_423 : i32
    %rem3A_428 = arith.remsi %select_n3A_398, %select_n3A_427 : i32
    %ne3A_429 = arith.constant 0 : i32
    %ne3A_430 = arith.cmpi ne, %rem3A_428, %ne3A_429 : i32
    %lt3A_431 = arith.constant 0 : i32
    %lt3A_432 = arith.cmpi slt, %rem3A_428, %lt3A_431 : i32
    %lt3A_433 = arith.constant 0 : i32
    %lt3A_434 = arith.cmpi slt, %select_n3A_427, %lt3A_433 : i32
    %ne3A_435 = arith.xori %lt3A_432, %lt3A_434 : i1
    %and3A_436 = arith.andi %ne3A_435, %ne3A_430 : i1
    %add3A_437 = arith.addi %rem3A_428, %select_n3A_427 : i32
    %select_n3A_438 = arith.select %and3A_436, %add3A_437, %rem3A_428 : i32
    %eq3A_439 = arith.constant 0 : i32
    %eq3A_440 = arith.cmpi eq, %select_n3A_438, %eq3A_439 : i32
    %convert_element_type3A_441 = arith.extui %eq3A_440 : i1 to i32
    %cond3A_442 = arith.constant 0 : i32
    %cond3A_443 = arith.cmpi ne, %convert_element_type3A_441, %cond3A_442 : i32
    scf.if %cond3A_443 {
      %dma_start3A_1000 = arith.constant 0 : i32
      %dma_start3A_1001 = tpu.memref_slice %arg2[%select_n3A_422, %dma_start3A_1000] : memref<100x100000xf32, #tpu.memory_space<hbm>> -> memref<1x100000xf32, #tpu.memory_space<hbm>>
      %dma_start3A_1002 = tpu.memref_squeeze %dma_start3A_1001 : memref<1x100000xf32, #tpu.memory_space<hbm>> -> memref<100000xf32, #tpu.memory_space<hbm>>
      %dma_start3A_1003 = arith.constant 50048 : i32
      %dma_start3A_1004 = tpu.memref_slice %dma_start3A_1002[%dma_start3A_1003] : memref<100000xf32, #tpu.memory_space<hbm>> -> memref<49952xf32, #tpu.memory_space<hbm>>
      %dma_start3A_1005 = arith.constant 0 : i32
      %dma_start3A_1006 = tpu.memref_slice %arg2[%select_n3A_422, %dma_start3A_1005] : memref<100x100000xf32, #tpu.memory_space<hbm>> -> memref<1x100000xf32, #tpu.memory_space<hbm>>
      %dma_start3A_1007 = tpu.memref_squeeze %dma_start3A_1006 : memref<1x100000xf32, #tpu.memory_space<hbm>> -> memref<100000xf32, #tpu.memory_space<hbm>>
      %dma_start3A_1008 = arith.constant 50048 : i32
      %dma_start3A_1009 = tpu.memref_slice %dma_start3A_1007[%dma_start3A_1008] : memref<100000xf32, #tpu.memory_space<hbm>> -> memref<49952xf32, #tpu.memory_space<hbm>>
      tpu.enqueue_dma source(%dma_start3A_1009 : memref<49952xf32, #tpu.memory_space<hbm>>) target(%arg10 : memref<49952xf32, #tpu.memory_space<vmem>>) target_semaphore(%arg15 : memref<!tpu.dma_semaphore, #tpu.memory_space<semaphore_mem>>)
    } else {
    }
    %eq3A_444 = arith.constant 1 : i32
    %eq3A_445 = arith.cmpi eq, %select_n3A_438, %eq3A_444 : i32
    %convert_element_type3A_446 = arith.extui %eq3A_445 : i1 to i32
    %cond3A_447 = arith.constant 0 : i32
    %cond3A_448 = arith.cmpi ne, %convert_element_type3A_446, %cond3A_447 : i32
    scf.if %cond3A_448 {
      %dma_start3A_1000 = arith.constant 0 : i32
      %dma_start3A_1001 = tpu.memref_slice %arg3[%select_n3A_422, %dma_start3A_1000] : memref<100x100000xf32, #tpu.memory_space<hbm>> -> memref<1x100000xf32, #tpu.memory_space<hbm>>
      %dma_start3A_1002 = tpu.memref_squeeze %dma_start3A_1001 : memref<1x100000xf32, #tpu.memory_space<hbm>> -> memref<100000xf32, #tpu.memory_space<hbm>>
      %dma_start3A_1003 = arith.constant 50048 : i32
      %dma_start3A_1004 = tpu.memref_slice %dma_start3A_1002[%dma_start3A_1003] : memref<100000xf32, #tpu.memory_space<hbm>> -> memref<49952xf32, #tpu.memory_space<hbm>>
      %dma_start3A_1005 = arith.constant 0 : i32
      %dma_start3A_1006 = tpu.memref_slice %arg3[%select_n3A_422, %dma_start3A_1005] : memref<100x100000xf32, #tpu.memory_space<hbm>> -> memref<1x100000xf32, #tpu.memory_space<hbm>>
      %dma_start3A_1007 = tpu.memref_squeeze %dma_start3A_1006 : memref<1x100000xf32, #tpu.memory_space<hbm>> -> memref<100000xf32, #tpu.memory_space<hbm>>
      %dma_start3A_1008 = arith.constant 50048 : i32
      %dma_start3A_1009 = tpu.memref_slice %dma_start3A_1007[%dma_start3A_1008] : memref<100000xf32, #tpu.memory_space<hbm>> -> memref<49952xf32, #tpu.memory_space<hbm>>
      tpu.enqueue_dma source(%dma_start3A_1009 : memref<49952xf32, #tpu.memory_space<hbm>>) target(%arg10 : memref<49952xf32, #tpu.memory_space<vmem>>) target_semaphore(%arg15 : memref<!tpu.dma_semaphore, #tpu.memory_space<semaphore_mem>>)
    } else {
    }
    %dma_wait3A_449 = arith.constant 0 : i32
    %dma_wait3A_450 = tpu.memref_slice %arg5[%dma_wait3A_449] : memref<16384xf32, #tpu.memory_space<hbm>> -> memref<4096xf32, #tpu.memory_space<hbm>>
    %dma_wait3A_451 = arith.constant 0 : i32
    %dma_wait3A_452 = tpu.memref_slice %arg5[%dma_wait3A_451] : memref<16384xf32, #tpu.memory_space<hbm>> -> memref<4096xf32, #tpu.memory_space<hbm>>
    tpu.wait_dma2 semaphore(%arg19 : memref<!tpu.dma_semaphore, #tpu.memory_space<semaphore_mem>>) src(%dma_wait3A_452 : memref<4096xf32, #tpu.memory_space<hbm>>) dst(%arg12 : memref<4096xf32, #tpu.memory_space<vmem>>)
    %add3A_453 = arith.constant 192 : i32
    %add3A_454 = arith.addi %add3A_453, %add3A : i32
    %jit3A_455 = arith.constant 200 : i32
    %eq3A_456 = arith.constant 0 : i32
    %eq3A_457 = arith.cmpi eq, %jit3A_455, %eq3A_456 : i32
    %jit3A_458 = arith.constant 1 : i32
    %select_n3A_459 = arith.select %eq3A_457, %jit3A_458, %jit3A_455 : i32
    %rem3A_460 = arith.remsi %add3A_454, %select_n3A_459 : i32
    %ne3A_461 = arith.constant 0 : i32
    %ne3A_462 = arith.cmpi ne, %rem3A_460, %ne3A_461 : i32
    %lt3A_463 = arith.constant 0 : i32
    %lt3A_464 = arith.cmpi slt, %rem3A_460, %lt3A_463 : i32
    %lt3A_465 = arith.constant 0 : i32
    %lt3A_466 = arith.cmpi slt, %select_n3A_459, %lt3A_465 : i32
    %ne3A_467 = arith.xori %lt3A_464, %lt3A_466 : i1
    %and3A_468 = arith.andi %ne3A_467, %ne3A_462 : i1
    %add3A_469 = arith.addi %rem3A_460, %select_n3A_459 : i32
    %select_n3A_470 = arith.select %and3A_468, %add3A_469, %rem3A_460 : i32
    %jit3A_471 = arith.constant 2 : i32
    %div3A_472 = arith.divsi %select_n3A_470, %jit3A_471 : i32
    %sign3A_473 = arith.constant 0 : i32
    %sign3A_474 = arith.cmpi sgt, %select_n3A_470, %sign3A_473 : i32
    %sign3A_475 = arith.extui %sign3A_474 : i1 to i32
    %sign3A_476 = arith.constant 0 : i32
    %sign3A_477 = arith.cmpi slt, %select_n3A_470, %sign3A_476 : i32
    %sign3A_478 = arith.extui %sign3A_477 : i1 to i32
    %sign3A_479 = arith.subi %sign3A_475, %sign3A_478 : i32
    %sign3A_480 = arith.constant 0 : i32
    %sign3A_481 = arith.cmpi sgt, %jit3A_471, %sign3A_480 : i32
    %sign3A_482 = arith.extui %sign3A_481 : i1 to i32
    %sign3A_483 = arith.constant 0 : i32
    %sign3A_484 = arith.cmpi slt, %jit3A_471, %sign3A_483 : i32
    %sign3A_485 = arith.extui %sign3A_484 : i1 to i32
    %sign3A_486 = arith.subi %sign3A_482, %sign3A_485 : i32
    %ne3A_487 = arith.cmpi ne, %sign3A_479, %sign3A_486 : i32
    %rem3A_488 = arith.remsi %select_n3A_470, %jit3A_471 : i32
    %ne3A_489 = arith.constant 0 : i32
    %ne3A_490 = arith.cmpi ne, %rem3A_488, %ne3A_489 : i32
    %and3A_491 = arith.andi %ne3A_487, %ne3A_490 : i1
    %sub3A_492 = arith.constant 1 : i32
    %sub3A_493 = arith.subi %div3A_472, %sub3A_492 : i32
    %select_n3A_494 = arith.select %and3A_491, %sub3A_493, %div3A_472 : i32
    %jit3A_495 = arith.constant 2 : i32
    %eq3A_496 = arith.constant 0 : i32
    %eq3A_497 = arith.cmpi eq, %jit3A_495, %eq3A_496 : i32
    %jit3A_498 = arith.constant 1 : i32
    %select_n3A_499 = arith.select %eq3A_497, %jit3A_498, %jit3A_495 : i32
    %rem3A_500 = arith.remsi %select_n3A_470, %select_n3A_499 : i32
    %ne3A_501 = arith.constant 0 : i32
    %ne3A_502 = arith.cmpi ne, %rem3A_500, %ne3A_501 : i32
    %lt3A_503 = arith.constant 0 : i32
    %lt3A_504 = arith.cmpi slt, %rem3A_500, %lt3A_503 : i32
    %lt3A_505 = arith.constant 0 : i32
    %lt3A_506 = arith.cmpi slt, %select_n3A_499, %lt3A_505 : i32
    %ne3A_507 = arith.xori %lt3A_504, %lt3A_506 : i1
    %and3A_508 = arith.andi %ne3A_507, %ne3A_502 : i1
    %add3A_509 = arith.addi %rem3A_500, %select_n3A_499 : i32
    %select_n3A_510 = arith.select %and3A_508, %add3A_509, %rem3A_500 : i32
    %eq3A_511 = arith.constant 0 : i32
    %eq3A_512 = arith.cmpi eq, %select_n3A_510, %eq3A_511 : i32
    %convert_element_type3A_513 = arith.extui %eq3A_512 : i1 to i32
    %cond3A_514 = arith.constant 0 : i32
    %cond3A_515 = arith.cmpi ne, %convert_element_type3A_513, %cond3A_514 : i32
    scf.if %cond3A_515 {
      %dma_start3A_1000 = arith.constant 12288 : i32
      %dma_start3A_1001 = tpu.memref_slice %arg5[%dma_start3A_1000] : memref<16384xf32, #tpu.memory_space<hbm>> -> memref<4096xf32, #tpu.memory_space<hbm>>
      %dma_start3A_1002 = arith.constant 12288 : i32
      %dma_start3A_1003 = tpu.memref_slice %arg5[%dma_start3A_1002] : memref<16384xf32, #tpu.memory_space<hbm>> -> memref<4096xf32, #tpu.memory_space<hbm>>
      tpu.enqueue_dma source(%dma_start3A_1003 : memref<4096xf32, #tpu.memory_space<hbm>>) target(%arg13 : memref<4096xf32, #tpu.memory_space<vmem>>) target_semaphore(%arg20 : memref<!tpu.dma_semaphore, #tpu.memory_space<semaphore_mem>>)
    } else {
    }
    %eq3A_516 = arith.constant 1 : i32
    %eq3A_517 = arith.cmpi eq, %select_n3A_510, %eq3A_516 : i32
    %convert_element_type3A_518 = arith.extui %eq3A_517 : i1 to i32
    %cond3A_519 = arith.constant 0 : i32
    %cond3A_520 = arith.cmpi ne, %convert_element_type3A_518, %cond3A_519 : i32
    scf.if %cond3A_520 {
      %dma_start3A_1000 = arith.constant 12288 : i32
      %dma_start3A_1001 = tpu.memref_slice %arg6[%dma_start3A_1000] : memref<16384xf32, #tpu.memory_space<hbm>> -> memref<4096xf32, #tpu.memory_space<hbm>>
      %dma_start3A_1002 = arith.constant 12288 : i32
      %dma_start3A_1003 = tpu.memref_slice %arg6[%dma_start3A_1002] : memref<16384xf32, #tpu.memory_space<hbm>> -> memref<4096xf32, #tpu.memory_space<hbm>>
      tpu.enqueue_dma source(%dma_start3A_1003 : memref<4096xf32, #tpu.memory_space<hbm>>) target(%arg13 : memref<4096xf32, #tpu.memory_space<vmem>>) target_semaphore(%arg20 : memref<!tpu.dma_semaphore, #tpu.memory_space<semaphore_mem>>)
    } else {
    }
    %parallel_loop3A_521 = arith.constant 0 : i32
    %parallel_loop3A_522 = arith.constant 256 : i32
    %parallel_loop3A_523 = arith.constant 1 : i32
    scf.for %parallel_loop3A_1000 = %parallel_loop3A_521 to %parallel_loop3A_522 step %parallel_loop3A_523  : i32 {
      %parallel_loop3A_1001 = arith.constant 16 : i32
      %parallel_loop3A_1002 = arith.muli %parallel_loop3A_1000, %parallel_loop3A_1001 : i32
      %parallel_loop3A_1003 = arith.constant 8192 : i32
      %parallel_loop3A_1004 = arith.addi %parallel_loop3A_1003, %parallel_loop3A_1002 : i32
      %parallel_loop3A_1005 = arith.index_cast %parallel_loop3A_1004 : i32 to index
      %parallel_loop3A_1006 = tpu.vector_load %arg11[%parallel_loop3A_1005] {strides = array<i32>} : memref<16384xi32, #tpu.memory_space<vmem>>, vector<16xi32>,
      %parallel_loop3A_1007 = arith.constant 16 : i32
      %parallel_loop3A_1008 = arith.muli %parallel_loop3A_1000, %parallel_loop3A_1007 : i32
      %parallel_loop3A_1009 = arith.index_cast %parallel_loop3A_1008 : i32 to index
      %parallel_loop3A_1010 = tpu.vector_load %arg12[%parallel_loop3A_1009] {strides = array<i32>} : memref<4096xf32, #tpu.memory_space<vmem>>, vector<16xf32>,
      %parallel_loop3A_1011 = arith.constant 50048 : i32
      %parallel_loop3A_1012 = vector.broadcast %parallel_loop3A_1011 : i32 to vector<16xi32>
      %parallel_loop3A_1013 = arith.cmpi slt, %parallel_loop3A_1006, %parallel_loop3A_1012 : vector<16xi32>
      tpu.vector_store_idx %arg9[%parallel_loop3A_1006], %parallel_loop3A_1010 masked %parallel_loop3A_1013 {add = true} : memref<50048xf32, #tpu.memory_space<vmem>>[vector<16xi32>], vector<16xf32>, vector<16xi1>
    } {sc.loop_unroll_factor = 8 : i64, sc.parallel_access}
    %dma_wait3A_524 = arith.constant 0 : i32
    %dma_wait3A_525 = tpu.memref_slice %arg5[%dma_wait3A_524] : memref<16384xf32, #tpu.memory_space<hbm>> -> memref<4096xf32, #tpu.memory_space<hbm>>
    %dma_wait3A_526 = arith.constant 0 : i32
    %dma_wait3A_527 = tpu.memref_slice %arg5[%dma_wait3A_526] : memref<16384xf32, #tpu.memory_space<hbm>> -> memref<4096xf32, #tpu.memory_space<hbm>>
    tpu.wait_dma2 semaphore(%arg20 : memref<!tpu.dma_semaphore, #tpu.memory_space<semaphore_mem>>) src(%dma_wait3A_527 : memref<4096xf32, #tpu.memory_space<hbm>>) dst(%arg13 : memref<4096xf32, #tpu.memory_space<vmem>>)
    %add3A_528 = arith.constant 192 : i32
    %add3A_529 = arith.addi %add3A_528, %add3A : i32
    %jit3A_530 = arith.constant 200 : i32
    %eq3A_531 = arith.constant 0 : i32
    %eq3A_532 = arith.cmpi eq, %jit3A_530, %eq3A_531 : i32
    %jit3A_533 = arith.constant 1 : i32
    %select_n3A_534 = arith.select %eq3A_532, %jit3A_533, %jit3A_530 : i32
    %rem3A_535 = arith.remsi %add3A_529, %select_n3A_534 : i32
    %ne3A_536 = arith.constant 0 : i32
    %ne3A_537 = arith.cmpi ne, %rem3A_535, %ne3A_536 : i32
    %lt3A_538 = arith.constant 0 : i32
    %lt3A_539 = arith.cmpi slt, %rem3A_535, %lt3A_538 : i32
    %lt3A_540 = arith.constant 0 : i32
    %lt3A_541 = arith.cmpi slt, %select_n3A_534, %lt3A_540 : i32
    %ne3A_542 = arith.xori %lt3A_539, %lt3A_541 : i1
    %and3A_543 = arith.andi %ne3A_542, %ne3A_537 : i1
    %add3A_544 = arith.addi %rem3A_535, %select_n3A_534 : i32
    %select_n3A_545 = arith.select %and3A_543, %add3A_544, %rem3A_535 : i32
    %jit3A_546 = arith.constant 2 : i32
    %div3A_547 = arith.divsi %select_n3A_545, %jit3A_546 : i32
    %sign3A_548 = arith.constant 0 : i32
    %sign3A_549 = arith.cmpi sgt, %select_n3A_545, %sign3A_548 : i32
    %sign3A_550 = arith.extui %sign3A_549 : i1 to i32
    %sign3A_551 = arith.constant 0 : i32
    %sign3A_552 = arith.cmpi slt, %select_n3A_545, %sign3A_551 : i32
    %sign3A_553 = arith.extui %sign3A_552 : i1 to i32
    %sign3A_554 = arith.subi %sign3A_550, %sign3A_553 : i32
    %sign3A_555 = arith.constant 0 : i32
    %sign3A_556 = arith.cmpi sgt, %jit3A_546, %sign3A_555 : i32
    %sign3A_557 = arith.extui %sign3A_556 : i1 to i32
    %sign3A_558 = arith.constant 0 : i32
    %sign3A_559 = arith.cmpi slt, %jit3A_546, %sign3A_558 : i32
    %sign3A_560 = arith.extui %sign3A_559 : i1 to i32
    %sign3A_561 = arith.subi %sign3A_557, %sign3A_560 : i32
    %ne3A_562 = arith.cmpi ne, %sign3A_554, %sign3A_561 : i32
    %rem3A_563 = arith.remsi %select_n3A_545, %jit3A_546 : i32
    %ne3A_564 = arith.constant 0 : i32
    %ne3A_565 = arith.cmpi ne, %rem3A_563, %ne3A_564 : i32
    %and3A_566 = arith.andi %ne3A_562, %ne3A_565 : i1
    %sub3A_567 = arith.constant 1 : i32
    %sub3A_568 = arith.subi %div3A_547, %sub3A_567 : i32
    %select_n3A_569 = arith.select %and3A_566, %sub3A_568, %div3A_547 : i32
    %jit3A_570 = arith.constant 2 : i32
    %eq3A_571 = arith.constant 0 : i32
    %eq3A_572 = arith.cmpi eq, %jit3A_570, %eq3A_571 : i32
    %jit3A_573 = arith.constant 1 : i32
    %select_n3A_574 = arith.select %eq3A_572, %jit3A_573, %jit3A_570 : i32
    %rem3A_575 = arith.remsi %select_n3A_545, %select_n3A_574 : i32
    %ne3A_576 = arith.constant 0 : i32
    %ne3A_577 = arith.cmpi ne, %rem3A_575, %ne3A_576 : i32
    %lt3A_578 = arith.constant 0 : i32
    %lt3A_579 = arith.cmpi slt, %rem3A_575, %lt3A_578 : i32
    %lt3A_580 = arith.constant 0 : i32
    %lt3A_581 = arith.cmpi slt, %select_n3A_574, %lt3A_580 : i32
    %ne3A_582 = arith.xori %lt3A_579, %lt3A_581 : i1
    %and3A_583 = arith.andi %ne3A_582, %ne3A_577 : i1
    %add3A_584 = arith.addi %rem3A_575, %select_n3A_574 : i32
    %select_n3A_585 = arith.select %and3A_583, %add3A_584, %rem3A_575 : i32
    %eq3A_586 = arith.constant 0 : i32
    %eq3A_587 = arith.cmpi eq, %select_n3A_585, %eq3A_586 : i32
    %convert_element_type3A_588 = arith.extui %eq3A_587 : i1 to i32
    %cond3A_589 = arith.constant 0 : i32
    %cond3A_590 = arith.cmpi ne, %convert_element_type3A_588, %cond3A_589 : i32
    scf.if %cond3A_590 {
      %dma_start3A_1000 = arith.constant 0 : i32
      %dma_start3A_1001 = tpu.memref_slice %arg5[%dma_start3A_1000] : memref<16384xf32, #tpu.memory_space<hbm>> -> memref<4096xf32, #tpu.memory_space<hbm>>
      %dma_start3A_1002 = arith.constant 0 : i32
      %dma_start3A_1003 = tpu.memref_slice %arg5[%dma_start3A_1002] : memref<16384xf32, #tpu.memory_space<hbm>> -> memref<4096xf32, #tpu.memory_space<hbm>>
      tpu.enqueue_dma source(%dma_start3A_1003 : memref<4096xf32, #tpu.memory_space<hbm>>) target(%arg12 : memref<4096xf32, #tpu.memory_space<vmem>>) target_semaphore(%arg19 : memref<!tpu.dma_semaphore, #tpu.memory_space<semaphore_mem>>)
    } else {
    }
    %eq3A_591 = arith.constant 1 : i32
    %eq3A_592 = arith.cmpi eq, %select_n3A_585, %eq3A_591 : i32
    %convert_element_type3A_593 = arith.extui %eq3A_592 : i1 to i32
    %cond3A_594 = arith.constant 0 : i32
    %cond3A_595 = arith.cmpi ne, %convert_element_type3A_593, %cond3A_594 : i32
    scf.if %cond3A_595 {
      %dma_start3A_1000 = arith.constant 0 : i32
      %dma_start3A_1001 = tpu.memref_slice %arg6[%dma_start3A_1000] : memref<16384xf32, #tpu.memory_space<hbm>> -> memref<4096xf32, #tpu.memory_space<hbm>>
      %dma_start3A_1002 = arith.constant 0 : i32
      %dma_start3A_1003 = tpu.memref_slice %arg6[%dma_start3A_1002] : memref<16384xf32, #tpu.memory_space<hbm>> -> memref<4096xf32, #tpu.memory_space<hbm>>
      tpu.enqueue_dma source(%dma_start3A_1003 : memref<4096xf32, #tpu.memory_space<hbm>>) target(%arg12 : memref<4096xf32, #tpu.memory_space<vmem>>) target_semaphore(%arg19 : memref<!tpu.dma_semaphore, #tpu.memory_space<semaphore_mem>>)
    } else {
    }
    %parallel_loop3A_596 = arith.constant 0 : i32
    %parallel_loop3A_597 = arith.constant 256 : i32
    %parallel_loop3A_598 = arith.constant 1 : i32
    scf.for %parallel_loop3A_1000 = %parallel_loop3A_596 to %parallel_loop3A_597 step %parallel_loop3A_598  : i32 {
      %parallel_loop3A_1001 = arith.constant 16 : i32
      %parallel_loop3A_1002 = arith.muli %parallel_loop3A_1000, %parallel_loop3A_1001 : i32
      %parallel_loop3A_1003 = arith.constant 12288 : i32
      %parallel_loop3A_1004 = arith.addi %parallel_loop3A_1003, %parallel_loop3A_1002 : i32
      %parallel_loop3A_1005 = arith.index_cast %parallel_loop3A_1004 : i32 to index
      %parallel_loop3A_1006 = tpu.vector_load %arg11[%parallel_loop3A_1005] {strides = array<i32>} : memref<16384xi32, #tpu.memory_space<vmem>>, vector<16xi32>,
      %parallel_loop3A_1007 = arith.constant 16 : i32
      %parallel_loop3A_1008 = arith.muli %parallel_loop3A_1000, %parallel_loop3A_1007 : i32
      %parallel_loop3A_1009 = arith.index_cast %parallel_loop3A_1008 : i32 to index
      %parallel_loop3A_1010 = tpu.vector_load %arg13[%parallel_loop3A_1009] {strides = array<i32>} : memref<4096xf32, #tpu.memory_space<vmem>>, vector<16xf32>,
      %parallel_loop3A_1011 = arith.constant 50048 : i32
      %parallel_loop3A_1012 = vector.broadcast %parallel_loop3A_1011 : i32 to vector<16xi32>
      %parallel_loop3A_1013 = arith.cmpi slt, %parallel_loop3A_1006, %parallel_loop3A_1012 : vector<16xi32>
      tpu.vector_store_idx %arg9[%parallel_loop3A_1006], %parallel_loop3A_1010 masked %parallel_loop3A_1013 {add = true} : memref<50048xf32, #tpu.memory_space<vmem>>[vector<16xi32>], vector<16xf32>, vector<16xi1>
    } {sc.loop_unroll_factor = 8 : i64, sc.parallel_access}
    %add3A_599 = arith.constant 192 : i32
    %add3A_600 = arith.addi %add3A_599, %add3A : i32
    %jit3A_601 = arith.constant 200 : i32
    %eq3A_602 = arith.constant 0 : i32
    %eq3A_603 = arith.cmpi eq, %jit3A_601, %eq3A_602 : i32
    %jit3A_604 = arith.constant 1 : i32
    %select_n3A_605 = arith.select %eq3A_603, %jit3A_604, %jit3A_601 : i32
    %rem3A_606 = arith.remsi %add3A_600, %select_n3A_605 : i32
    %ne3A_607 = arith.constant 0 : i32
    %ne3A_608 = arith.cmpi ne, %rem3A_606, %ne3A_607 : i32
    %lt3A_609 = arith.constant 0 : i32
    %lt3A_610 = arith.cmpi slt, %rem3A_606, %lt3A_609 : i32
    %lt3A_611 = arith.constant 0 : i32
    %lt3A_612 = arith.cmpi slt, %select_n3A_605, %lt3A_611 : i32
    %ne3A_613 = arith.xori %lt3A_610, %lt3A_612 : i1
    %and3A_614 = arith.andi %ne3A_613, %ne3A_608 : i1
    %add3A_615 = arith.addi %rem3A_606, %select_n3A_605 : i32
    %select_n3A_616 = arith.select %and3A_614, %add3A_615, %rem3A_606 : i32
    %jit3A_617 = arith.constant 2 : i32
    %div3A_618 = arith.divsi %select_n3A_616, %jit3A_617 : i32
    %sign3A_619 = arith.constant 0 : i32
    %sign3A_620 = arith.cmpi sgt, %select_n3A_616, %sign3A_619 : i32
    %sign3A_621 = arith.extui %sign3A_620 : i1 to i32
    %sign3A_622 = arith.constant 0 : i32
    %sign3A_623 = arith.cmpi slt, %select_n3A_616, %sign3A_622 : i32
    %sign3A_624 = arith.extui %sign3A_623 : i1 to i32
    %sign3A_625 = arith.subi %sign3A_621, %sign3A_624 : i32
    %sign3A_626 = arith.constant 0 : i32
    %sign3A_627 = arith.cmpi sgt, %jit3A_617, %sign3A_626 : i32
    %sign3A_628 = arith.extui %sign3A_627 : i1 to i32
    %sign3A_629 = arith.constant 0 : i32
    %sign3A_630 = arith.cmpi slt, %jit3A_617, %sign3A_629 : i32
    %sign3A_631 = arith.extui %sign3A_630 : i1 to i32
    %sign3A_632 = arith.subi %sign3A_628, %sign3A_631 : i32
    %ne3A_633 = arith.cmpi ne, %sign3A_625, %sign3A_632 : i32
    %rem3A_634 = arith.remsi %select_n3A_616, %jit3A_617 : i32
    %ne3A_635 = arith.constant 0 : i32
    %ne3A_636 = arith.cmpi ne, %rem3A_634, %ne3A_635 : i32
    %and3A_637 = arith.andi %ne3A_633, %ne3A_636 : i1
    %sub3A_638 = arith.constant 1 : i32
    %sub3A_639 = arith.subi %div3A_618, %sub3A_638 : i32
    %select_n3A_640 = arith.select %and3A_637, %sub3A_639, %div3A_618 : i32
    %jit3A_641 = arith.constant 2 : i32
    %eq3A_642 = arith.constant 0 : i32
    %eq3A_643 = arith.cmpi eq, %jit3A_641, %eq3A_642 : i32
    %jit3A_644 = arith.constant 1 : i32
    %select_n3A_645 = arith.select %eq3A_643, %jit3A_644, %jit3A_641 : i32
    %rem3A_646 = arith.remsi %select_n3A_616, %select_n3A_645 : i32
    %ne3A_647 = arith.constant 0 : i32
    %ne3A_648 = arith.cmpi ne, %rem3A_646, %ne3A_647 : i32
    %lt3A_649 = arith.constant 0 : i32
    %lt3A_650 = arith.cmpi slt, %rem3A_646, %lt3A_649 : i32
    %lt3A_651 = arith.constant 0 : i32
    %lt3A_652 = arith.cmpi slt, %select_n3A_645, %lt3A_651 : i32
    %ne3A_653 = arith.xori %lt3A_650, %lt3A_652 : i1
    %and3A_654 = arith.andi %ne3A_653, %ne3A_648 : i1
    %add3A_655 = arith.addi %rem3A_646, %select_n3A_645 : i32
    %select_n3A_656 = arith.select %and3A_654, %add3A_655, %rem3A_646 : i32
    %eq3A_657 = arith.constant 0 : i32
    %eq3A_658 = arith.cmpi eq, %select_n3A_656, %eq3A_657 : i32
    %convert_element_type3A_659 = arith.extui %eq3A_658 : i1 to i32
    %cond3A_660 = arith.constant 0 : i32
    %cond3A_661 = arith.cmpi ne, %convert_element_type3A_659, %cond3A_660 : i32
    scf.if %cond3A_661 {
      %dma_start3A_1000 = arith.constant 0 : i32
      %dma_start3A_1001 = tpu.memref_slice %arg7[%select_n3A_640, %dma_start3A_1000] : memref<100x100000xf32, #tpu.memory_space<hbm>> -> memref<1x100000xf32, #tpu.memory_space<hbm>>
      %dma_start3A_1002 = tpu.memref_squeeze %dma_start3A_1001 : memref<1x100000xf32, #tpu.memory_space<hbm>> -> memref<100000xf32, #tpu.memory_space<hbm>>
      %dma_start3A_1003 = arith.constant 0 : i32
      %dma_start3A_1004 = tpu.memref_slice %dma_start3A_1002[%dma_start3A_1003] : memref<100000xf32, #tpu.memory_space<hbm>> -> memref<50048xf32, #tpu.memory_space<hbm>>
      %dma_start3A_1005 = arith.constant 0 : i32
      %dma_start3A_1006 = tpu.memref_slice %arg7[%select_n3A_640, %dma_start3A_1005] : memref<100x100000xf32, #tpu.memory_space<hbm>> -> memref<1x100000xf32, #tpu.memory_space<hbm>>
      %dma_start3A_1007 = tpu.memref_squeeze %dma_start3A_1006 : memref<1x100000xf32, #tpu.memory_space<hbm>> -> memref<100000xf32, #tpu.memory_space<hbm>>
      %dma_start3A_1008 = arith.constant 0 : i32
      %dma_start3A_1009 = tpu.memref_slice %dma_start3A_1007[%dma_start3A_1008] : memref<100000xf32, #tpu.memory_space<hbm>> -> memref<50048xf32, #tpu.memory_space<hbm>>
      tpu.enqueue_dma source(%arg9 : memref<50048xf32, #tpu.memory_space<vmem>>) target(%dma_start3A_1009 : memref<50048xf32, #tpu.memory_space<hbm>>) target_semaphore(%arg16 : memref<!tpu.dma_semaphore, #tpu.memory_space<semaphore_mem>>)
    } else {
    }
    %eq3A_662 = arith.constant 1 : i32
    %eq3A_663 = arith.cmpi eq, %select_n3A_656, %eq3A_662 : i32
    %convert_element_type3A_664 = arith.extui %eq3A_663 : i1 to i32
    %cond3A_665 = arith.constant 0 : i32
    %cond3A_666 = arith.cmpi ne, %convert_element_type3A_664, %cond3A_665 : i32
    scf.if %cond3A_666 {
      %dma_start3A_1000 = arith.constant 0 : i32
      %dma_start3A_1001 = tpu.memref_slice %arg8[%select_n3A_640, %dma_start3A_1000] : memref<100x100000xf32, #tpu.memory_space<hbm>> -> memref<1x100000xf32, #tpu.memory_space<hbm>>
      %dma_start3A_1002 = tpu.memref_squeeze %dma_start3A_1001 : memref<1x100000xf32, #tpu.memory_space<hbm>> -> memref<100000xf32, #tpu.memory_space<hbm>>
      %dma_start3A_1003 = arith.constant 0 : i32
      %dma_start3A_1004 = tpu.memref_slice %dma_start3A_1002[%dma_start3A_1003] : memref<100000xf32, #tpu.memory_space<hbm>> -> memref<50048xf32, #tpu.memory_space<hbm>>
      %dma_start3A_1005 = arith.constant 0 : i32
      %dma_start3A_1006 = tpu.memref_slice %arg8[%select_n3A_640, %dma_start3A_1005] : memref<100x100000xf32, #tpu.memory_space<hbm>> -> memref<1x100000xf32, #tpu.memory_space<hbm>>
      %dma_start3A_1007 = tpu.memref_squeeze %dma_start3A_1006 : memref<1x100000xf32, #tpu.memory_space<hbm>> -> memref<100000xf32, #tpu.memory_space<hbm>>
      %dma_start3A_1008 = arith.constant 0 : i32
      %dma_start3A_1009 = tpu.memref_slice %dma_start3A_1007[%dma_start3A_1008] : memref<100000xf32, #tpu.memory_space<hbm>> -> memref<50048xf32, #tpu.memory_space<hbm>>
      tpu.enqueue_dma source(%arg9 : memref<50048xf32, #tpu.memory_space<vmem>>) target(%dma_start3A_1009 : memref<50048xf32, #tpu.memory_space<hbm>>) target_semaphore(%arg16 : memref<!tpu.dma_semaphore, #tpu.memory_space<semaphore_mem>>)
    } else {
    }
    %dma_wait3A_667 = arith.constant 0 : i32
    %dma_wait3A_668 = arith.constant 0 : i32
    %dma_wait3A_669 = tpu.memref_slice %arg2[%dma_wait3A_667, %dma_wait3A_668] : memref<100x100000xf32, #tpu.memory_space<hbm>> -> memref<1x100000xf32, #tpu.memory_space<hbm>>
    %dma_wait3A_670 = tpu.memref_squeeze %dma_wait3A_669 : memref<1x100000xf32, #tpu.memory_space<hbm>> -> memref<100000xf32, #tpu.memory_space<hbm>>
    %dma_wait3A_671 = arith.constant 50048 : i32
    %dma_wait3A_672 = tpu.memref_slice %dma_wait3A_670[%dma_wait3A_671] : memref<100000xf32, #tpu.memory_space<hbm>> -> memref<49952xf32, #tpu.memory_space<hbm>>
    %dma_wait3A_673 = arith.constant 0 : i32
    %dma_wait3A_674 = tpu.memref_slice %arg2[%dma_wait3A_667, %dma_wait3A_673] : memref<100x100000xf32, #tpu.memory_space<hbm>> -> memref<1x100000xf32, #tpu.memory_space<hbm>>
    %dma_wait3A_675 = tpu.memref_squeeze %dma_wait3A_674 : memref<1x100000xf32, #tpu.memory_space<hbm>> -> memref<100000xf32, #tpu.memory_space<hbm>>
    %dma_wait3A_676 = arith.constant 50048 : i32
    %dma_wait3A_677 = tpu.memref_slice %dma_wait3A_675[%dma_wait3A_676] : memref<100000xf32, #tpu.memory_space<hbm>> -> memref<49952xf32, #tpu.memory_space<hbm>>
    tpu.wait_dma2 semaphore(%arg15 : memref<!tpu.dma_semaphore, #tpu.memory_space<semaphore_mem>>) src(%dma_wait3A_677 : memref<49952xf32, #tpu.memory_space<hbm>>) dst(%arg10 : memref<49952xf32, #tpu.memory_space<vmem>>)
    %dma_wait3A_678 = arith.constant 0 : i32
    %dma_wait3A_679 = tpu.memref_slice %arg5[%dma_wait3A_678] : memref<16384xf32, #tpu.memory_space<hbm>> -> memref<4096xf32, #tpu.memory_space<hbm>>
    %dma_wait3A_680 = arith.constant 0 : i32
    %dma_wait3A_681 = tpu.memref_slice %arg5[%dma_wait3A_680] : memref<16384xf32, #tpu.memory_space<hbm>> -> memref<4096xf32, #tpu.memory_space<hbm>>
    tpu.wait_dma2 semaphore(%arg19 : memref<!tpu.dma_semaphore, #tpu.memory_space<semaphore_mem>>) src(%dma_wait3A_681 : memref<4096xf32, #tpu.memory_space<hbm>>) dst(%arg12 : memref<4096xf32, #tpu.memory_space<vmem>>)
    %add3A_682 = arith.constant 192 : i32
    %add3A_683 = arith.addi %add3A_682, %add3A : i32
    %jit3A_684 = arith.constant 200 : i32
    %eq3A_685 = arith.constant 0 : i32
    %eq3A_686 = arith.cmpi eq, %jit3A_684, %eq3A_685 : i32
    %jit3A_687 = arith.constant 1 : i32
    %select_n3A_688 = arith.select %eq3A_686, %jit3A_687, %jit3A_684 : i32
    %rem3A_689 = arith.remsi %add3A_683, %select_n3A_688 : i32
    %ne3A_690 = arith.constant 0 : i32
    %ne3A_691 = arith.cmpi ne, %rem3A_689, %ne3A_690 : i32
    %lt3A_692 = arith.constant 0 : i32
    %lt3A_693 = arith.cmpi slt, %rem3A_689, %lt3A_692 : i32
    %lt3A_694 = arith.constant 0 : i32
    %lt3A_695 = arith.cmpi slt, %select_n3A_688, %lt3A_694 : i32
    %ne3A_696 = arith.xori %lt3A_693, %lt3A_695 : i1
    %and3A_697 = arith.andi %ne3A_696, %ne3A_691 : i1
    %add3A_698 = arith.addi %rem3A_689, %select_n3A_688 : i32
    %select_n3A_699 = arith.select %and3A_697, %add3A_698, %rem3A_689 : i32
    %jit3A_700 = arith.constant 2 : i32
    %div3A_701 = arith.divsi %select_n3A_699, %jit3A_700 : i32
    %sign3A_702 = arith.constant 0 : i32
    %sign3A_703 = arith.cmpi sgt, %select_n3A_699, %sign3A_702 : i32
    %sign3A_704 = arith.extui %sign3A_703 : i1 to i32
    %sign3A_705 = arith.constant 0 : i32
    %sign3A_706 = arith.cmpi slt, %select_n3A_699, %sign3A_705 : i32
    %sign3A_707 = arith.extui %sign3A_706 : i1 to i32
    %sign3A_708 = arith.subi %sign3A_704, %sign3A_707 : i32
    %sign3A_709 = arith.constant 0 : i32
    %sign3A_710 = arith.cmpi sgt, %jit3A_700, %sign3A_709 : i32
    %sign3A_711 = arith.extui %sign3A_710 : i1 to i32
    %sign3A_712 = arith.constant 0 : i32
    %sign3A_713 = arith.cmpi slt, %jit3A_700, %sign3A_712 : i32
    %sign3A_714 = arith.extui %sign3A_713 : i1 to i32
    %sign3A_715 = arith.subi %sign3A_711, %sign3A_714 : i32
    %ne3A_716 = arith.cmpi ne, %sign3A_708, %sign3A_715 : i32
    %rem3A_717 = arith.remsi %select_n3A_699, %jit3A_700 : i32
    %ne3A_718 = arith.constant 0 : i32
    %ne3A_719 = arith.cmpi ne, %rem3A_717, %ne3A_718 : i32
    %and3A_720 = arith.andi %ne3A_716, %ne3A_719 : i1
    %sub3A_721 = arith.constant 1 : i32
    %sub3A_722 = arith.subi %div3A_701, %sub3A_721 : i32
    %select_n3A_723 = arith.select %and3A_720, %sub3A_722, %div3A_701 : i32
    %jit3A_724 = arith.constant 2 : i32
    %eq3A_725 = arith.constant 0 : i32
    %eq3A_726 = arith.cmpi eq, %jit3A_724, %eq3A_725 : i32
    %jit3A_727 = arith.constant 1 : i32
    %select_n3A_728 = arith.select %eq3A_726, %jit3A_727, %jit3A_724 : i32
    %rem3A_729 = arith.remsi %select_n3A_699, %select_n3A_728 : i32
    %ne3A_730 = arith.constant 0 : i32
    %ne3A_731 = arith.cmpi ne, %rem3A_729, %ne3A_730 : i32
    %lt3A_732 = arith.constant 0 : i32
    %lt3A_733 = arith.cmpi slt, %rem3A_729, %lt3A_732 : i32
    %lt3A_734 = arith.constant 0 : i32
    %lt3A_735 = arith.cmpi slt, %select_n3A_728, %lt3A_734 : i32
    %ne3A_736 = arith.xori %lt3A_733, %lt3A_735 : i1
    %and3A_737 = arith.andi %ne3A_736, %ne3A_731 : i1
    %add3A_738 = arith.addi %rem3A_729, %select_n3A_728 : i32
    %select_n3A_739 = arith.select %and3A_737, %add3A_738, %rem3A_729 : i32
    %eq3A_740 = arith.constant 0 : i32
    %eq3A_741 = arith.cmpi eq, %select_n3A_739, %eq3A_740 : i32
    %convert_element_type3A_742 = arith.extui %eq3A_741 : i1 to i32
    %cond3A_743 = arith.constant 0 : i32
    %cond3A_744 = arith.cmpi ne, %convert_element_type3A_742, %cond3A_743 : i32
    scf.if %cond3A_744 {
      %dma_start3A_1000 = arith.constant 4096 : i32
      %dma_start3A_1001 = tpu.memref_slice %arg5[%dma_start3A_1000] : memref<16384xf32, #tpu.memory_space<hbm>> -> memref<4096xf32, #tpu.memory_space<hbm>>
      %dma_start3A_1002 = arith.constant 4096 : i32
      %dma_start3A_1003 = tpu.memref_slice %arg5[%dma_start3A_1002] : memref<16384xf32, #tpu.memory_space<hbm>> -> memref<4096xf32, #tpu.memory_space<hbm>>
      tpu.enqueue_dma source(%dma_start3A_1003 : memref<4096xf32, #tpu.memory_space<hbm>>) target(%arg13 : memref<4096xf32, #tpu.memory_space<vmem>>) target_semaphore(%arg20 : memref<!tpu.dma_semaphore, #tpu.memory_space<semaphore_mem>>)
    } else {
    }
    %eq3A_745 = arith.constant 1 : i32
    %eq3A_746 = arith.cmpi eq, %select_n3A_739, %eq3A_745 : i32
    %convert_element_type3A_747 = arith.extui %eq3A_746 : i1 to i32
    %cond3A_748 = arith.constant 0 : i32
    %cond3A_749 = arith.cmpi ne, %convert_element_type3A_747, %cond3A_748 : i32
    scf.if %cond3A_749 {
      %dma_start3A_1000 = arith.constant 4096 : i32
      %dma_start3A_1001 = tpu.memref_slice %arg6[%dma_start3A_1000] : memref<16384xf32, #tpu.memory_space<hbm>> -> memref<4096xf32, #tpu.memory_space<hbm>>
      %dma_start3A_1002 = arith.constant 4096 : i32
      %dma_start3A_1003 = tpu.memref_slice %arg6[%dma_start3A_1002] : memref<16384xf32, #tpu.memory_space<hbm>> -> memref<4096xf32, #tpu.memory_space<hbm>>
      tpu.enqueue_dma source(%dma_start3A_1003 : memref<4096xf32, #tpu.memory_space<hbm>>) target(%arg13 : memref<4096xf32, #tpu.memory_space<vmem>>) target_semaphore(%arg20 : memref<!tpu.dma_semaphore, #tpu.memory_space<semaphore_mem>>)
    } else {
    }
    %parallel_loop3A_750 = arith.constant 0 : i32
    %parallel_loop3A_751 = arith.constant 256 : i32
    %parallel_loop3A_752 = arith.constant 1 : i32
    scf.for %parallel_loop3A_1000 = %parallel_loop3A_750 to %parallel_loop3A_751 step %parallel_loop3A_752  : i32 {
      %parallel_loop3A_1001 = arith.constant 16 : i32
      %parallel_loop3A_1002 = arith.muli %parallel_loop3A_1000, %parallel_loop3A_1001 : i32
      %parallel_loop3A_1003 = arith.constant 0 : i32
      %parallel_loop3A_1004 = arith.addi %parallel_loop3A_1003, %parallel_loop3A_1002 : i32
      %parallel_loop3A_1005 = arith.index_cast %parallel_loop3A_1004 : i32 to index
      %parallel_loop3A_1006 = tpu.vector_load %arg11[%parallel_loop3A_1005] {strides = array<i32>} : memref<16384xi32, #tpu.memory_space<vmem>>, vector<16xi32>,
      %parallel_loop3A_1007 = arith.constant 16 : i32
      %parallel_loop3A_1008 = arith.muli %parallel_loop3A_1000, %parallel_loop3A_1007 : i32
      %parallel_loop3A_1009 = arith.index_cast %parallel_loop3A_1008 : i32 to index
      %parallel_loop3A_1010 = tpu.vector_load %arg12[%parallel_loop3A_1009] {strides = array<i32>} : memref<4096xf32, #tpu.memory_space<vmem>>, vector<16xf32>,
      %parallel_loop3A_1011 = arith.constant 50048 : i32
      %parallel_loop3A_1012 = vector.broadcast %parallel_loop3A_1011 : i32 to vector<16xi32>
      %parallel_loop3A_1013 = arith.cmpi sge, %parallel_loop3A_1006, %parallel_loop3A_1012 : vector<16xi32>
      %parallel_loop3A_1014 = arith.constant 50048 : i32
      %parallel_loop3A_1015 = vector.broadcast %parallel_loop3A_1014 : i32 to vector<16xi32>
      %parallel_loop3A_1016 = arith.subi %parallel_loop3A_1006, %parallel_loop3A_1015 : vector<16xi32>
      tpu.vector_store_idx %arg10[%parallel_loop3A_1016], %parallel_loop3A_1010 masked %parallel_loop3A_1013 {add = true} : memref<49952xf32, #tpu.memory_space<vmem>>[vector<16xi32>], vector<16xf32>, vector<16xi1>
    } {sc.loop_unroll_factor = 8 : i64, sc.parallel_access}
    %dma_wait3A_753 = arith.constant 0 : i32
    %dma_wait3A_754 = tpu.memref_slice %arg5[%dma_wait3A_753] : memref<16384xf32, #tpu.memory_space<hbm>> -> memref<4096xf32, #tpu.memory_space<hbm>>
    %dma_wait3A_755 = arith.constant 0 : i32
    %dma_wait3A_756 = tpu.memref_slice %arg5[%dma_wait3A_755] : memref<16384xf32, #tpu.memory_space<hbm>> -> memref<4096xf32, #tpu.memory_space<hbm>>
    tpu.wait_dma2 semaphore(%arg20 : memref<!tpu.dma_semaphore, #tpu.memory_space<semaphore_mem>>) src(%dma_wait3A_756 : memref<4096xf32, #tpu.memory_space<hbm>>) dst(%arg13 : memref<4096xf32, #tpu.memory_space<vmem>>)
    %add3A_757 = arith.constant 192 : i32
    %add3A_758 = arith.addi %add3A_757, %add3A : i32
    %jit3A_759 = arith.constant 200 : i32
    %eq3A_760 = arith.constant 0 : i32
    %eq3A_761 = arith.cmpi eq, %jit3A_759, %eq3A_760 : i32
    %jit3A_762 = arith.constant 1 : i32
    %select_n3A_763 = arith.select %eq3A_761, %jit3A_762, %jit3A_759 : i32
    %rem3A_764 = arith.remsi %add3A_758, %select_n3A_763 : i32
    %ne3A_765 = arith.constant 0 : i32
    %ne3A_766 = arith.cmpi ne, %rem3A_764, %ne3A_765 : i32
    %lt3A_767 = arith.constant 0 : i32
    %lt3A_768 = arith.cmpi slt, %rem3A_764, %lt3A_767 : i32
    %lt3A_769 = arith.constant 0 : i32
    %lt3A_770 = arith.cmpi slt, %select_n3A_763, %lt3A_769 : i32
    %ne3A_771 = arith.xori %lt3A_768, %lt3A_770 : i1
    %and3A_772 = arith.andi %ne3A_771, %ne3A_766 : i1
    %add3A_773 = arith.addi %rem3A_764, %select_n3A_763 : i32
    %select_n3A_774 = arith.select %and3A_772, %add3A_773, %rem3A_764 : i32
    %jit3A_775 = arith.constant 2 : i32
    %div3A_776 = arith.divsi %select_n3A_774, %jit3A_775 : i32
    %sign3A_777 = arith.constant 0 : i32
    %sign3A_778 = arith.cmpi sgt, %select_n3A_774, %sign3A_777 : i32
    %sign3A_779 = arith.extui %sign3A_778 : i1 to i32
    %sign3A_780 = arith.constant 0 : i32
    %sign3A_781 = arith.cmpi slt, %select_n3A_774, %sign3A_780 : i32
    %sign3A_782 = arith.extui %sign3A_781 : i1 to i32
    %sign3A_783 = arith.subi %sign3A_779, %sign3A_782 : i32
    %sign3A_784 = arith.constant 0 : i32
    %sign3A_785 = arith.cmpi sgt, %jit3A_775, %sign3A_784 : i32
    %sign3A_786 = arith.extui %sign3A_785 : i1 to i32
    %sign3A_787 = arith.constant 0 : i32
    %sign3A_788 = arith.cmpi slt, %jit3A_775, %sign3A_787 : i32
    %sign3A_789 = arith.extui %sign3A_788 : i1 to i32
    %sign3A_790 = arith.subi %sign3A_786, %sign3A_789 : i32
    %ne3A_791 = arith.cmpi ne, %sign3A_783, %sign3A_790 : i32
    %rem3A_792 = arith.remsi %select_n3A_774, %jit3A_775 : i32
    %ne3A_793 = arith.constant 0 : i32
    %ne3A_794 = arith.cmpi ne, %rem3A_792, %ne3A_793 : i32
    %and3A_795 = arith.andi %ne3A_791, %ne3A_794 : i1
    %sub3A_796 = arith.constant 1 : i32
    %sub3A_797 = arith.subi %div3A_776, %sub3A_796 : i32
    %select_n3A_798 = arith.select %and3A_795, %sub3A_797, %div3A_776 : i32
    %jit3A_799 = arith.constant 2 : i32
    %eq3A_800 = arith.constant 0 : i32
    %eq3A_801 = arith.cmpi eq, %jit3A_799, %eq3A_800 : i32
    %jit3A_802 = arith.constant 1 : i32
    %select_n3A_803 = arith.select %eq3A_801, %jit3A_802, %jit3A_799 : i32
    %rem3A_804 = arith.remsi %select_n3A_774, %select_n3A_803 : i32
    %ne3A_805 = arith.constant 0 : i32
    %ne3A_806 = arith.cmpi ne, %rem3A_804, %ne3A_805 : i32
    %lt3A_807 = arith.constant 0 : i32
    %lt3A_808 = arith.cmpi slt, %rem3A_804, %lt3A_807 : i32
    %lt3A_809 = arith.constant 0 : i32
    %lt3A_810 = arith.cmpi slt, %select_n3A_803, %lt3A_809 : i32
    %ne3A_811 = arith.xori %lt3A_808, %lt3A_810 : i1
    %and3A_812 = arith.andi %ne3A_811, %ne3A_806 : i1
    %add3A_813 = arith.addi %rem3A_804, %select_n3A_803 : i32
    %select_n3A_814 = arith.select %and3A_812, %add3A_813, %rem3A_804 : i32
    %eq3A_815 = arith.constant 0 : i32
    %eq3A_816 = arith.cmpi eq, %select_n3A_814, %eq3A_815 : i32
    %convert_element_type3A_817 = arith.extui %eq3A_816 : i1 to i32
    %cond3A_818 = arith.constant 0 : i32
    %cond3A_819 = arith.cmpi ne, %convert_element_type3A_817, %cond3A_818 : i32
    scf.if %cond3A_819 {
      %dma_start3A_1000 = arith.constant 8192 : i32
      %dma_start3A_1001 = tpu.memref_slice %arg5[%dma_start3A_1000] : memref<16384xf32, #tpu.memory_space<hbm>> -> memref<4096xf32, #tpu.memory_space<hbm>>
      %dma_start3A_1002 = arith.constant 8192 : i32
      %dma_start3A_1003 = tpu.memref_slice %arg5[%dma_start3A_1002] : memref<16384xf32, #tpu.memory_space<hbm>> -> memref<4096xf32, #tpu.memory_space<hbm>>
      tpu.enqueue_dma source(%dma_start3A_1003 : memref<4096xf32, #tpu.memory_space<hbm>>) target(%arg12 : memref<4096xf32, #tpu.memory_space<vmem>>) target_semaphore(%arg19 : memref<!tpu.dma_semaphore, #tpu.memory_space<semaphore_mem>>)
    } else {
    }
    %eq3A_820 = arith.constant 1 : i32
    %eq3A_821 = arith.cmpi eq, %select_n3A_814, %eq3A_820 : i32
    %convert_element_type3A_822 = arith.extui %eq3A_821 : i1 to i32
    %cond3A_823 = arith.constant 0 : i32
    %cond3A_824 = arith.cmpi ne, %convert_element_type3A_822, %cond3A_823 : i32
    scf.if %cond3A_824 {
      %dma_start3A_1000 = arith.constant 8192 : i32
      %dma_start3A_1001 = tpu.memref_slice %arg6[%dma_start3A_1000] : memref<16384xf32, #tpu.memory_space<hbm>> -> memref<4096xf32, #tpu.memory_space<hbm>>
      %dma_start3A_1002 = arith.constant 8192 : i32
      %dma_start3A_1003 = tpu.memref_slice %arg6[%dma_start3A_1002] : memref<16384xf32, #tpu.memory_space<hbm>> -> memref<4096xf32, #tpu.memory_space<hbm>>
      tpu.enqueue_dma source(%dma_start3A_1003 : memref<4096xf32, #tpu.memory_space<hbm>>) target(%arg12 : memref<4096xf32, #tpu.memory_space<vmem>>) target_semaphore(%arg19 : memref<!tpu.dma_semaphore, #tpu.memory_space<semaphore_mem>>)
    } else {
    }
    %parallel_loop3A_825 = arith.constant 0 : i32
    %parallel_loop3A_826 = arith.constant 256 : i32
    %parallel_loop3A_827 = arith.constant 1 : i32
    scf.for %parallel_loop3A_1000 = %parallel_loop3A_825 to %parallel_loop3A_826 step %parallel_loop3A_827  : i32 {
      %parallel_loop3A_1001 = arith.constant 16 : i32
      %parallel_loop3A_1002 = arith.muli %parallel_loop3A_1000, %parallel_loop3A_1001 : i32
      %parallel_loop3A_1003 = arith.constant 4096 : i32
      %parallel_loop3A_1004 = arith.addi %parallel_loop3A_1003, %parallel_loop3A_1002 : i32
      %parallel_loop3A_1005 = arith.index_cast %parallel_loop3A_1004 : i32 to index
      %parallel_loop3A_1006 = tpu.vector_load %arg11[%parallel_loop3A_1005] {strides = array<i32>} : memref<16384xi32, #tpu.memory_space<vmem>>, vector<16xi32>,
      %parallel_loop3A_1007 = arith.constant 16 : i32
      %parallel_loop3A_1008 = arith.muli %parallel_loop3A_1000, %parallel_loop3A_1007 : i32
      %parallel_loop3A_1009 = arith.index_cast %parallel_loop3A_1008 : i32 to index
      %parallel_loop3A_1010 = tpu.vector_load %arg13[%parallel_loop3A_1009] {strides = array<i32>} : memref<4096xf32, #tpu.memory_space<vmem>>, vector<16xf32>,
      %parallel_loop3A_1011 = arith.constant 50048 : i32
      %parallel_loop3A_1012 = vector.broadcast %parallel_loop3A_1011 : i32 to vector<16xi32>
      %parallel_loop3A_1013 = arith.cmpi sge, %parallel_loop3A_1006, %parallel_loop3A_1012 : vector<16xi32>
      %parallel_loop3A_1014 = arith.constant 50048 : i32
      %parallel_loop3A_1015 = vector.broadcast %parallel_loop3A_1014 : i32 to vector<16xi32>
      %parallel_loop3A_1016 = arith.subi %parallel_loop3A_1006, %parallel_loop3A_1015 : vector<16xi32>
      tpu.vector_store_idx %arg10[%parallel_loop3A_1016], %parallel_loop3A_1010 masked %parallel_loop3A_1013 {add = true} : memref<49952xf32, #tpu.memory_space<vmem>>[vector<16xi32>], vector<16xf32>, vector<16xi1>
    } {sc.loop_unroll_factor = 8 : i64, sc.parallel_access}
    %dma_wait3A_828 = arith.constant 0 : i32
    %dma_wait3A_829 = arith.constant 0 : i32
    %dma_wait3A_830 = tpu.memref_slice %arg7[%dma_wait3A_828, %dma_wait3A_829] : memref<100x100000xf32, #tpu.memory_space<hbm>> -> memref<1x100000xf32, #tpu.memory_space<hbm>>
    %dma_wait3A_831 = tpu.memref_squeeze %dma_wait3A_830 : memref<1x100000xf32, #tpu.memory_space<hbm>> -> memref<100000xf32, #tpu.memory_space<hbm>>
    %dma_wait3A_832 = arith.constant 0 : i32
    %dma_wait3A_833 = tpu.memref_slice %dma_wait3A_831[%dma_wait3A_832] : memref<100000xf32, #tpu.memory_space<hbm>> -> memref<50048xf32, #tpu.memory_space<hbm>>
    %dma_wait3A_834 = arith.constant 0 : i32
    %dma_wait3A_835 = tpu.memref_slice %arg7[%dma_wait3A_828, %dma_wait3A_834] : memref<100x100000xf32, #tpu.memory_space<hbm>> -> memref<1x100000xf32, #tpu.memory_space<hbm>>
    %dma_wait3A_836 = tpu.memref_squeeze %dma_wait3A_835 : memref<1x100000xf32, #tpu.memory_space<hbm>> -> memref<100000xf32, #tpu.memory_space<hbm>>
    %dma_wait3A_837 = arith.constant 0 : i32
    %dma_wait3A_838 = tpu.memref_slice %dma_wait3A_836[%dma_wait3A_837] : memref<100000xf32, #tpu.memory_space<hbm>> -> memref<50048xf32, #tpu.memory_space<hbm>>
    tpu.wait_dma2 semaphore(%arg16 : memref<!tpu.dma_semaphore, #tpu.memory_space<semaphore_mem>>) src(%arg9 : memref<50048xf32, #tpu.memory_space<vmem>>) dst(%dma_wait3A_838 : memref<50048xf32, #tpu.memory_space<hbm>>)
    %dma_wait3A_839 = arith.constant 0 : i32
    %dma_wait3A_840 = tpu.memref_slice %arg5[%dma_wait3A_839] : memref<16384xf32, #tpu.memory_space<hbm>> -> memref<4096xf32, #tpu.memory_space<hbm>>
    %dma_wait3A_841 = arith.constant 0 : i32
    %dma_wait3A_842 = tpu.memref_slice %arg5[%dma_wait3A_841] : memref<16384xf32, #tpu.memory_space<hbm>> -> memref<4096xf32, #tpu.memory_space<hbm>>
    tpu.wait_dma2 semaphore(%arg19 : memref<!tpu.dma_semaphore, #tpu.memory_space<semaphore_mem>>) src(%dma_wait3A_842 : memref<4096xf32, #tpu.memory_space<hbm>>) dst(%arg12 : memref<4096xf32, #tpu.memory_space<vmem>>)
    %add3A_843 = arith.constant 192 : i32
    %add3A_844 = arith.addi %add3A_843, %add3A : i32
    %jit3A_845 = arith.constant 200 : i32
    %eq3A_846 = arith.constant 0 : i32
    %eq3A_847 = arith.cmpi eq, %jit3A_845, %eq3A_846 : i32
    %jit3A_848 = arith.constant 1 : i32
    %select_n3A_849 = arith.select %eq3A_847, %jit3A_848, %jit3A_845 : i32
    %rem3A_850 = arith.remsi %add3A_844, %select_n3A_849 : i32
    %ne3A_851 = arith.constant 0 : i32
    %ne3A_852 = arith.cmpi ne, %rem3A_850, %ne3A_851 : i32
    %lt3A_853 = arith.constant 0 : i32
    %lt3A_854 = arith.cmpi slt, %rem3A_850, %lt3A_853 : i32
    %lt3A_855 = arith.constant 0 : i32
    %lt3A_856 = arith.cmpi slt, %select_n3A_849, %lt3A_855 : i32
    %ne3A_857 = arith.xori %lt3A_854, %lt3A_856 : i1
    %and3A_858 = arith.andi %ne3A_857, %ne3A_852 : i1
    %add3A_859 = arith.addi %rem3A_850, %select_n3A_849 : i32
    %select_n3A_860 = arith.select %and3A_858, %add3A_859, %rem3A_850 : i32
    %jit3A_861 = arith.constant 2 : i32
    %div3A_862 = arith.divsi %select_n3A_860, %jit3A_861 : i32
    %sign3A_863 = arith.constant 0 : i32
    %sign3A_864 = arith.cmpi sgt, %select_n3A_860, %sign3A_863 : i32
    %sign3A_865 = arith.extui %sign3A_864 : i1 to i32
    %sign3A_866 = arith.constant 0 : i32
    %sign3A_867 = arith.cmpi slt, %select_n3A_860, %sign3A_866 : i32
    %sign3A_868 = arith.extui %sign3A_867 : i1 to i32
    %sign3A_869 = arith.subi %sign3A_865, %sign3A_868 : i32
    %sign3A_870 = arith.constant 0 : i32
    %sign3A_871 = arith.cmpi sgt, %jit3A_861, %sign3A_870 : i32
    %sign3A_872 = arith.extui %sign3A_871 : i1 to i32
    %sign3A_873 = arith.constant 0 : i32
    %sign3A_874 = arith.cmpi slt, %jit3A_861, %sign3A_873 : i32
    %sign3A_875 = arith.extui %sign3A_874 : i1 to i32
    %sign3A_876 = arith.subi %sign3A_872, %sign3A_875 : i32
    %ne3A_877 = arith.cmpi ne, %sign3A_869, %sign3A_876 : i32
    %rem3A_878 = arith.remsi %select_n3A_860, %jit3A_861 : i32
    %ne3A_879 = arith.constant 0 : i32
    %ne3A_880 = arith.cmpi ne, %rem3A_878, %ne3A_879 : i32
    %and3A_881 = arith.andi %ne3A_877, %ne3A_880 : i1
    %sub3A_882 = arith.constant 1 : i32
    %sub3A_883 = arith.subi %div3A_862, %sub3A_882 : i32
    %select_n3A_884 = arith.select %and3A_881, %sub3A_883, %div3A_862 : i32
    %jit3A_885 = arith.constant 2 : i32
    %eq3A_886 = arith.constant 0 : i32
    %eq3A_887 = arith.cmpi eq, %jit3A_885, %eq3A_886 : i32
    %jit3A_888 = arith.constant 1 : i32
    %select_n3A_889 = arith.select %eq3A_887, %jit3A_888, %jit3A_885 : i32
    %rem3A_890 = arith.remsi %select_n3A_860, %select_n3A_889 : i32
    %ne3A_891 = arith.constant 0 : i32
    %ne3A_892 = arith.cmpi ne, %rem3A_890, %ne3A_891 : i32
    %lt3A_893 = arith.constant 0 : i32
    %lt3A_894 = arith.cmpi slt, %rem3A_890, %lt3A_893 : i32
    %lt3A_895 = arith.constant 0 : i32
    %lt3A_896 = arith.cmpi slt, %select_n3A_889, %lt3A_895 : i32
    %ne3A_897 = arith.xori %lt3A_894, %lt3A_896 : i1
    %and3A_898 = arith.andi %ne3A_897, %ne3A_892 : i1
    %add3A_899 = arith.addi %rem3A_890, %select_n3A_889 : i32
    %select_n3A_900 = arith.select %and3A_898, %add3A_899, %rem3A_890 : i32
    %eq3A_901 = arith.constant 0 : i32
    %eq3A_902 = arith.cmpi eq, %select_n3A_900, %eq3A_901 : i32
    %convert_element_type3A_903 = arith.extui %eq3A_902 : i1 to i32
    %cond3A_904 = arith.constant 0 : i32
    %cond3A_905 = arith.cmpi ne, %convert_element_type3A_903, %cond3A_904 : i32
    scf.if %cond3A_905 {
      %dma_start3A_1000 = arith.constant 12288 : i32
      %dma_start3A_1001 = tpu.memref_slice %arg5[%dma_start3A_1000] : memref<16384xf32, #tpu.memory_space<hbm>> -> memref<4096xf32, #tpu.memory_space<hbm>>
      %dma_start3A_1002 = arith.constant 12288 : i32
      %dma_start3A_1003 = tpu.memref_slice %arg5[%dma_start3A_1002] : memref<16384xf32, #tpu.memory_space<hbm>> -> memref<4096xf32, #tpu.memory_space<hbm>>
      tpu.enqueue_dma source(%dma_start3A_1003 : memref<4096xf32, #tpu.memory_space<hbm>>) target(%arg13 : memref<4096xf32, #tpu.memory_space<vmem>>) target_semaphore(%arg20 : memref<!tpu.dma_semaphore, #tpu.memory_space<semaphore_mem>>)
    } else {
    }
    %eq3A_906 = arith.constant 1 : i32
    %eq3A_907 = arith.cmpi eq, %select_n3A_900, %eq3A_906 : i32
    %convert_element_type3A_908 = arith.extui %eq3A_907 : i1 to i32
    %cond3A_909 = arith.constant 0 : i32
    %cond3A_910 = arith.cmpi ne, %convert_element_type3A_908, %cond3A_909 : i32
    scf.if %cond3A_910 {
      %dma_start3A_1000 = arith.constant 12288 : i32
      %dma_start3A_1001 = tpu.memref_slice %arg6[%dma_start3A_1000] : memref<16384xf32, #tpu.memory_space<hbm>> -> memref<4096xf32, #tpu.memory_space<hbm>>
      %dma_start3A_1002 = arith.constant 12288 : i32
      %dma_start3A_1003 = tpu.memref_slice %arg6[%dma_start3A_1002] : memref<16384xf32, #tpu.memory_space<hbm>> -> memref<4096xf32, #tpu.memory_space<hbm>>
      tpu.enqueue_dma source(%dma_start3A_1003 : memref<4096xf32, #tpu.memory_space<hbm>>) target(%arg13 : memref<4096xf32, #tpu.memory_space<vmem>>) target_semaphore(%arg20 : memref<!tpu.dma_semaphore, #tpu.memory_space<semaphore_mem>>)
    } else {
    }
    %parallel_loop3A_911 = arith.constant 0 : i32
    %parallel_loop3A_912 = arith.constant 256 : i32
    %parallel_loop3A_913 = arith.constant 1 : i32
    scf.for %parallel_loop3A_1000 = %parallel_loop3A_911 to %parallel_loop3A_912 step %parallel_loop3A_913  : i32 {
      %parallel_loop3A_1001 = arith.constant 16 : i32
      %parallel_loop3A_1002 = arith.muli %parallel_loop3A_1000, %parallel_loop3A_1001 : i32
      %parallel_loop3A_1003 = arith.constant 8192 : i32
      %parallel_loop3A_1004 = arith.addi %parallel_loop3A_1003, %parallel_loop3A_1002 : i32
      %parallel_loop3A_1005 = arith.index_cast %parallel_loop3A_1004 : i32 to index
      %parallel_loop3A_1006 = tpu.vector_load %arg11[%parallel_loop3A_1005] {strides = array<i32>} : memref<16384xi32, #tpu.memory_space<vmem>>, vector<16xi32>,
      %parallel_loop3A_1007 = arith.constant 16 : i32
      %parallel_loop3A_1008 = arith.muli %parallel_loop3A_1000, %parallel_loop3A_1007 : i32
      %parallel_loop3A_1009 = arith.index_cast %parallel_loop3A_1008 : i32 to index
      %parallel_loop3A_1010 = tpu.vector_load %arg12[%parallel_loop3A_1009] {strides = array<i32>} : memref<4096xf32, #tpu.memory_space<vmem>>, vector<16xf32>,
      %parallel_loop3A_1011 = arith.constant 50048 : i32
      %parallel_loop3A_1012 = vector.broadcast %parallel_loop3A_1011 : i32 to vector<16xi32>
      %parallel_loop3A_1013 = arith.cmpi sge, %parallel_loop3A_1006, %parallel_loop3A_1012 : vector<16xi32>
      %parallel_loop3A_1014 = arith.constant 50048 : i32
      %parallel_loop3A_1015 = vector.broadcast %parallel_loop3A_1014 : i32 to vector<16xi32>
      %parallel_loop3A_1016 = arith.subi %parallel_loop3A_1006, %parallel_loop3A_1015 : vector<16xi32>
      tpu.vector_store_idx %arg10[%parallel_loop3A_1016], %parallel_loop3A_1010 masked %parallel_loop3A_1013 {add = true} : memref<49952xf32, #tpu.memory_space<vmem>>[vector<16xi32>], vector<16xf32>, vector<16xi1>
    } {sc.loop_unroll_factor = 8 : i64, sc.parallel_access}
    %dma_wait3A_914 = arith.constant 0 : i32
    %dma_wait3A_915 = tpu.memref_slice %arg5[%dma_wait3A_914] : memref<16384xf32, #tpu.memory_space<hbm>> -> memref<4096xf32, #tpu.memory_space<hbm>>
    %dma_wait3A_916 = arith.constant 0 : i32
    %dma_wait3A_917 = tpu.memref_slice %arg5[%dma_wait3A_916] : memref<16384xf32, #tpu.memory_space<hbm>> -> memref<4096xf32, #tpu.memory_space<hbm>>
    tpu.wait_dma2 semaphore(%arg20 : memref<!tpu.dma_semaphore, #tpu.memory_space<semaphore_mem>>) src(%dma_wait3A_917 : memref<4096xf32, #tpu.memory_space<hbm>>) dst(%arg13 : memref<4096xf32, #tpu.memory_space<vmem>>)
    %parallel_loop3A_918 = arith.constant 0 : i32
    %parallel_loop3A_919 = arith.constant 256 : i32
    %parallel_loop3A_920 = arith.constant 1 : i32
    scf.for %parallel_loop3A_1000 = %parallel_loop3A_918 to %parallel_loop3A_919 step %parallel_loop3A_920  : i32 {
      %parallel_loop3A_1001 = arith.constant 16 : i32
      %parallel_loop3A_1002 = arith.muli %parallel_loop3A_1000, %parallel_loop3A_1001 : i32
      %parallel_loop3A_1003 = arith.constant 12288 : i32
      %parallel_loop3A_1004 = arith.addi %parallel_loop3A_1003, %parallel_loop3A_1002 : i32
      %parallel_loop3A_1005 = arith.index_cast %parallel_loop3A_1004 : i32 to index
      %parallel_loop3A_1006 = tpu.vector_load %arg11[%parallel_loop3A_1005] {strides = array<i32>} : memref<16384xi32, #tpu.memory_space<vmem>>, vector<16xi32>,
      %parallel_loop3A_1007 = arith.constant 16 : i32
      %parallel_loop3A_1008 = arith.muli %parallel_loop3A_1000, %parallel_loop3A_1007 : i32
      %parallel_loop3A_1009 = arith.index_cast %parallel_loop3A_1008 : i32 to index
      %parallel_loop3A_1010 = tpu.vector_load %arg13[%parallel_loop3A_1009] {strides = array<i32>} : memref<4096xf32, #tpu.memory_space<vmem>>, vector<16xf32>,
      %parallel_loop3A_1011 = arith.constant 50048 : i32
      %parallel_loop3A_1012 = vector.broadcast %parallel_loop3A_1011 : i32 to vector<16xi32>
      %parallel_loop3A_1013 = arith.cmpi sge, %parallel_loop3A_1006, %parallel_loop3A_1012 : vector<16xi32>
      %parallel_loop3A_1014 = arith.constant 50048 : i32
      %parallel_loop3A_1015 = vector.broadcast %parallel_loop3A_1014 : i32 to vector<16xi32>
      %parallel_loop3A_1016 = arith.subi %parallel_loop3A_1006, %parallel_loop3A_1015 : vector<16xi32>
      tpu.vector_store_idx %arg10[%parallel_loop3A_1016], %parallel_loop3A_1010 masked %parallel_loop3A_1013 {add = true} : memref<49952xf32, #tpu.memory_space<vmem>>[vector<16xi32>], vector<16xf32>, vector<16xi1>
    } {sc.loop_unroll_factor = 8 : i64, sc.parallel_access}
    %add3A_921 = arith.constant 192 : i32
    %add3A_922 = arith.addi %add3A_921, %add3A : i32
    %jit3A_923 = arith.constant 200 : i32
    %eq3A_924 = arith.constant 0 : i32
    %eq3A_925 = arith.cmpi eq, %jit3A_923, %eq3A_924 : i32
    %jit3A_926 = arith.constant 1 : i32
    %select_n3A_927 = arith.select %eq3A_925, %jit3A_926, %jit3A_923 : i32
    %rem3A_928 = arith.remsi %add3A_922, %select_n3A_927 : i32
    %ne3A_929 = arith.constant 0 : i32
    %ne3A_930 = arith.cmpi ne, %rem3A_928, %ne3A_929 : i32
    %lt3A_931 = arith.constant 0 : i32
    %lt3A_932 = arith.cmpi slt, %rem3A_928, %lt3A_931 : i32
    %lt3A_933 = arith.constant 0 : i32
    %lt3A_934 = arith.cmpi slt, %select_n3A_927, %lt3A_933 : i32
    %ne3A_935 = arith.xori %lt3A_932, %lt3A_934 : i1
    %and3A_936 = arith.andi %ne3A_935, %ne3A_930 : i1
    %add3A_937 = arith.addi %rem3A_928, %select_n3A_927 : i32
    %select_n3A_938 = arith.select %and3A_936, %add3A_937, %rem3A_928 : i32
    %jit3A_939 = arith.constant 2 : i32
    %div3A_940 = arith.divsi %select_n3A_938, %jit3A_939 : i32
    %sign3A_941 = arith.constant 0 : i32
    %sign3A_942 = arith.cmpi sgt, %select_n3A_938, %sign3A_941 : i32
    %sign3A_943 = arith.extui %sign3A_942 : i1 to i32
    %sign3A_944 = arith.constant 0 : i32
    %sign3A_945 = arith.cmpi slt, %select_n3A_938, %sign3A_944 : i32
    %sign3A_946 = arith.extui %sign3A_945 : i1 to i32
    %sign3A_947 = arith.subi %sign3A_943, %sign3A_946 : i32
    %sign3A_948 = arith.constant 0 : i32
    %sign3A_949 = arith.cmpi sgt, %jit3A_939, %sign3A_948 : i32
    %sign3A_950 = arith.extui %sign3A_949 : i1 to i32
    %sign3A_951 = arith.constant 0 : i32
    %sign3A_952 = arith.cmpi slt, %jit3A_939, %sign3A_951 : i32
    %sign3A_953 = arith.extui %sign3A_952 : i1 to i32
    %sign3A_954 = arith.subi %sign3A_950, %sign3A_953 : i32
    %ne3A_955 = arith.cmpi ne, %sign3A_947, %sign3A_954 : i32
    %rem3A_956 = arith.remsi %select_n3A_938, %jit3A_939 : i32
    %ne3A_957 = arith.constant 0 : i32
    %ne3A_958 = arith.cmpi ne, %rem3A_956, %ne3A_957 : i32
    %and3A_959 = arith.andi %ne3A_955, %ne3A_958 : i1
    %sub3A_960 = arith.constant 1 : i32
    %sub3A_961 = arith.subi %div3A_940, %sub3A_960 : i32
    %select_n3A_962 = arith.select %and3A_959, %sub3A_961, %div3A_940 : i32
    %jit3A_963 = arith.constant 2 : i32
    %eq3A_964 = arith.constant 0 : i32
    %eq3A_965 = arith.cmpi eq, %jit3A_963, %eq3A_964 : i32
    %jit3A_966 = arith.constant 1 : i32
    %select_n3A_967 = arith.select %eq3A_965, %jit3A_966, %jit3A_963 : i32
    %rem3A_968 = arith.remsi %select_n3A_938, %select_n3A_967 : i32
    %ne3A_969 = arith.constant 0 : i32
    %ne3A_970 = arith.cmpi ne, %rem3A_968, %ne3A_969 : i32
    %lt3A_971 = arith.constant 0 : i32
    %lt3A_972 = arith.cmpi slt, %rem3A_968, %lt3A_971 : i32
    %lt3A_973 = arith.constant 0 : i32
    %lt3A_974 = arith.cmpi slt, %select_n3A_967, %lt3A_973 : i32
    %ne3A_975 = arith.xori %lt3A_972, %lt3A_974 : i1
    %and3A_976 = arith.andi %ne3A_975, %ne3A_970 : i1
    %add3A_977 = arith.addi %rem3A_968, %select_n3A_967 : i32
    %select_n3A_978 = arith.select %and3A_976, %add3A_977, %rem3A_968 : i32
    %eq3A_979 = arith.constant 0 : i32
    %eq3A_980 = arith.cmpi eq, %select_n3A_978, %eq3A_979 : i32
    %convert_element_type3A_981 = arith.extui %eq3A_980 : i1 to i32
    %cond3A_982 = arith.constant 0 : i32
    %cond3A_983 = arith.cmpi ne, %convert_element_type3A_981, %cond3A_982 : i32
    scf.if %cond3A_983 {
      %dma_start3A_1000 = arith.constant 0 : i32
      %dma_start3A_1001 = tpu.memref_slice %arg7[%select_n3A_962, %dma_start3A_1000] : memref<100x100000xf32, #tpu.memory_space<hbm>> -> memref<1x100000xf32, #tpu.memory_space<hbm>>
      %dma_start3A_1002 = tpu.memref_squeeze %dma_start3A_1001 : memref<1x100000xf32, #tpu.memory_space<hbm>> -> memref<100000xf32, #tpu.memory_space<hbm>>
      %dma_start3A_1003 = arith.constant 50048 : i32
      %dma_start3A_1004 = tpu.memref_slice %dma_start3A_1002[%dma_start3A_1003] : memref<100000xf32, #tpu.memory_space<hbm>> -> memref<49952xf32, #tpu.memory_space<hbm>>
      %dma_start3A_1005 = arith.constant 0 : i32
      %dma_start3A_1006 = tpu.memref_slice %arg7[%select_n3A_962, %dma_start3A_1005] : memref<100x100000xf32, #tpu.memory_space<hbm>> -> memref<1x100000xf32, #tpu.memory_space<hbm>>
      %dma_start3A_1007 = tpu.memref_squeeze %dma_start3A_1006 : memref<1x100000xf32, #tpu.memory_space<hbm>> -> memref<100000xf32, #tpu.memory_space<hbm>>
      %dma_start3A_1008 = arith.constant 50048 : i32
      %dma_start3A_1009 = tpu.memref_slice %dma_start3A_1007[%dma_start3A_1008] : memref<100000xf32, #tpu.memory_space<hbm>> -> memref<49952xf32, #tpu.memory_space<hbm>>
      tpu.enqueue_dma source(%arg10 : memref<49952xf32, #tpu.memory_space<vmem>>) target(%dma_start3A_1009 : memref<49952xf32, #tpu.memory_space<hbm>>) target_semaphore(%arg17 : memref<!tpu.dma_semaphore, #tpu.memory_space<semaphore_mem>>)
    } else {
    }
    %eq3A_984 = arith.constant 1 : i32
    %eq3A_985 = arith.cmpi eq, %select_n3A_978, %eq3A_984 : i32
    %convert_element_type3A_986 = arith.extui %eq3A_985 : i1 to i32
    %cond3A_987 = arith.constant 0 : i32
    %cond3A_988 = arith.cmpi ne, %convert_element_type3A_986, %cond3A_987 : i32
    scf.if %cond3A_988 {
      %dma_start3A_1000 = arith.constant 0 : i32
      %dma_start3A_1001 = tpu.memref_slice %arg8[%select_n3A_962, %dma_start3A_1000] : memref<100x100000xf32, #tpu.memory_space<hbm>> -> memref<1x100000xf32, #tpu.memory_space<hbm>>
      %dma_start3A_1002 = tpu.memref_squeeze %dma_start3A_1001 : memref<1x100000xf32, #tpu.memory_space<hbm>> -> memref<100000xf32, #tpu.memory_space<hbm>>
      %dma_start3A_1003 = arith.constant 50048 : i32
      %dma_start3A_1004 = tpu.memref_slice %dma_start3A_1002[%dma_start3A_1003] : memref<100000xf32, #tpu.memory_space<hbm>> -> memref<49952xf32, #tpu.memory_space<hbm>>
      %dma_start3A_1005 = arith.constant 0 : i32
      %dma_start3A_1006 = tpu.memref_slice %arg8[%select_n3A_962, %dma_start3A_1005] : memref<100x100000xf32, #tpu.memory_space<hbm>> -> memref<1x100000xf32, #tpu.memory_space<hbm>>
      %dma_start3A_1007 = tpu.memref_squeeze %dma_start3A_1006 : memref<1x100000xf32, #tpu.memory_space<hbm>> -> memref<100000xf32, #tpu.memory_space<hbm>>
      %dma_start3A_1008 = arith.constant 50048 : i32
      %dma_start3A_1009 = tpu.memref_slice %dma_start3A_1007[%dma_start3A_1008] : memref<100000xf32, #tpu.memory_space<hbm>> -> memref<49952xf32, #tpu.memory_space<hbm>>
      tpu.enqueue_dma source(%arg10 : memref<49952xf32, #tpu.memory_space<vmem>>) target(%dma_start3A_1009 : memref<49952xf32, #tpu.memory_space<hbm>>) target_semaphore(%arg17 : memref<!tpu.dma_semaphore, #tpu.memory_space<semaphore_mem>>)
    } else {
    }
    %dma_wait3A_989 = arith.constant 0 : i32
    %dma_wait3A_990 = arith.constant 0 : i32
    %dma_wait3A_991 = tpu.memref_slice %arg7[%dma_wait3A_989, %dma_wait3A_990] : memref<100x100000xf32, #tpu.memory_space<hbm>> -> memref<1x100000xf32, #tpu.memory_space<hbm>>
    %dma_wait3A_992 = tpu.memref_squeeze %dma_wait3A_991 : memref<1x100000xf32, #tpu.memory_space<hbm>> -> memref<100000xf32, #tpu.memory_space<hbm>>
    %dma_wait3A_993 = arith.constant 50048 : i32
    %dma_wait3A_994 = tpu.memref_slice %dma_wait3A_992[%dma_wait3A_993] : memref<100000xf32, #tpu.memory_space<hbm>> -> memref<49952xf32, #tpu.memory_space<hbm>>
    %dma_wait3A_995 = arith.constant 0 : i32
    %dma_wait3A_996 = tpu.memref_slice %arg7[%dma_wait3A_989, %dma_wait3A_995] : memref<100x100000xf32, #tpu.memory_space<hbm>> -> memref<1x100000xf32, #tpu.memory_space<hbm>>
    %dma_wait3A_997 = tpu.memref_squeeze %dma_wait3A_996 : memref<1x100000xf32, #tpu.memory_space<hbm>> -> memref<100000xf32, #tpu.memory_space<hbm>>
    %dma_wait3A_998 = arith.constant 50048 : i32
    %dma_wait3A_999 = tpu.memref_slice %dma_wait3A_997[%dma_wait3A_998] : memref<100000xf32, #tpu.memory_space<hbm>> -> memref<49952xf32, #tpu.memory_space<hbm>>
    tpu.wait_dma2 semaphore(%arg17 : memref<!tpu.dma_semaphore, #tpu.memory_space<semaphore_mem>>) src(%arg10 : memref<49952xf32, #tpu.memory_space<vmem>>) dst(%dma_wait3A_999 : memref<49952xf32, #tpu.memory_space<hbm>>)
    return
  }
}

</mosaic_0001>

<sc_bundles>
// kernel: kernel.3.cloned.1.call-start
scs
__scs_entry_jumppad:
0x0: {  	(pc) =	sbr.rel $0x88, $3  }
0x1: {  	(tag) =	ssettag $0x0;
	lr =	simm.s32 $0x1  }
0x2: {  	[smem:$0x3F9C] =	sst lr;
	_ =	strace $0xD0000000  }
0x3: {  	_ = 	snop  }
0x4: {  	_ = 	snop  }
0x5: {  	_ = 	snop  }
0x6: {  	_ = 	snop  }
0x7: {  	_ = 	snop  }
__scs_overlays_trampoline_lowered:
0x8: {  	[smem:$0x3FAB] =	sst s0  }
0x9: {  	[smem:$0x3FAC] =	sst s1  }
0xa: {  	[smem:$0x3FAD] =	sst s2  }
0xb: {  	[smem:$0x3FAE] =	sst s3  }
0xc: {  	[smem:$0x3FAF] =	sst s4  }
0xd: {  	[smem:$0x3FB0] =	sst s5  }
0xe: {  	[smem:$0x3FB1] =	sst s6  }
0xf: {  	[smem:$0x3FB2] =	sst s7  }
0x10: {  	[smem:$0x3FB3] =	sst s8  }
0x11: {  	[smem:$0x3FB4] =	sst s9;
	s0 =	simm.s32 @!p0 $0x0  }
0x12: {  	s1 =	sld [smem:$0x3F9A];
	s0 =	simm.s32 @p0 $0x1  }
0x13: {  	[smem:$0x3FB5] =	sst s0;
	s0 =	simm.s32 @!p1 $0x0  }
0x14: {  	s2 =	sld [smem:$0x3F99];
	s0 =	simm.s32 @p1 $0x1  }
0x15: {  	[smem:$0x3FB6] =	sst s0;
	s0 =	simm.s32 @!p2 $0x0  }
0x16: {  	s3 =	sld [smem:$0x3FDB];
	s0 =	simm.s32 @p2 $0x1  }
0x17: {  	s4 =	simm.s32 $0x1BF5;
	[smem:$0x3FB8] =	sst s0  }
0x18: {  	s0 =	sld [smem:$0x3F9B];
	_ =	swait.ge [sflag:s4], $0x0  }
0x19: {  	s7 =	sld [smem:$0x3F9C]  }
0x1a: {  	s8 =	sadd.s32 $0xFFFFE003, lr  }
0x1b: {  	s9 =	sadd.s32 $0xFFFFFEF7, lr;
	s5 =	simm.s32 $0xFFFFFFFF;
	p2 =	slt.u32 s8, $0xFFFFF086  }
0x1c: {  	p1 =	slt.u32 s9, $0xF7A;
	s5 =	simm.s32 @!p2 $0x0  }
0x1d: {  	s5 =	simm.s32 @p1 $0x1;
	p0 =	seq.s32 s7, s2  }
0x1e: {  	s7 =	smul.u32 @!p0 $0xF7A, s2;
	p2 =	seq.s32 @!p0 s5, $0x0  }
0x1f: {  	s9 =	smul.u32 $0xF7A, s1;
	s8 =	simm.s32 @!p0 $0x1BF5;
	p2 =	por !p2, p0  }
0x20: {  	[sflag:s8] =	ssyncset.s32 @!p0 $0xFFFFF086;
	s6 =	sadd.s32 @!p0 s3, s7;
	s7 =	simm.s32 @!p0 $0x108  }
0x21: {  	s3 =	sadd.s32 s3, s9;
	s6 =	sadd.s32 @!p0 $0x88, s6;
	s7 =	simm.s32 @p2 $0x1082  }
0x22: {  	[simem:s7], [sflag:s8] =	dma.local @!p0 [hbm:s6], $0xF7A  }
0x23: {  	s9 =	sor.u32 $0xD0000000, s2;
	s6 =	simm.s32 $0x108;
	_ =	swait.ge @!p0 [sflag:s8], $0x0  }
0x24: {  	s3 =	sadd.s32 $0x88, s3;
	s6 =	simm.s32 @!p1 $0x1082;
	[sflag:s4] =	ssyncset.s32 $0xFFFFF086  }
0x25: {  	[simem:s6], [sflag:s4] =	dma.local [hbm:s3], $0xF7A  }
0x26: {  	[smem:$0x3F9C] =	sst s1;
	(tag) =	ssettag s2;
	_ =	strace s9  }
0x27: {  	s1 =	sld [smem:$0x3FAC]  }
0x28: {  	s2 =	sld [smem:$0x3FAD]  }
0x29: {  	s4 =	sld [smem:$0x3FAF]  }
0x2a: {  	p0 =	seq.s32 s5, $0x0;
	s5 =	sld [smem:$0x3FB0]  }
0x2b: {  	s6 =	sld [smem:$0x3FB1]  }
0x2c: {  	s7 =	sld [smem:$0x3FB2]  }
0x2d: {  	s3 =	simm.s32 $0x108;
	s8 =	sld [smem:$0x3FB3]  }
0x2e: {  	s3 =	simm.s32 @!p0 $0x1082;
	s9 =	sld [smem:$0x3FB4]  }
0x2f: {  	lr =	sadd.s32 s0, s3;
	s0 =	sld [smem:$0x3FAB]  }
0x30: {  	s3 =	sld [smem:$0x3FAE]  }
0x31: {  	[smem:$0x3FB7] =	sst s10  }
0x32: {  	s10 =	sld [smem:$0x3FB5];
	_ =	sdelay $0x3  }
0x33: {  	p0 =	seq.s32 s10, $0x1;
	s10 =	sld [smem:$0x3FB7];
	_ =	sdelay $0x3  }
0x34: {  	[smem:$0x3FB7] =	sst s10  }
0x35: {  	s10 =	sld [smem:$0x3FB6];
	_ =	sdelay $0x3  }
0x36: {  	p1 =	seq.s32 s10, $0x1;
	s10 =	sld [smem:$0x3FB7];
	_ =	sdelay $0x3  }
0x37: {  	[smem:$0x3FB7] =	sst s10  }
0x38: {  	s10 =	sld [smem:$0x3FB8]  }
0x39: {  	_ = 	snop;
	(pc) =	sbr.ind lr, $3  }
0x3a: {  	_ = 	snop  }
0x3b: {  	_ = 	snop  }
0x3c: {  	p2 =	seq.s32 s10, $0x1;
	s10 =	sld [smem:$0x3FB7]  }
0x3d: {  	_ =	shalt  }
0x3e: {  	_ =	shalt  }
0x3f: {  	_ =	shalt  }
0x40: {  	_ =	shalt  }
0x41: {  	_ =	shalt  }
0x42: {  	_ =	shalt  }
0x43: {  	_ =	shalt  }
0x44: {  	_ =	shalt  }
0x45: {  	_ =	shalt  }
0x46: {  	_ =	shalt  }
0x47: {  	_ =	shalt  }
0x48: {  	_ =	shalt  }
0x49: {  	_ =	shalt  }
0x4a: {  	_ =	shalt  }
0x4b: {  	_ =	shalt  }
0x4c: {  	_ =	shalt  }
0x4d: {  	_ =	shalt  }
0x4e: {  	_ =	shalt  }
0x4f: {  	_ =	shalt  }
0x50: {  	_ =	shalt  }
0x51: {  	_ =	shalt  }
0x52: {  	_ =	shalt  }
0x53: {  	_ =	shalt  }
0x54: {  	_ =	shalt  }
0x55: {  	_ =	shalt  }
0x56: {  	_ =	shalt  }
0x57: {  	_ =	shalt  }
0x58: {  	_ =	shalt  }
0x59: {  	_ =	shalt  }
0x5a: {  	_ =	shalt  }
0x5b: {  	_ =	shalt  }
0x5c: {  	_ =	shalt  }
0x5d: {  	_ =	shalt  }
0x5e: {  	_ =	shalt  }
0x5f: {  	_ =	shalt  }
0x60: {  	_ =	shalt  }
0x61: {  	_ =	shalt  }
0x62: {  	_ =	shalt  }
0x63: {  	_ =	shalt  }
0x64: {  	_ =	shalt  }
0x65: {  	_ =	shalt  }
0x66: {  	_ =	shalt  }
0x67: {  	_ =	shalt  }
0x68: {  	_ =	shalt  }
0x69: {  	_ =	shalt  }
0x6a: {  	_ =	shalt  }
0x6b: {  	_ =	shalt  }
0x6c: {  	_ =	shalt  }
0x6d: {  	_ =	shalt  }
0x6e: {  	_ =	shalt  }
0x6f: {  	_ =	shalt  }
0x70: {  	_ =	shalt  }
0x71: {  	_ =	shalt  }
0x72: {  	_ =	shalt  }
0x73: {  	_ =	shalt  }
0x74: {  	_ =	shalt  }
0x75: {  	_ =	shalt  }
0x76: {  	_ =	shalt  }
0x77: {  	_ =	shalt  }
0x78: {  	_ =	shalt  }
0x79: {  	_ =	shalt  }
0x7a: {  	_ =	shalt  }
0x7b: {  	_ =	shalt  }
0x7c: {  	_ =	shalt  }
0x7d: {  	_ =	shalt  }
0x7e: {  	_ =	shalt  }
0x7f: {  	_ =	shalt  }
0x80: {  	_ =	shalt  }
0x81: {  	_ =	shalt  }
0x82: {  	_ =	shalt  }
0x83: {  	_ =	shalt  }
0x84: {  	_ =	shalt  }
0x85: {  	_ =	shalt  }
0x86: {  	_ =	shalt  }
0x87: {  	_ =	shalt  }
.Lfunc_end0:
.L_simem_size_0:
called_computation_lowered:
.L_overlay_start_0:
0x88: {  	s2 =	sld [smem:$0x3FD9]  }
0x89: {  	s3 =	sld [smem:$0x3FFE];
	_ =	sdelay $0x1  }
0x8a: {  	s1 =	srdreg.scid  }
0x8b: {  	s0 =	sand.u32 $0x1, s1  }
0x8c: {  	s15 =	sshll.u32 s0, $0xA;
	s2 =	sadd.s32 s3, s2  }
0x8d: {  	s2 =	sadd.s32 s2, s15  }
0x8e: {  	[smem:$0x3FC3] =	sst s2  }
0x8f: {  	_ = 	snop  }
0x90: {  	s2 =	sld [smem:$0x3FC9]  }
0x91: {  	s16 =	sld [smem:$0x3FC8]  }
0x92: {  	s4 =	sld [smem:$0x3FD0]  }
0x93: {  	s5 =	sld [smem:$0x3FC7]  }
0x94: {  	s6 =	sld [smem:$0x3FC6]  }
0x95: {  	s8 =	simm.s32 $0xA;
	s9 =	simm.s32 $0x10;
	s7 =	sld [smem:$0x3FC5]  }
0x96: {  	[smem:s9], [sflag:s8] =	dma.local [hbm:s4], $0x1  }
0x97: {  	_ =	swait.eq [sflag:s8], $0x1  }
0x98: {  	[sflag:s8] =	ssyncset.done $0x0  }
0x99: {  	s17 =	sld [smem:$0x10];
	[sflag:s8] =	ssyncadd.s32 $0xFFFFFFFF  }
0x9a: {  	s18 =	sld [smem:$0x11];
	(tm) =	ssettm $0x1  }
0x9b: {  	s19 =	sld [smem:$0x3FFB];
	_ =	sdelay $0x3  }
0x9c: {  	_ =	strace s19  }
0x9d: {  	s9 =	sld [smem:$0x3FFC];
	_ =	sdelay $0x3  }
0x9e: {  	_ =	strace s9  }
0x9f: {  	s9 =	sld [smem:$0x3FFD];
	_ =	sdelay $0x3  }
0xa0: {  	_ =	strace s9  }
0xa1: {  	_ =	strace $0x8FFFFFFF  }
0xa2: {  	s20 =	sld [smem:$0x3FDB];
	_ =	sdelay $0x1  }
0xa3: {  	s10 =	simm.s32 $_scs_section_size  }
0xa4: {  	s11 =	simm.s32 $_size__tile_overlayer_lowered;
	s12 =	simm.s32 $_tile_overlayer_lowered  }
0xa5: {  	s23 =	simm.s32 $0x1BFF;
	s22 =	sshll.u32 s12, $0x1;
	s9 =	sadd.s32 s10, s20  }
0xa6: {  	s13 =	simm.s32 $0x0;
	s21 =	sshll.u32 s11, $0x1;
	s11 =	sadd.s32 s22, s9  }
0xa7: {  	[timem:s13], [sflag:s23] =	dma.local [hbm:s11], s21  }
0xa8: {  	_ =	swait.ge [sflag:s23], s21  }
0xa9: {  	s10 =	ssub.s32 $0x0, s21;
	[sflag:s23] =	ssyncset.done $0x0  }
0xaa: {  	[sflag:s23] =	ssyncadd.s32 s10;
	_ =	sdelay $0x1  }
0xab: {  	s24 =	simm.s32 $0x1B8B  }
0xac: {  	_ =	swait.ge [sflag:s24], $0x1  }
0xad: {  	[sflag:s24] =	ssyncset.done $0x0  }
0xae: {  	s25 =	simm.s32 $0x1B8E;
	[sflag:s24] =	ssyncadd.s32 $0xFFFFFFFF  }
0xaf: {  	s26 =	simm.s32 $execute0_lowered;
	[smem:$0x3FD2] =	sst s25  }
0xb0: {  	s10 =	sshll.u32 s26, $0x1;
	_ =	strace $0x80000046;
	[dreg:$0x1] =	wrdreg $0xFFFFFFFF  }
0xb1: {  	s28 =	simm.s32 $_size_execute0_lowered;
	s9 =	sadd.s32 s9, s10;
	[dreg:$0x0] =	wrdreg $0x0  }
0xb2: {  	s10 =	sshll.u32 s28, $0x1;
	[dreg:$0x2] =	wrdreg s9  }
0xb3: {  	[dreg:$0x3] =	wrdreg s10  }
0xb4: {  	[dreg:$0x4] =	wrdreg $0xC0  }
0xb5: {  	_ =	task [dreg:s13], $0x5FFFF  }
0xb6: {  	[dreg:$0x1] =	wrdreg $0xFFFFFFFF  }
0xb7: {  	[dreg:$0x0] =	wrdreg $0x60  }
0xb8: {  	[dreg:$0x2] =	wrdreg s2  }
0xb9: {  	[dreg:$0x3] =	wrdreg s16  }
0xba: {  	[dreg:$0x4] =	wrdreg s5  }
0xbb: {  	[dreg:$0x5] =	wrdreg s6  }
0xbc: {  	[dreg:$0x6] =	wrdreg s7  }
0xbd: {  	[dreg:$0x7] =	wrdreg s17  }
0xbe: {  	[dreg:$0x8] =	wrdreg s18  }
0xbf: {  	[dreg:$0x9] =	wrdreg $0x9  }
0xc0: {  	_ =	task.clear_ibuf [dreg:s13], $0xAFFFF;
	_ =	strace $0x90000046  }
0xc1: {  	s29 =	simm.s32 $0x9;
	_ =	strace $0x80000048  }
0xc2: {  	_ =	swait.ge [sflag:s29], $0x1  }
0xc3: {  	[sflag:s29] =	ssyncadd.s32 $0xFFFFFFFF  }
0xc4: {  	_ =	strace $0x90000048  }
0xc5: {  	_ =	sfence  }
0xc6: {  	s30 =	sld [smem:$0x0];
	_ =	sdelay $0x2  }
0xc7: {  	s31 =	sshll.u32 s1, $0xD;
	s1 =	sshrl.u32 s1, $0x2  }
0xc8: {  	s3 =	sand.u32 $0x4000, s31;
	s1 =	sadd.s32 s1, s30  }
0xc9: {  	s0 =	sor.u32 s3, s0;
	s1 =	sshll.u32 s1, $0x11  }
0xca: {  	s0 =	sor.u32 s1, s0  }
0xcb: {  	s0 =	sadd.s32 $0x8F2B, s0  }
0xcc: {  	[sflag:s0] =	ssyncadd.remote.s32 $0x1  }
0xcd: {  	_ =	sfence.sel $0xFFFF  }
0xce: {  	[dreg:$0x0] =	wrdreg $0xFFFFFFFF;
	(pc) =	sbr.abs _section_cstart, $3  }
0xcf: {  	[dreg:$0x1] =	wrdreg $0xFFFFFFFF  }
0xd0: {  	_ =	task.clear_ibuf [dreg:s13], $0x2FFFF;
	_ =	strace $0x9FFFFFFF  }
0xd1: {  	(tm) =	ssettm $0x7FFFFFFF  }
tec
execute0_lowered:
.L_overlay_start_1:
0x0: {  	(tag) =	ssettag $0x1  }
0x1: {  	s18 =	rddreg [dreg:$0x0]  }
0x2: {  	s21 =	rddreg [dreg:$0x1]  }
0x3: {  	s4 =	rddreg [dreg:$0x2]  }
0x4: {  	s5 =	rddreg [dreg:$0x3]  }
0x5: {  	s22 =	rddreg [dreg:$0x4]  }
0x6: {  	s0 =	rddreg [dreg:$0x5]  }
0x7: {  	s6 =	rddreg [dreg:$0x6];
	s8 =	simm.s32 $0x0  }
0x8: {  	s1 =	srdreg.scid;
	s10 =	stileid.u32;
	s28 =	simm.s32 $0x80  }
0x9: {  	s29 =	simm.s32 $0x400;
	s30 =	simm.s32 $0x18700;
	s31 =	simm.s32 $0x1C700  }
0xa: {  	[smem:$0x7FF] =	sst s8;
	s1 =	sand.u32 $0x1, s1;
	s3 =	sshrl.u32 s10, $0x3  }
0xb: {  	s7 =	sshll.u32 s10, $0x7;
	s10 =	sshll.u32 s10, $0x1;
	s17 =	sadd.s32 $0x600, s22  }
0xc: {  	s26 =	sadd.s32 $0xC380, s18;
	_ =	strace $0x80000047;
	s2 =	ssub.s32 $0x2, s1  }
0xd: {  	s9 =	sand.u32 $0x380, s7;
	s19 =	sshll.u32 s3, $0x11;
	s3 =	smul.u32 $0xC3800, s3  }
0xe: {  	s20 =	sor.u32 s1, s10;
	p0 =	seq.s32 s1, $0x0;
	[dreg:$0x11] =	wrdreg s26  }
0xf: {  	s26 =	simm.s32 $0x4;
	s11 =	sshrl.u32 s2, $0x1;
	s7 =	sor.u32 s9, s19  }
0x10: {  	s23 =	sor.u32 $0xC0, s20;
	s12 =	sor.u32 $0x20, s20;
	s20 =	sadd.s32 $0x400, s5  }
0x11: {  	s19 =	smov.u32 s22;
	s2 =	ssub.s32 s2, s11;
	s7 =	sshrl.u32 s7, $0x3  }
0x12: {  	s3 =	sor.u32 s9, s3;
	s25 =	sadd.s32 $0xFFFFFF38, s23;
	s11 =	sadd.s32 $0x200, s22  }
0x13: {  	s19 =	smov.u32 @p0 s5;
	s4 =	sadd.s32 s4, s7;
	s24 =	sshrl.u32 s3, $0x3  }
0x14: {  	s3 =	smin.u32 s23, s25;
	s7 =	sadd.s32 $0x400, s22;
	s15 =	smov.u32 s11  }
0x15: {  	s2 =	smax.u32 s2, $0x1;
	s25 =	simm.s32 $0x7;
	s23 =	simm.s32 $0x2  }
0x16: {  	[dreg:$0x8] =	wrdreg s4;
	s4 =	sadd.s32 $0x200, s5;
	s13 =	sshrl.u32 s3, $0x4  }
0x17: {  	s14 =	sand.u32 $0x1, s3;
	s3 =	sshll.u32 s3, $0x6;
	s16 =	smov.u32 s7  }
0x18: {  	[dreg:$0xd] =	wrdreg s2;
	s2 =	smov.u32 s5;
	s13 =	smul.u32 $0xC3800, s13  }
0x19: {  	p1 =	seq.s32 s14, $0x1;
	s3 =	sand.u32 $0x380, s3;
	s14 =	smov.u32 s0  }
0x1a: {  	s15 =	smov.u32 @p0 s4;
	s16 =	smov.u32 @p0 s20;
	s14 =	smov.u32 @p1 s6  }
0x1b: {  	s6 =	smov.u32 @p0 s0;
	s4 =	smov.u32 @p1 s11;
	s0 =	smov.u32 s18  }
0x1c: {  	s20 =	smov.u32 @p1 s7;
	s2 =	smov.u32 @p1 s22;
	s7 =	simm.s32 $0x1  }
0x1d: {  	s11 =	simm.s32 $0x5;
	s3 =	sor.u32 s13, s3;
	[dreg:$0x9] =	wrdreg s4  }
0x1e: {  	s13 =	sadd.s32 $0x600, s5;
	[dreg:$0xa] =	wrdreg s20;
	s20 =	smov.u32 s17  }
0x1f: {  	s0 =	smov.u32 @p1 s21;
	s21 =	smov.u32 @p0 s18;
	s5 =	smov.u32 s22  }
0x20: {  	[dreg:$0xe] =	wrdreg s2;
	s4 =	smov.u32 s18;
	s22 =	simm.s32 $0x6  }
0x21: {  	s18 =	simm.s32 $0x3;
	s3 =	sshrl.u32 s3, $0x3;
	s1 =	sadd.s32 s21, s24  }
0x22: {  	s20 =	smov.u32 @p0 s13;
	s13 =	smov.u32 @p1 s17;
	[dreg:$0xf] =	wrdreg s1  }
0x23: {  	s14 =	sadd.s32 s14, s3;
	s0 =	sadd.s32 s0, s3;
	[dreg:$0xb] =	wrdreg s13  }
0x24: {  	s2 =	simm.s32 $0x0;
	s0 =	sadd.s32 $0xC380, s0;
	[dreg:$0xc] =	wrdreg s14  }
0x25: {  	s24 =	simm.s32 $0x1D700;
	s1 =	simm.s32 $0xC380;
	[dreg:$0x10] =	wrdreg s0  }
.LBB2_1:
0x26: {  	s0 =	rddreg [dreg:$0x8]  }
0x27: {  	[tilespmem:s30], [sflag:$0x5] =	stream.strided.gather [hbm4b:s0+s28], $0x4000, s29, s28, $0x38;
	[tilespmem:$0x1E700] =	vst v63  }
0x28: {  	[dreg:$0x12] =	wrdreg s2  }
0x29: {  	[tilespmem:s31], [sflag:$0x6] =	stream.linear.gather [hbm4b:s19+s8], $0x1000, $0x38;
	[tilespmem:$0x1E700] =	vst v63  }
0x2a: {  	s14 =	rddreg [dreg:$0xf]  }
0x2b: {  	[tilespmem:s8], [sflag:$0x1] =	stream.strided.gather [hbm4b:s14+s28], $0xC380, s29, s28, $0x38;
	[tilespmem:$0x1E700] =	vst v63  }
0x2c: {  	s17 =	rddreg [dreg:$0x11];
	s14 =	simm.s32 $0x0  }
0x2d: {  	[tilespmem:s1], [sflag:$0x4] =	stream.strided.gather [hbm4b:s17+s28], $0xC380, s29, s28, $0x38;
	[tilespmem:$0x1E700] =	vst v63  }
.LBB2_2:
0x2e: {  	_ =	swait.ge [sflag:s7], $0xC380  }
0x2f: {  	[sflag:s7] =	ssyncset.done $0x0  }
0x30: {  	[sflag:s7] =	ssyncadd.s32 $0xFFFF3C80  }
0x31: {  	_ =	swait.ge [sflag:s11], $0x4000  }
0x32: {  	[sflag:s11] =	ssyncset.done $0x0  }
0x33: {  	[sflag:s11] =	ssyncadd.s32 $0xFFFFC000  }
0x34: {  	_ =	swait.ge [sflag:s22], $0x1000  }
0x35: {  	[sflag:s22] =	ssyncset.done $0x0  }
0x36: {  	s0 =	simm.s32 $0x18740;
	[sflag:s22] =	ssyncadd.s32 $0xFFFFF000  }
0x37: {  	[tilespmem:s24], [sflag:$0x7] =	stream.linear.gather [hbm4b:s15+s8], $0x1000, $0x38;
	[tilespmem:$0x1E700] =	vst v63  }
0x38: {  	v0 =	vld [tilespmem:s0+$0x30]  }
0x39: {  	v1 =	vld [tilespmem:s0+$0xFFFFFFD0]  }
0x3a: {  	v2 =	vld [tilespmem:s0+$0xFFFFFFE0]  }
0x3b: {  	v3 =	vld [tilespmem:s0+$0xFFFFFFF0]  }
0x3c: {  	v4 =	vld [tilespmem:s0+$0x0]  }
0x3d: {  	s3 =	simm.s32 $0x1C740;
	v5 =	vld [tilespmem:s0+$0x10]  }
0x3e: {  	v6 =	vld [tilespmem:s3+$0x30]  }
0x3f: {  	v7 =	vld [tilespmem:s0+$0x20]  }
0x40: {  	v8 =	vld [tilespmem:s0+$0xFFFFFFC0]  }
0x41: {  	v9 =	vld [tilespmem:s3+$0xFFFFFFC0]  }
0x42: {  	v10 =	vld [tilespmem:s3+$0xFFFFFFD0];
	vm0 =	vlt.s32 v0, $0xC380  }
0x43: {  	v62 =	vld [tilespmem:s3+$0xFFFFFFE0];
	vm1 =	vlt.s32 v1, $0xC380  }
0x44: {  	v63 =	vld [tilespmem:s3+$0xFFFFFFF0];
	vm15 =	vlt.s32 v2, $0xC380  }
0x45: {  	v11 =	vld [tilespmem:s3+$0x0];
	vm2 =	vlt.s32 v8, $0xC380  }
0x46: {  	v12 =	vld [tilespmem:s3+$0x10];
	vm3 =	vlt.s32 v3, $0xC380  }
0x47: {  	v13 =	vld [tilespmem:s3+$0x20];
	vm4 =	vlt.s32 v4, $0xC380  }
0x48: {  	vm5 =	vlt.s32 v5, $0xC380;
	[tilespmem:v0+s8+$0x0] =	vst.idx.add.f32.msk vm0, v6  }
0x49: {  	vm6 =	vlt.s32 v7, $0xC380;
	[tilespmem:v1+s8+$0x0] =	vst.idx.add.f32.msk vm1, v10  }
0x4a: {  	[tilespmem:v2+s8+$0x0] =	vst.idx.add.f32.msk vm15, v62  }
0x4b: {  	[tilespmem:v8+s8+$0x0] =	vst.idx.add.f32.msk vm2, v9  }
0x4c: {  	[tilespmem:v3+s8+$0x0] =	vst.idx.add.f32.msk vm3, v63  }
0x4d: {  	[tilespmem:v4+s8+$0x0] =	vst.idx.add.f32.msk vm4, v11  }
0x4e: {  	s17 =	sshll.u32 s14, $0x5;
	[tilespmem:v5+s8+$0x0] =	vst.idx.add.f32.msk vm5, v12  }
0x4f: {  	s2 =	simm.s32 $0x187C0;
	s13 =	sor.u32 s10, s17;
	s0 =	simm.s32 $0x0;
	[tilespmem:v7+s8+$0x0] =	vst.idx.add.f32.msk vm6, v13  }
.LBB2_3:
0x50: {  	v0 =	vld [tilespmem:s2+$0x30];
	s0 =	sadd.s32 $0x8, s0  }
0x51: {  	v1 =	vld [tilespmem:s2+$0xFFFFFFD0];
	p0 =	slt.u32 s0, $0xF8  }
0x52: {  	v2 =	vld [tilespmem:s2+$0xFFFFFFE0]  }
0x53: {  	v3 =	vld [tilespmem:s2+$0xFFFFFFF0]  }
0x54: {  	v4 =	vld [tilespmem:s2+$0x0]  }
0x55: {  	s3 =	sadd.s32 $0x80, s3;
	v5 =	vld [tilespmem:s2+$0x10];
	vm0 =	vlt.s32 v0, $0xC380  }
0x56: {  	vm1 =	vlt.s32 v1, $0xC380;
	v6 =	vld [tilespmem:s3+$0x30]  }
0x57: {  	vm2 =	vlt.s32 v2, $0xC380;
	v7 =	vld [tilespmem:s2+$0x20]  }
0x58: {  	v8 =	vld [tilespmem:s2+$0xFFFFFFC0];
	vm3 =	vlt.s32 v3, $0xC380  }
0x59: {  	v9 =	vld [tilespmem:s3+$0xFFFFFFC0];
	vm4 =	vlt.s32 v4, $0xC380  }
0x5a: {  	v10 =	vld [tilespmem:s3+$0xFFFFFFD0];
	vm5 =	vlt.s32 v5, $0xC380  }
0x5b: {  	[tilespmem:v0+s8+$0x0] =	vst.idx.add.f32.msk vm0, v6  }
0x5c: {  	v0 =	vld [tilespmem:s3+$0xFFFFFFE0];
	vm0 =	vlt.s32 v7, $0xC380  }
0x5d: {  	vm6 =	vlt.s32 v8, $0xC380;
	v6 =	vld [tilespmem:s3+$0xFFFFFFF0]  }
0x5e: {  	v11 =	vld [tilespmem:s3+$0x0]  }
0x5f: {  	v12 =	vld [tilespmem:s3+$0x10]  }
0x60: {  	v13 =	vld [tilespmem:s3+$0x20]  }
0x61: {  	[tilespmem:v1+s8+$0x0] =	vst.idx.add.f32.msk vm1, v10  }
0x62: {  	[tilespmem:v2+s8+$0x0] =	vst.idx.add.f32.msk vm2, v0  }
.Ltmp0:
0x63: {  	[tilespmem:v8+s8+$0x0] =	vst.idx.add.f32.msk vm6, v9;
	(pc) =	sbr.rel @p0 .LBB2_3-.Ltmp0, $4  }
0x64: {  	[tilespmem:v3+s8+$0x0] =	vst.idx.add.f32.msk vm3, v6  }
0x65: {  	[tilespmem:v4+s8+$0x0] =	vst.idx.add.f32.msk vm4, v11  }
0x66: {  	[tilespmem:v5+s8+$0x0] =	vst.idx.add.f32.msk vm5, v12  }
0x67: {  	s2 =	sadd.s32 $0x80, s2;
	[tilespmem:v7+s8+$0x0] =	vst.idx.add.f32.msk vm0, v13  }
0x68: {  	_ =	swait.ge [sflag:s25], $0x1000  }
0x69: {  	[sflag:s25] =	ssyncset.done $0x0  }
0x6a: {  	s0 =	simm.s32 $0x19770;
	[sflag:s25] =	ssyncadd.s32 $0xFFFFF000  }
0x6b: {  	[tilespmem:s31], [sflag:$0x6] =	stream.linear.gather [hbm4b:s16+s8], $0x1000, $0x38;
	[tilespmem:$0x1E700] =	vst v63  }
0x6c: {  	v0 =	vld [tilespmem:s0+$0x0]  }
0x6d: {  	v1 =	vld [tilespmem:s0+$0xFFFFFFA0]  }
0x6e: {  	v2 =	vld [tilespmem:s0+$0xFFFFFFB0]  }
0x6f: {  	v3 =	vld [tilespmem:s0+$0xFFFFFFC0]  }
0x70: {  	v4 =	vld [tilespmem:s0+$0xFFFFFFD0]  }
0x71: {  	s3 =	simm.s32 $0x1D740;
	v5 =	vld [tilespmem:s0+$0xFFFFFFE0]  }
0x72: {  	v6 =	vld [tilespmem:s3+$0x30]  }
0x73: {  	v7 =	vld [tilespmem:s0+$0xFFFFFFF0]  }
0x74: {  	v8 =	vld [tilespmem:s0+$0xFFFFFF90]  }
0x75: {  	v9 =	vld [tilespmem:s3+$0xFFFFFFC0]  }
0x76: {  	v10 =	vld [tilespmem:s3+$0xFFFFFFD0];
	vm0 =	vlt.s32 v0, $0xC380  }
0x77: {  	v62 =	vld [tilespmem:s3+$0xFFFFFFE0];
	vm1 =	vlt.s32 v1, $0xC380  }
0x78: {  	v63 =	vld [tilespmem:s3+$0xFFFFFFF0];
	vm15 =	vlt.s32 v2, $0xC380  }
0x79: {  	v11 =	vld [tilespmem:s3+$0x0];
	vm2 =	vlt.s32 v8, $0xC380  }
0x7a: {  	v12 =	vld [tilespmem:s3+$0x10];
	vm3 =	vlt.s32 v3, $0xC380  }
0x7b: {  	v13 =	vld [tilespmem:s3+$0x20];
	vm4 =	vlt.s32 v4, $0xC380  }
0x7c: {  	vm5 =	vlt.s32 v5, $0xC380;
	[tilespmem:v0+s8+$0x0] =	vst.idx.add.f32.msk vm0, v6  }
0x7d: {  	vm6 =	vlt.s32 v7, $0xC380;
	[tilespmem:v1+s8+$0x0] =	vst.idx.add.f32.msk vm1, v10  }
0x7e: {  	[tilespmem:v2+s8+$0x0] =	vst.idx.add.f32.msk vm15, v62  }
0x7f: {  	[tilespmem:v8+s8+$0x0] =	vst.idx.add.f32.msk vm2, v9  }
0x80: {  	[tilespmem:v3+s8+$0x0] =	vst.idx.add.f32.msk vm3, v63  }
0x81: {  	[tilespmem:v4+s8+$0x0] =	vst.idx.add.f32.msk vm4, v11  }
0x82: {  	[tilespmem:v5+s8+$0x0] =	vst.idx.add.f32.msk vm5, v12  }
0x83: {  	s2 =	simm.s32 $0x197F0;
	s0 =	simm.s32 $0x0;
	[tilespmem:v7+s8+$0x0] =	vst.idx.add.f32.msk vm6, v13  }
.LBB2_5:
0x84: {  	v0 =	vld [tilespmem:s2+$0x0];
	s0 =	sadd.s32 $0x8, s0  }
0x85: {  	v1 =	vld [tilespmem:s2+$0xFFFFFFA0];
	p0 =	slt.u32 s0, $0xF8  }
0x86: {  	v2 =	vld [tilespmem:s2+$0xFFFFFFB0]  }
0x87: {  	v3 =	vld [tilespmem:s2+$0xFFFFFFC0]  }
0x88: {  	v4 =	vld [tilespmem:s2+$0xFFFFFFD0]  }
0x89: {  	s3 =	sadd.s32 $0x80, s3;
	v5 =	vld [tilespmem:s2+$0xFFFFFFE0];
	vm0 =	vlt.s32 v0, $0xC380  }
0x8a: {  	vm1 =	vlt.s32 v1, $0xC380;
	v6 =	vld [tilespmem:s3+$0x30]  }
0x8b: {  	vm2 =	vlt.s32 v2, $0xC380;
	v7 =	vld [tilespmem:s2+$0xFFFFFFF0]  }
0x8c: {  	v8 =	vld [tilespmem:s2+$0xFFFFFF90];
	vm3 =	vlt.s32 v3, $0xC380  }
0x8d: {  	v9 =	vld [tilespmem:s3+$0xFFFFFFC0];
	vm4 =	vlt.s32 v4, $0xC380  }
0x8e: {  	v10 =	vld [tilespmem:s3+$0xFFFFFFD0];
	vm5 =	vlt.s32 v5, $0xC380  }
0x8f: {  	[tilespmem:v0+s8+$0x0] =	vst.idx.add.f32.msk vm0, v6  }
0x90: {  	v0 =	vld [tilespmem:s3+$0xFFFFFFE0];
	vm0 =	vlt.s32 v7, $0xC380  }
0x91: {  	vm6 =	vlt.s32 v8, $0xC380;
	v6 =	vld [tilespmem:s3+$0xFFFFFFF0]  }
0x92: {  	v11 =	vld [tilespmem:s3+$0x0]  }
0x93: {  	v12 =	vld [tilespmem:s3+$0x10]  }
0x94: {  	v13 =	vld [tilespmem:s3+$0x20]  }
0x95: {  	[tilespmem:v1+s8+$0x0] =	vst.idx.add.f32.msk vm1, v10  }
0x96: {  	[tilespmem:v2+s8+$0x0] =	vst.idx.add.f32.msk vm2, v0  }
.Ltmp1:
0x97: {  	[tilespmem:v8+s8+$0x0] =	vst.idx.add.f32.msk vm6, v9;
	(pc) =	sbr.rel @p0 .LBB2_5-.Ltmp1, $4  }
0x98: {  	[tilespmem:v3+s8+$0x0] =	vst.idx.add.f32.msk vm3, v6  }
0x99: {  	[tilespmem:v4+s8+$0x0] =	vst.idx.add.f32.msk vm4, v11  }
0x9a: {  	[tilespmem:v5+s8+$0x0] =	vst.idx.add.f32.msk vm5, v12  }
0x9b: {  	s2 =	sadd.s32 $0x80, s2;
	[tilespmem:v7+s8+$0x0] =	vst.idx.add.f32.msk vm0, v13  }
0x9c: {  	s0 =	sshrl.u32 s13, $0x4  }
0x9d: {  	s0 =	smul.u32 $0xC3800, s0;
	_ =	sdelay $0x1  }
0x9e: {  	s0 =	sor.u32 s0, s9  }
0x9f: {  	_ =	swait.ge [sflag:s26], $0xC380;
	s13 =	sshrl.u32 s0, $0x3  }
0xa0: {  	[sflag:s26] =	ssyncset.done $0x0;
	s0 =	sadd.s32 s21, s13  }
0xa1: {  	[sflag:s26] =	ssyncadd.s32 $0xFFFF3C80;
	s0 =	sadd.s32 $0xC380, s0  }
0xa2: {  	[tilespmem:s1], [sflag:$0x2] =	stream.strided.gather [hbm4b:s0+s28], $0xC380, s29, s28, $0x38;
	[tilespmem:$0x1E700] =	vst v63  }
0xa3: {  	_ =	swait.ge [sflag:s22], $0x1000  }
0xa4: {  	[sflag:s22] =	ssyncset.done $0x0  }
0xa5: {  	s2 =	simm.s32 $0x1A770;
	[sflag:s22] =	ssyncadd.s32 $0xFFFFF000  }
0xa6: {  	[tilespmem:s24], [sflag:$0x7] =	stream.linear.gather [hbm4b:s20+s8], $0x1000, $0x38;
	[tilespmem:$0x1E700] =	vst v63  }
0xa7: {  	v0 =	vld [tilespmem:s2+$0x0]  }
0xa8: {  	v1 =	vld [tilespmem:s2+$0xFFFFFFA0]  }
0xa9: {  	v2 =	vld [tilespmem:s2+$0xFFFFFFB0]  }
0xaa: {  	v3 =	vld [tilespmem:s2+$0xFFFFFFC0]  }
0xab: {  	v4 =	vld [tilespmem:s2+$0xFFFFFFD0]  }
0xac: {  	s3 =	simm.s32 $0x1C740;
	v5 =	vld [tilespmem:s2+$0xFFFFFFE0]  }
0xad: {  	v6 =	vld [tilespmem:s3+$0x30]  }
0xae: {  	v7 =	vld [tilespmem:s2+$0xFFFFFFF0]  }
0xaf: {  	v8 =	vld [tilespmem:s2+$0xFFFFFF90]  }
0xb0: {  	v9 =	vld [tilespmem:s3+$0xFFFFFFC0]  }
0xb1: {  	v10 =	vld [tilespmem:s3+$0xFFFFFFD0];
	vm0 =	vlt.s32 v0, $0xC380  }
0xb2: {  	v62 =	vld [tilespmem:s3+$0xFFFFFFE0];
	vm1 =	vlt.s32 v1, $0xC380  }
0xb3: {  	v63 =	vld [tilespmem:s3+$0xFFFFFFF0];
	vm15 =	vlt.s32 v2, $0xC380  }
0xb4: {  	v11 =	vld [tilespmem:s3+$0x0];
	vm2 =	vlt.s32 v8, $0xC380  }
0xb5: {  	v12 =	vld [tilespmem:s3+$0x10];
	vm3 =	vlt.s32 v3, $0xC380  }
0xb6: {  	v13 =	vld [tilespmem:s3+$0x20];
	vm4 =	vlt.s32 v4, $0xC380  }
0xb7: {  	vm5 =	vlt.s32 v5, $0xC380;
	[tilespmem:v0+s8+$0x0] =	vst.idx.add.f32.msk vm0, v6  }
0xb8: {  	vm6 =	vlt.s32 v7, $0xC380;
	[tilespmem:v1+s8+$0x0] =	vst.idx.add.f32.msk vm1, v10  }
0xb9: {  	[tilespmem:v2+s8+$0x0] =	vst.idx.add.f32.msk vm15, v62  }
0xba: {  	[tilespmem:v8+s8+$0x0] =	vst.idx.add.f32.msk vm2, v9  }
0xbb: {  	[tilespmem:v3+s8+$0x0] =	vst.idx.add.f32.msk vm3, v63  }
0xbc: {  	[tilespmem:v4+s8+$0x0] =	vst.idx.add.f32.msk vm4, v11  }
0xbd: {  	[tilespmem:v5+s8+$0x0] =	vst.idx.add.f32.msk vm5, v12  }
0xbe: {  	s0 =	simm.s32 $0x0;
	s2 =	simm.s32 $0x1A7F0;
	[tilespmem:v7+s8+$0x0] =	vst.idx.add.f32.msk vm6, v13  }
.LBB2_7:
0xbf: {  	v0 =	vld [tilespmem:s2+$0x0];
	s0 =	sadd.s32 $0x8, s0  }
0xc0: {  	v1 =	vld [tilespmem:s2+$0xFFFFFFA0];
	p0 =	slt.u32 s0, $0xF8  }
0xc1: {  	v2 =	vld [tilespmem:s2+$0xFFFFFFB0]  }
0xc2: {  	v3 =	vld [tilespmem:s2+$0xFFFFFFC0]  }
0xc3: {  	v4 =	vld [tilespmem:s2+$0xFFFFFFD0]  }
0xc4: {  	s3 =	sadd.s32 $0x80, s3;
	v5 =	vld [tilespmem:s2+$0xFFFFFFE0];
	vm0 =	vlt.s32 v0, $0xC380  }
0xc5: {  	vm1 =	vlt.s32 v1, $0xC380;
	v6 =	vld [tilespmem:s3+$0x30]  }
0xc6: {  	vm2 =	vlt.s32 v2, $0xC380;
	v7 =	vld [tilespmem:s2+$0xFFFFFFF0]  }
0xc7: {  	v8 =	vld [tilespmem:s2+$0xFFFFFF90];
	vm3 =	vlt.s32 v3, $0xC380  }
0xc8: {  	v9 =	vld [tilespmem:s3+$0xFFFFFFC0];
	vm4 =	vlt.s32 v4, $0xC380  }
0xc9: {  	v10 =	vld [tilespmem:s3+$0xFFFFFFD0];
	vm5 =	vlt.s32 v5, $0xC380  }
0xca: {  	[tilespmem:v0+s8+$0x0] =	vst.idx.add.f32.msk vm0, v6  }
0xcb: {  	v0 =	vld [tilespmem:s3+$0xFFFFFFE0];
	vm0 =	vlt.s32 v7, $0xC380  }
0xcc: {  	vm6 =	vlt.s32 v8, $0xC380;
	v6 =	vld [tilespmem:s3+$0xFFFFFFF0]  }
0xcd: {  	v11 =	vld [tilespmem:s3+$0x0]  }
0xce: {  	v12 =	vld [tilespmem:s3+$0x10]  }
0xcf: {  	v13 =	vld [tilespmem:s3+$0x20]  }
0xd0: {  	[tilespmem:v1+s8+$0x0] =	vst.idx.add.f32.msk vm1, v10  }
0xd1: {  	[tilespmem:v2+s8+$0x0] =	vst.idx.add.f32.msk vm2, v0  }
.Ltmp2:
0xd2: {  	[tilespmem:v8+s8+$0x0] =	vst.idx.add.f32.msk vm6, v9;
	(pc) =	sbr.rel @p0 .LBB2_7-.Ltmp2, $4  }
0xd3: {  	[tilespmem:v3+s8+$0x0] =	vst.idx.add.f32.msk vm3, v6  }
0xd4: {  	[tilespmem:v4+s8+$0x0] =	vst.idx.add.f32.msk vm4, v11  }
0xd5: {  	[tilespmem:v5+s8+$0x0] =	vst.idx.add.f32.msk vm5, v12  }
0xd6: {  	s2 =	sadd.s32 $0x80, s2;
	[tilespmem:v7+s8+$0x0] =	vst.idx.add.f32.msk vm0, v13  }
0xd7: {  	_ =	swait.ge [sflag:s25], $0x1000  }
0xd8: {  	[sflag:s25] =	ssyncset.done $0x0  }
0xd9: {  	s0 =	simm.s32 $0x1B770;
	[sflag:s25] =	ssyncadd.s32 $0xFFFFF000  }
0xda: {  	[tilespmem:s31], [sflag:$0x6] =	stream.linear.gather [hbm4b:s19+s8], $0x1000, $0x38;
	[tilespmem:$0x1E700] =	vst v63  }
0xdb: {  	v0 =	vld [tilespmem:s0+$0x0]  }
0xdc: {  	v1 =	vld [tilespmem:s0+$0xFFFFFFA0]  }
0xdd: {  	v2 =	vld [tilespmem:s0+$0xFFFFFFB0]  }
0xde: {  	v3 =	vld [tilespmem:s0+$0xFFFFFFC0]  }
0xdf: {  	v4 =	vld [tilespmem:s0+$0xFFFFFFD0]  }
0xe0: {  	s3 =	simm.s32 $0x1D740;
	v5 =	vld [tilespmem:s0+$0xFFFFFFE0]  }
0xe1: {  	v6 =	vld [tilespmem:s3+$0x30]  }
0xe2: {  	v7 =	vld [tilespmem:s0+$0xFFFFFFF0]  }
0xe3: {  	v8 =	vld [tilespmem:s0+$0xFFFFFF90]  }
0xe4: {  	v9 =	vld [tilespmem:s3+$0xFFFFFFC0]  }
0xe5: {  	v10 =	vld [tilespmem:s3+$0xFFFFFFD0];
	vm0 =	vlt.s32 v0, $0xC380  }
0xe6: {  	v62 =	vld [tilespmem:s3+$0xFFFFFFE0];
	vm1 =	vlt.s32 v1, $0xC380  }
0xe7: {  	v63 =	vld [tilespmem:s3+$0xFFFFFFF0];
	vm15 =	vlt.s32 v2, $0xC380  }
0xe8: {  	v11 =	vld [tilespmem:s3+$0x0];
	vm2 =	vlt.s32 v8, $0xC380  }
0xe9: {  	v12 =	vld [tilespmem:s3+$0x10];
	vm3 =	vlt.s32 v3, $0xC380  }
0xea: {  	v13 =	vld [tilespmem:s3+$0x20];
	vm4 =	vlt.s32 v4, $0xC380  }
0xeb: {  	vm5 =	vlt.s32 v5, $0xC380;
	[tilespmem:v0+s8+$0x0] =	vst.idx.add.f32.msk vm0, v6  }
0xec: {  	vm6 =	vlt.s32 v7, $0xC380;
	[tilespmem:v1+s8+$0x0] =	vst.idx.add.f32.msk vm1, v10  }
0xed: {  	[tilespmem:v2+s8+$0x0] =	vst.idx.add.f32.msk vm15, v62  }
0xee: {  	[tilespmem:v8+s8+$0x0] =	vst.idx.add.f32.msk vm2, v9  }
0xef: {  	[tilespmem:v3+s8+$0x0] =	vst.idx.add.f32.msk vm3, v63  }
0xf0: {  	[tilespmem:v4+s8+$0x0] =	vst.idx.add.f32.msk vm4, v11  }
0xf1: {  	[tilespmem:v5+s8+$0x0] =	vst.idx.add.f32.msk vm5, v12  }
0xf2: {  	s2 =	simm.s32 $0x1B7F0;
	s0 =	simm.s32 $0x0;
	[tilespmem:v7+s8+$0x0] =	vst.idx.add.f32.msk vm6, v13  }
.LBB2_9:
0xf3: {  	v0 =	vld [tilespmem:s2+$0x0];
	s0 =	sadd.s32 $0x8, s0  }
0xf4: {  	v1 =	vld [tilespmem:s2+$0xFFFFFFA0];
	p0 =	slt.u32 s0, $0xF8  }
0xf5: {  	v2 =	vld [tilespmem:s2+$0xFFFFFFB0]  }
0xf6: {  	v3 =	vld [tilespmem:s2+$0xFFFFFFC0]  }
0xf7: {  	v4 =	vld [tilespmem:s2+$0xFFFFFFD0]  }
0xf8: {  	s3 =	sadd.s32 $0x80, s3;
	v5 =	vld [tilespmem:s2+$0xFFFFFFE0];
	vm0 =	vlt.s32 v0, $0xC380  }
0xf9: {  	vm1 =	vlt.s32 v1, $0xC380;
	v6 =	vld [tilespmem:s3+$0x30]  }
0xfa: {  	vm2 =	vlt.s32 v2, $0xC380;
	v7 =	vld [tilespmem:s2+$0xFFFFFFF0]  }
0xfb: {  	v8 =	vld [tilespmem:s2+$0xFFFFFF90];
	vm3 =	vlt.s32 v3, $0xC380  }
0xfc: {  	v9 =	vld [tilespmem:s3+$0xFFFFFFC0];
	vm4 =	vlt.s32 v4, $0xC380  }
0xfd: {  	v10 =	vld [tilespmem:s3+$0xFFFFFFD0];
	vm5 =	vlt.s32 v5, $0xC380  }
0xfe: {  	[tilespmem:v0+s8+$0x0] =	vst.idx.add.f32.msk vm0, v6  }
0xff: {  	v0 =	vld [tilespmem:s3+$0xFFFFFFE0];
	vm0 =	vlt.s32 v7, $0xC380  }
0x100: {  	vm6 =	vlt.s32 v8, $0xC380;
	v6 =	vld [tilespmem:s3+$0xFFFFFFF0]  }
0x101: {  	v11 =	vld [tilespmem:s3+$0x0]  }
0x102: {  	v12 =	vld [tilespmem:s3+$0x10]  }
0x103: {  	v13 =	vld [tilespmem:s3+$0x20]  }
0x104: {  	[tilespmem:v1+s8+$0x0] =	vst.idx.add.f32.msk vm1, v10  }
0x105: {  	[tilespmem:v2+s8+$0x0] =	vst.idx.add.f32.msk vm2, v0  }
.Ltmp3:
0x106: {  	[tilespmem:v8+s8+$0x0] =	vst.idx.add.f32.msk vm6, v9;
	(pc) =	sbr.rel @p0 .LBB2_9-.Ltmp3, $4  }
0x107: {  	[tilespmem:v3+s8+$0x0] =	vst.idx.add.f32.msk vm3, v6  }
0x108: {  	[tilespmem:v4+s8+$0x0] =	vst.idx.add.f32.msk vm4, v11  }
0x109: {  	[tilespmem:v5+s8+$0x0] =	vst.idx.add.f32.msk vm5, v12  }
0x10a: {  	s2 =	sadd.s32 $0x80, s2;
	[tilespmem:v7+s8+$0x0] =	vst.idx.add.f32.msk vm0, v13  }
0x10b: {  	s13 =	sadd.s32 s6, s13  }
0x10c: {  	[hbm4b:s13+s28] =	stream.strided.scatter [tilespmem:s8], [sflag:$0x3], $0xC380, s29, s28, $0x38;
	[tilespmem:$0x1E700] =	vst v63  }
0x10d: {  	_ =	swait.ge [sflag:s23], $0xC380  }
0x10e: {  	[sflag:s23] =	ssyncset.done $0x0  }
0x10f: {  	[sflag:s23] =	ssyncadd.s32 $0xFFFF3C80  }
0x110: {  	_ =	swait.ge [sflag:s22], $0x1000  }
0x111: {  	[sflag:s22] =	ssyncset.done $0x0  }
0x112: {  	s0 =	simm.s32 $0x18740;
	[sflag:s22] =	ssyncadd.s32 $0xFFFFF000  }
0x113: {  	[tilespmem:s24], [sflag:$0x7] =	stream.linear.gather [hbm4b:s15+s8], $0x1000, $0x38;
	[tilespmem:$0x1E700] =	vst v63  }
0x114: {  	v0 =	vld [tilespmem:s0+$0x30]  }
0x115: {  	v1 =	vld [tilespmem:s0+$0xFFFFFFD0]  }
0x116: {  	v2 =	vld [tilespmem:s0+$0xFFFFFFE0]  }
0x117: {  	v3 =	vld [tilespmem:s0+$0xFFFFFFF0]  }
0x118: {  	v4 =	vld [tilespmem:s0+$0x0]  }
0x119: {  	s3 =	simm.s32 $0x1C740;
	v5 =	vld [tilespmem:s0+$0x10]  }
0x11a: {  	v6 =	vld [tilespmem:s3+$0x30]  }
0x11b: {  	v7 =	vld [tilespmem:s0+$0x20]  }
0x11c: {  	v8 =	vld [tilespmem:s0+$0xFFFFFFC0]  }
0x11d: {  	v9 =	vld [tilespmem:s3+$0xFFFFFFC0]  }
0x11e: {  	v10 =	vld [tilespmem:s3+$0xFFFFFFD0];
	vm0 =	vgt.s32 v0, $0xC37F  }
0x11f: {  	v61 =	vld [tilespmem:s3+$0xFFFFFFE0];
	v0 =	vadd.s32 $0xFFFF3C80, v0;
	vm1 =	vgt.s32 v1, $0xC37F  }
0x120: {  	v62 =	vld [tilespmem:s3+$0xFFFFFFF0];
	v60 =	vadd.s32 $0xFFFF3C80, v1;
	vm15 =	vgt.s32 v2, $0xC37F  }
0x121: {  	v11 =	vld [tilespmem:s3+$0x0];
	v2 =	vadd.s32 $0xFFFF3C80, v2;
	vm2 =	vgt.s32 v8, $0xC37F  }
0x122: {  	v12 =	vld [tilespmem:s3+$0x10];
	vm3 =	vgt.s32 v3, $0xC37F;
	v8 =	vadd.s32 $0xFFFF3C80, v8  }
0x123: {  	v13 =	vld [tilespmem:s3+$0x20];
	v3 =	vadd.s32 $0xFFFF3C80, v3;
	vm4 =	vgt.s32 v4, $0xC37F  }
0x124: {  	v4 =	vadd.s32 $0xFFFF3C80, v4;
	vm5 =	vgt.s32 v5, $0xC37F;
	[tilespmem:v0+s1+$0x0] =	vst.idx.add.f32.msk vm0, v6  }
0x125: {  	v5 =	vadd.s32 $0xFFFF3C80, v5;
	vm6 =	vgt.s32 v7, $0xC37F;
	[tilespmem:v60+s1+$0x0] =	vst.idx.add.f32.msk vm1, v10  }
0x126: {  	v63 =	vadd.s32 $0xFFFF3C80, v7;
	[tilespmem:v2+s1+$0x0] =	vst.idx.add.f32.msk vm15, v61  }
0x127: {  	[tilespmem:v8+s1+$0x0] =	vst.idx.add.f32.msk vm2, v9  }
0x128: {  	[tilespmem:v3+s1+$0x0] =	vst.idx.add.f32.msk vm3, v62  }
0x129: {  	[tilespmem:v4+s1+$0x0] =	vst.idx.add.f32.msk vm4, v11  }
0x12a: {  	[tilespmem:v5+s1+$0x0] =	vst.idx.add.f32.msk vm5, v12  }
0x12b: {  	s2 =	simm.s32 $0x0;
	s0 =	simm.s32 $0x187C0;
	[tilespmem:v63+s1+$0x0] =	vst.idx.add.f32.msk vm6, v13  }
.LBB2_11:
0x12c: {  	v0 =	vld [tilespmem:s0+$0x30];
	s2 =	sadd.s32 $0x8, s2  }
0x12d: {  	v1 =	vld [tilespmem:s0+$0xFFFFFFD0];
	p0 =	slt.u32 s2, $0xF8  }
0x12e: {  	v2 =	vld [tilespmem:s0+$0xFFFFFFE0]  }
0x12f: {  	v3 =	vld [tilespmem:s0+$0xFFFFFFF0]  }
0x130: {  	v4 =	vld [tilespmem:s0+$0x0]  }
0x131: {  	s3 =	sadd.s32 $0x80, s3;
	v5 =	vld [tilespmem:s0+$0x10];
	vm3 =	vgt.s32 v0, $0xC37F  }
0x132: {  	v0 =	vadd.s32 $0xFFFF3C80, v0;
	vm0 =	vgt.s32 v1, $0xC37F;
	v1 =	vadd.s32 $0xFFFF3C80, v1;
	v6 =	vld [tilespmem:s3+$0x30]  }
0x133: {  	vm1 =	vgt.s32 v2, $0xC37F;
	v2 =	vadd.s32 $0xFFFF3C80, v2;
	v7 =	vld [tilespmem:s0+$0x20]  }
0x134: {  	v8 =	vld [tilespmem:s0+$0xFFFFFFC0];
	vm2 =	vgt.s32 v3, $0xC37F;
	v3 =	vadd.s32 $0xFFFF3C80, v3  }
0x135: {  	v9 =	vld [tilespmem:s3+$0xFFFFFFC0];
	vm4 =	vgt.s32 v4, $0xC37F;
	v4 =	vadd.s32 $0xFFFF3C80, v4  }
0x136: {  	v10 =	vld [tilespmem:s3+$0xFFFFFFD0];
	vm5 =	vgt.s32 v5, $0xC37F;
	v5 =	vadd.s32 $0xFFFF3C80, v5  }
0x137: {  	[tilespmem:v0+s1+$0x0] =	vst.idx.add.f32.msk vm3, v6  }
0x138: {  	v0 =	vld [tilespmem:s3+$0xFFFFFFE0];
	vm3 =	vgt.s32 v7, $0xC37F;
	v6 =	vadd.s32 $0xFFFF3C80, v7  }
0x139: {  	vm6 =	vgt.s32 v8, $0xC37F;
	v7 =	vadd.s32 $0xFFFF3C80, v8;
	v8 =	vld [tilespmem:s3+$0xFFFFFFF0]  }
0x13a: {  	v11 =	vld [tilespmem:s3+$0x0]  }
0x13b: {  	v12 =	vld [tilespmem:s3+$0x10]  }
0x13c: {  	v13 =	vld [tilespmem:s3+$0x20]  }
0x13d: {  	[tilespmem:v1+s1+$0x0] =	vst.idx.add.f32.msk vm0, v10  }
0x13e: {  	[tilespmem:v2+s1+$0x0] =	vst.idx.add.f32.msk vm1, v0  }
.Ltmp4:
0x13f: {  	[tilespmem:v7+s1+$0x0] =	vst.idx.add.f32.msk vm6, v9;
	(pc) =	sbr.rel @p0 .LBB2_11-.Ltmp4, $4  }
0x140: {  	[tilespmem:v3+s1+$0x0] =	vst.idx.add.f32.msk vm2, v8  }
0x141: {  	[tilespmem:v4+s1+$0x0] =	vst.idx.add.f32.msk vm4, v11  }
0x142: {  	[tilespmem:v5+s1+$0x0] =	vst.idx.add.f32.msk vm5, v12  }
0x143: {  	s0 =	sadd.s32 $0x80, s0;
	[tilespmem:v6+s1+$0x0] =	vst.idx.add.f32.msk vm3, v13  }
0x144: {  	_ =	swait.ge [sflag:s25], $0x1000  }
0x145: {  	[sflag:s25] =	ssyncset.done $0x0  }
0x146: {  	s0 =	simm.s32 $0x19770;
	[sflag:s25] =	ssyncadd.s32 $0xFFFFF000  }
0x147: {  	[tilespmem:s31], [sflag:$0x6] =	stream.linear.gather [hbm4b:s16+s8], $0x1000, $0x38;
	[tilespmem:$0x1E700] =	vst v63  }
0x148: {  	v0 =	vld [tilespmem:s0+$0x0]  }
0x149: {  	v1 =	vld [tilespmem:s0+$0xFFFFFFA0]  }
0x14a: {  	v2 =	vld [tilespmem:s0+$0xFFFFFFB0]  }
0x14b: {  	v3 =	vld [tilespmem:s0+$0xFFFFFFC0]  }
0x14c: {  	v4 =	vld [tilespmem:s0+$0xFFFFFFD0]  }
0x14d: {  	s3 =	simm.s32 $0x1D740;
	v5 =	vld [tilespmem:s0+$0xFFFFFFE0]  }
0x14e: {  	v6 =	vld [tilespmem:s3+$0x30]  }
0x14f: {  	v7 =	vld [tilespmem:s0+$0xFFFFFFF0]  }
0x150: {  	v8 =	vld [tilespmem:s0+$0xFFFFFF90]  }
0x151: {  	v9 =	vld [tilespmem:s3+$0xFFFFFFC0]  }
0x152: {  	v10 =	vld [tilespmem:s3+$0xFFFFFFD0];
	vm0 =	vgt.s32 v0, $0xC37F  }
0x153: {  	v61 =	vld [tilespmem:s3+$0xFFFFFFE0];
	v0 =	vadd.s32 $0xFFFF3C80, v0;
	vm1 =	vgt.s32 v1, $0xC37F  }
0x154: {  	v62 =	vld [tilespmem:s3+$0xFFFFFFF0];
	v60 =	vadd.s32 $0xFFFF3C80, v1;
	vm15 =	vgt.s32 v2, $0xC37F  }
0x155: {  	v11 =	vld [tilespmem:s3+$0x0];
	v2 =	vadd.s32 $0xFFFF3C80, v2;
	vm2 =	vgt.s32 v8, $0xC37F  }
0x156: {  	v12 =	vld [tilespmem:s3+$0x10];
	vm3 =	vgt.s32 v3, $0xC37F;
	v8 =	vadd.s32 $0xFFFF3C80, v8  }
0x157: {  	v13 =	vld [tilespmem:s3+$0x20];
	v3 =	vadd.s32 $0xFFFF3C80, v3;
	vm4 =	vgt.s32 v4, $0xC37F  }
0x158: {  	v4 =	vadd.s32 $0xFFFF3C80, v4;
	vm5 =	vgt.s32 v5, $0xC37F;
	[tilespmem:v0+s1+$0x0] =	vst.idx.add.f32.msk vm0, v6  }
0x159: {  	v5 =	vadd.s32 $0xFFFF3C80, v5;
	vm6 =	vgt.s32 v7, $0xC37F;
	[tilespmem:v60+s1+$0x0] =	vst.idx.add.f32.msk vm1, v10  }
0x15a: {  	v63 =	vadd.s32 $0xFFFF3C80, v7;
	[tilespmem:v2+s1+$0x0] =	vst.idx.add.f32.msk vm15, v61  }
0x15b: {  	[tilespmem:v8+s1+$0x0] =	vst.idx.add.f32.msk vm2, v9  }
0x15c: {  	[tilespmem:v3+s1+$0x0] =	vst.idx.add.f32.msk vm3, v62  }
0x15d: {  	[tilespmem:v4+s1+$0x0] =	vst.idx.add.f32.msk vm4, v11  }
0x15e: {  	[tilespmem:v5+s1+$0x0] =	vst.idx.add.f32.msk vm5, v12  }
0x15f: {  	s2 =	simm.s32 $0x0;
	s0 =	simm.s32 $0x197F0;
	[tilespmem:v63+s1+$0x0] =	vst.idx.add.f32.msk vm6, v13  }
.LBB2_13:
0x160: {  	v0 =	vld [tilespmem:s0+$0x0];
	s2 =	sadd.s32 $0x8, s2  }
0x161: {  	v1 =	vld [tilespmem:s0+$0xFFFFFFA0];
	p0 =	slt.u32 s2, $0xF8  }
0x162: {  	v2 =	vld [tilespmem:s0+$0xFFFFFFB0]  }
0x163: {  	v3 =	vld [tilespmem:s0+$0xFFFFFFC0]  }
0x164: {  	v4 =	vld [tilespmem:s0+$0xFFFFFFD0]  }
0x165: {  	s3 =	sadd.s32 $0x80, s3;
	v5 =	vld [tilespmem:s0+$0xFFFFFFE0];
	vm3 =	vgt.s32 v0, $0xC37F  }
0x166: {  	v0 =	vadd.s32 $0xFFFF3C80, v0;
	vm0 =	vgt.s32 v1, $0xC37F;
	v1 =	vadd.s32 $0xFFFF3C80, v1;
	v6 =	vld [tilespmem:s3+$0x30]  }
0x167: {  	vm1 =	vgt.s32 v2, $0xC37F;
	v2 =	vadd.s32 $0xFFFF3C80, v2;
	v7 =	vld [tilespmem:s0+$0xFFFFFFF0]  }
0x168: {  	v8 =	vld [tilespmem:s0+$0xFFFFFF90];
	vm2 =	vgt.s32 v3, $0xC37F;
	v3 =	vadd.s32 $0xFFFF3C80, v3  }
0x169: {  	v9 =	vld [tilespmem:s3+$0xFFFFFFC0];
	vm4 =	vgt.s32 v4, $0xC37F;
	v4 =	vadd.s32 $0xFFFF3C80, v4  }
0x16a: {  	v10 =	vld [tilespmem:s3+$0xFFFFFFD0];
	vm5 =	vgt.s32 v5, $0xC37F;
	v5 =	vadd.s32 $0xFFFF3C80, v5  }
0x16b: {  	[tilespmem:v0+s1+$0x0] =	vst.idx.add.f32.msk vm3, v6  }
0x16c: {  	v0 =	vld [tilespmem:s3+$0xFFFFFFE0];
	vm3 =	vgt.s32 v7, $0xC37F;
	v6 =	vadd.s32 $0xFFFF3C80, v7  }
0x16d: {  	vm6 =	vgt.s32 v8, $0xC37F;
	v7 =	vadd.s32 $0xFFFF3C80, v8;
	v8 =	vld [tilespmem:s3+$0xFFFFFFF0]  }
0x16e: {  	v11 =	vld [tilespmem:s3+$0x0]  }
0x16f: {  	v12 =	vld [tilespmem:s3+$0x10]  }
0x170: {  	v13 =	vld [tilespmem:s3+$0x20]  }
0x171: {  	[tilespmem:v1+s1+$0x0] =	vst.idx.add.f32.msk vm0, v10  }
0x172: {  	[tilespmem:v2+s1+$0x0] =	vst.idx.add.f32.msk vm1, v0  }
.Ltmp5:
0x173: {  	[tilespmem:v7+s1+$0x0] =	vst.idx.add.f32.msk vm6, v9;
	(pc) =	sbr.rel @p0 .LBB2_13-.Ltmp5, $4  }
0x174: {  	[tilespmem:v3+s1+$0x0] =	vst.idx.add.f32.msk vm2, v8  }
0x175: {  	[tilespmem:v4+s1+$0x0] =	vst.idx.add.f32.msk vm4, v11  }
0x176: {  	[tilespmem:v5+s1+$0x0] =	vst.idx.add.f32.msk vm5, v12  }
0x177: {  	s0 =	sadd.s32 $0x80, s0;
	[tilespmem:v6+s1+$0x0] =	vst.idx.add.f32.msk vm3, v13  }
0x178: {  	s0 =	sadd.s32 s12, s17  }
0x179: {  	s2 =	smulhi.u32 $0x51EB851F, s0;
	_ =	sdelay $0x1  }
0x17a: {  	s2 =	sshrl.u32 s2, $0x6  }
0x17b: {  	s2 =	smul.u32 $0xC8, s2;
	_ =	sdelay $0x1  }
0x17c: {  	s0 =	ssub.s32 s0, s2  }
0x17d: {  	s2 =	sshrl.u32 s0, $0x4  }
0x17e: {  	s3 =	sshll.u32 s0, $0x6;
	s2 =	smul.u32 $0xC3800, s2  }
0x17f: {  	_ =	swait.ge [sflag:s18], $0xC380;
	s17 =	sand.u32 $0x1, s0;
	s3 =	sand.u32 $0x380, s3  }
0x180: {  	p0 =	seq.s32 s17, $0x0;
	s2 =	sor.u32 s2, s3;
	s3 =	rddreg [dreg:$0x1]  }
0x181: {  	[sflag:s18] =	ssyncset.done $0x0;
	s2 =	sshrl.u32 s2, $0x3;
	s3 =	smov.u32 @p0 s4  }
0x182: {  	[sflag:s18] =	ssyncadd.s32 $0xFFFF3C80;
	s2 =	sadd.s32 s3, s2  }
0x183: {  	[tilespmem:s8], [sflag:$0x1] =	stream.strided.gather [hbm4b:s2+s28], $0xC380, s29, s28, $0x38;
	[tilespmem:$0x1E700] =	vst v63  }
0x184: {  	_ =	swait.ge [sflag:s22], $0x1000  }
0x185: {  	[sflag:s22] =	ssyncset.done $0x0  }
0x186: {  	s17 =	simm.s32 $0x1A770;
	[sflag:s22] =	ssyncadd.s32 $0xFFFFF000  }
0x187: {  	[tilespmem:s24], [sflag:$0x7] =	stream.linear.gather [hbm4b:s20+s8], $0x1000, $0x38;
	[tilespmem:$0x1E700] =	vst v63  }
0x188: {  	v0 =	vld [tilespmem:s17+$0x0]  }
0x189: {  	v1 =	vld [tilespmem:s17+$0xFFFFFFA0]  }
0x18a: {  	v2 =	vld [tilespmem:s17+$0xFFFFFFB0]  }
0x18b: {  	v3 =	vld [tilespmem:s17+$0xFFFFFFC0]  }
0x18c: {  	v4 =	vld [tilespmem:s17+$0xFFFFFFD0]  }
0x18d: {  	s3 =	simm.s32 $0x1C740;
	v5 =	vld [tilespmem:s17+$0xFFFFFFE0]  }
0x18e: {  	v6 =	vld [tilespmem:s3+$0x30]  }
0x18f: {  	v7 =	vld [tilespmem:s17+$0xFFFFFFF0]  }
0x190: {  	v8 =	vld [tilespmem:s17+$0xFFFFFF90]  }
0x191: {  	v9 =	vld [tilespmem:s3+$0xFFFFFFC0]  }
0x192: {  	v10 =	vld [tilespmem:s3+$0xFFFFFFD0];
	vm0 =	vgt.s32 v0, $0xC37F  }
0x193: {  	v61 =	vld [tilespmem:s3+$0xFFFFFFE0];
	v0 =	vadd.s32 $0xFFFF3C80, v0;
	vm1 =	vgt.s32 v1, $0xC37F  }
0x194: {  	v62 =	vld [tilespmem:s3+$0xFFFFFFF0];
	v60 =	vadd.s32 $0xFFFF3C80, v1;
	vm15 =	vgt.s32 v2, $0xC37F  }
0x195: {  	v11 =	vld [tilespmem:s3+$0x0];
	v2 =	vadd.s32 $0xFFFF3C80, v2;
	vm2 =	vgt.s32 v8, $0xC37F  }
0x196: {  	v12 =	vld [tilespmem:s3+$0x10];
	vm3 =	vgt.s32 v3, $0xC37F;
	v8 =	vadd.s32 $0xFFFF3C80, v8  }
0x197: {  	v13 =	vld [tilespmem:s3+$0x20];
	v3 =	vadd.s32 $0xFFFF3C80, v3;
	vm4 =	vgt.s32 v4, $0xC37F  }
0x198: {  	v4 =	vadd.s32 $0xFFFF3C80, v4;
	vm5 =	vgt.s32 v5, $0xC37F;
	[tilespmem:v0+s1+$0x0] =	vst.idx.add.f32.msk vm0, v6  }
0x199: {  	v5 =	vadd.s32 $0xFFFF3C80, v5;
	vm6 =	vgt.s32 v7, $0xC37F;
	[tilespmem:v60+s1+$0x0] =	vst.idx.add.f32.msk vm1, v10  }
0x19a: {  	v63 =	vadd.s32 $0xFFFF3C80, v7;
	[tilespmem:v2+s1+$0x0] =	vst.idx.add.f32.msk vm15, v61  }
0x19b: {  	[tilespmem:v8+s1+$0x0] =	vst.idx.add.f32.msk vm2, v9  }
0x19c: {  	[tilespmem:v3+s1+$0x0] =	vst.idx.add.f32.msk vm3, v62  }
0x19d: {  	[tilespmem:v4+s1+$0x0] =	vst.idx.add.f32.msk vm4, v11  }
0x19e: {  	[tilespmem:v5+s1+$0x0] =	vst.idx.add.f32.msk vm5, v12  }
0x19f: {  	s2 =	simm.s32 $0x0;
	s17 =	sshrl.u32 s0, $0x1;
	s0 =	simm.s32 $0x1A7F0;
	[tilespmem:v63+s1+$0x0] =	vst.idx.add.f32.msk vm6, v13  }
.LBB2_15:
0x1a0: {  	v0 =	vld [tilespmem:s0+$0x0];
	s2 =	sadd.s32 $0x8, s2  }
0x1a1: {  	v1 =	vld [tilespmem:s0+$0xFFFFFFA0];
	p1 =	slt.u32 s2, $0xF8  }
0x1a2: {  	v2 =	vld [tilespmem:s0+$0xFFFFFFB0]  }
0x1a3: {  	v3 =	vld [tilespmem:s0+$0xFFFFFFC0]  }
0x1a4: {  	v4 =	vld [tilespmem:s0+$0xFFFFFFD0]  }
0x1a5: {  	s3 =	sadd.s32 $0x80, s3;
	v5 =	vld [tilespmem:s0+$0xFFFFFFE0];
	vm3 =	vgt.s32 v0, $0xC37F  }
0x1a6: {  	v0 =	vadd.s32 $0xFFFF3C80, v0;
	vm0 =	vgt.s32 v1, $0xC37F;
	v1 =	vadd.s32 $0xFFFF3C80, v1;
	v6 =	vld [tilespmem:s3+$0x30]  }
0x1a7: {  	vm1 =	vgt.s32 v2, $0xC37F;
	v2 =	vadd.s32 $0xFFFF3C80, v2;
	v7 =	vld [tilespmem:s0+$0xFFFFFFF0]  }
0x1a8: {  	v8 =	vld [tilespmem:s0+$0xFFFFFF90];
	vm2 =	vgt.s32 v3, $0xC37F;
	v3 =	vadd.s32 $0xFFFF3C80, v3  }
0x1a9: {  	v9 =	vld [tilespmem:s3+$0xFFFFFFC0];
	vm4 =	vgt.s32 v4, $0xC37F;
	v4 =	vadd.s32 $0xFFFF3C80, v4  }
0x1aa: {  	v10 =	vld [tilespmem:s3+$0xFFFFFFD0];
	vm5 =	vgt.s32 v5, $0xC37F;
	v5 =	vadd.s32 $0xFFFF3C80, v5  }
0x1ab: {  	[tilespmem:v0+s1+$0x0] =	vst.idx.add.f32.msk vm3, v6  }
0x1ac: {  	v0 =	vld [tilespmem:s3+$0xFFFFFFE0];
	vm3 =	vgt.s32 v7, $0xC37F;
	v6 =	vadd.s32 $0xFFFF3C80, v7  }
0x1ad: {  	vm6 =	vgt.s32 v8, $0xC37F;
	v7 =	vadd.s32 $0xFFFF3C80, v8;
	v8 =	vld [tilespmem:s3+$0xFFFFFFF0]  }
0x1ae: {  	v11 =	vld [tilespmem:s3+$0x0]  }
0x1af: {  	v12 =	vld [tilespmem:s3+$0x10]  }
0x1b0: {  	v13 =	vld [tilespmem:s3+$0x20]  }
0x1b1: {  	[tilespmem:v1+s1+$0x0] =	vst.idx.add.f32.msk vm0, v10  }
0x1b2: {  	[tilespmem:v2+s1+$0x0] =	vst.idx.add.f32.msk vm1, v0  }
.Ltmp6:
0x1b3: {  	[tilespmem:v7+s1+$0x0] =	vst.idx.add.f32.msk vm6, v9;
	(pc) =	sbr.rel @p1 .LBB2_15-.Ltmp6, $4  }
0x1b4: {  	[tilespmem:v3+s1+$0x0] =	vst.idx.add.f32.msk vm2, v8  }
0x1b5: {  	[tilespmem:v4+s1+$0x0] =	vst.idx.add.f32.msk vm4, v11  }
0x1b6: {  	[tilespmem:v5+s1+$0x0] =	vst.idx.add.f32.msk vm5, v12  }
0x1b7: {  	s0 =	sadd.s32 $0x80, s0;
	[tilespmem:v6+s1+$0x0] =	vst.idx.add.f32.msk vm3, v13  }
0x1b8: {  	_ =	swait.ge [sflag:s25], $0x1000  }
0x1b9: {  	[sflag:s25] =	ssyncset.done $0x0  }
0x1ba: {  	[sflag:s25] =	ssyncadd.s32 $0xFFFFF000  }
0x1bb: {  	s0 =	smov.u32 s5;
	s2 =	rddreg [dreg:$0x3]  }
0x1bc: {  	s0 =	smov.u32 @p0 s2;
	s2 =	simm.s32 $0x1B770  }
0x1bd: {  	[tilespmem:s31], [sflag:$0x6] =	stream.linear.gather [hbm4b:s0+s8], $0x1000, $0x38;
	[tilespmem:$0x1E700] =	vst v63  }
0x1be: {  	v0 =	vld [tilespmem:s2+$0x0]  }
0x1bf: {  	v1 =	vld [tilespmem:s2+$0xFFFFFFA0]  }
0x1c0: {  	v2 =	vld [tilespmem:s2+$0xFFFFFFB0]  }
0x1c1: {  	v3 =	vld [tilespmem:s2+$0xFFFFFFC0]  }
0x1c2: {  	v4 =	vld [tilespmem:s2+$0xFFFFFFD0]  }
0x1c3: {  	s3 =	simm.s32 $0x1D740;
	v5 =	vld [tilespmem:s2+$0xFFFFFFE0]  }
0x1c4: {  	v6 =	vld [tilespmem:s3+$0x30]  }
0x1c5: {  	v7 =	vld [tilespmem:s2+$0xFFFFFFF0]  }
0x1c6: {  	v8 =	vld [tilespmem:s2+$0xFFFFFF90]  }
0x1c7: {  	v9 =	vld [tilespmem:s3+$0xFFFFFFC0]  }
0x1c8: {  	v10 =	vld [tilespmem:s3+$0xFFFFFFD0];
	vm0 =	vgt.s32 v0, $0xC37F  }
0x1c9: {  	v61 =	vld [tilespmem:s3+$0xFFFFFFE0];
	v0 =	vadd.s32 $0xFFFF3C80, v0;
	vm1 =	vgt.s32 v1, $0xC37F  }
0x1ca: {  	v62 =	vld [tilespmem:s3+$0xFFFFFFF0];
	v60 =	vadd.s32 $0xFFFF3C80, v1;
	vm15 =	vgt.s32 v2, $0xC37F  }
0x1cb: {  	v11 =	vld [tilespmem:s3+$0x0];
	v2 =	vadd.s32 $0xFFFF3C80, v2;
	vm2 =	vgt.s32 v8, $0xC37F  }
0x1cc: {  	v12 =	vld [tilespmem:s3+$0x10];
	vm3 =	vgt.s32 v3, $0xC37F;
	v8 =	vadd.s32 $0xFFFF3C80, v8  }
0x1cd: {  	v13 =	vld [tilespmem:s3+$0x20];
	v3 =	vadd.s32 $0xFFFF3C80, v3;
	vm4 =	vgt.s32 v4, $0xC37F  }
0x1ce: {  	v4 =	vadd.s32 $0xFFFF3C80, v4;
	vm5 =	vgt.s32 v5, $0xC37F;
	[tilespmem:v0+s1+$0x0] =	vst.idx.add.f32.msk vm0, v6  }
0x1cf: {  	v5 =	vadd.s32 $0xFFFF3C80, v5;
	vm6 =	vgt.s32 v7, $0xC37F;
	[tilespmem:v60+s1+$0x0] =	vst.idx.add.f32.msk vm1, v10  }
0x1d0: {  	v63 =	vadd.s32 $0xFFFF3C80, v7;
	[tilespmem:v2+s1+$0x0] =	vst.idx.add.f32.msk vm15, v61  }
0x1d1: {  	[tilespmem:v8+s1+$0x0] =	vst.idx.add.f32.msk vm2, v9  }
0x1d2: {  	[tilespmem:v3+s1+$0x0] =	vst.idx.add.f32.msk vm3, v62  }
0x1d3: {  	[tilespmem:v4+s1+$0x0] =	vst.idx.add.f32.msk vm4, v11  }
0x1d4: {  	[tilespmem:v5+s1+$0x0] =	vst.idx.add.f32.msk vm5, v12  }
0x1d5: {  	s0 =	simm.s32 $0x1B7F0;
	s2 =	simm.s32 $0x0;
	[tilespmem:v63+s1+$0x0] =	vst.idx.add.f32.msk vm6, v13  }
.LBB2_17:
0x1d6: {  	v0 =	vld [tilespmem:s0+$0x0];
	s2 =	sadd.s32 $0x8, s2  }
0x1d7: {  	v1 =	vld [tilespmem:s0+$0xFFFFFFA0];
	p0 =	slt.u32 s2, $0xF8  }
0x1d8: {  	v2 =	vld [tilespmem:s0+$0xFFFFFFB0]  }
0x1d9: {  	v3 =	vld [tilespmem:s0+$0xFFFFFFC0]  }
0x1da: {  	v4 =	vld [tilespmem:s0+$0xFFFFFFD0]  }
0x1db: {  	s3 =	sadd.s32 $0x80, s3;
	v5 =	vld [tilespmem:s0+$0xFFFFFFE0];
	vm3 =	vgt.s32 v0, $0xC37F  }
0x1dc: {  	v0 =	vadd.s32 $0xFFFF3C80, v0;
	vm0 =	vgt.s32 v1, $0xC37F;
	v1 =	vadd.s32 $0xFFFF3C80, v1;
	v6 =	vld [tilespmem:s3+$0x30]  }
0x1dd: {  	vm1 =	vgt.s32 v2, $0xC37F;
	v2 =	vadd.s32 $0xFFFF3C80, v2;
	v7 =	vld [tilespmem:s0+$0xFFFFFFF0]  }
0x1de: {  	v8 =	vld [tilespmem:s0+$0xFFFFFF90];
	vm2 =	vgt.s32 v3, $0xC37F;
	v3 =	vadd.s32 $0xFFFF3C80, v3  }
0x1df: {  	v9 =	vld [tilespmem:s3+$0xFFFFFFC0];
	vm4 =	vgt.s32 v4, $0xC37F;
	v4 =	vadd.s32 $0xFFFF3C80, v4  }
0x1e0: {  	v10 =	vld [tilespmem:s3+$0xFFFFFFD0];
	vm5 =	vgt.s32 v5, $0xC37F;
	v5 =	vadd.s32 $0xFFFF3C80, v5  }
0x1e1: {  	[tilespmem:v0+s1+$0x0] =	vst.idx.add.f32.msk vm3, v6  }
0x1e2: {  	v0 =	vld [tilespmem:s3+$0xFFFFFFE0];
	vm3 =	vgt.s32 v7, $0xC37F;
	v6 =	vadd.s32 $0xFFFF3C80, v7  }
0x1e3: {  	vm6 =	vgt.s32 v8, $0xC37F;
	v7 =	vadd.s32 $0xFFFF3C80, v8;
	v8 =	vld [tilespmem:s3+$0xFFFFFFF0]  }
0x1e4: {  	v11 =	vld [tilespmem:s3+$0x0]  }
0x1e5: {  	v12 =	vld [tilespmem:s3+$0x10]  }
0x1e6: {  	v13 =	vld [tilespmem:s3+$0x20]  }
0x1e7: {  	[tilespmem:v1+s1+$0x0] =	vst.idx.add.f32.msk vm0, v10  }
0x1e8: {  	[tilespmem:v2+s1+$0x0] =	vst.idx.add.f32.msk vm1, v0  }
.Ltmp7:
0x1e9: {  	[tilespmem:v7+s1+$0x0] =	vst.idx.add.f32.msk vm6, v9;
	(pc) =	sbr.rel @p0 .LBB2_17-.Ltmp7, $4  }
0x1ea: {  	[tilespmem:v3+s1+$0x0] =	vst.idx.add.f32.msk vm2, v8  }
0x1eb: {  	[tilespmem:v4+s1+$0x0] =	vst.idx.add.f32.msk vm4, v11  }
0x1ec: {  	[tilespmem:v5+s1+$0x0] =	vst.idx.add.f32.msk vm5, v12  }
0x1ed: {  	s0 =	sadd.s32 $0x80, s0;
	[tilespmem:v6+s1+$0x0] =	vst.idx.add.f32.msk vm3, v13  }
0x1ee: {  	s0 =	sadd.s32 $0xC380, s13;
	s14 =	sadd.s32 $0x1, s14  }
0x1ef: {  	[hbm4b:s0+s28] =	stream.strided.scatter [tilespmem:s1], [sflag:$0x4], $0xC380, s29, s28, $0x38;
	[tilespmem:$0x1E700] =	vst v63  }
0x1f0: {  	p0 =	sne.s32 s14, $0x6  }
.Ltmp8:
0x1f1: {  	s13 =	sshll.u32 s17, $0x4;
	(pc) =	sbr.rel @p0 .LBB2_2-.Ltmp8, $4  }
0x1f2: {  	s2 =	sshll.u32 s17, $0xB;
	s3 =	rddreg [dreg:$0x2];
	s0 =	sand.u32 $0x70, s13  }
0x1f3: {  	s2 =	sand.u32 $0x3C000, s2;
	s0 =	sadd.s32 s3, s0  }
0x1f4: {  	s0 =	sadd.s32 s2, s0  }
0x1f5: {  	[tilespmem:s30], [sflag:$0x5] =	stream.strided.gather [hbm4b:s0+s28], $0x4000, s29, s28, $0x38;
	[tilespmem:$0x1E700] =	vst v63  }
0x1f6: {  	_ =	swait.ge [sflag:s7], $0xC380  }
0x1f7: {  	[sflag:s7] =	ssyncset.done $0x0  }
0x1f8: {  	[sflag:s7] =	ssyncadd.s32 $0xFFFF3C80  }
0x1f9: {  	_ =	swait.ge [sflag:s11], $0x4000  }
0x1fa: {  	[sflag:s11] =	ssyncset.done $0x0  }
0x1fb: {  	[sflag:s11] =	ssyncadd.s32 $0xFFFFC000  }
0x1fc: {  	_ =	swait.ge [sflag:s22], $0x1000  }
0x1fd: {  	[sflag:s22] =	ssyncset.done $0x0  }
0x1fe: {  	s17 =	simm.s32 $0x18740;
	s0 =	rddreg [dreg:$0x9];
	[sflag:s22] =	ssyncadd.s32 $0xFFFFF000  }
0x1ff: {  	[tilespmem:s24], [sflag:$0x7] =	stream.linear.gather [hbm4b:s0+s8], $0x1000, $0x38;
	[tilespmem:$0x1E700] =	vst v63  }
0x200: {  	v0 =	vld [tilespmem:s17+$0x30]  }
0x201: {  	v1 =	vld [tilespmem:s17+$0xFFFFFFD0]  }
0x202: {  	v2 =	vld [tilespmem:s17+$0xFFFFFFE0]  }
0x203: {  	v3 =	vld [tilespmem:s17+$0xFFFFFFF0]  }
0x204: {  	v4 =	vld [tilespmem:s17+$0x0]  }
0x205: {  	s3 =	simm.s32 $0x1C740;
	v5 =	vld [tilespmem:s17+$0x10]  }
0x206: {  	v6 =	vld [tilespmem:s3+$0x30]  }
0x207: {  	v7 =	vld [tilespmem:s17+$0x20]  }
0x208: {  	v8 =	vld [tilespmem:s17+$0xFFFFFFC0]  }
0x209: {  	v9 =	vld [tilespmem:s3+$0xFFFFFFC0]  }
0x20a: {  	v10 =	vld [tilespmem:s3+$0xFFFFFFD0];
	vm0 =	vlt.s32 v0, $0xC380  }
0x20b: {  	v62 =	vld [tilespmem:s3+$0xFFFFFFE0];
	vm1 =	vlt.s32 v1, $0xC380  }
0x20c: {  	v63 =	vld [tilespmem:s3+$0xFFFFFFF0];
	vm15 =	vlt.s32 v2, $0xC380  }
0x20d: {  	v11 =	vld [tilespmem:s3+$0x0];
	vm2 =	vlt.s32 v8, $0xC380  }
0x20e: {  	v12 =	vld [tilespmem:s3+$0x10];
	vm3 =	vlt.s32 v3, $0xC380  }
0x20f: {  	v13 =	vld [tilespmem:s3+$0x20];
	vm4 =	vlt.s32 v4, $0xC380  }
0x210: {  	vm5 =	vlt.s32 v5, $0xC380;
	[tilespmem:v0+s8+$0x0] =	vst.idx.add.f32.msk vm0, v6  }
0x211: {  	vm6 =	vlt.s32 v7, $0xC380;
	[tilespmem:v1+s8+$0x0] =	vst.idx.add.f32.msk vm1, v10  }
0x212: {  	[tilespmem:v2+s8+$0x0] =	vst.idx.add.f32.msk vm15, v62  }
0x213: {  	[tilespmem:v8+s8+$0x0] =	vst.idx.add.f32.msk vm2, v9  }
0x214: {  	[tilespmem:v3+s8+$0x0] =	vst.idx.add.f32.msk vm3, v63  }
0x215: {  	[tilespmem:v4+s8+$0x0] =	vst.idx.add.f32.msk vm4, v11  }
0x216: {  	[tilespmem:v5+s8+$0x0] =	vst.idx.add.f32.msk vm5, v12  }
0x217: {  	s2 =	simm.s32 $0x187C0;
	s0 =	simm.s32 $0x0;
	[tilespmem:v7+s8+$0x0] =	vst.idx.add.f32.msk vm6, v13  }
.LBB2_20:
0x218: {  	v0 =	vld [tilespmem:s2+$0x30];
	s0 =	sadd.s32 $0x8, s0  }
0x219: {  	v1 =	vld [tilespmem:s2+$0xFFFFFFD0];
	p0 =	slt.u32 s0, $0xF8  }
0x21a: {  	v2 =	vld [tilespmem:s2+$0xFFFFFFE0]  }
0x21b: {  	v3 =	vld [tilespmem:s2+$0xFFFFFFF0]  }
0x21c: {  	v4 =	vld [tilespmem:s2+$0x0]  }
0x21d: {  	s3 =	sadd.s32 $0x80, s3;
	v5 =	vld [tilespmem:s2+$0x10];
	vm0 =	vlt.s32 v0, $0xC380  }
0x21e: {  	vm1 =	vlt.s32 v1, $0xC380;
	v6 =	vld [tilespmem:s3+$0x30]  }
0x21f: {  	vm2 =	vlt.s32 v2, $0xC380;
	v7 =	vld [tilespmem:s2+$0x20]  }
0x220: {  	v8 =	vld [tilespmem:s2+$0xFFFFFFC0];
	vm3 =	vlt.s32 v3, $0xC380  }
0x221: {  	v9 =	vld [tilespmem:s3+$0xFFFFFFC0];
	vm4 =	vlt.s32 v4, $0xC380  }
0x222: {  	v10 =	vld [tilespmem:s3+$0xFFFFFFD0];
	vm5 =	vlt.s32 v5, $0xC380  }
0x223: {  	[tilespmem:v0+s8+$0x0] =	vst.idx.add.f32.msk vm0, v6  }
0x224: {  	v0 =	vld [tilespmem:s3+$0xFFFFFFE0];
	vm0 =	vlt.s32 v7, $0xC380  }
0x225: {  	vm6 =	vlt.s32 v8, $0xC380;
	v6 =	vld [tilespmem:s3+$0xFFFFFFF0]  }
0x226: {  	v11 =	vld [tilespmem:s3+$0x0]  }
0x227: {  	v12 =	vld [tilespmem:s3+$0x10]  }
0x228: {  	v13 =	vld [tilespmem:s3+$0x20]  }
0x229: {  	[tilespmem:v1+s8+$0x0] =	vst.idx.add.f32.msk vm1, v10  }
0x22a: {  	[tilespmem:v2+s8+$0x0] =	vst.idx.add.f32.msk vm2, v0  }
.Ltmp9:
0x22b: {  	[tilespmem:v8+s8+$0x0] =	vst.idx.add.f32.msk vm6, v9;
	(pc) =	sbr.rel @p0 .LBB2_20-.Ltmp9, $4  }
0x22c: {  	[tilespmem:v3+s8+$0x0] =	vst.idx.add.f32.msk vm3, v6  }
0x22d: {  	[tilespmem:v4+s8+$0x0] =	vst.idx.add.f32.msk vm4, v11  }
0x22e: {  	[tilespmem:v5+s8+$0x0] =	vst.idx.add.f32.msk vm5, v12  }
0x22f: {  	s2 =	sadd.s32 $0x80, s2;
	[tilespmem:v7+s8+$0x0] =	vst.idx.add.f32.msk vm0, v13  }
0x230: {  	_ =	swait.ge [sflag:s25], $0x1000  }
0x231: {  	[sflag:s25] =	ssyncset.done $0x0  }
0x232: {  	s17 =	simm.s32 $0x19770;
	s0 =	rddreg [dreg:$0xa];
	[sflag:s25] =	ssyncadd.s32 $0xFFFFF000  }
0x233: {  	[tilespmem:s31], [sflag:$0x6] =	stream.linear.gather [hbm4b:s0+s8], $0x1000, $0x38;
	[tilespmem:$0x1E700] =	vst v63  }
0x234: {  	v0 =	vld [tilespmem:s17+$0x0]  }
0x235: {  	v1 =	vld [tilespmem:s17+$0xFFFFFFA0]  }
0x236: {  	v2 =	vld [tilespmem:s17+$0xFFFFFFB0]  }
0x237: {  	v3 =	vld [tilespmem:s17+$0xFFFFFFC0]  }
0x238: {  	v4 =	vld [tilespmem:s17+$0xFFFFFFD0]  }
0x239: {  	s3 =	simm.s32 $0x1D740;
	v5 =	vld [tilespmem:s17+$0xFFFFFFE0]  }
0x23a: {  	v6 =	vld [tilespmem:s3+$0x30]  }
0x23b: {  	v7 =	vld [tilespmem:s17+$0xFFFFFFF0]  }
0x23c: {  	v8 =	vld [tilespmem:s17+$0xFFFFFF90]  }
0x23d: {  	v9 =	vld [tilespmem:s3+$0xFFFFFFC0]  }
0x23e: {  	v10 =	vld [tilespmem:s3+$0xFFFFFFD0];
	vm0 =	vlt.s32 v0, $0xC380  }
0x23f: {  	v62 =	vld [tilespmem:s3+$0xFFFFFFE0];
	vm1 =	vlt.s32 v1, $0xC380  }
0x240: {  	v63 =	vld [tilespmem:s3+$0xFFFFFFF0];
	vm15 =	vlt.s32 v2, $0xC380  }
0x241: {  	v11 =	vld [tilespmem:s3+$0x0];
	vm2 =	vlt.s32 v8, $0xC380  }
0x242: {  	v12 =	vld [tilespmem:s3+$0x10];
	vm3 =	vlt.s32 v3, $0xC380  }
0x243: {  	v13 =	vld [tilespmem:s3+$0x20];
	vm4 =	vlt.s32 v4, $0xC380  }
0x244: {  	vm5 =	vlt.s32 v5, $0xC380;
	[tilespmem:v0+s8+$0x0] =	vst.idx.add.f32.msk vm0, v6  }
0x245: {  	vm6 =	vlt.s32 v7, $0xC380;
	[tilespmem:v1+s8+$0x0] =	vst.idx.add.f32.msk vm1, v10  }
0x246: {  	[tilespmem:v2+s8+$0x0] =	vst.idx.add.f32.msk vm15, v62  }
0x247: {  	[tilespmem:v8+s8+$0x0] =	vst.idx.add.f32.msk vm2, v9  }
0x248: {  	[tilespmem:v3+s8+$0x0] =	vst.idx.add.f32.msk vm3, v63  }
0x249: {  	[tilespmem:v4+s8+$0x0] =	vst.idx.add.f32.msk vm4, v11  }
0x24a: {  	[tilespmem:v5+s8+$0x0] =	vst.idx.add.f32.msk vm5, v12  }
0x24b: {  	[tilespmem:v7+s8+$0x0] =	vst.idx.add.f32.msk vm6, v13  }
0x24c: {  	s13 =	rddreg [dreg:$0xb]  }
0x24d: {  	s2 =	simm.s32 $0x197F0;
	s0 =	simm.s32 $0x0;
	s14 =	rddreg [dreg:$0xc]  }
.LBB2_22:
0x24e: {  	v0 =	vld [tilespmem:s2+$0x0];
	s0 =	sadd.s32 $0x8, s0  }
0x24f: {  	v1 =	vld [tilespmem:s2+$0xFFFFFFA0];
	p0 =	slt.u32 s0, $0xF8  }
0x250: {  	v2 =	vld [tilespmem:s2+$0xFFFFFFB0]  }
0x251: {  	v3 =	vld [tilespmem:s2+$0xFFFFFFC0]  }
0x252: {  	v4 =	vld [tilespmem:s2+$0xFFFFFFD0]  }
0x253: {  	s3 =	sadd.s32 $0x80, s3;
	v5 =	vld [tilespmem:s2+$0xFFFFFFE0];
	vm0 =	vlt.s32 v0, $0xC380  }
0x254: {  	vm1 =	vlt.s32 v1, $0xC380;
	v6 =	vld [tilespmem:s3+$0x30]  }
0x255: {  	vm2 =	vlt.s32 v2, $0xC380;
	v7 =	vld [tilespmem:s2+$0xFFFFFFF0]  }
0x256: {  	v8 =	vld [tilespmem:s2+$0xFFFFFF90];
	vm3 =	vlt.s32 v3, $0xC380  }
0x257: {  	v9 =	vld [tilespmem:s3+$0xFFFFFFC0];
	vm4 =	vlt.s32 v4, $0xC380  }
0x258: {  	v10 =	vld [tilespmem:s3+$0xFFFFFFD0];
	vm5 =	vlt.s32 v5, $0xC380  }
0x259: {  	[tilespmem:v0+s8+$0x0] =	vst.idx.add.f32.msk vm0, v6  }
0x25a: {  	v0 =	vld [tilespmem:s3+$0xFFFFFFE0];
	vm0 =	vlt.s32 v7, $0xC380  }
0x25b: {  	vm6 =	vlt.s32 v8, $0xC380;
	v6 =	vld [tilespmem:s3+$0xFFFFFFF0]  }
0x25c: {  	v11 =	vld [tilespmem:s3+$0x0]  }
0x25d: {  	v12 =	vld [tilespmem:s3+$0x10]  }
0x25e: {  	v13 =	vld [tilespmem:s3+$0x20]  }
0x25f: {  	[tilespmem:v1+s8+$0x0] =	vst.idx.add.f32.msk vm1, v10  }
0x260: {  	[tilespmem:v2+s8+$0x0] =	vst.idx.add.f32.msk vm2, v0  }
.Ltmp10:
0x261: {  	[tilespmem:v8+s8+$0x0] =	vst.idx.add.f32.msk vm6, v9;
	(pc) =	sbr.rel @p0 .LBB2_22-.Ltmp10, $4  }
0x262: {  	[tilespmem:v3+s8+$0x0] =	vst.idx.add.f32.msk vm3, v6  }
0x263: {  	[tilespmem:v4+s8+$0x0] =	vst.idx.add.f32.msk vm4, v11  }
0x264: {  	[tilespmem:v5+s8+$0x0] =	vst.idx.add.f32.msk vm5, v12  }
0x265: {  	s2 =	sadd.s32 $0x80, s2;
	[tilespmem:v7+s8+$0x0] =	vst.idx.add.f32.msk vm0, v13  }
0x266: {  	_ =	swait.ge [sflag:s26], $0xC380  }
0x267: {  	[sflag:s26] =	ssyncset.done $0x0  }
0x268: {  	s0 =	rddreg [dreg:$0x10];
	[sflag:s26] =	ssyncadd.s32 $0xFFFF3C80  }
0x269: {  	[tilespmem:s1], [sflag:$0x2] =	stream.strided.gather [hbm4b:s0+s28], $0xC380, s29, s28, $0x38;
	[tilespmem:$0x1E700] =	vst v63  }
0x26a: {  	_ =	swait.ge [sflag:s22], $0x1000  }
0x26b: {  	[sflag:s22] =	ssyncset.done $0x0  }
0x26c: {  	s17 =	simm.s32 $0x1A770;
	[sflag:s22] =	ssyncadd.s32 $0xFFFFF000  }
0x26d: {  	[tilespmem:s24], [sflag:$0x7] =	stream.linear.gather [hbm4b:s13+s8], $0x1000, $0x38;
	[tilespmem:$0x1E700] =	vst v63  }
0x26e: {  	v0 =	vld [tilespmem:s17+$0x0]  }
0x26f: {  	v1 =	vld [tilespmem:s17+$0xFFFFFFA0]  }
0x270: {  	v2 =	vld [tilespmem:s17+$0xFFFFFFB0]  }
0x271: {  	v3 =	vld [tilespmem:s17+$0xFFFFFFC0]  }
0x272: {  	v4 =	vld [tilespmem:s17+$0xFFFFFFD0]  }
0x273: {  	s3 =	simm.s32 $0x1C740;
	v5 =	vld [tilespmem:s17+$0xFFFFFFE0]  }
0x274: {  	v6 =	vld [tilespmem:s3+$0x30]  }
0x275: {  	v7 =	vld [tilespmem:s17+$0xFFFFFFF0]  }
0x276: {  	v8 =	vld [tilespmem:s17+$0xFFFFFF90]  }
0x277: {  	v9 =	vld [tilespmem:s3+$0xFFFFFFC0]  }
0x278: {  	v10 =	vld [tilespmem:s3+$0xFFFFFFD0];
	vm0 =	vlt.s32 v0, $0xC380  }
0x279: {  	v62 =	vld [tilespmem:s3+$0xFFFFFFE0];
	vm1 =	vlt.s32 v1, $0xC380  }
0x27a: {  	v63 =	vld [tilespmem:s3+$0xFFFFFFF0];
	vm15 =	vlt.s32 v2, $0xC380  }
0x27b: {  	v11 =	vld [tilespmem:s3+$0x0];
	vm2 =	vlt.s32 v8, $0xC380  }
0x27c: {  	v12 =	vld [tilespmem:s3+$0x10];
	vm3 =	vlt.s32 v3, $0xC380  }
0x27d: {  	v13 =	vld [tilespmem:s3+$0x20];
	vm4 =	vlt.s32 v4, $0xC380  }
0x27e: {  	vm5 =	vlt.s32 v5, $0xC380;
	[tilespmem:v0+s8+$0x0] =	vst.idx.add.f32.msk vm0, v6  }
0x27f: {  	vm6 =	vlt.s32 v7, $0xC380;
	[tilespmem:v1+s8+$0x0] =	vst.idx.add.f32.msk vm1, v10  }
0x280: {  	[tilespmem:v2+s8+$0x0] =	vst.idx.add.f32.msk vm15, v62  }
0x281: {  	[tilespmem:v8+s8+$0x0] =	vst.idx.add.f32.msk vm2, v9  }
0x282: {  	[tilespmem:v3+s8+$0x0] =	vst.idx.add.f32.msk vm3, v63  }
0x283: {  	[tilespmem:v4+s8+$0x0] =	vst.idx.add.f32.msk vm4, v11  }
0x284: {  	[tilespmem:v5+s8+$0x0] =	vst.idx.add.f32.msk vm5, v12  }
0x285: {  	s2 =	simm.s32 $0x1A7F0;
	s0 =	simm.s32 $0x0;
	[tilespmem:v7+s8+$0x0] =	vst.idx.add.f32.msk vm6, v13  }
.LBB2_24:
0x286: {  	v0 =	vld [tilespmem:s2+$0x0];
	s0 =	sadd.s32 $0x8, s0  }
0x287: {  	v1 =	vld [tilespmem:s2+$0xFFFFFFA0];
	p0 =	slt.u32 s0, $0xF8  }
0x288: {  	v2 =	vld [tilespmem:s2+$0xFFFFFFB0]  }
0x289: {  	v3 =	vld [tilespmem:s2+$0xFFFFFFC0]  }
0x28a: {  	v4 =	vld [tilespmem:s2+$0xFFFFFFD0]  }
0x28b: {  	s3 =	sadd.s32 $0x80, s3;
	v5 =	vld [tilespmem:s2+$0xFFFFFFE0];
	vm0 =	vlt.s32 v0, $0xC380  }
0x28c: {  	vm1 =	vlt.s32 v1, $0xC380;
	v6 =	vld [tilespmem:s3+$0x30]  }
0x28d: {  	vm2 =	vlt.s32 v2, $0xC380;
	v7 =	vld [tilespmem:s2+$0xFFFFFFF0]  }
0x28e: {  	v8 =	vld [tilespmem:s2+$0xFFFFFF90];
	vm3 =	vlt.s32 v3, $0xC380  }
0x28f: {  	v9 =	vld [tilespmem:s3+$0xFFFFFFC0];
	vm4 =	vlt.s32 v4, $0xC380  }
0x290: {  	v10 =	vld [tilespmem:s3+$0xFFFFFFD0];
	vm5 =	vlt.s32 v5, $0xC380  }
0x291: {  	[tilespmem:v0+s8+$0x0] =	vst.idx.add.f32.msk vm0, v6  }
0x292: {  	v0 =	vld [tilespmem:s3+$0xFFFFFFE0];
	vm0 =	vlt.s32 v7, $0xC380  }
0x293: {  	vm6 =	vlt.s32 v8, $0xC380;
	v6 =	vld [tilespmem:s3+$0xFFFFFFF0]  }
0x294: {  	v11 =	vld [tilespmem:s3+$0x0]  }
0x295: {  	v12 =	vld [tilespmem:s3+$0x10]  }
0x296: {  	v13 =	vld [tilespmem:s3+$0x20]  }
0x297: {  	[tilespmem:v1+s8+$0x0] =	vst.idx.add.f32.msk vm1, v10  }
0x298: {  	[tilespmem:v2+s8+$0x0] =	vst.idx.add.f32.msk vm2, v0  }
.Ltmp11:
0x299: {  	[tilespmem:v8+s8+$0x0] =	vst.idx.add.f32.msk vm6, v9;
	(pc) =	sbr.rel @p0 .LBB2_24-.Ltmp11, $4  }
0x29a: {  	[tilespmem:v3+s8+$0x0] =	vst.idx.add.f32.msk vm3, v6  }
0x29b: {  	[tilespmem:v4+s8+$0x0] =	vst.idx.add.f32.msk vm4, v11  }
0x29c: {  	[tilespmem:v5+s8+$0x0] =	vst.idx.add.f32.msk vm5, v12  }
0x29d: {  	s2 =	sadd.s32 $0x80, s2;
	[tilespmem:v7+s8+$0x0] =	vst.idx.add.f32.msk vm0, v13  }
0x29e: {  	_ =	swait.ge [sflag:s25], $0x1000  }
0x29f: {  	[sflag:s25] =	ssyncset.done $0x0  }
0x2a0: {  	s17 =	simm.s32 $0x1B770;
	s0 =	rddreg [dreg:$0xe];
	[sflag:s25] =	ssyncadd.s32 $0xFFFFF000  }
0x2a1: {  	[tilespmem:s31], [sflag:$0x6] =	stream.linear.gather [hbm4b:s0+s8], $0x1000, $0x38;
	[tilespmem:$0x1E700] =	vst v63  }
0x2a2: {  	v0 =	vld [tilespmem:s17+$0x0]  }
0x2a3: {  	v1 =	vld [tilespmem:s17+$0xFFFFFFA0]  }
0x2a4: {  	v2 =	vld [tilespmem:s17+$0xFFFFFFB0]  }
0x2a5: {  	v3 =	vld [tilespmem:s17+$0xFFFFFFC0]  }
0x2a6: {  	v4 =	vld [tilespmem:s17+$0xFFFFFFD0]  }
0x2a7: {  	s3 =	simm.s32 $0x1D740;
	v5 =	vld [tilespmem:s17+$0xFFFFFFE0]  }
0x2a8: {  	v6 =	vld [tilespmem:s3+$0x30]  }
0x2a9: {  	v7 =	vld [tilespmem:s17+$0xFFFFFFF0]  }
0x2aa: {  	v8 =	vld [tilespmem:s17+$0xFFFFFF90]  }
0x2ab: {  	v9 =	vld [tilespmem:s3+$0xFFFFFFC0]  }
0x2ac: {  	v10 =	vld [tilespmem:s3+$0xFFFFFFD0];
	vm0 =	vlt.s32 v0, $0xC380  }
0x2ad: {  	v62 =	vld [tilespmem:s3+$0xFFFFFFE0];
	vm1 =	vlt.s32 v1, $0xC380  }
0x2ae: {  	v63 =	vld [tilespmem:s3+$0xFFFFFFF0];
	vm15 =	vlt.s32 v2, $0xC380  }
0x2af: {  	v11 =	vld [tilespmem:s3+$0x0];
	vm2 =	vlt.s32 v8, $0xC380  }
0x2b0: {  	v12 =	vld [tilespmem:s3+$0x10];
	vm3 =	vlt.s32 v3, $0xC380  }
0x2b1: {  	v13 =	vld [tilespmem:s3+$0x20];
	vm4 =	vlt.s32 v4, $0xC380  }
0x2b2: {  	vm5 =	vlt.s32 v5, $0xC380;
	[tilespmem:v0+s8+$0x0] =	vst.idx.add.f32.msk vm0, v6  }
0x2b3: {  	vm6 =	vlt.s32 v7, $0xC380;
	[tilespmem:v1+s8+$0x0] =	vst.idx.add.f32.msk vm1, v10  }
0x2b4: {  	[tilespmem:v2+s8+$0x0] =	vst.idx.add.f32.msk vm15, v62  }
0x2b5: {  	[tilespmem:v8+s8+$0x0] =	vst.idx.add.f32.msk vm2, v9  }
0x2b6: {  	[tilespmem:v3+s8+$0x0] =	vst.idx.add.f32.msk vm3, v63  }
0x2b7: {  	[tilespmem:v4+s8+$0x0] =	vst.idx.add.f32.msk vm4, v11  }
0x2b8: {  	[tilespmem:v5+s8+$0x0] =	vst.idx.add.f32.msk vm5, v12  }
0x2b9: {  	s2 =	simm.s32 $0x1B7F0;
	s0 =	simm.s32 $0x0;
	[tilespmem:v7+s8+$0x0] =	vst.idx.add.f32.msk vm6, v13  }
.LBB2_26:
0x2ba: {  	v0 =	vld [tilespmem:s2+$0x0];
	s0 =	sadd.s32 $0x8, s0  }
0x2bb: {  	v1 =	vld [tilespmem:s2+$0xFFFFFFA0];
	p0 =	slt.u32 s0, $0xF8  }
0x2bc: {  	v2 =	vld [tilespmem:s2+$0xFFFFFFB0]  }
0x2bd: {  	v3 =	vld [tilespmem:s2+$0xFFFFFFC0]  }
0x2be: {  	v4 =	vld [tilespmem:s2+$0xFFFFFFD0]  }
0x2bf: {  	s3 =	sadd.s32 $0x80, s3;
	v5 =	vld [tilespmem:s2+$0xFFFFFFE0];
	vm0 =	vlt.s32 v0, $0xC380  }
0x2c0: {  	vm1 =	vlt.s32 v1, $0xC380;
	v6 =	vld [tilespmem:s3+$0x30]  }
0x2c1: {  	vm2 =	vlt.s32 v2, $0xC380;
	v7 =	vld [tilespmem:s2+$0xFFFFFFF0]  }
0x2c2: {  	v8 =	vld [tilespmem:s2+$0xFFFFFF90];
	vm3 =	vlt.s32 v3, $0xC380  }
0x2c3: {  	v9 =	vld [tilespmem:s3+$0xFFFFFFC0];
	vm4 =	vlt.s32 v4, $0xC380  }
0x2c4: {  	v10 =	vld [tilespmem:s3+$0xFFFFFFD0];
	vm5 =	vlt.s32 v5, $0xC380  }
0x2c5: {  	[tilespmem:v0+s8+$0x0] =	vst.idx.add.f32.msk vm0, v6  }
0x2c6: {  	v0 =	vld [tilespmem:s3+$0xFFFFFFE0];
	vm0 =	vlt.s32 v7, $0xC380  }
0x2c7: {  	vm6 =	vlt.s32 v8, $0xC380;
	v6 =	vld [tilespmem:s3+$0xFFFFFFF0]  }
0x2c8: {  	v11 =	vld [tilespmem:s3+$0x0]  }
0x2c9: {  	v12 =	vld [tilespmem:s3+$0x10]  }
0x2ca: {  	v13 =	vld [tilespmem:s3+$0x20]  }
0x2cb: {  	[tilespmem:v1+s8+$0x0] =	vst.idx.add.f32.msk vm1, v10  }
0x2cc: {  	[tilespmem:v2+s8+$0x0] =	vst.idx.add.f32.msk vm2, v0  }
.Ltmp12:
0x2cd: {  	[tilespmem:v8+s8+$0x0] =	vst.idx.add.f32.msk vm6, v9;
	(pc) =	sbr.rel @p0 .LBB2_26-.Ltmp12, $4  }
0x2ce: {  	[tilespmem:v3+s8+$0x0] =	vst.idx.add.f32.msk vm3, v6  }
0x2cf: {  	[tilespmem:v4+s8+$0x0] =	vst.idx.add.f32.msk vm4, v11  }
0x2d0: {  	[tilespmem:v5+s8+$0x0] =	vst.idx.add.f32.msk vm5, v12  }
0x2d1: {  	s2 =	sadd.s32 $0x80, s2;
	[tilespmem:v7+s8+$0x0] =	vst.idx.add.f32.msk vm0, v13  }
0x2d2: {  	[hbm4b:s14+s28] =	stream.strided.scatter [tilespmem:s8], [sflag:$0x3], $0xC380, s29, s28, $0x38;
	[tilespmem:$0x1E700] =	vst v63  }
0x2d3: {  	_ =	swait.ge [sflag:s23], $0xC380  }
0x2d4: {  	[sflag:s23] =	ssyncset.done $0x0  }
0x2d5: {  	[sflag:s23] =	ssyncadd.s32 $0xFFFF3C80  }
0x2d6: {  	_ =	swait.ge [sflag:s22], $0x1000  }
0x2d7: {  	[sflag:s22] =	ssyncset.done $0x0  }
0x2d8: {  	s17 =	simm.s32 $0x18740;
	s0 =	rddreg [dreg:$0x9];
	[sflag:s22] =	ssyncadd.s32 $0xFFFFF000  }
0x2d9: {  	[tilespmem:s24], [sflag:$0x7] =	stream.linear.gather [hbm4b:s0+s8], $0x1000, $0x38;
	[tilespmem:$0x1E700] =	vst v63  }
0x2da: {  	v0 =	vld [tilespmem:s17+$0x30]  }
0x2db: {  	v1 =	vld [tilespmem:s17+$0xFFFFFFD0]  }
0x2dc: {  	v2 =	vld [tilespmem:s17+$0xFFFFFFE0]  }
0x2dd: {  	v3 =	vld [tilespmem:s17+$0xFFFFFFF0]  }
0x2de: {  	v4 =	vld [tilespmem:s17+$0x0]  }
0x2df: {  	s3 =	simm.s32 $0x1C740;
	v5 =	vld [tilespmem:s17+$0x10]  }
0x2e0: {  	v6 =	vld [tilespmem:s3+$0x30]  }
0x2e1: {  	v7 =	vld [tilespmem:s17+$0x20]  }
0x2e2: {  	v8 =	vld [tilespmem:s17+$0xFFFFFFC0]  }
0x2e3: {  	v9 =	vld [tilespmem:s3+$0xFFFFFFC0]  }
0x2e4: {  	v10 =	vld [tilespmem:s3+$0xFFFFFFD0];
	vm0 =	vgt.s32 v0, $0xC37F  }
0x2e5: {  	v61 =	vld [tilespmem:s3+$0xFFFFFFE0];
	v0 =	vadd.s32 $0xFFFF3C80, v0;
	vm1 =	vgt.s32 v1, $0xC37F  }
0x2e6: {  	v62 =	vld [tilespmem:s3+$0xFFFFFFF0];
	v60 =	vadd.s32 $0xFFFF3C80, v1;
	vm15 =	vgt.s32 v2, $0xC37F  }
0x2e7: {  	v11 =	vld [tilespmem:s3+$0x0];
	v2 =	vadd.s32 $0xFFFF3C80, v2;
	vm2 =	vgt.s32 v8, $0xC37F  }
0x2e8: {  	v12 =	vld [tilespmem:s3+$0x10];
	vm3 =	vgt.s32 v3, $0xC37F;
	v8 =	vadd.s32 $0xFFFF3C80, v8  }
0x2e9: {  	v13 =	vld [tilespmem:s3+$0x20];
	v3 =	vadd.s32 $0xFFFF3C80, v3;
	vm4 =	vgt.s32 v4, $0xC37F  }
0x2ea: {  	v4 =	vadd.s32 $0xFFFF3C80, v4;
	vm5 =	vgt.s32 v5, $0xC37F;
	[tilespmem:v0+s1+$0x0] =	vst.idx.add.f32.msk vm0, v6  }
0x2eb: {  	v5 =	vadd.s32 $0xFFFF3C80, v5;
	vm6 =	vgt.s32 v7, $0xC37F;
	[tilespmem:v60+s1+$0x0] =	vst.idx.add.f32.msk vm1, v10  }
0x2ec: {  	v63 =	vadd.s32 $0xFFFF3C80, v7;
	[tilespmem:v2+s1+$0x0] =	vst.idx.add.f32.msk vm15, v61  }
0x2ed: {  	[tilespmem:v8+s1+$0x0] =	vst.idx.add.f32.msk vm2, v9  }
0x2ee: {  	[tilespmem:v3+s1+$0x0] =	vst.idx.add.f32.msk vm3, v62  }
0x2ef: {  	[tilespmem:v4+s1+$0x0] =	vst.idx.add.f32.msk vm4, v11  }
0x2f0: {  	[tilespmem:v5+s1+$0x0] =	vst.idx.add.f32.msk vm5, v12  }
0x2f1: {  	s2 =	simm.s32 $0x0;
	s0 =	simm.s32 $0x187C0;
	[tilespmem:v63+s1+$0x0] =	vst.idx.add.f32.msk vm6, v13  }
.LBB2_28:
0x2f2: {  	v0 =	vld [tilespmem:s0+$0x30];
	s2 =	sadd.s32 $0x8, s2  }
0x2f3: {  	v1 =	vld [tilespmem:s0+$0xFFFFFFD0];
	p0 =	slt.u32 s2, $0xF8  }
0x2f4: {  	v2 =	vld [tilespmem:s0+$0xFFFFFFE0]  }
0x2f5: {  	v3 =	vld [tilespmem:s0+$0xFFFFFFF0]  }
0x2f6: {  	v4 =	vld [tilespmem:s0+$0x0]  }
0x2f7: {  	s3 =	sadd.s32 $0x80, s3;
	v5 =	vld [tilespmem:s0+$0x10];
	vm3 =	vgt.s32 v0, $0xC37F  }
0x2f8: {  	v0 =	vadd.s32 $0xFFFF3C80, v0;
	vm0 =	vgt.s32 v1, $0xC37F;
	v1 =	vadd.s32 $0xFFFF3C80, v1;
	v6 =	vld [tilespmem:s3+$0x30]  }
0x2f9: {  	vm1 =	vgt.s32 v2, $0xC37F;
	v2 =	vadd.s32 $0xFFFF3C80, v2;
	v7 =	vld [tilespmem:s0+$0x20]  }
0x2fa: {  	v8 =	vld [tilespmem:s0+$0xFFFFFFC0];
	vm2 =	vgt.s32 v3, $0xC37F;
	v3 =	vadd.s32 $0xFFFF3C80, v3  }
0x2fb: {  	v9 =	vld [tilespmem:s3+$0xFFFFFFC0];
	vm4 =	vgt.s32 v4, $0xC37F;
	v4 =	vadd.s32 $0xFFFF3C80, v4  }
0x2fc: {  	v10 =	vld [tilespmem:s3+$0xFFFFFFD0];
	vm5 =	vgt.s32 v5, $0xC37F;
	v5 =	vadd.s32 $0xFFFF3C80, v5  }
0x2fd: {  	[tilespmem:v0+s1+$0x0] =	vst.idx.add.f32.msk vm3, v6  }
0x2fe: {  	v0 =	vld [tilespmem:s3+$0xFFFFFFE0];
	vm3 =	vgt.s32 v7, $0xC37F;
	v6 =	vadd.s32 $0xFFFF3C80, v7  }
0x2ff: {  	vm6 =	vgt.s32 v8, $0xC37F;
	v7 =	vadd.s32 $0xFFFF3C80, v8;
	v8 =	vld [tilespmem:s3+$0xFFFFFFF0]  }
0x300: {  	v11 =	vld [tilespmem:s3+$0x0]  }
0x301: {  	v12 =	vld [tilespmem:s3+$0x10]  }
0x302: {  	v13 =	vld [tilespmem:s3+$0x20]  }
0x303: {  	[tilespmem:v1+s1+$0x0] =	vst.idx.add.f32.msk vm0, v10  }
0x304: {  	[tilespmem:v2+s1+$0x0] =	vst.idx.add.f32.msk vm1, v0  }
.Ltmp13:
0x305: {  	[tilespmem:v7+s1+$0x0] =	vst.idx.add.f32.msk vm6, v9;
	(pc) =	sbr.rel @p0 .LBB2_28-.Ltmp13, $4  }
0x306: {  	[tilespmem:v3+s1+$0x0] =	vst.idx.add.f32.msk vm2, v8  }
0x307: {  	[tilespmem:v4+s1+$0x0] =	vst.idx.add.f32.msk vm4, v11  }
0x308: {  	[tilespmem:v5+s1+$0x0] =	vst.idx.add.f32.msk vm5, v12  }
0x309: {  	s0 =	sadd.s32 $0x80, s0;
	[tilespmem:v6+s1+$0x0] =	vst.idx.add.f32.msk vm3, v13  }
0x30a: {  	_ =	swait.ge [sflag:s25], $0x1000  }
0x30b: {  	[sflag:s25] =	ssyncset.done $0x0  }
0x30c: {  	s17 =	simm.s32 $0x19770;
	s0 =	rddreg [dreg:$0xa];
	[sflag:s25] =	ssyncadd.s32 $0xFFFFF000  }
0x30d: {  	[tilespmem:s31], [sflag:$0x6] =	stream.linear.gather [hbm4b:s0+s8], $0x1000, $0x38;
	[tilespmem:$0x1E700] =	vst v63  }
0x30e: {  	v0 =	vld [tilespmem:s17+$0x0]  }
0x30f: {  	v1 =	vld [tilespmem:s17+$0xFFFFFFA0]  }
0x310: {  	v2 =	vld [tilespmem:s17+$0xFFFFFFB0]  }
0x311: {  	v3 =	vld [tilespmem:s17+$0xFFFFFFC0]  }
0x312: {  	v4 =	vld [tilespmem:s17+$0xFFFFFFD0]  }
0x313: {  	s3 =	simm.s32 $0x1D740;
	v5 =	vld [tilespmem:s17+$0xFFFFFFE0]  }
0x314: {  	v6 =	vld [tilespmem:s3+$0x30]  }
0x315: {  	v7 =	vld [tilespmem:s17+$0xFFFFFFF0]  }
0x316: {  	v8 =	vld [tilespmem:s17+$0xFFFFFF90]  }
0x317: {  	v9 =	vld [tilespmem:s3+$0xFFFFFFC0]  }
0x318: {  	v10 =	vld [tilespmem:s3+$0xFFFFFFD0];
	vm0 =	vgt.s32 v0, $0xC37F  }
0x319: {  	v61 =	vld [tilespmem:s3+$0xFFFFFFE0];
	v0 =	vadd.s32 $0xFFFF3C80, v0;
	vm1 =	vgt.s32 v1, $0xC37F  }
0x31a: {  	v62 =	vld [tilespmem:s3+$0xFFFFFFF0];
	v60 =	vadd.s32 $0xFFFF3C80, v1;
	vm15 =	vgt.s32 v2, $0xC37F  }
0x31b: {  	v11 =	vld [tilespmem:s3+$0x0];
	v2 =	vadd.s32 $0xFFFF3C80, v2;
	vm2 =	vgt.s32 v8, $0xC37F  }
0x31c: {  	v12 =	vld [tilespmem:s3+$0x10];
	vm3 =	vgt.s32 v3, $0xC37F;
	v8 =	vadd.s32 $0xFFFF3C80, v8  }
0x31d: {  	v13 =	vld [tilespmem:s3+$0x20];
	v3 =	vadd.s32 $0xFFFF3C80, v3;
	vm4 =	vgt.s32 v4, $0xC37F  }
0x31e: {  	v4 =	vadd.s32 $0xFFFF3C80, v4;
	vm5 =	vgt.s32 v5, $0xC37F;
	[tilespmem:v0+s1+$0x0] =	vst.idx.add.f32.msk vm0, v6  }
0x31f: {  	v5 =	vadd.s32 $0xFFFF3C80, v5;
	vm6 =	vgt.s32 v7, $0xC37F;
	[tilespmem:v60+s1+$0x0] =	vst.idx.add.f32.msk vm1, v10  }
0x320: {  	v63 =	vadd.s32 $0xFFFF3C80, v7;
	[tilespmem:v2+s1+$0x0] =	vst.idx.add.f32.msk vm15, v61  }
0x321: {  	[tilespmem:v8+s1+$0x0] =	vst.idx.add.f32.msk vm2, v9  }
0x322: {  	[tilespmem:v3+s1+$0x0] =	vst.idx.add.f32.msk vm3, v62  }
0x323: {  	[tilespmem:v4+s1+$0x0] =	vst.idx.add.f32.msk vm4, v11  }
0x324: {  	[tilespmem:v5+s1+$0x0] =	vst.idx.add.f32.msk vm5, v12  }
0x325: {  	s2 =	simm.s32 $0x0;
	s0 =	simm.s32 $0x197F0;
	[tilespmem:v63+s1+$0x0] =	vst.idx.add.f32.msk vm6, v13  }
.LBB2_30:
0x326: {  	v0 =	vld [tilespmem:s0+$0x0];
	s2 =	sadd.s32 $0x8, s2  }
0x327: {  	v1 =	vld [tilespmem:s0+$0xFFFFFFA0];
	p0 =	slt.u32 s2, $0xF8  }
0x328: {  	v2 =	vld [tilespmem:s0+$0xFFFFFFB0]  }
0x329: {  	v3 =	vld [tilespmem:s0+$0xFFFFFFC0]  }
0x32a: {  	v4 =	vld [tilespmem:s0+$0xFFFFFFD0]  }
0x32b: {  	s3 =	sadd.s32 $0x80, s3;
	v5 =	vld [tilespmem:s0+$0xFFFFFFE0];
	vm3 =	vgt.s32 v0, $0xC37F  }
0x32c: {  	v0 =	vadd.s32 $0xFFFF3C80, v0;
	vm0 =	vgt.s32 v1, $0xC37F;
	v1 =	vadd.s32 $0xFFFF3C80, v1;
	v6 =	vld [tilespmem:s3+$0x30]  }
0x32d: {  	vm1 =	vgt.s32 v2, $0xC37F;
	v2 =	vadd.s32 $0xFFFF3C80, v2;
	v7 =	vld [tilespmem:s0+$0xFFFFFFF0]  }
0x32e: {  	v8 =	vld [tilespmem:s0+$0xFFFFFF90];
	vm2 =	vgt.s32 v3, $0xC37F;
	v3 =	vadd.s32 $0xFFFF3C80, v3  }
0x32f: {  	v9 =	vld [tilespmem:s3+$0xFFFFFFC0];
	vm4 =	vgt.s32 v4, $0xC37F;
	v4 =	vadd.s32 $0xFFFF3C80, v4  }
0x330: {  	v10 =	vld [tilespmem:s3+$0xFFFFFFD0];
	vm5 =	vgt.s32 v5, $0xC37F;
	v5 =	vadd.s32 $0xFFFF3C80, v5  }
0x331: {  	[tilespmem:v0+s1+$0x0] =	vst.idx.add.f32.msk vm3, v6  }
0x332: {  	v0 =	vld [tilespmem:s3+$0xFFFFFFE0];
	vm3 =	vgt.s32 v7, $0xC37F;
	v6 =	vadd.s32 $0xFFFF3C80, v7  }
0x333: {  	vm6 =	vgt.s32 v8, $0xC37F;
	v7 =	vadd.s32 $0xFFFF3C80, v8;
	v8 =	vld [tilespmem:s3+$0xFFFFFFF0]  }
0x334: {  	v11 =	vld [tilespmem:s3+$0x0]  }
0x335: {  	v12 =	vld [tilespmem:s3+$0x10]  }
0x336: {  	v13 =	vld [tilespmem:s3+$0x20]  }
0x337: {  	[tilespmem:v1+s1+$0x0] =	vst.idx.add.f32.msk vm0, v10  }
0x338: {  	[tilespmem:v2+s1+$0x0] =	vst.idx.add.f32.msk vm1, v0  }
.Ltmp14:
0x339: {  	[tilespmem:v7+s1+$0x0] =	vst.idx.add.f32.msk vm6, v9;
	(pc) =	sbr.rel @p0 .LBB2_30-.Ltmp14, $4  }
0x33a: {  	[tilespmem:v3+s1+$0x0] =	vst.idx.add.f32.msk vm2, v8  }
0x33b: {  	[tilespmem:v4+s1+$0x0] =	vst.idx.add.f32.msk vm4, v11  }
0x33c: {  	[tilespmem:v5+s1+$0x0] =	vst.idx.add.f32.msk vm5, v12  }
0x33d: {  	s0 =	sadd.s32 $0x80, s0;
	[tilespmem:v6+s1+$0x0] =	vst.idx.add.f32.msk vm3, v13  }
0x33e: {  	_ =	swait.ge [sflag:s18], $0xC380  }
0x33f: {  	[sflag:s18] =	ssyncset.done $0x0  }
0x340: {  	[sflag:s18] =	ssyncadd.s32 $0xFFFF3C80  }
0x341: {  	_ =	swait.ge [sflag:s22], $0x1000  }
0x342: {  	[sflag:s22] =	ssyncset.done $0x0  }
0x343: {  	s0 =	simm.s32 $0x1A770;
	[sflag:s22] =	ssyncadd.s32 $0xFFFFF000  }
0x344: {  	[tilespmem:s24], [sflag:$0x7] =	stream.linear.gather [hbm4b:s13+s8], $0x1000, $0x38;
	[tilespmem:$0x1E700] =	vst v63  }
0x345: {  	v0 =	vld [tilespmem:s0+$0x0]  }
0x346: {  	v1 =	vld [tilespmem:s0+$0xFFFFFFA0]  }
0x347: {  	v2 =	vld [tilespmem:s0+$0xFFFFFFB0]  }
0x348: {  	v3 =	vld [tilespmem:s0+$0xFFFFFFC0]  }
0x349: {  	v4 =	vld [tilespmem:s0+$0xFFFFFFD0]  }
0x34a: {  	s3 =	simm.s32 $0x1C740;
	v5 =	vld [tilespmem:s0+$0xFFFFFFE0]  }
0x34b: {  	v6 =	vld [tilespmem:s3+$0x30]  }
0x34c: {  	v7 =	vld [tilespmem:s0+$0xFFFFFFF0]  }
0x34d: {  	v8 =	vld [tilespmem:s0+$0xFFFFFF90]  }
0x34e: {  	v9 =	vld [tilespmem:s3+$0xFFFFFFC0]  }
0x34f: {  	v10 =	vld [tilespmem:s3+$0xFFFFFFD0];
	vm0 =	vgt.s32 v0, $0xC37F  }
0x350: {  	v61 =	vld [tilespmem:s3+$0xFFFFFFE0];
	v0 =	vadd.s32 $0xFFFF3C80, v0;
	vm1 =	vgt.s32 v1, $0xC37F  }
0x351: {  	v62 =	vld [tilespmem:s3+$0xFFFFFFF0];
	v60 =	vadd.s32 $0xFFFF3C80, v1;
	vm15 =	vgt.s32 v2, $0xC37F  }
0x352: {  	v11 =	vld [tilespmem:s3+$0x0];
	v2 =	vadd.s32 $0xFFFF3C80, v2;
	vm2 =	vgt.s32 v8, $0xC37F  }
0x353: {  	v12 =	vld [tilespmem:s3+$0x10];
	vm3 =	vgt.s32 v3, $0xC37F;
	v8 =	vadd.s32 $0xFFFF3C80, v8  }
0x354: {  	v13 =	vld [tilespmem:s3+$0x20];
	v3 =	vadd.s32 $0xFFFF3C80, v3;
	vm4 =	vgt.s32 v4, $0xC37F  }
0x355: {  	v4 =	vadd.s32 $0xFFFF3C80, v4;
	vm5 =	vgt.s32 v5, $0xC37F;
	[tilespmem:v0+s1+$0x0] =	vst.idx.add.f32.msk vm0, v6  }
0x356: {  	v5 =	vadd.s32 $0xFFFF3C80, v5;
	vm6 =	vgt.s32 v7, $0xC37F;
	[tilespmem:v60+s1+$0x0] =	vst.idx.add.f32.msk vm1, v10  }
0x357: {  	v63 =	vadd.s32 $0xFFFF3C80, v7;
	[tilespmem:v2+s1+$0x0] =	vst.idx.add.f32.msk vm15, v61  }
0x358: {  	[tilespmem:v8+s1+$0x0] =	vst.idx.add.f32.msk vm2, v9  }
0x359: {  	[tilespmem:v3+s1+$0x0] =	vst.idx.add.f32.msk vm3, v62  }
0x35a: {  	[tilespmem:v4+s1+$0x0] =	vst.idx.add.f32.msk vm4, v11  }
0x35b: {  	[tilespmem:v5+s1+$0x0] =	vst.idx.add.f32.msk vm5, v12  }
0x35c: {  	s2 =	simm.s32 $0x0;
	s0 =	simm.s32 $0x1A7F0;
	[tilespmem:v63+s1+$0x0] =	vst.idx.add.f32.msk vm6, v13  }
.LBB2_32:
0x35d: {  	v0 =	vld [tilespmem:s0+$0x0];
	s2 =	sadd.s32 $0x8, s2  }
0x35e: {  	v1 =	vld [tilespmem:s0+$0xFFFFFFA0];
	p0 =	slt.u32 s2, $0xF8  }
0x35f: {  	v2 =	vld [tilespmem:s0+$0xFFFFFFB0]  }
0x360: {  	v3 =	vld [tilespmem:s0+$0xFFFFFFC0]  }
0x361: {  	v4 =	vld [tilespmem:s0+$0xFFFFFFD0]  }
0x362: {  	s3 =	sadd.s32 $0x80, s3;
	v5 =	vld [tilespmem:s0+$0xFFFFFFE0];
	vm3 =	vgt.s32 v0, $0xC37F  }
0x363: {  	v0 =	vadd.s32 $0xFFFF3C80, v0;
	vm0 =	vgt.s32 v1, $0xC37F;
	v1 =	vadd.s32 $0xFFFF3C80, v1;
	v6 =	vld [tilespmem:s3+$0x30]  }
0x364: {  	vm1 =	vgt.s32 v2, $0xC37F;
	v2 =	vadd.s32 $0xFFFF3C80, v2;
	v7 =	vld [tilespmem:s0+$0xFFFFFFF0]  }
0x365: {  	v8 =	vld [tilespmem:s0+$0xFFFFFF90];
	vm2 =	vgt.s32 v3, $0xC37F;
	v3 =	vadd.s32 $0xFFFF3C80, v3  }
0x366: {  	v9 =	vld [tilespmem:s3+$0xFFFFFFC0];
	vm4 =	vgt.s32 v4, $0xC37F;
	v4 =	vadd.s32 $0xFFFF3C80, v4  }
0x367: {  	v10 =	vld [tilespmem:s3+$0xFFFFFFD0];
	vm5 =	vgt.s32 v5, $0xC37F;
	v5 =	vadd.s32 $0xFFFF3C80, v5  }
0x368: {  	[tilespmem:v0+s1+$0x0] =	vst.idx.add.f32.msk vm3, v6  }
0x369: {  	v0 =	vld [tilespmem:s3+$0xFFFFFFE0];
	vm3 =	vgt.s32 v7, $0xC37F;
	v6 =	vadd.s32 $0xFFFF3C80, v7  }
0x36a: {  	vm6 =	vgt.s32 v8, $0xC37F;
	v7 =	vadd.s32 $0xFFFF3C80, v8;
	v8 =	vld [tilespmem:s3+$0xFFFFFFF0]  }
0x36b: {  	v11 =	vld [tilespmem:s3+$0x0]  }
0x36c: {  	v12 =	vld [tilespmem:s3+$0x10]  }
0x36d: {  	v13 =	vld [tilespmem:s3+$0x20]  }
0x36e: {  	[tilespmem:v1+s1+$0x0] =	vst.idx.add.f32.msk vm0, v10  }
0x36f: {  	[tilespmem:v2+s1+$0x0] =	vst.idx.add.f32.msk vm1, v0  }
.Ltmp15:
0x370: {  	[tilespmem:v7+s1+$0x0] =	vst.idx.add.f32.msk vm6, v9;
	(pc) =	sbr.rel @p0 .LBB2_32-.Ltmp15, $4  }
0x371: {  	[tilespmem:v3+s1+$0x0] =	vst.idx.add.f32.msk vm2, v8  }
0x372: {  	[tilespmem:v4+s1+$0x0] =	vst.idx.add.f32.msk vm4, v11  }
0x373: {  	[tilespmem:v5+s1+$0x0] =	vst.idx.add.f32.msk vm5, v12  }
0x374: {  	s0 =	sadd.s32 $0x80, s0;
	[tilespmem:v6+s1+$0x0] =	vst.idx.add.f32.msk vm3, v13  }
0x375: {  	_ =	swait.ge [sflag:s25], $0x1000  }
0x376: {  	[sflag:s25] =	ssyncset.done $0x0  }
0x377: {  	s0 =	simm.s32 $0x1B770;
	[sflag:s25] =	ssyncadd.s32 $0xFFFFF000  }
0x378: {  	v0 =	vld [tilespmem:s0+$0x0]  }
0x379: {  	v1 =	vld [tilespmem:s0+$0xFFFFFFA0]  }
0x37a: {  	v2 =	vld [tilespmem:s0+$0xFFFFFFB0]  }
0x37b: {  	v3 =	vld [tilespmem:s0+$0xFFFFFFC0]  }
0x37c: {  	v4 =	vld [tilespmem:s0+$0xFFFFFFD0]  }
0x37d: {  	s3 =	simm.s32 $0x1D740;
	v5 =	vld [tilespmem:s0+$0xFFFFFFE0]  }
0x37e: {  	v6 =	vld [tilespmem:s3+$0x30]  }
0x37f: {  	v7 =	vld [tilespmem:s0+$0xFFFFFFF0]  }
0x380: {  	v8 =	vld [tilespmem:s0+$0xFFFFFF90]  }
0x381: {  	v9 =	vld [tilespmem:s3+$0xFFFFFFC0]  }
0x382: {  	v10 =	vld [tilespmem:s3+$0xFFFFFFD0];
	vm0 =	vgt.s32 v0, $0xC37F  }
0x383: {  	v61 =	vld [tilespmem:s3+$0xFFFFFFE0];
	v0 =	vadd.s32 $0xFFFF3C80, v0;
	vm1 =	vgt.s32 v1, $0xC37F  }
0x384: {  	v62 =	vld [tilespmem:s3+$0xFFFFFFF0];
	v60 =	vadd.s32 $0xFFFF3C80, v1;
	vm15 =	vgt.s32 v2, $0xC37F  }
0x385: {  	v11 =	vld [tilespmem:s3+$0x0];
	v2 =	vadd.s32 $0xFFFF3C80, v2;
	vm2 =	vgt.s32 v8, $0xC37F  }
0x386: {  	v12 =	vld [tilespmem:s3+$0x10];
	vm3 =	vgt.s32 v3, $0xC37F;
	v8 =	vadd.s32 $0xFFFF3C80, v8  }
0x387: {  	v13 =	vld [tilespmem:s3+$0x20];
	v3 =	vadd.s32 $0xFFFF3C80, v3;
	vm4 =	vgt.s32 v4, $0xC37F  }
0x388: {  	v4 =	vadd.s32 $0xFFFF3C80, v4;
	vm5 =	vgt.s32 v5, $0xC37F;
	[tilespmem:v0+s1+$0x0] =	vst.idx.add.f32.msk vm0, v6  }
0x389: {  	v5 =	vadd.s32 $0xFFFF3C80, v5;
	vm6 =	vgt.s32 v7, $0xC37F;
	[tilespmem:v60+s1+$0x0] =	vst.idx.add.f32.msk vm1, v10  }
0x38a: {  	v63 =	vadd.s32 $0xFFFF3C80, v7;
	[tilespmem:v2+s1+$0x0] =	vst.idx.add.f32.msk vm15, v61  }
0x38b: {  	[tilespmem:v8+s1+$0x0] =	vst.idx.add.f32.msk vm2, v9  }
0x38c: {  	[tilespmem:v3+s1+$0x0] =	vst.idx.add.f32.msk vm3, v62  }
0x38d: {  	[tilespmem:v4+s1+$0x0] =	vst.idx.add.f32.msk vm4, v11  }
0x38e: {  	[tilespmem:v5+s1+$0x0] =	vst.idx.add.f32.msk vm5, v12  }
0x38f: {  	s2 =	simm.s32 $0x0;
	s0 =	simm.s32 $0x1B7F0;
	[tilespmem:v63+s1+$0x0] =	vst.idx.add.f32.msk vm6, v13  }
.LBB2_34:
0x390: {  	v0 =	vld [tilespmem:s0+$0x0];
	s2 =	sadd.s32 $0x8, s2  }
0x391: {  	v1 =	vld [tilespmem:s0+$0xFFFFFFA0];
	p0 =	slt.u32 s2, $0xF8  }
0x392: {  	v2 =	vld [tilespmem:s0+$0xFFFFFFB0]  }
0x393: {  	v3 =	vld [tilespmem:s0+$0xFFFFFFC0]  }
0x394: {  	v4 =	vld [tilespmem:s0+$0xFFFFFFD0]  }
0x395: {  	s3 =	sadd.s32 $0x80, s3;
	v5 =	vld [tilespmem:s0+$0xFFFFFFE0];
	vm3 =	vgt.s32 v0, $0xC37F  }
0x396: {  	v0 =	vadd.s32 $0xFFFF3C80, v0;
	vm0 =	vgt.s32 v1, $0xC37F;
	v1 =	vadd.s32 $0xFFFF3C80, v1;
	v6 =	vld [tilespmem:s3+$0x30]  }
0x397: {  	vm1 =	vgt.s32 v2, $0xC37F;
	v2 =	vadd.s32 $0xFFFF3C80, v2;
	v7 =	vld [tilespmem:s0+$0xFFFFFFF0]  }
0x398: {  	v8 =	vld [tilespmem:s0+$0xFFFFFF90];
	vm2 =	vgt.s32 v3, $0xC37F;
	v3 =	vadd.s32 $0xFFFF3C80, v3  }
0x399: {  	v9 =	vld [tilespmem:s3+$0xFFFFFFC0];
	vm4 =	vgt.s32 v4, $0xC37F;
	v4 =	vadd.s32 $0xFFFF3C80, v4  }
0x39a: {  	v10 =	vld [tilespmem:s3+$0xFFFFFFD0];
	vm5 =	vgt.s32 v5, $0xC37F;
	v5 =	vadd.s32 $0xFFFF3C80, v5  }
0x39b: {  	[tilespmem:v0+s1+$0x0] =	vst.idx.add.f32.msk vm3, v6  }
0x39c: {  	v0 =	vld [tilespmem:s3+$0xFFFFFFE0];
	vm3 =	vgt.s32 v7, $0xC37F;
	v6 =	vadd.s32 $0xFFFF3C80, v7  }
0x39d: {  	vm6 =	vgt.s32 v8, $0xC37F;
	v7 =	vadd.s32 $0xFFFF3C80, v8;
	v8 =	vld [tilespmem:s3+$0xFFFFFFF0]  }
0x39e: {  	v11 =	vld [tilespmem:s3+$0x0]  }
0x39f: {  	v12 =	vld [tilespmem:s3+$0x10]  }
0x3a0: {  	v13 =	vld [tilespmem:s3+$0x20]  }
0x3a1: {  	[tilespmem:v1+s1+$0x0] =	vst.idx.add.f32.msk vm0, v10  }
0x3a2: {  	[tilespmem:v2+s1+$0x0] =	vst.idx.add.f32.msk vm1, v0  }
.Ltmp16:
0x3a3: {  	[tilespmem:v7+s1+$0x0] =	vst.idx.add.f32.msk vm6, v9;
	(pc) =	sbr.rel @p0 .LBB2_34-.Ltmp16, $4  }
0x3a4: {  	[tilespmem:v3+s1+$0x0] =	vst.idx.add.f32.msk vm2, v8  }
0x3a5: {  	[tilespmem:v4+s1+$0x0] =	vst.idx.add.f32.msk vm4, v11  }
0x3a6: {  	[tilespmem:v5+s1+$0x0] =	vst.idx.add.f32.msk vm5, v12  }
0x3a7: {  	s0 =	sadd.s32 $0x80, s0;
	[tilespmem:v6+s1+$0x0] =	vst.idx.add.f32.msk vm3, v13  }
0x3a8: {  	s0 =	sadd.s32 $0xC380, s14  }
0x3a9: {  	[hbm4b:s0+s28] =	stream.strided.scatter [tilespmem:s1], [sflag:$0x4], $0xC380, s29, s28, $0x38;
	[tilespmem:$0x1E700] =	vst v63  }
0x3aa: {  	_ =	swait.ge [sflag:s26], $0xC380  }
0x3ab: {  	s2 =	rddreg [dreg:$0x12]  }
0x3ac: {  	s17 =	rddreg [dreg:$0xd];
	s2 =	sadd.s32 $0x1, s2  }
0x3ad: {  	p0 =	sne.s32 s2, s17  }
.Ltmp17:
0x3ae: {  	_ = 	snop;
	(pc) =	sbr.rel @p0 .LBB2_1-.Ltmp17, $3  }
0x3af: {  	_ =	sdelay $0x1  }
0x3b0: {  	[sflag:s26] =	ssyncset.done $0x0  }
0x3b1: {  	[sflag:s26] =	ssyncadd.s32 $0xFFFF3C80  }
0x3b2: {  	_ =	sfence.sel $0x180000  }
0x3b3: {  	[bflag:$0x0] =	sbarrier.arrive $0xFFFF  }
0x3b4: {  	_ =	strace $0x90000047  }
0x3b5: {  	s0 =	stileid.u32;
	[bflag:$0x2] =	sbarrier.arrive $0xFFFF  }
0x3b6: {  	p0 =	sne.s32 s0, $0x0;
	s0 =	rddreg [dreg:$0x7]  }
0x3b7: {  	s0 =	sadd.s32 @!p0 $0x100000, s0  }
0x3b8: {  	[sflag:s0] =	ssyncadd.tile.s32 @!p0 $0x1;
	_ =	shalt  }
.Lfunc_end2:
_tile_overlayer_lowered:
.L_overlay_start_2:
0x3b9: {  	(tag) =	ssettag $0x2  }
0x3ba: {  	s0 =	rddreg [dreg:$0x0];
	s2 =	stileid.u32  }
0x3bb: {  	s1 =	rddreg [dreg:$0x1];
	p0 =	sne.s32 s2, $0x0  }
0x3bc: {  	s3 =	rddreg [dreg:$0x2];
	[bflag:$0x3] =	sbarrier.arrive $0xFFFF;
	s2 =	simm.s32 @!p0 $0x1C08  }
0x3bd: {  	[timem:s3], [sflag:s2] =	dma.local @!p0 [hbm:s0], s1  }
0x3be: {  	s0 =	simm.s32 @!p0 $0x8  }
0x3bf: {  	_ =	swait.ge @!p0 [sflag:s0], s1  }
0x3c0: {  	s1 =	ssub.s32 @!p0 $0x0, s1;
	[sflag:s0] =	ssyncset.done @!p0 $0x0  }
0x3c1: {  	[sflag:s0] =	ssyncadd.s32 @!p0 s1  }
0x3c2: {  	[bflag:$0x3] =	sbarrier.arrive $0xFFFF  }
0x3c3: {  	_ =	shalt  }

</sc_bundles>
